<compile_context>
chip_gen: v7x
topology: tpu7x:2x2x1
jax: 0.10.2.dev20260603
libtpu: 0.0.44.dev20260713+nightly
codegen_flags: <defaults>
</compile_context>

<pallas_src>
import functools

import jax
import jax.numpy as jnp
from jax import lax
from jax.experimental import pallas as pl
from jax.experimental.pallas import tpu as pltpu
from jax.experimental.pallas import tpu_sc as plsc

_G = 32


@functools.partial(jax.jit, static_argnums=(2,))
def _sc_gather(idx, table, n_workers):
    b, h = idx.shape
    _, d = table.shape
    b_per_w = b // n_workers
    groups = b_per_w // _G
    assert groups % 2 == 0 and groups >= 4

    mesh = plsc.VectorSubcoreMesh(core_axis_name="c", subcore_axis_name="s")

    @functools.partial(
        pl.kernel,
        out_type=jax.ShapeDtypeStruct((b, h, d), jnp.float32),
        mesh=mesh,
        scratch_types=[
            pltpu.VMEM((_G, h), jnp.int32),
            pltpu.VMEM((_G, h), jnp.int32),
            pltpu.VMEM((_G, h, d), jnp.float32),
            pltpu.VMEM((_G, h, d), jnp.float32),
            pltpu.SemaphoreType.DMA,
            pltpu.SemaphoreType.DMA,
            pltpu.SemaphoreType.DMA,
            pltpu.SemaphoreType.DMA,
        ],
        compiler_params=pltpu.CompilerParams(use_tc_tiling_on_sc=False),
    )
    def k(idx_hbm, table_hbm, out_hbm, idx0, idx1, rows0, rows1,
          gsem0, gsem1, ssem0, ssem1):
        idxv = (idx0, idx1)
        rows = (rows0, rows1)
        gsem = (gsem0, gsem1)
        ssem = (ssem0, ssem1)

        nc = lax.axis_size("c")
        wid = lax.axis_index("s") * nc + lax.axis_index("c")
        b0 = wid * b_per_w

        def fire_gathers(g, buf):
            pltpu.sync_copy(idx_hbm.at[pl.ds(b0 + g * _G, _G)], idxv[buf])
            for j in range(_G):
                pltpu.async_copy(
                    table_hbm.at[idxv[buf].at[j]],
                    rows[buf].at[j],
                    gsem[buf],
                )

        def drain_gathers(buf):
            for j in range(_G):
                pltpu.make_async_copy(
                    table_hbm.at[idxv[buf].at[j]],
                    rows[buf].at[j],
                    gsem[buf],
                ).wait()

        def fire_store(g, buf):
            pltpu.async_copy(
                rows[buf], out_hbm.at[pl.ds(b0 + g * _G, _G)], ssem[buf])

        def drain_store(g, buf):
            pltpu.make_async_copy(
                rows[buf], out_hbm.at[pl.ds(b0 + g * _G, _G)], ssem[buf]
            ).wait()

        fire_gathers(0, 0)
        fire_gathers(1, 1)
        drain_gathers(0)
        fire_store(0, 0)

        def body(j, carry):
            g = 2 * j + 1
            drain_store(g - 1, 0)
            fire_gathers(g + 1, 0)
            drain_gathers(1)
            fire_store(g, 1)

            drain_store(g, 1)
            fire_gathers(g + 2, 1)
            drain_gathers(0)
            fire_store(g + 1, 0)
            return carry

        lax.fori_loop(0, (groups - 2) // 2, body, 0)

        drain_gathers(1)
        fire_store(groups - 1, 1)
        drain_store(groups - 2, 0)
        drain_store(groups - 1, 1)

    return k(idx, table)


def kernel(input, embedding_matrix):
    b, h = input.shape

    info = plsc.get_sparse_core_info()
    n_workers = info.num_cores * info.num_subcores

    assert b % (n_workers * _G) == 0
    return _sc_gather(input.astype(jnp.int32), embedding_matrix, n_workers)

# --- scband reference (transcript-rebuilt; emitter-appended) ---
"""Pipeline reference for scband-embedding-57080115364519 (READ-ONLY COPY).

The authoritative reference and input builder live on the scoring server;
editing this copy changes nothing except your own understanding.
"""

import jax, jax.numpy as jnp
import numpy as np

VOCAB_SIZE = 1000000
EMBED_SIZE = 32
BATCH = 16384
HIST_LEN = 50


def setup_inputs(seed: int = 0) -> dict:
    key = jax.random.key(seed)
    k1, k2 = jax.random.split(key)
    indices = jax.random.randint(k1, (BATCH, HIST_LEN), 0, VOCAB_SIZE, dtype=jnp.int64 if jax.config.jax_enable_x64 else jnp.int32)
    embedding_matrix = jax.random.normal(k2, (VOCAB_SIZE, EMBED_SIZE), dtype=jnp.float32)
    return {"input": indices, "embedding_matrix": embedding_matrix}


def reference(input, embedding_matrix):
    # Faithful translation of: self.embedding_matrix[input]
    return jnp.take(embedding_matrix, input, axis=0)

if __name__ == "__main__":
    import jax
    _d = setup_inputs()
    print(jax.jit(kernel)(*tuple(_d.values())))

</pallas_src>

<mosaic_0001>
#map = affine_map<(d0, d1) -> (0, 0)>
#map1 = affine_map<(d0, d1) -> (0, 0, 0)>
module attributes {stable_mosaic.version = 14 : i64} {
  func.func @k(%arg0: i32, %arg1: i32, %arg2: memref<16384x50xi32, #tpu.memory_space<hbm>>, %arg3: memref<1000000x32xf32, #tpu.memory_space<hbm>>, %arg4: memref<16384x50x32xf32, #tpu.memory_space<hbm>>, %arg5: memref<32x50xi32, #tpu.memory_space<vmem>>, %arg6: memref<32x50xi32, #tpu.memory_space<vmem>>, %arg7: memref<32x50x32xf32, #tpu.memory_space<vmem>>, %arg8: memref<32x50x32xf32, #tpu.memory_space<vmem>>, %arg9: memref<!tpu.dma_semaphore, #tpu.memory_space<semaphore_mem>>, %arg10: memref<!tpu.dma_semaphore, #tpu.memory_space<semaphore_mem>>, %arg11: memref<!tpu.dma_semaphore, #tpu.memory_space<semaphore_mem>>, %arg12: memref<!tpu.dma_semaphore, #tpu.memory_space<semaphore_mem>>) attributes {dimension_semantics = [#tpu.dimension_semantics<core_parallel>, #tpu.dimension_semantics<subcore_parallel>], iteration_bounds = array<i64: 2, 16>, scalar_prefetch = 0 : i64, scratch_operands = 8 : i64, tpu.core_type = #tpu.core_type<sc_vector_subcore>, window_params = [{transform_indices = #map}, {transform_indices = #map}, {transform_indices = #map1}]} {
    %mul3A = arith.constant 2 : i32
    %mul3A_0 = arith.muli %arg1, %mul3A : i32
    %add3A = arith.addi %mul3A_0, %arg0 : i32
    %mul3A_1 = arith.constant 512 : i32
    %mul3A_2 = arith.muli %add3A, %mul3A_1 : i32
    %add3A_3 = arith.constant 0 : i32
    %add3A_4 = arith.addi %mul3A_2, %add3A_3 : i32
    "tpu.region"() ({
      %run_scoped3A = tpu.sem_alloc : memref<!tpu.dma_semaphore, #tpu.memory_space<semaphore_mem>>
      %dma_start3A_1578 = arith.constant 0 : i32
      %dma_start3A_1579 = tpu.memref_slice %arg2[%add3A_4, %dma_start3A_1578] : memref<16384x50xi32, #tpu.memory_space<hbm>> -> memref<32x50xi32, #tpu.memory_space<hbm>>
      %dma_start3A_1580 = arith.constant 0 : i32
      %dma_start3A_1581 = tpu.memref_slice %arg2[%add3A_4, %dma_start3A_1580] : memref<16384x50xi32, #tpu.memory_space<hbm>> -> memref<32x50xi32, #tpu.memory_space<hbm>>
      tpu.enqueue_dma source(%dma_start3A_1581 : memref<32x50xi32, #tpu.memory_space<hbm>>) target(%arg5 : memref<32x50xi32, #tpu.memory_space<vmem>>) target_semaphore(%run_scoped3A : memref<!tpu.dma_semaphore, #tpu.memory_space<semaphore_mem>>)
      %dma_wait3A_1582 = arith.constant 0 : i32
      %dma_wait3A_1583 = tpu.memref_slice %arg2[%add3A_4, %dma_wait3A_1582] : memref<16384x50xi32, #tpu.memory_space<hbm>> -> memref<32x50xi32, #tpu.memory_space<hbm>>
      %dma_wait3A_1584 = arith.constant 0 : i32
      %dma_wait3A_1585 = tpu.memref_slice %arg2[%add3A_4, %dma_wait3A_1584] : memref<16384x50xi32, #tpu.memory_space<hbm>> -> memref<32x50xi32, #tpu.memory_space<hbm>>
      tpu.wait_dma2 semaphore(%run_scoped3A : memref<!tpu.dma_semaphore, #tpu.memory_space<semaphore_mem>>) src(%dma_wait3A_1585 : memref<32x50xi32, #tpu.memory_space<hbm>>) dst(%arg5 : memref<32x50xi32, #tpu.memory_space<vmem>>)
      tpu.yield
    }) : () -> ()
    %dma_start3A = arith.constant 0 : i32
    %dma_start3A_5 = arith.constant 0 : i32
    %dma_start3A_6 = arith.constant 0 : i32
    %dma_start3A_7 = arith.constant 0 : i32
    %dma_start3A_8 = tpu.memref_slice %arg7[%dma_start3A_5, %dma_start3A_6, %dma_start3A_7] : memref<32x50x32xf32, #tpu.memory_space<vmem>> -> memref<1x50x32xf32, #tpu.memory_space<vmem>>
    %dma_start3A_9 = tpu.memref_squeeze %dma_start3A_8 : memref<1x50x32xf32, #tpu.memory_space<vmem>> -> memref<50x32xf32, #tpu.memory_space<vmem>>
    %dma_start3A_10 = arith.constant 0 : i32
    %dma_start3A_11 = tpu.memref_slice %arg5[%dma_start3A, %dma_start3A_10] : memref<32x50xi32, #tpu.memory_space<vmem>> -> memref<1x50xi32, #tpu.memory_space<vmem>>
    %dma_start3A_12 = tpu.memref_squeeze %dma_start3A_11 : memref<1x50xi32, #tpu.memory_space<vmem>> -> memref<50xi32, #tpu.memory_space<vmem>>
    %dma_start3A_13 = arith.constant 0 : i32
    %dma_start3A_14 = arith.constant 0 : i32
    %dma_start3A_15 = tpu.memref_slice %arg3[%dma_start3A_13, %dma_start3A_14] : memref<1000000x32xf32, #tpu.memory_space<hbm>> -> memref<1000000x32xf32, #tpu.memory_space<hbm>>
    tpu.enqueue_indirect_dma source(%dma_start3A_15 : memref<1000000x32xf32, #tpu.memory_space<hbm>>) target(%dma_start3A_9 : memref<50x32xf32, #tpu.memory_space<vmem>>) offsets(%dma_start3A_12 : memref<50xi32, #tpu.memory_space<vmem>>) semaphore(%arg9 : memref<!tpu.dma_semaphore, #tpu.memory_space<semaphore_mem>>)
    %dma_start3A_16 = arith.constant 1 : i32
    %dma_start3A_17 = arith.constant 1 : i32
    %dma_start3A_18 = arith.constant 0 : i32
    %dma_start3A_19 = arith.constant 0 : i32
    %dma_start3A_20 = tpu.memref_slice %arg7[%dma_start3A_17, %dma_start3A_18, %dma_start3A_19] : memref<32x50x32xf32, #tpu.memory_space<vmem>> -> memref<1x50x32xf32, #tpu.memory_space<vmem>>
    %dma_start3A_21 = tpu.memref_squeeze %dma_start3A_20 : memref<1x50x32xf32, #tpu.memory_space<vmem>> -> memref<50x32xf32, #tpu.memory_space<vmem>>
    %dma_start3A_22 = arith.constant 0 : i32
    %dma_start3A_23 = tpu.memref_slice %arg5[%dma_start3A_16, %dma_start3A_22] : memref<32x50xi32, #tpu.memory_space<vmem>> -> memref<1x50xi32, #tpu.memory_space<vmem>>
    %dma_start3A_24 = tpu.memref_squeeze %dma_start3A_23 : memref<1x50xi32, #tpu.memory_space<vmem>> -> memref<50xi32, #tpu.memory_space<vmem>>
    %dma_start3A_25 = arith.constant 0 : i32
    %dma_start3A_26 = arith.constant 0 : i32
    %dma_start3A_27 = tpu.memref_slice %arg3[%dma_start3A_25, %dma_start3A_26] : memref<1000000x32xf32, #tpu.memory_space<hbm>> -> memref<1000000x32xf32, #tpu.memory_space<hbm>>
    tpu.enqueue_indirect_dma source(%dma_start3A_27 : memref<1000000x32xf32, #tpu.memory_space<hbm>>) target(%dma_start3A_21 : memref<50x32xf32, #tpu.memory_space<vmem>>) offsets(%dma_start3A_24 : memref<50xi32, #tpu.memory_space<vmem>>) semaphore(%arg9 : memref<!tpu.dma_semaphore, #tpu.memory_space<semaphore_mem>>)
    %dma_start3A_28 = arith.constant 2 : i32
    %dma_start3A_29 = arith.constant 2 : i32
    %dma_start3A_30 = arith.constant 0 : i32
    %dma_start3A_31 = arith.constant 0 : i32
    %dma_start3A_32 = tpu.memref_slice %arg7[%dma_start3A_29, %dma_start3A_30, %dma_start3A_31] : memref<32x50x32xf32, #tpu.memory_space<vmem>> -> memref<1x50x32xf32, #tpu.memory_space<vmem>>
    %dma_start3A_33 = tpu.memref_squeeze %dma_start3A_32 : memref<1x50x32xf32, #tpu.memory_space<vmem>> -> memref<50x32xf32, #tpu.memory_space<vmem>>
    %dma_start3A_34 = arith.constant 0 : i32
    %dma_start3A_35 = tpu.memref_slice %arg5[%dma_start3A_28, %dma_start3A_34] : memref<32x50xi32, #tpu.memory_space<vmem>> -> memref<1x50xi32, #tpu.memory_space<vmem>>
    %dma_start3A_36 = tpu.memref_squeeze %dma_start3A_35 : memref<1x50xi32, #tpu.memory_space<vmem>> -> memref<50xi32, #tpu.memory_space<vmem>>
    %dma_start3A_37 = arith.constant 0 : i32
    %dma_start3A_38 = arith.constant 0 : i32
    %dma_start3A_39 = tpu.memref_slice %arg3[%dma_start3A_37, %dma_start3A_38] : memref<1000000x32xf32, #tpu.memory_space<hbm>> -> memref<1000000x32xf32, #tpu.memory_space<hbm>>
    tpu.enqueue_indirect_dma source(%dma_start3A_39 : memref<1000000x32xf32, #tpu.memory_space<hbm>>) target(%dma_start3A_33 : memref<50x32xf32, #tpu.memory_space<vmem>>) offsets(%dma_start3A_36 : memref<50xi32, #tpu.memory_space<vmem>>) semaphore(%arg9 : memref<!tpu.dma_semaphore, #tpu.memory_space<semaphore_mem>>)
    %dma_start3A_40 = arith.constant 3 : i32
    %dma_start3A_41 = arith.constant 3 : i32
    %dma_start3A_42 = arith.constant 0 : i32
    %dma_start3A_43 = arith.constant 0 : i32
    %dma_start3A_44 = tpu.memref_slice %arg7[%dma_start3A_41, %dma_start3A_42, %dma_start3A_43] : memref<32x50x32xf32, #tpu.memory_space<vmem>> -> memref<1x50x32xf32, #tpu.memory_space<vmem>>
    %dma_start3A_45 = tpu.memref_squeeze %dma_start3A_44 : memref<1x50x32xf32, #tpu.memory_space<vmem>> -> memref<50x32xf32, #tpu.memory_space<vmem>>
    %dma_start3A_46 = arith.constant 0 : i32
    %dma_start3A_47 = tpu.memref_slice %arg5[%dma_start3A_40, %dma_start3A_46] : memref<32x50xi32, #tpu.memory_space<vmem>> -> memref<1x50xi32, #tpu.memory_space<vmem>>
    %dma_start3A_48 = tpu.memref_squeeze %dma_start3A_47 : memref<1x50xi32, #tpu.memory_space<vmem>> -> memref<50xi32, #tpu.memory_space<vmem>>
    %dma_start3A_49 = arith.constant 0 : i32
    %dma_start3A_50 = arith.constant 0 : i32
    %dma_start3A_51 = tpu.memref_slice %arg3[%dma_start3A_49, %dma_start3A_50] : memref<1000000x32xf32, #tpu.memory_space<hbm>> -> memref<1000000x32xf32, #tpu.memory_space<hbm>>
    tpu.enqueue_indirect_dma source(%dma_start3A_51 : memref<1000000x32xf32, #tpu.memory_space<hbm>>) target(%dma_start3A_45 : memref<50x32xf32, #tpu.memory_space<vmem>>) offsets(%dma_start3A_48 : memref<50xi32, #tpu.memory_space<vmem>>) semaphore(%arg9 : memref<!tpu.dma_semaphore, #tpu.memory_space<semaphore_mem>>)
    %dma_start3A_52 = arith.constant 4 : i32
    %dma_start3A_53 = arith.constant 4 : i32
    %dma_start3A_54 = arith.constant 0 : i32
    %dma_start3A_55 = arith.constant 0 : i32
    %dma_start3A_56 = tpu.memref_slice %arg7[%dma_start3A_53, %dma_start3A_54, %dma_start3A_55] : memref<32x50x32xf32, #tpu.memory_space<vmem>> -> memref<1x50x32xf32, #tpu.memory_space<vmem>>
    %dma_start3A_57 = tpu.memref_squeeze %dma_start3A_56 : memref<1x50x32xf32, #tpu.memory_space<vmem>> -> memref<50x32xf32, #tpu.memory_space<vmem>>
    %dma_start3A_58 = arith.constant 0 : i32
    %dma_start3A_59 = tpu.memref_slice %arg5[%dma_start3A_52, %dma_start3A_58] : memref<32x50xi32, #tpu.memory_space<vmem>> -> memref<1x50xi32, #tpu.memory_space<vmem>>
    %dma_start3A_60 = tpu.memref_squeeze %dma_start3A_59 : memref<1x50xi32, #tpu.memory_space<vmem>> -> memref<50xi32, #tpu.memory_space<vmem>>
    %dma_start3A_61 = arith.constant 0 : i32
    %dma_start3A_62 = arith.constant 0 : i32
    %dma_start3A_63 = tpu.memref_slice %arg3[%dma_start3A_61, %dma_start3A_62] : memref<1000000x32xf32, #tpu.memory_space<hbm>> -> memref<1000000x32xf32, #tpu.memory_space<hbm>>
    tpu.enqueue_indirect_dma source(%dma_start3A_63 : memref<1000000x32xf32, #tpu.memory_space<hbm>>) target(%dma_start3A_57 : memref<50x32xf32, #tpu.memory_space<vmem>>) offsets(%dma_start3A_60 : memref<50xi32, #tpu.memory_space<vmem>>) semaphore(%arg9 : memref<!tpu.dma_semaphore, #tpu.memory_space<semaphore_mem>>)
    %dma_start3A_64 = arith.constant 5 : i32
    %dma_start3A_65 = arith.constant 5 : i32
    %dma_start3A_66 = arith.constant 0 : i32
    %dma_start3A_67 = arith.constant 0 : i32
    %dma_start3A_68 = tpu.memref_slice %arg7[%dma_start3A_65, %dma_start3A_66, %dma_start3A_67] : memref<32x50x32xf32, #tpu.memory_space<vmem>> -> memref<1x50x32xf32, #tpu.memory_space<vmem>>
    %dma_start3A_69 = tpu.memref_squeeze %dma_start3A_68 : memref<1x50x32xf32, #tpu.memory_space<vmem>> -> memref<50x32xf32, #tpu.memory_space<vmem>>
    %dma_start3A_70 = arith.constant 0 : i32
    %dma_start3A_71 = tpu.memref_slice %arg5[%dma_start3A_64, %dma_start3A_70] : memref<32x50xi32, #tpu.memory_space<vmem>> -> memref<1x50xi32, #tpu.memory_space<vmem>>
    %dma_start3A_72 = tpu.memref_squeeze %dma_start3A_71 : memref<1x50xi32, #tpu.memory_space<vmem>> -> memref<50xi32, #tpu.memory_space<vmem>>
    %dma_start3A_73 = arith.constant 0 : i32
    %dma_start3A_74 = arith.constant 0 : i32
    %dma_start3A_75 = tpu.memref_slice %arg3[%dma_start3A_73, %dma_start3A_74] : memref<1000000x32xf32, #tpu.memory_space<hbm>> -> memref<1000000x32xf32, #tpu.memory_space<hbm>>
    tpu.enqueue_indirect_dma source(%dma_start3A_75 : memref<1000000x32xf32, #tpu.memory_space<hbm>>) target(%dma_start3A_69 : memref<50x32xf32, #tpu.memory_space<vmem>>) offsets(%dma_start3A_72 : memref<50xi32, #tpu.memory_space<vmem>>) semaphore(%arg9 : memref<!tpu.dma_semaphore, #tpu.memory_space<semaphore_mem>>)
    %dma_start3A_76 = arith.constant 6 : i32
    %dma_start3A_77 = arith.constant 6 : i32
    %dma_start3A_78 = arith.constant 0 : i32
    %dma_start3A_79 = arith.constant 0 : i32
    %dma_start3A_80 = tpu.memref_slice %arg7[%dma_start3A_77, %dma_start3A_78, %dma_start3A_79] : memref<32x50x32xf32, #tpu.memory_space<vmem>> -> memref<1x50x32xf32, #tpu.memory_space<vmem>>
    %dma_start3A_81 = tpu.memref_squeeze %dma_start3A_80 : memref<1x50x32xf32, #tpu.memory_space<vmem>> -> memref<50x32xf32, #tpu.memory_space<vmem>>
    %dma_start3A_82 = arith.constant 0 : i32
    %dma_start3A_83 = tpu.memref_slice %arg5[%dma_start3A_76, %dma_start3A_82] : memref<32x50xi32, #tpu.memory_space<vmem>> -> memref<1x50xi32, #tpu.memory_space<vmem>>
    %dma_start3A_84 = tpu.memref_squeeze %dma_start3A_83 : memref<1x50xi32, #tpu.memory_space<vmem>> -> memref<50xi32, #tpu.memory_space<vmem>>
    %dma_start3A_85 = arith.constant 0 : i32
    %dma_start3A_86 = arith.constant 0 : i32
    %dma_start3A_87 = tpu.memref_slice %arg3[%dma_start3A_85, %dma_start3A_86] : memref<1000000x32xf32, #tpu.memory_space<hbm>> -> memref<1000000x32xf32, #tpu.memory_space<hbm>>
    tpu.enqueue_indirect_dma source(%dma_start3A_87 : memref<1000000x32xf32, #tpu.memory_space<hbm>>) target(%dma_start3A_81 : memref<50x32xf32, #tpu.memory_space<vmem>>) offsets(%dma_start3A_84 : memref<50xi32, #tpu.memory_space<vmem>>) semaphore(%arg9 : memref<!tpu.dma_semaphore, #tpu.memory_space<semaphore_mem>>)
    %dma_start3A_88 = arith.constant 7 : i32
    %dma_start3A_89 = arith.constant 7 : i32
    %dma_start3A_90 = arith.constant 0 : i32
    %dma_start3A_91 = arith.constant 0 : i32
    %dma_start3A_92 = tpu.memref_slice %arg7[%dma_start3A_89, %dma_start3A_90, %dma_start3A_91] : memref<32x50x32xf32, #tpu.memory_space<vmem>> -> memref<1x50x32xf32, #tpu.memory_space<vmem>>
    %dma_start3A_93 = tpu.memref_squeeze %dma_start3A_92 : memref<1x50x32xf32, #tpu.memory_space<vmem>> -> memref<50x32xf32, #tpu.memory_space<vmem>>
    %dma_start3A_94 = arith.constant 0 : i32
    %dma_start3A_95 = tpu.memref_slice %arg5[%dma_start3A_88, %dma_start3A_94] : memref<32x50xi32, #tpu.memory_space<vmem>> -> memref<1x50xi32, #tpu.memory_space<vmem>>
    %dma_start3A_96 = tpu.memref_squeeze %dma_start3A_95 : memref<1x50xi32, #tpu.memory_space<vmem>> -> memref<50xi32, #tpu.memory_space<vmem>>
    %dma_start3A_97 = arith.constant 0 : i32
    %dma_start3A_98 = arith.constant 0 : i32
    %dma_start3A_99 = tpu.memref_slice %arg3[%dma_start3A_97, %dma_start3A_98] : memref<1000000x32xf32, #tpu.memory_space<hbm>> -> memref<1000000x32xf32, #tpu.memory_space<hbm>>
    tpu.enqueue_indirect_dma source(%dma_start3A_99 : memref<1000000x32xf32, #tpu.memory_space<hbm>>) target(%dma_start3A_93 : memref<50x32xf32, #tpu.memory_space<vmem>>) offsets(%dma_start3A_96 : memref<50xi32, #tpu.memory_space<vmem>>) semaphore(%arg9 : memref<!tpu.dma_semaphore, #tpu.memory_space<semaphore_mem>>)
    %dma_start3A_100 = arith.constant 8 : i32
    %dma_start3A_101 = arith.constant 8 : i32
    %dma_start3A_102 = arith.constant 0 : i32
    %dma_start3A_103 = arith.constant 0 : i32
    %dma_start3A_104 = tpu.memref_slice %arg7[%dma_start3A_101, %dma_start3A_102, %dma_start3A_103] : memref<32x50x32xf32, #tpu.memory_space<vmem>> -> memref<1x50x32xf32, #tpu.memory_space<vmem>>
    %dma_start3A_105 = tpu.memref_squeeze %dma_start3A_104 : memref<1x50x32xf32, #tpu.memory_space<vmem>> -> memref<50x32xf32, #tpu.memory_space<vmem>>
    %dma_start3A_106 = arith.constant 0 : i32
    %dma_start3A_107 = tpu.memref_slice %arg5[%dma_start3A_100, %dma_start3A_106] : memref<32x50xi32, #tpu.memory_space<vmem>> -> memref<1x50xi32, #tpu.memory_space<vmem>>
    %dma_start3A_108 = tpu.memref_squeeze %dma_start3A_107 : memref<1x50xi32, #tpu.memory_space<vmem>> -> memref<50xi32, #tpu.memory_space<vmem>>
    %dma_start3A_109 = arith.constant 0 : i32
    %dma_start3A_110 = arith.constant 0 : i32
    %dma_start3A_111 = tpu.memref_slice %arg3[%dma_start3A_109, %dma_start3A_110] : memref<1000000x32xf32, #tpu.memory_space<hbm>> -> memref<1000000x32xf32, #tpu.memory_space<hbm>>
    tpu.enqueue_indirect_dma source(%dma_start3A_111 : memref<1000000x32xf32, #tpu.memory_space<hbm>>) target(%dma_start3A_105 : memref<50x32xf32, #tpu.memory_space<vmem>>) offsets(%dma_start3A_108 : memref<50xi32, #tpu.memory_space<vmem>>) semaphore(%arg9 : memref<!tpu.dma_semaphore, #tpu.memory_space<semaphore_mem>>)
    %dma_start3A_112 = arith.constant 9 : i32
    %dma_start3A_113 = arith.constant 9 : i32
    %dma_start3A_114 = arith.constant 0 : i32
    %dma_start3A_115 = arith.constant 0 : i32
    %dma_start3A_116 = tpu.memref_slice %arg7[%dma_start3A_113, %dma_start3A_114, %dma_start3A_115] : memref<32x50x32xf32, #tpu.memory_space<vmem>> -> memref<1x50x32xf32, #tpu.memory_space<vmem>>
    %dma_start3A_117 = tpu.memref_squeeze %dma_start3A_116 : memref<1x50x32xf32, #tpu.memory_space<vmem>> -> memref<50x32xf32, #tpu.memory_space<vmem>>
    %dma_start3A_118 = arith.constant 0 : i32
    %dma_start3A_119 = tpu.memref_slice %arg5[%dma_start3A_112, %dma_start3A_118] : memref<32x50xi32, #tpu.memory_space<vmem>> -> memref<1x50xi32, #tpu.memory_space<vmem>>
    %dma_start3A_120 = tpu.memref_squeeze %dma_start3A_119 : memref<1x50xi32, #tpu.memory_space<vmem>> -> memref<50xi32, #tpu.memory_space<vmem>>
    %dma_start3A_121 = arith.constant 0 : i32
    %dma_start3A_122 = arith.constant 0 : i32
    %dma_start3A_123 = tpu.memref_slice %arg3[%dma_start3A_121, %dma_start3A_122] : memref<1000000x32xf32, #tpu.memory_space<hbm>> -> memref<1000000x32xf32, #tpu.memory_space<hbm>>
    tpu.enqueue_indirect_dma source(%dma_start3A_123 : memref<1000000x32xf32, #tpu.memory_space<hbm>>) target(%dma_start3A_117 : memref<50x32xf32, #tpu.memory_space<vmem>>) offsets(%dma_start3A_120 : memref<50xi32, #tpu.memory_space<vmem>>) semaphore(%arg9 : memref<!tpu.dma_semaphore, #tpu.memory_space<semaphore_mem>>)
    %dma_start3A_124 = arith.constant 10 : i32
    %dma_start3A_125 = arith.constant 10 : i32
    %dma_start3A_126 = arith.constant 0 : i32
    %dma_start3A_127 = arith.constant 0 : i32
    %dma_start3A_128 = tpu.memref_slice %arg7[%dma_start3A_125, %dma_start3A_126, %dma_start3A_127] : memref<32x50x32xf32, #tpu.memory_space<vmem>> -> memref<1x50x32xf32, #tpu.memory_space<vmem>>
    %dma_start3A_129 = tpu.memref_squeeze %dma_start3A_128 : memref<1x50x32xf32, #tpu.memory_space<vmem>> -> memref<50x32xf32, #tpu.memory_space<vmem>>
    %dma_start3A_130 = arith.constant 0 : i32
    %dma_start3A_131 = tpu.memref_slice %arg5[%dma_start3A_124, %dma_start3A_130] : memref<32x50xi32, #tpu.memory_space<vmem>> -> memref<1x50xi32, #tpu.memory_space<vmem>>
    %dma_start3A_132 = tpu.memref_squeeze %dma_start3A_131 : memref<1x50xi32, #tpu.memory_space<vmem>> -> memref<50xi32, #tpu.memory_space<vmem>>
    %dma_start3A_133 = arith.constant 0 : i32
    %dma_start3A_134 = arith.constant 0 : i32
    %dma_start3A_135 = tpu.memref_slice %arg3[%dma_start3A_133, %dma_start3A_134] : memref<1000000x32xf32, #tpu.memory_space<hbm>> -> memref<1000000x32xf32, #tpu.memory_space<hbm>>
    tpu.enqueue_indirect_dma source(%dma_start3A_135 : memref<1000000x32xf32, #tpu.memory_space<hbm>>) target(%dma_start3A_129 : memref<50x32xf32, #tpu.memory_space<vmem>>) offsets(%dma_start3A_132 : memref<50xi32, #tpu.memory_space<vmem>>) semaphore(%arg9 : memref<!tpu.dma_semaphore, #tpu.memory_space<semaphore_mem>>)
    %dma_start3A_136 = arith.constant 11 : i32
    %dma_start3A_137 = arith.constant 11 : i32
    %dma_start3A_138 = arith.constant 0 : i32
    %dma_start3A_139 = arith.constant 0 : i32
    %dma_start3A_140 = tpu.memref_slice %arg7[%dma_start3A_137, %dma_start3A_138, %dma_start3A_139] : memref<32x50x32xf32, #tpu.memory_space<vmem>> -> memref<1x50x32xf32, #tpu.memory_space<vmem>>
    %dma_start3A_141 = tpu.memref_squeeze %dma_start3A_140 : memref<1x50x32xf32, #tpu.memory_space<vmem>> -> memref<50x32xf32, #tpu.memory_space<vmem>>
    %dma_start3A_142 = arith.constant 0 : i32
    %dma_start3A_143 = tpu.memref_slice %arg5[%dma_start3A_136, %dma_start3A_142] : memref<32x50xi32, #tpu.memory_space<vmem>> -> memref<1x50xi32, #tpu.memory_space<vmem>>
    %dma_start3A_144 = tpu.memref_squeeze %dma_start3A_143 : memref<1x50xi32, #tpu.memory_space<vmem>> -> memref<50xi32, #tpu.memory_space<vmem>>
    %dma_start3A_145 = arith.constant 0 : i32
    %dma_start3A_146 = arith.constant 0 : i32
    %dma_start3A_147 = tpu.memref_slice %arg3[%dma_start3A_145, %dma_start3A_146] : memref<1000000x32xf32, #tpu.memory_space<hbm>> -> memref<1000000x32xf32, #tpu.memory_space<hbm>>
    tpu.enqueue_indirect_dma source(%dma_start3A_147 : memref<1000000x32xf32, #tpu.memory_space<hbm>>) target(%dma_start3A_141 : memref<50x32xf32, #tpu.memory_space<vmem>>) offsets(%dma_start3A_144 : memref<50xi32, #tpu.memory_space<vmem>>) semaphore(%arg9 : memref<!tpu.dma_semaphore, #tpu.memory_space<semaphore_mem>>)
    %dma_start3A_148 = arith.constant 12 : i32
    %dma_start3A_149 = arith.constant 12 : i32
    %dma_start3A_150 = arith.constant 0 : i32
    %dma_start3A_151 = arith.constant 0 : i32
    %dma_start3A_152 = tpu.memref_slice %arg7[%dma_start3A_149, %dma_start3A_150, %dma_start3A_151] : memref<32x50x32xf32, #tpu.memory_space<vmem>> -> memref<1x50x32xf32, #tpu.memory_space<vmem>>
    %dma_start3A_153 = tpu.memref_squeeze %dma_start3A_152 : memref<1x50x32xf32, #tpu.memory_space<vmem>> -> memref<50x32xf32, #tpu.memory_space<vmem>>
    %dma_start3A_154 = arith.constant 0 : i32
    %dma_start3A_155 = tpu.memref_slice %arg5[%dma_start3A_148, %dma_start3A_154] : memref<32x50xi32, #tpu.memory_space<vmem>> -> memref<1x50xi32, #tpu.memory_space<vmem>>
    %dma_start3A_156 = tpu.memref_squeeze %dma_start3A_155 : memref<1x50xi32, #tpu.memory_space<vmem>> -> memref<50xi32, #tpu.memory_space<vmem>>
    %dma_start3A_157 = arith.constant 0 : i32
    %dma_start3A_158 = arith.constant 0 : i32
    %dma_start3A_159 = tpu.memref_slice %arg3[%dma_start3A_157, %dma_start3A_158] : memref<1000000x32xf32, #tpu.memory_space<hbm>> -> memref<1000000x32xf32, #tpu.memory_space<hbm>>
    tpu.enqueue_indirect_dma source(%dma_start3A_159 : memref<1000000x32xf32, #tpu.memory_space<hbm>>) target(%dma_start3A_153 : memref<50x32xf32, #tpu.memory_space<vmem>>) offsets(%dma_start3A_156 : memref<50xi32, #tpu.memory_space<vmem>>) semaphore(%arg9 : memref<!tpu.dma_semaphore, #tpu.memory_space<semaphore_mem>>)
    %dma_start3A_160 = arith.constant 13 : i32
    %dma_start3A_161 = arith.constant 13 : i32
    %dma_start3A_162 = arith.constant 0 : i32
    %dma_start3A_163 = arith.constant 0 : i32
    %dma_start3A_164 = tpu.memref_slice %arg7[%dma_start3A_161, %dma_start3A_162, %dma_start3A_163] : memref<32x50x32xf32, #tpu.memory_space<vmem>> -> memref<1x50x32xf32, #tpu.memory_space<vmem>>
    %dma_start3A_165 = tpu.memref_squeeze %dma_start3A_164 : memref<1x50x32xf32, #tpu.memory_space<vmem>> -> memref<50x32xf32, #tpu.memory_space<vmem>>
    %dma_start3A_166 = arith.constant 0 : i32
    %dma_start3A_167 = tpu.memref_slice %arg5[%dma_start3A_160, %dma_start3A_166] : memref<32x50xi32, #tpu.memory_space<vmem>> -> memref<1x50xi32, #tpu.memory_space<vmem>>
    %dma_start3A_168 = tpu.memref_squeeze %dma_start3A_167 : memref<1x50xi32, #tpu.memory_space<vmem>> -> memref<50xi32, #tpu.memory_space<vmem>>
    %dma_start3A_169 = arith.constant 0 : i32
    %dma_start3A_170 = arith.constant 0 : i32
    %dma_start3A_171 = tpu.memref_slice %arg3[%dma_start3A_169, %dma_start3A_170] : memref<1000000x32xf32, #tpu.memory_space<hbm>> -> memref<1000000x32xf32, #tpu.memory_space<hbm>>
    tpu.enqueue_indirect_dma source(%dma_start3A_171 : memref<1000000x32xf32, #tpu.memory_space<hbm>>) target(%dma_start3A_165 : memref<50x32xf32, #tpu.memory_space<vmem>>) offsets(%dma_start3A_168 : memref<50xi32, #tpu.memory_space<vmem>>) semaphore(%arg9 : memref<!tpu.dma_semaphore, #tpu.memory_space<semaphore_mem>>)
    %dma_start3A_172 = arith.constant 14 : i32
    %dma_start3A_173 = arith.constant 14 : i32
    %dma_start3A_174 = arith.constant 0 : i32
    %dma_start3A_175 = arith.constant 0 : i32
    %dma_start3A_176 = tpu.memref_slice %arg7[%dma_start3A_173, %dma_start3A_174, %dma_start3A_175] : memref<32x50x32xf32, #tpu.memory_space<vmem>> -> memref<1x50x32xf32, #tpu.memory_space<vmem>>
    %dma_start3A_177 = tpu.memref_squeeze %dma_start3A_176 : memref<1x50x32xf32, #tpu.memory_space<vmem>> -> memref<50x32xf32, #tpu.memory_space<vmem>>
    %dma_start3A_178 = arith.constant 0 : i32
    %dma_start3A_179 = tpu.memref_slice %arg5[%dma_start3A_172, %dma_start3A_178] : memref<32x50xi32, #tpu.memory_space<vmem>> -> memref<1x50xi32, #tpu.memory_space<vmem>>
    %dma_start3A_180 = tpu.memref_squeeze %dma_start3A_179 : memref<1x50xi32, #tpu.memory_space<vmem>> -> memref<50xi32, #tpu.memory_space<vmem>>
    %dma_start3A_181 = arith.constant 0 : i32
    %dma_start3A_182 = arith.constant 0 : i32
    %dma_start3A_183 = tpu.memref_slice %arg3[%dma_start3A_181, %dma_start3A_182] : memref<1000000x32xf32, #tpu.memory_space<hbm>> -> memref<1000000x32xf32, #tpu.memory_space<hbm>>
    tpu.enqueue_indirect_dma source(%dma_start3A_183 : memref<1000000x32xf32, #tpu.memory_space<hbm>>) target(%dma_start3A_177 : memref<50x32xf32, #tpu.memory_space<vmem>>) offsets(%dma_start3A_180 : memref<50xi32, #tpu.memory_space<vmem>>) semaphore(%arg9 : memref<!tpu.dma_semaphore, #tpu.memory_space<semaphore_mem>>)
    %dma_start3A_184 = arith.constant 15 : i32
    %dma_start3A_185 = arith.constant 15 : i32
    %dma_start3A_186 = arith.constant 0 : i32
    %dma_start3A_187 = arith.constant 0 : i32
    %dma_start3A_188 = tpu.memref_slice %arg7[%dma_start3A_185, %dma_start3A_186, %dma_start3A_187] : memref<32x50x32xf32, #tpu.memory_space<vmem>> -> memref<1x50x32xf32, #tpu.memory_space<vmem>>
    %dma_start3A_189 = tpu.memref_squeeze %dma_start3A_188 : memref<1x50x32xf32, #tpu.memory_space<vmem>> -> memref<50x32xf32, #tpu.memory_space<vmem>>
    %dma_start3A_190 = arith.constant 0 : i32
    %dma_start3A_191 = tpu.memref_slice %arg5[%dma_start3A_184, %dma_start3A_190] : memref<32x50xi32, #tpu.memory_space<vmem>> -> memref<1x50xi32, #tpu.memory_space<vmem>>
    %dma_start3A_192 = tpu.memref_squeeze %dma_start3A_191 : memref<1x50xi32, #tpu.memory_space<vmem>> -> memref<50xi32, #tpu.memory_space<vmem>>
    %dma_start3A_193 = arith.constant 0 : i32
    %dma_start3A_194 = arith.constant 0 : i32
    %dma_start3A_195 = tpu.memref_slice %arg3[%dma_start3A_193, %dma_start3A_194] : memref<1000000x32xf32, #tpu.memory_space<hbm>> -> memref<1000000x32xf32, #tpu.memory_space<hbm>>
    tpu.enqueue_indirect_dma source(%dma_start3A_195 : memref<1000000x32xf32, #tpu.memory_space<hbm>>) target(%dma_start3A_189 : memref<50x32xf32, #tpu.memory_space<vmem>>) offsets(%dma_start3A_192 : memref<50xi32, #tpu.memory_space<vmem>>) semaphore(%arg9 : memref<!tpu.dma_semaphore, #tpu.memory_space<semaphore_mem>>)
    %dma_start3A_196 = arith.constant 16 : i32
    %dma_start3A_197 = arith.constant 16 : i32
    %dma_start3A_198 = arith.constant 0 : i32
    %dma_start3A_199 = arith.constant 0 : i32
    %dma_start3A_200 = tpu.memref_slice %arg7[%dma_start3A_197, %dma_start3A_198, %dma_start3A_199] : memref<32x50x32xf32, #tpu.memory_space<vmem>> -> memref<1x50x32xf32, #tpu.memory_space<vmem>>
    %dma_start3A_201 = tpu.memref_squeeze %dma_start3A_200 : memref<1x50x32xf32, #tpu.memory_space<vmem>> -> memref<50x32xf32, #tpu.memory_space<vmem>>
    %dma_start3A_202 = arith.constant 0 : i32
    %dma_start3A_203 = tpu.memref_slice %arg5[%dma_start3A_196, %dma_start3A_202] : memref<32x50xi32, #tpu.memory_space<vmem>> -> memref<1x50xi32, #tpu.memory_space<vmem>>
    %dma_start3A_204 = tpu.memref_squeeze %dma_start3A_203 : memref<1x50xi32, #tpu.memory_space<vmem>> -> memref<50xi32, #tpu.memory_space<vmem>>
    %dma_start3A_205 = arith.constant 0 : i32
    %dma_start3A_206 = arith.constant 0 : i32
    %dma_start3A_207 = tpu.memref_slice %arg3[%dma_start3A_205, %dma_start3A_206] : memref<1000000x32xf32, #tpu.memory_space<hbm>> -> memref<1000000x32xf32, #tpu.memory_space<hbm>>
    tpu.enqueue_indirect_dma source(%dma_start3A_207 : memref<1000000x32xf32, #tpu.memory_space<hbm>>) target(%dma_start3A_201 : memref<50x32xf32, #tpu.memory_space<vmem>>) offsets(%dma_start3A_204 : memref<50xi32, #tpu.memory_space<vmem>>) semaphore(%arg9 : memref<!tpu.dma_semaphore, #tpu.memory_space<semaphore_mem>>)
    %dma_start3A_208 = arith.constant 17 : i32
    %dma_start3A_209 = arith.constant 17 : i32
    %dma_start3A_210 = arith.constant 0 : i32
    %dma_start3A_211 = arith.constant 0 : i32
    %dma_start3A_212 = tpu.memref_slice %arg7[%dma_start3A_209, %dma_start3A_210, %dma_start3A_211] : memref<32x50x32xf32, #tpu.memory_space<vmem>> -> memref<1x50x32xf32, #tpu.memory_space<vmem>>
    %dma_start3A_213 = tpu.memref_squeeze %dma_start3A_212 : memref<1x50x32xf32, #tpu.memory_space<vmem>> -> memref<50x32xf32, #tpu.memory_space<vmem>>
    %dma_start3A_214 = arith.constant 0 : i32
    %dma_start3A_215 = tpu.memref_slice %arg5[%dma_start3A_208, %dma_start3A_214] : memref<32x50xi32, #tpu.memory_space<vmem>> -> memref<1x50xi32, #tpu.memory_space<vmem>>
    %dma_start3A_216 = tpu.memref_squeeze %dma_start3A_215 : memref<1x50xi32, #tpu.memory_space<vmem>> -> memref<50xi32, #tpu.memory_space<vmem>>
    %dma_start3A_217 = arith.constant 0 : i32
    %dma_start3A_218 = arith.constant 0 : i32
    %dma_start3A_219 = tpu.memref_slice %arg3[%dma_start3A_217, %dma_start3A_218] : memref<1000000x32xf32, #tpu.memory_space<hbm>> -> memref<1000000x32xf32, #tpu.memory_space<hbm>>
    tpu.enqueue_indirect_dma source(%dma_start3A_219 : memref<1000000x32xf32, #tpu.memory_space<hbm>>) target(%dma_start3A_213 : memref<50x32xf32, #tpu.memory_space<vmem>>) offsets(%dma_start3A_216 : memref<50xi32, #tpu.memory_space<vmem>>) semaphore(%arg9 : memref<!tpu.dma_semaphore, #tpu.memory_space<semaphore_mem>>)
    %dma_start3A_220 = arith.constant 18 : i32
    %dma_start3A_221 = arith.constant 18 : i32
    %dma_start3A_222 = arith.constant 0 : i32
    %dma_start3A_223 = arith.constant 0 : i32
    %dma_start3A_224 = tpu.memref_slice %arg7[%dma_start3A_221, %dma_start3A_222, %dma_start3A_223] : memref<32x50x32xf32, #tpu.memory_space<vmem>> -> memref<1x50x32xf32, #tpu.memory_space<vmem>>
    %dma_start3A_225 = tpu.memref_squeeze %dma_start3A_224 : memref<1x50x32xf32, #tpu.memory_space<vmem>> -> memref<50x32xf32, #tpu.memory_space<vmem>>
    %dma_start3A_226 = arith.constant 0 : i32
    %dma_start3A_227 = tpu.memref_slice %arg5[%dma_start3A_220, %dma_start3A_226] : memref<32x50xi32, #tpu.memory_space<vmem>> -> memref<1x50xi32, #tpu.memory_space<vmem>>
    %dma_start3A_228 = tpu.memref_squeeze %dma_start3A_227 : memref<1x50xi32, #tpu.memory_space<vmem>> -> memref<50xi32, #tpu.memory_space<vmem>>
    %dma_start3A_229 = arith.constant 0 : i32
    %dma_start3A_230 = arith.constant 0 : i32
    %dma_start3A_231 = tpu.memref_slice %arg3[%dma_start3A_229, %dma_start3A_230] : memref<1000000x32xf32, #tpu.memory_space<hbm>> -> memref<1000000x32xf32, #tpu.memory_space<hbm>>
    tpu.enqueue_indirect_dma source(%dma_start3A_231 : memref<1000000x32xf32, #tpu.memory_space<hbm>>) target(%dma_start3A_225 : memref<50x32xf32, #tpu.memory_space<vmem>>) offsets(%dma_start3A_228 : memref<50xi32, #tpu.memory_space<vmem>>) semaphore(%arg9 : memref<!tpu.dma_semaphore, #tpu.memory_space<semaphore_mem>>)
    %dma_start3A_232 = arith.constant 19 : i32
    %dma_start3A_233 = arith.constant 19 : i32
    %dma_start3A_234 = arith.constant 0 : i32
    %dma_start3A_235 = arith.constant 0 : i32
    %dma_start3A_236 = tpu.memref_slice %arg7[%dma_start3A_233, %dma_start3A_234, %dma_start3A_235] : memref<32x50x32xf32, #tpu.memory_space<vmem>> -> memref<1x50x32xf32, #tpu.memory_space<vmem>>
    %dma_start3A_237 = tpu.memref_squeeze %dma_start3A_236 : memref<1x50x32xf32, #tpu.memory_space<vmem>> -> memref<50x32xf32, #tpu.memory_space<vmem>>
    %dma_start3A_238 = arith.constant 0 : i32
    %dma_start3A_239 = tpu.memref_slice %arg5[%dma_start3A_232, %dma_start3A_238] : memref<32x50xi32, #tpu.memory_space<vmem>> -> memref<1x50xi32, #tpu.memory_space<vmem>>
    %dma_start3A_240 = tpu.memref_squeeze %dma_start3A_239 : memref<1x50xi32, #tpu.memory_space<vmem>> -> memref<50xi32, #tpu.memory_space<vmem>>
    %dma_start3A_241 = arith.constant 0 : i32
    %dma_start3A_242 = arith.constant 0 : i32
    %dma_start3A_243 = tpu.memref_slice %arg3[%dma_start3A_241, %dma_start3A_242] : memref<1000000x32xf32, #tpu.memory_space<hbm>> -> memref<1000000x32xf32, #tpu.memory_space<hbm>>
    tpu.enqueue_indirect_dma source(%dma_start3A_243 : memref<1000000x32xf32, #tpu.memory_space<hbm>>) target(%dma_start3A_237 : memref<50x32xf32, #tpu.memory_space<vmem>>) offsets(%dma_start3A_240 : memref<50xi32, #tpu.memory_space<vmem>>) semaphore(%arg9 : memref<!tpu.dma_semaphore, #tpu.memory_space<semaphore_mem>>)
    %dma_start3A_244 = arith.constant 20 : i32
    %dma_start3A_245 = arith.constant 20 : i32
    %dma_start3A_246 = arith.constant 0 : i32
    %dma_start3A_247 = arith.constant 0 : i32
    %dma_start3A_248 = tpu.memref_slice %arg7[%dma_start3A_245, %dma_start3A_246, %dma_start3A_247] : memref<32x50x32xf32, #tpu.memory_space<vmem>> -> memref<1x50x32xf32, #tpu.memory_space<vmem>>
    %dma_start3A_249 = tpu.memref_squeeze %dma_start3A_248 : memref<1x50x32xf32, #tpu.memory_space<vmem>> -> memref<50x32xf32, #tpu.memory_space<vmem>>
    %dma_start3A_250 = arith.constant 0 : i32
    %dma_start3A_251 = tpu.memref_slice %arg5[%dma_start3A_244, %dma_start3A_250] : memref<32x50xi32, #tpu.memory_space<vmem>> -> memref<1x50xi32, #tpu.memory_space<vmem>>
    %dma_start3A_252 = tpu.memref_squeeze %dma_start3A_251 : memref<1x50xi32, #tpu.memory_space<vmem>> -> memref<50xi32, #tpu.memory_space<vmem>>
    %dma_start3A_253 = arith.constant 0 : i32
    %dma_start3A_254 = arith.constant 0 : i32
    %dma_start3A_255 = tpu.memref_slice %arg3[%dma_start3A_253, %dma_start3A_254] : memref<1000000x32xf32, #tpu.memory_space<hbm>> -> memref<1000000x32xf32, #tpu.memory_space<hbm>>
    tpu.enqueue_indirect_dma source(%dma_start3A_255 : memref<1000000x32xf32, #tpu.memory_space<hbm>>) target(%dma_start3A_249 : memref<50x32xf32, #tpu.memory_space<vmem>>) offsets(%dma_start3A_252 : memref<50xi32, #tpu.memory_space<vmem>>) semaphore(%arg9 : memref<!tpu.dma_semaphore, #tpu.memory_space<semaphore_mem>>)
    %dma_start3A_256 = arith.constant 21 : i32
    %dma_start3A_257 = arith.constant 21 : i32
    %dma_start3A_258 = arith.constant 0 : i32
    %dma_start3A_259 = arith.constant 0 : i32
    %dma_start3A_260 = tpu.memref_slice %arg7[%dma_start3A_257, %dma_start3A_258, %dma_start3A_259] : memref<32x50x32xf32, #tpu.memory_space<vmem>> -> memref<1x50x32xf32, #tpu.memory_space<vmem>>
    %dma_start3A_261 = tpu.memref_squeeze %dma_start3A_260 : memref<1x50x32xf32, #tpu.memory_space<vmem>> -> memref<50x32xf32, #tpu.memory_space<vmem>>
    %dma_start3A_262 = arith.constant 0 : i32
    %dma_start3A_263 = tpu.memref_slice %arg5[%dma_start3A_256, %dma_start3A_262] : memref<32x50xi32, #tpu.memory_space<vmem>> -> memref<1x50xi32, #tpu.memory_space<vmem>>
    %dma_start3A_264 = tpu.memref_squeeze %dma_start3A_263 : memref<1x50xi32, #tpu.memory_space<vmem>> -> memref<50xi32, #tpu.memory_space<vmem>>
    %dma_start3A_265 = arith.constant 0 : i32
    %dma_start3A_266 = arith.constant 0 : i32
    %dma_start3A_267 = tpu.memref_slice %arg3[%dma_start3A_265, %dma_start3A_266] : memref<1000000x32xf32, #tpu.memory_space<hbm>> -> memref<1000000x32xf32, #tpu.memory_space<hbm>>
    tpu.enqueue_indirect_dma source(%dma_start3A_267 : memref<1000000x32xf32, #tpu.memory_space<hbm>>) target(%dma_start3A_261 : memref<50x32xf32, #tpu.memory_space<vmem>>) offsets(%dma_start3A_264 : memref<50xi32, #tpu.memory_space<vmem>>) semaphore(%arg9 : memref<!tpu.dma_semaphore, #tpu.memory_space<semaphore_mem>>)
    %dma_start3A_268 = arith.constant 22 : i32
    %dma_start3A_269 = arith.constant 22 : i32
    %dma_start3A_270 = arith.constant 0 : i32
    %dma_start3A_271 = arith.constant 0 : i32
    %dma_start3A_272 = tpu.memref_slice %arg7[%dma_start3A_269, %dma_start3A_270, %dma_start3A_271] : memref<32x50x32xf32, #tpu.memory_space<vmem>> -> memref<1x50x32xf32, #tpu.memory_space<vmem>>
    %dma_start3A_273 = tpu.memref_squeeze %dma_start3A_272 : memref<1x50x32xf32, #tpu.memory_space<vmem>> -> memref<50x32xf32, #tpu.memory_space<vmem>>
    %dma_start3A_274 = arith.constant 0 : i32
    %dma_start3A_275 = tpu.memref_slice %arg5[%dma_start3A_268, %dma_start3A_274] : memref<32x50xi32, #tpu.memory_space<vmem>> -> memref<1x50xi32, #tpu.memory_space<vmem>>
    %dma_start3A_276 = tpu.memref_squeeze %dma_start3A_275 : memref<1x50xi32, #tpu.memory_space<vmem>> -> memref<50xi32, #tpu.memory_space<vmem>>
    %dma_start3A_277 = arith.constant 0 : i32
    %dma_start3A_278 = arith.constant 0 : i32
    %dma_start3A_279 = tpu.memref_slice %arg3[%dma_start3A_277, %dma_start3A_278] : memref<1000000x32xf32, #tpu.memory_space<hbm>> -> memref<1000000x32xf32, #tpu.memory_space<hbm>>
    tpu.enqueue_indirect_dma source(%dma_start3A_279 : memref<1000000x32xf32, #tpu.memory_space<hbm>>) target(%dma_start3A_273 : memref<50x32xf32, #tpu.memory_space<vmem>>) offsets(%dma_start3A_276 : memref<50xi32, #tpu.memory_space<vmem>>) semaphore(%arg9 : memref<!tpu.dma_semaphore, #tpu.memory_space<semaphore_mem>>)
    %dma_start3A_280 = arith.constant 23 : i32
    %dma_start3A_281 = arith.constant 23 : i32
    %dma_start3A_282 = arith.constant 0 : i32
    %dma_start3A_283 = arith.constant 0 : i32
    %dma_start3A_284 = tpu.memref_slice %arg7[%dma_start3A_281, %dma_start3A_282, %dma_start3A_283] : memref<32x50x32xf32, #tpu.memory_space<vmem>> -> memref<1x50x32xf32, #tpu.memory_space<vmem>>
    %dma_start3A_285 = tpu.memref_squeeze %dma_start3A_284 : memref<1x50x32xf32, #tpu.memory_space<vmem>> -> memref<50x32xf32, #tpu.memory_space<vmem>>
    %dma_start3A_286 = arith.constant 0 : i32
    %dma_start3A_287 = tpu.memref_slice %arg5[%dma_start3A_280, %dma_start3A_286] : memref<32x50xi32, #tpu.memory_space<vmem>> -> memref<1x50xi32, #tpu.memory_space<vmem>>
    %dma_start3A_288 = tpu.memref_squeeze %dma_start3A_287 : memref<1x50xi32, #tpu.memory_space<vmem>> -> memref<50xi32, #tpu.memory_space<vmem>>
    %dma_start3A_289 = arith.constant 0 : i32
    %dma_start3A_290 = arith.constant 0 : i32
    %dma_start3A_291 = tpu.memref_slice %arg3[%dma_start3A_289, %dma_start3A_290] : memref<1000000x32xf32, #tpu.memory_space<hbm>> -> memref<1000000x32xf32, #tpu.memory_space<hbm>>
    tpu.enqueue_indirect_dma source(%dma_start3A_291 : memref<1000000x32xf32, #tpu.memory_space<hbm>>) target(%dma_start3A_285 : memref<50x32xf32, #tpu.memory_space<vmem>>) offsets(%dma_start3A_288 : memref<50xi32, #tpu.memory_space<vmem>>) semaphore(%arg9 : memref<!tpu.dma_semaphore, #tpu.memory_space<semaphore_mem>>)
    %dma_start3A_292 = arith.constant 24 : i32
    %dma_start3A_293 = arith.constant 24 : i32
    %dma_start3A_294 = arith.constant 0 : i32
    %dma_start3A_295 = arith.constant 0 : i32
    %dma_start3A_296 = tpu.memref_slice %arg7[%dma_start3A_293, %dma_start3A_294, %dma_start3A_295] : memref<32x50x32xf32, #tpu.memory_space<vmem>> -> memref<1x50x32xf32, #tpu.memory_space<vmem>>
    %dma_start3A_297 = tpu.memref_squeeze %dma_start3A_296 : memref<1x50x32xf32, #tpu.memory_space<vmem>> -> memref<50x32xf32, #tpu.memory_space<vmem>>
    %dma_start3A_298 = arith.constant 0 : i32
    %dma_start3A_299 = tpu.memref_slice %arg5[%dma_start3A_292, %dma_start3A_298] : memref<32x50xi32, #tpu.memory_space<vmem>> -> memref<1x50xi32, #tpu.memory_space<vmem>>
    %dma_start3A_300 = tpu.memref_squeeze %dma_start3A_299 : memref<1x50xi32, #tpu.memory_space<vmem>> -> memref<50xi32, #tpu.memory_space<vmem>>
    %dma_start3A_301 = arith.constant 0 : i32
    %dma_start3A_302 = arith.constant 0 : i32
    %dma_start3A_303 = tpu.memref_slice %arg3[%dma_start3A_301, %dma_start3A_302] : memref<1000000x32xf32, #tpu.memory_space<hbm>> -> memref<1000000x32xf32, #tpu.memory_space<hbm>>
    tpu.enqueue_indirect_dma source(%dma_start3A_303 : memref<1000000x32xf32, #tpu.memory_space<hbm>>) target(%dma_start3A_297 : memref<50x32xf32, #tpu.memory_space<vmem>>) offsets(%dma_start3A_300 : memref<50xi32, #tpu.memory_space<vmem>>) semaphore(%arg9 : memref<!tpu.dma_semaphore, #tpu.memory_space<semaphore_mem>>)
    %dma_start3A_304 = arith.constant 25 : i32
    %dma_start3A_305 = arith.constant 25 : i32
    %dma_start3A_306 = arith.constant 0 : i32
    %dma_start3A_307 = arith.constant 0 : i32
    %dma_start3A_308 = tpu.memref_slice %arg7[%dma_start3A_305, %dma_start3A_306, %dma_start3A_307] : memref<32x50x32xf32, #tpu.memory_space<vmem>> -> memref<1x50x32xf32, #tpu.memory_space<vmem>>
    %dma_start3A_309 = tpu.memref_squeeze %dma_start3A_308 : memref<1x50x32xf32, #tpu.memory_space<vmem>> -> memref<50x32xf32, #tpu.memory_space<vmem>>
    %dma_start3A_310 = arith.constant 0 : i32
    %dma_start3A_311 = tpu.memref_slice %arg5[%dma_start3A_304, %dma_start3A_310] : memref<32x50xi32, #tpu.memory_space<vmem>> -> memref<1x50xi32, #tpu.memory_space<vmem>>
    %dma_start3A_312 = tpu.memref_squeeze %dma_start3A_311 : memref<1x50xi32, #tpu.memory_space<vmem>> -> memref<50xi32, #tpu.memory_space<vmem>>
    %dma_start3A_313 = arith.constant 0 : i32
    %dma_start3A_314 = arith.constant 0 : i32
    %dma_start3A_315 = tpu.memref_slice %arg3[%dma_start3A_313, %dma_start3A_314] : memref<1000000x32xf32, #tpu.memory_space<hbm>> -> memref<1000000x32xf32, #tpu.memory_space<hbm>>
    tpu.enqueue_indirect_dma source(%dma_start3A_315 : memref<1000000x32xf32, #tpu.memory_space<hbm>>) target(%dma_start3A_309 : memref<50x32xf32, #tpu.memory_space<vmem>>) offsets(%dma_start3A_312 : memref<50xi32, #tpu.memory_space<vmem>>) semaphore(%arg9 : memref<!tpu.dma_semaphore, #tpu.memory_space<semaphore_mem>>)
    %dma_start3A_316 = arith.constant 26 : i32
    %dma_start3A_317 = arith.constant 26 : i32
    %dma_start3A_318 = arith.constant 0 : i32
    %dma_start3A_319 = arith.constant 0 : i32
    %dma_start3A_320 = tpu.memref_slice %arg7[%dma_start3A_317, %dma_start3A_318, %dma_start3A_319] : memref<32x50x32xf32, #tpu.memory_space<vmem>> -> memref<1x50x32xf32, #tpu.memory_space<vmem>>
    %dma_start3A_321 = tpu.memref_squeeze %dma_start3A_320 : memref<1x50x32xf32, #tpu.memory_space<vmem>> -> memref<50x32xf32, #tpu.memory_space<vmem>>
    %dma_start3A_322 = arith.constant 0 : i32
    %dma_start3A_323 = tpu.memref_slice %arg5[%dma_start3A_316, %dma_start3A_322] : memref<32x50xi32, #tpu.memory_space<vmem>> -> memref<1x50xi32, #tpu.memory_space<vmem>>
    %dma_start3A_324 = tpu.memref_squeeze %dma_start3A_323 : memref<1x50xi32, #tpu.memory_space<vmem>> -> memref<50xi32, #tpu.memory_space<vmem>>
    %dma_start3A_325 = arith.constant 0 : i32
    %dma_start3A_326 = arith.constant 0 : i32
    %dma_start3A_327 = tpu.memref_slice %arg3[%dma_start3A_325, %dma_start3A_326] : memref<1000000x32xf32, #tpu.memory_space<hbm>> -> memref<1000000x32xf32, #tpu.memory_space<hbm>>
    tpu.enqueue_indirect_dma source(%dma_start3A_327 : memref<1000000x32xf32, #tpu.memory_space<hbm>>) target(%dma_start3A_321 : memref<50x32xf32, #tpu.memory_space<vmem>>) offsets(%dma_start3A_324 : memref<50xi32, #tpu.memory_space<vmem>>) semaphore(%arg9 : memref<!tpu.dma_semaphore, #tpu.memory_space<semaphore_mem>>)
    %dma_start3A_328 = arith.constant 27 : i32
    %dma_start3A_329 = arith.constant 27 : i32
    %dma_start3A_330 = arith.constant 0 : i32
    %dma_start3A_331 = arith.constant 0 : i32
    %dma_start3A_332 = tpu.memref_slice %arg7[%dma_start3A_329, %dma_start3A_330, %dma_start3A_331] : memref<32x50x32xf32, #tpu.memory_space<vmem>> -> memref<1x50x32xf32, #tpu.memory_space<vmem>>
    %dma_start3A_333 = tpu.memref_squeeze %dma_start3A_332 : memref<1x50x32xf32, #tpu.memory_space<vmem>> -> memref<50x32xf32, #tpu.memory_space<vmem>>
    %dma_start3A_334 = arith.constant 0 : i32
    %dma_start3A_335 = tpu.memref_slice %arg5[%dma_start3A_328, %dma_start3A_334] : memref<32x50xi32, #tpu.memory_space<vmem>> -> memref<1x50xi32, #tpu.memory_space<vmem>>
    %dma_start3A_336 = tpu.memref_squeeze %dma_start3A_335 : memref<1x50xi32, #tpu.memory_space<vmem>> -> memref<50xi32, #tpu.memory_space<vmem>>
    %dma_start3A_337 = arith.constant 0 : i32
    %dma_start3A_338 = arith.constant 0 : i32
    %dma_start3A_339 = tpu.memref_slice %arg3[%dma_start3A_337, %dma_start3A_338] : memref<1000000x32xf32, #tpu.memory_space<hbm>> -> memref<1000000x32xf32, #tpu.memory_space<hbm>>
    tpu.enqueue_indirect_dma source(%dma_start3A_339 : memref<1000000x32xf32, #tpu.memory_space<hbm>>) target(%dma_start3A_333 : memref<50x32xf32, #tpu.memory_space<vmem>>) offsets(%dma_start3A_336 : memref<50xi32, #tpu.memory_space<vmem>>) semaphore(%arg9 : memref<!tpu.dma_semaphore, #tpu.memory_space<semaphore_mem>>)
    %dma_start3A_340 = arith.constant 28 : i32
    %dma_start3A_341 = arith.constant 28 : i32
    %dma_start3A_342 = arith.constant 0 : i32
    %dma_start3A_343 = arith.constant 0 : i32
    %dma_start3A_344 = tpu.memref_slice %arg7[%dma_start3A_341, %dma_start3A_342, %dma_start3A_343] : memref<32x50x32xf32, #tpu.memory_space<vmem>> -> memref<1x50x32xf32, #tpu.memory_space<vmem>>
    %dma_start3A_345 = tpu.memref_squeeze %dma_start3A_344 : memref<1x50x32xf32, #tpu.memory_space<vmem>> -> memref<50x32xf32, #tpu.memory_space<vmem>>
    %dma_start3A_346 = arith.constant 0 : i32
    %dma_start3A_347 = tpu.memref_slice %arg5[%dma_start3A_340, %dma_start3A_346] : memref<32x50xi32, #tpu.memory_space<vmem>> -> memref<1x50xi32, #tpu.memory_space<vmem>>
    %dma_start3A_348 = tpu.memref_squeeze %dma_start3A_347 : memref<1x50xi32, #tpu.memory_space<vmem>> -> memref<50xi32, #tpu.memory_space<vmem>>
    %dma_start3A_349 = arith.constant 0 : i32
    %dma_start3A_350 = arith.constant 0 : i32
    %dma_start3A_351 = tpu.memref_slice %arg3[%dma_start3A_349, %dma_start3A_350] : memref<1000000x32xf32, #tpu.memory_space<hbm>> -> memref<1000000x32xf32, #tpu.memory_space<hbm>>
    tpu.enqueue_indirect_dma source(%dma_start3A_351 : memref<1000000x32xf32, #tpu.memory_space<hbm>>) target(%dma_start3A_345 : memref<50x32xf32, #tpu.memory_space<vmem>>) offsets(%dma_start3A_348 : memref<50xi32, #tpu.memory_space<vmem>>) semaphore(%arg9 : memref<!tpu.dma_semaphore, #tpu.memory_space<semaphore_mem>>)
    %dma_start3A_352 = arith.constant 29 : i32
    %dma_start3A_353 = arith.constant 29 : i32
    %dma_start3A_354 = arith.constant 0 : i32
    %dma_start3A_355 = arith.constant 0 : i32
    %dma_start3A_356 = tpu.memref_slice %arg7[%dma_start3A_353, %dma_start3A_354, %dma_start3A_355] : memref<32x50x32xf32, #tpu.memory_space<vmem>> -> memref<1x50x32xf32, #tpu.memory_space<vmem>>
    %dma_start3A_357 = tpu.memref_squeeze %dma_start3A_356 : memref<1x50x32xf32, #tpu.memory_space<vmem>> -> memref<50x32xf32, #tpu.memory_space<vmem>>
    %dma_start3A_358 = arith.constant 0 : i32
    %dma_start3A_359 = tpu.memref_slice %arg5[%dma_start3A_352, %dma_start3A_358] : memref<32x50xi32, #tpu.memory_space<vmem>> -> memref<1x50xi32, #tpu.memory_space<vmem>>
    %dma_start3A_360 = tpu.memref_squeeze %dma_start3A_359 : memref<1x50xi32, #tpu.memory_space<vmem>> -> memref<50xi32, #tpu.memory_space<vmem>>
    %dma_start3A_361 = arith.constant 0 : i32
    %dma_start3A_362 = arith.constant 0 : i32
    %dma_start3A_363 = tpu.memref_slice %arg3[%dma_start3A_361, %dma_start3A_362] : memref<1000000x32xf32, #tpu.memory_space<hbm>> -> memref<1000000x32xf32, #tpu.memory_space<hbm>>
    tpu.enqueue_indirect_dma source(%dma_start3A_363 : memref<1000000x32xf32, #tpu.memory_space<hbm>>) target(%dma_start3A_357 : memref<50x32xf32, #tpu.memory_space<vmem>>) offsets(%dma_start3A_360 : memref<50xi32, #tpu.memory_space<vmem>>) semaphore(%arg9 : memref<!tpu.dma_semaphore, #tpu.memory_space<semaphore_mem>>)
    %dma_start3A_364 = arith.constant 30 : i32
    %dma_start3A_365 = arith.constant 30 : i32
    %dma_start3A_366 = arith.constant 0 : i32
    %dma_start3A_367 = arith.constant 0 : i32
    %dma_start3A_368 = tpu.memref_slice %arg7[%dma_start3A_365, %dma_start3A_366, %dma_start3A_367] : memref<32x50x32xf32, #tpu.memory_space<vmem>> -> memref<1x50x32xf32, #tpu.memory_space<vmem>>
    %dma_start3A_369 = tpu.memref_squeeze %dma_start3A_368 : memref<1x50x32xf32, #tpu.memory_space<vmem>> -> memref<50x32xf32, #tpu.memory_space<vmem>>
    %dma_start3A_370 = arith.constant 0 : i32
    %dma_start3A_371 = tpu.memref_slice %arg5[%dma_start3A_364, %dma_start3A_370] : memref<32x50xi32, #tpu.memory_space<vmem>> -> memref<1x50xi32, #tpu.memory_space<vmem>>
    %dma_start3A_372 = tpu.memref_squeeze %dma_start3A_371 : memref<1x50xi32, #tpu.memory_space<vmem>> -> memref<50xi32, #tpu.memory_space<vmem>>
    %dma_start3A_373 = arith.constant 0 : i32
    %dma_start3A_374 = arith.constant 0 : i32
    %dma_start3A_375 = tpu.memref_slice %arg3[%dma_start3A_373, %dma_start3A_374] : memref<1000000x32xf32, #tpu.memory_space<hbm>> -> memref<1000000x32xf32, #tpu.memory_space<hbm>>
    tpu.enqueue_indirect_dma source(%dma_start3A_375 : memref<1000000x32xf32, #tpu.memory_space<hbm>>) target(%dma_start3A_369 : memref<50x32xf32, #tpu.memory_space<vmem>>) offsets(%dma_start3A_372 : memref<50xi32, #tpu.memory_space<vmem>>) semaphore(%arg9 : memref<!tpu.dma_semaphore, #tpu.memory_space<semaphore_mem>>)
    %dma_start3A_376 = arith.constant 31 : i32
    %dma_start3A_377 = arith.constant 31 : i32
    %dma_start3A_378 = arith.constant 0 : i32
    %dma_start3A_379 = arith.constant 0 : i32
    %dma_start3A_380 = tpu.memref_slice %arg7[%dma_start3A_377, %dma_start3A_378, %dma_start3A_379] : memref<32x50x32xf32, #tpu.memory_space<vmem>> -> memref<1x50x32xf32, #tpu.memory_space<vmem>>
    %dma_start3A_381 = tpu.memref_squeeze %dma_start3A_380 : memref<1x50x32xf32, #tpu.memory_space<vmem>> -> memref<50x32xf32, #tpu.memory_space<vmem>>
    %dma_start3A_382 = arith.constant 0 : i32
    %dma_start3A_383 = tpu.memref_slice %arg5[%dma_start3A_376, %dma_start3A_382] : memref<32x50xi32, #tpu.memory_space<vmem>> -> memref<1x50xi32, #tpu.memory_space<vmem>>
    %dma_start3A_384 = tpu.memref_squeeze %dma_start3A_383 : memref<1x50xi32, #tpu.memory_space<vmem>> -> memref<50xi32, #tpu.memory_space<vmem>>
    %dma_start3A_385 = arith.constant 0 : i32
    %dma_start3A_386 = arith.constant 0 : i32
    %dma_start3A_387 = tpu.memref_slice %arg3[%dma_start3A_385, %dma_start3A_386] : memref<1000000x32xf32, #tpu.memory_space<hbm>> -> memref<1000000x32xf32, #tpu.memory_space<hbm>>
    tpu.enqueue_indirect_dma source(%dma_start3A_387 : memref<1000000x32xf32, #tpu.memory_space<hbm>>) target(%dma_start3A_381 : memref<50x32xf32, #tpu.memory_space<vmem>>) offsets(%dma_start3A_384 : memref<50xi32, #tpu.memory_space<vmem>>) semaphore(%arg9 : memref<!tpu.dma_semaphore, #tpu.memory_space<semaphore_mem>>)
    %add3A_388 = arith.constant 32 : i32
    %add3A_389 = arith.addi %mul3A_2, %add3A_388 : i32
    "tpu.region"() ({
      %run_scoped3A = tpu.sem_alloc : memref<!tpu.dma_semaphore, #tpu.memory_space<semaphore_mem>>
      %dma_start3A_1578 = arith.constant 0 : i32
      %dma_start3A_1579 = tpu.memref_slice %arg2[%add3A_389, %dma_start3A_1578] : memref<16384x50xi32, #tpu.memory_space<hbm>> -> memref<32x50xi32, #tpu.memory_space<hbm>>
      %dma_start3A_1580 = arith.constant 0 : i32
      %dma_start3A_1581 = tpu.memref_slice %arg2[%add3A_389, %dma_start3A_1580] : memref<16384x50xi32, #tpu.memory_space<hbm>> -> memref<32x50xi32, #tpu.memory_space<hbm>>
      tpu.enqueue_dma source(%dma_start3A_1581 : memref<32x50xi32, #tpu.memory_space<hbm>>) target(%arg6 : memref<32x50xi32, #tpu.memory_space<vmem>>) target_semaphore(%run_scoped3A : memref<!tpu.dma_semaphore, #tpu.memory_space<semaphore_mem>>)
      %dma_wait3A_1582 = arith.constant 0 : i32
      %dma_wait3A_1583 = tpu.memref_slice %arg2[%add3A_389, %dma_wait3A_1582] : memref<16384x50xi32, #tpu.memory_space<hbm>> -> memref<32x50xi32, #tpu.memory_space<hbm>>
      %dma_wait3A_1584 = arith.constant 0 : i32
      %dma_wait3A_1585 = tpu.memref_slice %arg2[%add3A_389, %dma_wait3A_1584] : memref<16384x50xi32, #tpu.memory_space<hbm>> -> memref<32x50xi32, #tpu.memory_space<hbm>>
      tpu.wait_dma2 semaphore(%run_scoped3A : memref<!tpu.dma_semaphore, #tpu.memory_space<semaphore_mem>>) src(%dma_wait3A_1585 : memref<32x50xi32, #tpu.memory_space<hbm>>) dst(%arg6 : memref<32x50xi32, #tpu.memory_space<vmem>>)
      tpu.yield
    }) : () -> ()
    %dma_start3A_390 = arith.constant 0 : i32
    %dma_start3A_391 = arith.constant 0 : i32
    %dma_start3A_392 = arith.constant 0 : i32
    %dma_start3A_393 = arith.constant 0 : i32
    %dma_start3A_394 = tpu.memref_slice %arg8[%dma_start3A_391, %dma_start3A_392, %dma_start3A_393] : memref<32x50x32xf32, #tpu.memory_space<vmem>> -> memref<1x50x32xf32, #tpu.memory_space<vmem>>
    %dma_start3A_395 = tpu.memref_squeeze %dma_start3A_394 : memref<1x50x32xf32, #tpu.memory_space<vmem>> -> memref<50x32xf32, #tpu.memory_space<vmem>>
    %dma_start3A_396 = arith.constant 0 : i32
    %dma_start3A_397 = tpu.memref_slice %arg6[%dma_start3A_390, %dma_start3A_396] : memref<32x50xi32, #tpu.memory_space<vmem>> -> memref<1x50xi32, #tpu.memory_space<vmem>>
    %dma_start3A_398 = tpu.memref_squeeze %dma_start3A_397 : memref<1x50xi32, #tpu.memory_space<vmem>> -> memref<50xi32, #tpu.memory_space<vmem>>
    %dma_start3A_399 = arith.constant 0 : i32
    %dma_start3A_400 = arith.constant 0 : i32
    %dma_start3A_401 = tpu.memref_slice %arg3[%dma_start3A_399, %dma_start3A_400] : memref<1000000x32xf32, #tpu.memory_space<hbm>> -> memref<1000000x32xf32, #tpu.memory_space<hbm>>
    tpu.enqueue_indirect_dma source(%dma_start3A_401 : memref<1000000x32xf32, #tpu.memory_space<hbm>>) target(%dma_start3A_395 : memref<50x32xf32, #tpu.memory_space<vmem>>) offsets(%dma_start3A_398 : memref<50xi32, #tpu.memory_space<vmem>>) semaphore(%arg10 : memref<!tpu.dma_semaphore, #tpu.memory_space<semaphore_mem>>)
    %dma_start3A_402 = arith.constant 1 : i32
    %dma_start3A_403 = arith.constant 1 : i32
    %dma_start3A_404 = arith.constant 0 : i32
    %dma_start3A_405 = arith.constant 0 : i32
    %dma_start3A_406 = tpu.memref_slice %arg8[%dma_start3A_403, %dma_start3A_404, %dma_start3A_405] : memref<32x50x32xf32, #tpu.memory_space<vmem>> -> memref<1x50x32xf32, #tpu.memory_space<vmem>>
    %dma_start3A_407 = tpu.memref_squeeze %dma_start3A_406 : memref<1x50x32xf32, #tpu.memory_space<vmem>> -> memref<50x32xf32, #tpu.memory_space<vmem>>
    %dma_start3A_408 = arith.constant 0 : i32
    %dma_start3A_409 = tpu.memref_slice %arg6[%dma_start3A_402, %dma_start3A_408] : memref<32x50xi32, #tpu.memory_space<vmem>> -> memref<1x50xi32, #tpu.memory_space<vmem>>
    %dma_start3A_410 = tpu.memref_squeeze %dma_start3A_409 : memref<1x50xi32, #tpu.memory_space<vmem>> -> memref<50xi32, #tpu.memory_space<vmem>>
    %dma_start3A_411 = arith.constant 0 : i32
    %dma_start3A_412 = arith.constant 0 : i32
    %dma_start3A_413 = tpu.memref_slice %arg3[%dma_start3A_411, %dma_start3A_412] : memref<1000000x32xf32, #tpu.memory_space<hbm>> -> memref<1000000x32xf32, #tpu.memory_space<hbm>>
    tpu.enqueue_indirect_dma source(%dma_start3A_413 : memref<1000000x32xf32, #tpu.memory_space<hbm>>) target(%dma_start3A_407 : memref<50x32xf32, #tpu.memory_space<vmem>>) offsets(%dma_start3A_410 : memref<50xi32, #tpu.memory_space<vmem>>) semaphore(%arg10 : memref<!tpu.dma_semaphore, #tpu.memory_space<semaphore_mem>>)
    %dma_start3A_414 = arith.constant 2 : i32
    %dma_start3A_415 = arith.constant 2 : i32
    %dma_start3A_416 = arith.constant 0 : i32
    %dma_start3A_417 = arith.constant 0 : i32
    %dma_start3A_418 = tpu.memref_slice %arg8[%dma_start3A_415, %dma_start3A_416, %dma_start3A_417] : memref<32x50x32xf32, #tpu.memory_space<vmem>> -> memref<1x50x32xf32, #tpu.memory_space<vmem>>
    %dma_start3A_419 = tpu.memref_squeeze %dma_start3A_418 : memref<1x50x32xf32, #tpu.memory_space<vmem>> -> memref<50x32xf32, #tpu.memory_space<vmem>>
    %dma_start3A_420 = arith.constant 0 : i32
    %dma_start3A_421 = tpu.memref_slice %arg6[%dma_start3A_414, %dma_start3A_420] : memref<32x50xi32, #tpu.memory_space<vmem>> -> memref<1x50xi32, #tpu.memory_space<vmem>>
    %dma_start3A_422 = tpu.memref_squeeze %dma_start3A_421 : memref<1x50xi32, #tpu.memory_space<vmem>> -> memref<50xi32, #tpu.memory_space<vmem>>
    %dma_start3A_423 = arith.constant 0 : i32
    %dma_start3A_424 = arith.constant 0 : i32
    %dma_start3A_425 = tpu.memref_slice %arg3[%dma_start3A_423, %dma_start3A_424] : memref<1000000x32xf32, #tpu.memory_space<hbm>> -> memref<1000000x32xf32, #tpu.memory_space<hbm>>
    tpu.enqueue_indirect_dma source(%dma_start3A_425 : memref<1000000x32xf32, #tpu.memory_space<hbm>>) target(%dma_start3A_419 : memref<50x32xf32, #tpu.memory_space<vmem>>) offsets(%dma_start3A_422 : memref<50xi32, #tpu.memory_space<vmem>>) semaphore(%arg10 : memref<!tpu.dma_semaphore, #tpu.memory_space<semaphore_mem>>)
    %dma_start3A_426 = arith.constant 3 : i32
    %dma_start3A_427 = arith.constant 3 : i32
    %dma_start3A_428 = arith.constant 0 : i32
    %dma_start3A_429 = arith.constant 0 : i32
    %dma_start3A_430 = tpu.memref_slice %arg8[%dma_start3A_427, %dma_start3A_428, %dma_start3A_429] : memref<32x50x32xf32, #tpu.memory_space<vmem>> -> memref<1x50x32xf32, #tpu.memory_space<vmem>>
    %dma_start3A_431 = tpu.memref_squeeze %dma_start3A_430 : memref<1x50x32xf32, #tpu.memory_space<vmem>> -> memref<50x32xf32, #tpu.memory_space<vmem>>
    %dma_start3A_432 = arith.constant 0 : i32
    %dma_start3A_433 = tpu.memref_slice %arg6[%dma_start3A_426, %dma_start3A_432] : memref<32x50xi32, #tpu.memory_space<vmem>> -> memref<1x50xi32, #tpu.memory_space<vmem>>
    %dma_start3A_434 = tpu.memref_squeeze %dma_start3A_433 : memref<1x50xi32, #tpu.memory_space<vmem>> -> memref<50xi32, #tpu.memory_space<vmem>>
    %dma_start3A_435 = arith.constant 0 : i32
    %dma_start3A_436 = arith.constant 0 : i32
    %dma_start3A_437 = tpu.memref_slice %arg3[%dma_start3A_435, %dma_start3A_436] : memref<1000000x32xf32, #tpu.memory_space<hbm>> -> memref<1000000x32xf32, #tpu.memory_space<hbm>>
    tpu.enqueue_indirect_dma source(%dma_start3A_437 : memref<1000000x32xf32, #tpu.memory_space<hbm>>) target(%dma_start3A_431 : memref<50x32xf32, #tpu.memory_space<vmem>>) offsets(%dma_start3A_434 : memref<50xi32, #tpu.memory_space<vmem>>) semaphore(%arg10 : memref<!tpu.dma_semaphore, #tpu.memory_space<semaphore_mem>>)
    %dma_start3A_438 = arith.constant 4 : i32
    %dma_start3A_439 = arith.constant 4 : i32
    %dma_start3A_440 = arith.constant 0 : i32
    %dma_start3A_441 = arith.constant 0 : i32
    %dma_start3A_442 = tpu.memref_slice %arg8[%dma_start3A_439, %dma_start3A_440, %dma_start3A_441] : memref<32x50x32xf32, #tpu.memory_space<vmem>> -> memref<1x50x32xf32, #tpu.memory_space<vmem>>
    %dma_start3A_443 = tpu.memref_squeeze %dma_start3A_442 : memref<1x50x32xf32, #tpu.memory_space<vmem>> -> memref<50x32xf32, #tpu.memory_space<vmem>>
    %dma_start3A_444 = arith.constant 0 : i32
    %dma_start3A_445 = tpu.memref_slice %arg6[%dma_start3A_438, %dma_start3A_444] : memref<32x50xi32, #tpu.memory_space<vmem>> -> memref<1x50xi32, #tpu.memory_space<vmem>>
    %dma_start3A_446 = tpu.memref_squeeze %dma_start3A_445 : memref<1x50xi32, #tpu.memory_space<vmem>> -> memref<50xi32, #tpu.memory_space<vmem>>
    %dma_start3A_447 = arith.constant 0 : i32
    %dma_start3A_448 = arith.constant 0 : i32
    %dma_start3A_449 = tpu.memref_slice %arg3[%dma_start3A_447, %dma_start3A_448] : memref<1000000x32xf32, #tpu.memory_space<hbm>> -> memref<1000000x32xf32, #tpu.memory_space<hbm>>
    tpu.enqueue_indirect_dma source(%dma_start3A_449 : memref<1000000x32xf32, #tpu.memory_space<hbm>>) target(%dma_start3A_443 : memref<50x32xf32, #tpu.memory_space<vmem>>) offsets(%dma_start3A_446 : memref<50xi32, #tpu.memory_space<vmem>>) semaphore(%arg10 : memref<!tpu.dma_semaphore, #tpu.memory_space<semaphore_mem>>)
    %dma_start3A_450 = arith.constant 5 : i32
    %dma_start3A_451 = arith.constant 5 : i32
    %dma_start3A_452 = arith.constant 0 : i32
    %dma_start3A_453 = arith.constant 0 : i32
    %dma_start3A_454 = tpu.memref_slice %arg8[%dma_start3A_451, %dma_start3A_452, %dma_start3A_453] : memref<32x50x32xf32, #tpu.memory_space<vmem>> -> memref<1x50x32xf32, #tpu.memory_space<vmem>>
    %dma_start3A_455 = tpu.memref_squeeze %dma_start3A_454 : memref<1x50x32xf32, #tpu.memory_space<vmem>> -> memref<50x32xf32, #tpu.memory_space<vmem>>
    %dma_start3A_456 = arith.constant 0 : i32
    %dma_start3A_457 = tpu.memref_slice %arg6[%dma_start3A_450, %dma_start3A_456] : memref<32x50xi32, #tpu.memory_space<vmem>> -> memref<1x50xi32, #tpu.memory_space<vmem>>
    %dma_start3A_458 = tpu.memref_squeeze %dma_start3A_457 : memref<1x50xi32, #tpu.memory_space<vmem>> -> memref<50xi32, #tpu.memory_space<vmem>>
    %dma_start3A_459 = arith.constant 0 : i32
    %dma_start3A_460 = arith.constant 0 : i32
    %dma_start3A_461 = tpu.memref_slice %arg3[%dma_start3A_459, %dma_start3A_460] : memref<1000000x32xf32, #tpu.memory_space<hbm>> -> memref<1000000x32xf32, #tpu.memory_space<hbm>>
    tpu.enqueue_indirect_dma source(%dma_start3A_461 : memref<1000000x32xf32, #tpu.memory_space<hbm>>) target(%dma_start3A_455 : memref<50x32xf32, #tpu.memory_space<vmem>>) offsets(%dma_start3A_458 : memref<50xi32, #tpu.memory_space<vmem>>) semaphore(%arg10 : memref<!tpu.dma_semaphore, #tpu.memory_space<semaphore_mem>>)
    %dma_start3A_462 = arith.constant 6 : i32
    %dma_start3A_463 = arith.constant 6 : i32
    %dma_start3A_464 = arith.constant 0 : i32
    %dma_start3A_465 = arith.constant 0 : i32
    %dma_start3A_466 = tpu.memref_slice %arg8[%dma_start3A_463, %dma_start3A_464, %dma_start3A_465] : memref<32x50x32xf32, #tpu.memory_space<vmem>> -> memref<1x50x32xf32, #tpu.memory_space<vmem>>
    %dma_start3A_467 = tpu.memref_squeeze %dma_start3A_466 : memref<1x50x32xf32, #tpu.memory_space<vmem>> -> memref<50x32xf32, #tpu.memory_space<vmem>>
    %dma_start3A_468 = arith.constant 0 : i32
    %dma_start3A_469 = tpu.memref_slice %arg6[%dma_start3A_462, %dma_start3A_468] : memref<32x50xi32, #tpu.memory_space<vmem>> -> memref<1x50xi32, #tpu.memory_space<vmem>>
    %dma_start3A_470 = tpu.memref_squeeze %dma_start3A_469 : memref<1x50xi32, #tpu.memory_space<vmem>> -> memref<50xi32, #tpu.memory_space<vmem>>
    %dma_start3A_471 = arith.constant 0 : i32
    %dma_start3A_472 = arith.constant 0 : i32
    %dma_start3A_473 = tpu.memref_slice %arg3[%dma_start3A_471, %dma_start3A_472] : memref<1000000x32xf32, #tpu.memory_space<hbm>> -> memref<1000000x32xf32, #tpu.memory_space<hbm>>
    tpu.enqueue_indirect_dma source(%dma_start3A_473 : memref<1000000x32xf32, #tpu.memory_space<hbm>>) target(%dma_start3A_467 : memref<50x32xf32, #tpu.memory_space<vmem>>) offsets(%dma_start3A_470 : memref<50xi32, #tpu.memory_space<vmem>>) semaphore(%arg10 : memref<!tpu.dma_semaphore, #tpu.memory_space<semaphore_mem>>)
    %dma_start3A_474 = arith.constant 7 : i32
    %dma_start3A_475 = arith.constant 7 : i32
    %dma_start3A_476 = arith.constant 0 : i32
    %dma_start3A_477 = arith.constant 0 : i32
    %dma_start3A_478 = tpu.memref_slice %arg8[%dma_start3A_475, %dma_start3A_476, %dma_start3A_477] : memref<32x50x32xf32, #tpu.memory_space<vmem>> -> memref<1x50x32xf32, #tpu.memory_space<vmem>>
    %dma_start3A_479 = tpu.memref_squeeze %dma_start3A_478 : memref<1x50x32xf32, #tpu.memory_space<vmem>> -> memref<50x32xf32, #tpu.memory_space<vmem>>
    %dma_start3A_480 = arith.constant 0 : i32
    %dma_start3A_481 = tpu.memref_slice %arg6[%dma_start3A_474, %dma_start3A_480] : memref<32x50xi32, #tpu.memory_space<vmem>> -> memref<1x50xi32, #tpu.memory_space<vmem>>
    %dma_start3A_482 = tpu.memref_squeeze %dma_start3A_481 : memref<1x50xi32, #tpu.memory_space<vmem>> -> memref<50xi32, #tpu.memory_space<vmem>>
    %dma_start3A_483 = arith.constant 0 : i32
    %dma_start3A_484 = arith.constant 0 : i32
    %dma_start3A_485 = tpu.memref_slice %arg3[%dma_start3A_483, %dma_start3A_484] : memref<1000000x32xf32, #tpu.memory_space<hbm>> -> memref<1000000x32xf32, #tpu.memory_space<hbm>>
    tpu.enqueue_indirect_dma source(%dma_start3A_485 : memref<1000000x32xf32, #tpu.memory_space<hbm>>) target(%dma_start3A_479 : memref<50x32xf32, #tpu.memory_space<vmem>>) offsets(%dma_start3A_482 : memref<50xi32, #tpu.memory_space<vmem>>) semaphore(%arg10 : memref<!tpu.dma_semaphore, #tpu.memory_space<semaphore_mem>>)
    %dma_start3A_486 = arith.constant 8 : i32
    %dma_start3A_487 = arith.constant 8 : i32
    %dma_start3A_488 = arith.constant 0 : i32
    %dma_start3A_489 = arith.constant 0 : i32
    %dma_start3A_490 = tpu.memref_slice %arg8[%dma_start3A_487, %dma_start3A_488, %dma_start3A_489] : memref<32x50x32xf32, #tpu.memory_space<vmem>> -> memref<1x50x32xf32, #tpu.memory_space<vmem>>
    %dma_start3A_491 = tpu.memref_squeeze %dma_start3A_490 : memref<1x50x32xf32, #tpu.memory_space<vmem>> -> memref<50x32xf32, #tpu.memory_space<vmem>>
    %dma_start3A_492 = arith.constant 0 : i32
    %dma_start3A_493 = tpu.memref_slice %arg6[%dma_start3A_486, %dma_start3A_492] : memref<32x50xi32, #tpu.memory_space<vmem>> -> memref<1x50xi32, #tpu.memory_space<vmem>>
    %dma_start3A_494 = tpu.memref_squeeze %dma_start3A_493 : memref<1x50xi32, #tpu.memory_space<vmem>> -> memref<50xi32, #tpu.memory_space<vmem>>
    %dma_start3A_495 = arith.constant 0 : i32
    %dma_start3A_496 = arith.constant 0 : i32
    %dma_start3A_497 = tpu.memref_slice %arg3[%dma_start3A_495, %dma_start3A_496] : memref<1000000x32xf32, #tpu.memory_space<hbm>> -> memref<1000000x32xf32, #tpu.memory_space<hbm>>
    tpu.enqueue_indirect_dma source(%dma_start3A_497 : memref<1000000x32xf32, #tpu.memory_space<hbm>>) target(%dma_start3A_491 : memref<50x32xf32, #tpu.memory_space<vmem>>) offsets(%dma_start3A_494 : memref<50xi32, #tpu.memory_space<vmem>>) semaphore(%arg10 : memref<!tpu.dma_semaphore, #tpu.memory_space<semaphore_mem>>)
    %dma_start3A_498 = arith.constant 9 : i32
    %dma_start3A_499 = arith.constant 9 : i32
    %dma_start3A_500 = arith.constant 0 : i32
    %dma_start3A_501 = arith.constant 0 : i32
    %dma_start3A_502 = tpu.memref_slice %arg8[%dma_start3A_499, %dma_start3A_500, %dma_start3A_501] : memref<32x50x32xf32, #tpu.memory_space<vmem>> -> memref<1x50x32xf32, #tpu.memory_space<vmem>>
    %dma_start3A_503 = tpu.memref_squeeze %dma_start3A_502 : memref<1x50x32xf32, #tpu.memory_space<vmem>> -> memref<50x32xf32, #tpu.memory_space<vmem>>
    %dma_start3A_504 = arith.constant 0 : i32
    %dma_start3A_505 = tpu.memref_slice %arg6[%dma_start3A_498, %dma_start3A_504] : memref<32x50xi32, #tpu.memory_space<vmem>> -> memref<1x50xi32, #tpu.memory_space<vmem>>
    %dma_start3A_506 = tpu.memref_squeeze %dma_start3A_505 : memref<1x50xi32, #tpu.memory_space<vmem>> -> memref<50xi32, #tpu.memory_space<vmem>>
    %dma_start3A_507 = arith.constant 0 : i32
    %dma_start3A_508 = arith.constant 0 : i32
    %dma_start3A_509 = tpu.memref_slice %arg3[%dma_start3A_507, %dma_start3A_508] : memref<1000000x32xf32, #tpu.memory_space<hbm>> -> memref<1000000x32xf32, #tpu.memory_space<hbm>>
    tpu.enqueue_indirect_dma source(%dma_start3A_509 : memref<1000000x32xf32, #tpu.memory_space<hbm>>) target(%dma_start3A_503 : memref<50x32xf32, #tpu.memory_space<vmem>>) offsets(%dma_start3A_506 : memref<50xi32, #tpu.memory_space<vmem>>) semaphore(%arg10 : memref<!tpu.dma_semaphore, #tpu.memory_space<semaphore_mem>>)
    %dma_start3A_510 = arith.constant 10 : i32
    %dma_start3A_511 = arith.constant 10 : i32
    %dma_start3A_512 = arith.constant 0 : i32
    %dma_start3A_513 = arith.constant 0 : i32
    %dma_start3A_514 = tpu.memref_slice %arg8[%dma_start3A_511, %dma_start3A_512, %dma_start3A_513] : memref<32x50x32xf32, #tpu.memory_space<vmem>> -> memref<1x50x32xf32, #tpu.memory_space<vmem>>
    %dma_start3A_515 = tpu.memref_squeeze %dma_start3A_514 : memref<1x50x32xf32, #tpu.memory_space<vmem>> -> memref<50x32xf32, #tpu.memory_space<vmem>>
    %dma_start3A_516 = arith.constant 0 : i32
    %dma_start3A_517 = tpu.memref_slice %arg6[%dma_start3A_510, %dma_start3A_516] : memref<32x50xi32, #tpu.memory_space<vmem>> -> memref<1x50xi32, #tpu.memory_space<vmem>>
    %dma_start3A_518 = tpu.memref_squeeze %dma_start3A_517 : memref<1x50xi32, #tpu.memory_space<vmem>> -> memref<50xi32, #tpu.memory_space<vmem>>
    %dma_start3A_519 = arith.constant 0 : i32
    %dma_start3A_520 = arith.constant 0 : i32
    %dma_start3A_521 = tpu.memref_slice %arg3[%dma_start3A_519, %dma_start3A_520] : memref<1000000x32xf32, #tpu.memory_space<hbm>> -> memref<1000000x32xf32, #tpu.memory_space<hbm>>
    tpu.enqueue_indirect_dma source(%dma_start3A_521 : memref<1000000x32xf32, #tpu.memory_space<hbm>>) target(%dma_start3A_515 : memref<50x32xf32, #tpu.memory_space<vmem>>) offsets(%dma_start3A_518 : memref<50xi32, #tpu.memory_space<vmem>>) semaphore(%arg10 : memref<!tpu.dma_semaphore, #tpu.memory_space<semaphore_mem>>)
    %dma_start3A_522 = arith.constant 11 : i32
    %dma_start3A_523 = arith.constant 11 : i32
    %dma_start3A_524 = arith.constant 0 : i32
    %dma_start3A_525 = arith.constant 0 : i32
    %dma_start3A_526 = tpu.memref_slice %arg8[%dma_start3A_523, %dma_start3A_524, %dma_start3A_525] : memref<32x50x32xf32, #tpu.memory_space<vmem>> -> memref<1x50x32xf32, #tpu.memory_space<vmem>>
    %dma_start3A_527 = tpu.memref_squeeze %dma_start3A_526 : memref<1x50x32xf32, #tpu.memory_space<vmem>> -> memref<50x32xf32, #tpu.memory_space<vmem>>
    %dma_start3A_528 = arith.constant 0 : i32
    %dma_start3A_529 = tpu.memref_slice %arg6[%dma_start3A_522, %dma_start3A_528] : memref<32x50xi32, #tpu.memory_space<vmem>> -> memref<1x50xi32, #tpu.memory_space<vmem>>
    %dma_start3A_530 = tpu.memref_squeeze %dma_start3A_529 : memref<1x50xi32, #tpu.memory_space<vmem>> -> memref<50xi32, #tpu.memory_space<vmem>>
    %dma_start3A_531 = arith.constant 0 : i32
    %dma_start3A_532 = arith.constant 0 : i32
    %dma_start3A_533 = tpu.memref_slice %arg3[%dma_start3A_531, %dma_start3A_532] : memref<1000000x32xf32, #tpu.memory_space<hbm>> -> memref<1000000x32xf32, #tpu.memory_space<hbm>>
    tpu.enqueue_indirect_dma source(%dma_start3A_533 : memref<1000000x32xf32, #tpu.memory_space<hbm>>) target(%dma_start3A_527 : memref<50x32xf32, #tpu.memory_space<vmem>>) offsets(%dma_start3A_530 : memref<50xi32, #tpu.memory_space<vmem>>) semaphore(%arg10 : memref<!tpu.dma_semaphore, #tpu.memory_space<semaphore_mem>>)
    %dma_start3A_534 = arith.constant 12 : i32
    %dma_start3A_535 = arith.constant 12 : i32
    %dma_start3A_536 = arith.constant 0 : i32
    %dma_start3A_537 = arith.constant 0 : i32
    %dma_start3A_538 = tpu.memref_slice %arg8[%dma_start3A_535, %dma_start3A_536, %dma_start3A_537] : memref<32x50x32xf32, #tpu.memory_space<vmem>> -> memref<1x50x32xf32, #tpu.memory_space<vmem>>
    %dma_start3A_539 = tpu.memref_squeeze %dma_start3A_538 : memref<1x50x32xf32, #tpu.memory_space<vmem>> -> memref<50x32xf32, #tpu.memory_space<vmem>>
    %dma_start3A_540 = arith.constant 0 : i32
    %dma_start3A_541 = tpu.memref_slice %arg6[%dma_start3A_534, %dma_start3A_540] : memref<32x50xi32, #tpu.memory_space<vmem>> -> memref<1x50xi32, #tpu.memory_space<vmem>>
    %dma_start3A_542 = tpu.memref_squeeze %dma_start3A_541 : memref<1x50xi32, #tpu.memory_space<vmem>> -> memref<50xi32, #tpu.memory_space<vmem>>
    %dma_start3A_543 = arith.constant 0 : i32
    %dma_start3A_544 = arith.constant 0 : i32
    %dma_start3A_545 = tpu.memref_slice %arg3[%dma_start3A_543, %dma_start3A_544] : memref<1000000x32xf32, #tpu.memory_space<hbm>> -> memref<1000000x32xf32, #tpu.memory_space<hbm>>
    tpu.enqueue_indirect_dma source(%dma_start3A_545 : memref<1000000x32xf32, #tpu.memory_space<hbm>>) target(%dma_start3A_539 : memref<50x32xf32, #tpu.memory_space<vmem>>) offsets(%dma_start3A_542 : memref<50xi32, #tpu.memory_space<vmem>>) semaphore(%arg10 : memref<!tpu.dma_semaphore, #tpu.memory_space<semaphore_mem>>)
    %dma_start3A_546 = arith.constant 13 : i32
    %dma_start3A_547 = arith.constant 13 : i32
    %dma_start3A_548 = arith.constant 0 : i32
    %dma_start3A_549 = arith.constant 0 : i32
    %dma_start3A_550 = tpu.memref_slice %arg8[%dma_start3A_547, %dma_start3A_548, %dma_start3A_549] : memref<32x50x32xf32, #tpu.memory_space<vmem>> -> memref<1x50x32xf32, #tpu.memory_space<vmem>>
    %dma_start3A_551 = tpu.memref_squeeze %dma_start3A_550 : memref<1x50x32xf32, #tpu.memory_space<vmem>> -> memref<50x32xf32, #tpu.memory_space<vmem>>
    %dma_start3A_552 = arith.constant 0 : i32
    %dma_start3A_553 = tpu.memref_slice %arg6[%dma_start3A_546, %dma_start3A_552] : memref<32x50xi32, #tpu.memory_space<vmem>> -> memref<1x50xi32, #tpu.memory_space<vmem>>
    %dma_start3A_554 = tpu.memref_squeeze %dma_start3A_553 : memref<1x50xi32, #tpu.memory_space<vmem>> -> memref<50xi32, #tpu.memory_space<vmem>>
    %dma_start3A_555 = arith.constant 0 : i32
    %dma_start3A_556 = arith.constant 0 : i32
    %dma_start3A_557 = tpu.memref_slice %arg3[%dma_start3A_555, %dma_start3A_556] : memref<1000000x32xf32, #tpu.memory_space<hbm>> -> memref<1000000x32xf32, #tpu.memory_space<hbm>>
    tpu.enqueue_indirect_dma source(%dma_start3A_557 : memref<1000000x32xf32, #tpu.memory_space<hbm>>) target(%dma_start3A_551 : memref<50x32xf32, #tpu.memory_space<vmem>>) offsets(%dma_start3A_554 : memref<50xi32, #tpu.memory_space<vmem>>) semaphore(%arg10 : memref<!tpu.dma_semaphore, #tpu.memory_space<semaphore_mem>>)
    %dma_start3A_558 = arith.constant 14 : i32
    %dma_start3A_559 = arith.constant 14 : i32
    %dma_start3A_560 = arith.constant 0 : i32
    %dma_start3A_561 = arith.constant 0 : i32
    %dma_start3A_562 = tpu.memref_slice %arg8[%dma_start3A_559, %dma_start3A_560, %dma_start3A_561] : memref<32x50x32xf32, #tpu.memory_space<vmem>> -> memref<1x50x32xf32, #tpu.memory_space<vmem>>
    %dma_start3A_563 = tpu.memref_squeeze %dma_start3A_562 : memref<1x50x32xf32, #tpu.memory_space<vmem>> -> memref<50x32xf32, #tpu.memory_space<vmem>>
    %dma_start3A_564 = arith.constant 0 : i32
    %dma_start3A_565 = tpu.memref_slice %arg6[%dma_start3A_558, %dma_start3A_564] : memref<32x50xi32, #tpu.memory_space<vmem>> -> memref<1x50xi32, #tpu.memory_space<vmem>>
    %dma_start3A_566 = tpu.memref_squeeze %dma_start3A_565 : memref<1x50xi32, #tpu.memory_space<vmem>> -> memref<50xi32, #tpu.memory_space<vmem>>
    %dma_start3A_567 = arith.constant 0 : i32
    %dma_start3A_568 = arith.constant 0 : i32
    %dma_start3A_569 = tpu.memref_slice %arg3[%dma_start3A_567, %dma_start3A_568] : memref<1000000x32xf32, #tpu.memory_space<hbm>> -> memref<1000000x32xf32, #tpu.memory_space<hbm>>
    tpu.enqueue_indirect_dma source(%dma_start3A_569 : memref<1000000x32xf32, #tpu.memory_space<hbm>>) target(%dma_start3A_563 : memref<50x32xf32, #tpu.memory_space<vmem>>) offsets(%dma_start3A_566 : memref<50xi32, #tpu.memory_space<vmem>>) semaphore(%arg10 : memref<!tpu.dma_semaphore, #tpu.memory_space<semaphore_mem>>)
    %dma_start3A_570 = arith.constant 15 : i32
    %dma_start3A_571 = arith.constant 15 : i32
    %dma_start3A_572 = arith.constant 0 : i32
    %dma_start3A_573 = arith.constant 0 : i32
    %dma_start3A_574 = tpu.memref_slice %arg8[%dma_start3A_571, %dma_start3A_572, %dma_start3A_573] : memref<32x50x32xf32, #tpu.memory_space<vmem>> -> memref<1x50x32xf32, #tpu.memory_space<vmem>>
    %dma_start3A_575 = tpu.memref_squeeze %dma_start3A_574 : memref<1x50x32xf32, #tpu.memory_space<vmem>> -> memref<50x32xf32, #tpu.memory_space<vmem>>
    %dma_start3A_576 = arith.constant 0 : i32
    %dma_start3A_577 = tpu.memref_slice %arg6[%dma_start3A_570, %dma_start3A_576] : memref<32x50xi32, #tpu.memory_space<vmem>> -> memref<1x50xi32, #tpu.memory_space<vmem>>
    %dma_start3A_578 = tpu.memref_squeeze %dma_start3A_577 : memref<1x50xi32, #tpu.memory_space<vmem>> -> memref<50xi32, #tpu.memory_space<vmem>>
    %dma_start3A_579 = arith.constant 0 : i32
    %dma_start3A_580 = arith.constant 0 : i32
    %dma_start3A_581 = tpu.memref_slice %arg3[%dma_start3A_579, %dma_start3A_580] : memref<1000000x32xf32, #tpu.memory_space<hbm>> -> memref<1000000x32xf32, #tpu.memory_space<hbm>>
    tpu.enqueue_indirect_dma source(%dma_start3A_581 : memref<1000000x32xf32, #tpu.memory_space<hbm>>) target(%dma_start3A_575 : memref<50x32xf32, #tpu.memory_space<vmem>>) offsets(%dma_start3A_578 : memref<50xi32, #tpu.memory_space<vmem>>) semaphore(%arg10 : memref<!tpu.dma_semaphore, #tpu.memory_space<semaphore_mem>>)
    %dma_start3A_582 = arith.constant 16 : i32
    %dma_start3A_583 = arith.constant 16 : i32
    %dma_start3A_584 = arith.constant 0 : i32
    %dma_start3A_585 = arith.constant 0 : i32
    %dma_start3A_586 = tpu.memref_slice %arg8[%dma_start3A_583, %dma_start3A_584, %dma_start3A_585] : memref<32x50x32xf32, #tpu.memory_space<vmem>> -> memref<1x50x32xf32, #tpu.memory_space<vmem>>
    %dma_start3A_587 = tpu.memref_squeeze %dma_start3A_586 : memref<1x50x32xf32, #tpu.memory_space<vmem>> -> memref<50x32xf32, #tpu.memory_space<vmem>>
    %dma_start3A_588 = arith.constant 0 : i32
    %dma_start3A_589 = tpu.memref_slice %arg6[%dma_start3A_582, %dma_start3A_588] : memref<32x50xi32, #tpu.memory_space<vmem>> -> memref<1x50xi32, #tpu.memory_space<vmem>>
    %dma_start3A_590 = tpu.memref_squeeze %dma_start3A_589 : memref<1x50xi32, #tpu.memory_space<vmem>> -> memref<50xi32, #tpu.memory_space<vmem>>
    %dma_start3A_591 = arith.constant 0 : i32
    %dma_start3A_592 = arith.constant 0 : i32
    %dma_start3A_593 = tpu.memref_slice %arg3[%dma_start3A_591, %dma_start3A_592] : memref<1000000x32xf32, #tpu.memory_space<hbm>> -> memref<1000000x32xf32, #tpu.memory_space<hbm>>
    tpu.enqueue_indirect_dma source(%dma_start3A_593 : memref<1000000x32xf32, #tpu.memory_space<hbm>>) target(%dma_start3A_587 : memref<50x32xf32, #tpu.memory_space<vmem>>) offsets(%dma_start3A_590 : memref<50xi32, #tpu.memory_space<vmem>>) semaphore(%arg10 : memref<!tpu.dma_semaphore, #tpu.memory_space<semaphore_mem>>)
    %dma_start3A_594 = arith.constant 17 : i32
    %dma_start3A_595 = arith.constant 17 : i32
    %dma_start3A_596 = arith.constant 0 : i32
    %dma_start3A_597 = arith.constant 0 : i32
    %dma_start3A_598 = tpu.memref_slice %arg8[%dma_start3A_595, %dma_start3A_596, %dma_start3A_597] : memref<32x50x32xf32, #tpu.memory_space<vmem>> -> memref<1x50x32xf32, #tpu.memory_space<vmem>>
    %dma_start3A_599 = tpu.memref_squeeze %dma_start3A_598 : memref<1x50x32xf32, #tpu.memory_space<vmem>> -> memref<50x32xf32, #tpu.memory_space<vmem>>
    %dma_start3A_600 = arith.constant 0 : i32
    %dma_start3A_601 = tpu.memref_slice %arg6[%dma_start3A_594, %dma_start3A_600] : memref<32x50xi32, #tpu.memory_space<vmem>> -> memref<1x50xi32, #tpu.memory_space<vmem>>
    %dma_start3A_602 = tpu.memref_squeeze %dma_start3A_601 : memref<1x50xi32, #tpu.memory_space<vmem>> -> memref<50xi32, #tpu.memory_space<vmem>>
    %dma_start3A_603 = arith.constant 0 : i32
    %dma_start3A_604 = arith.constant 0 : i32
    %dma_start3A_605 = tpu.memref_slice %arg3[%dma_start3A_603, %dma_start3A_604] : memref<1000000x32xf32, #tpu.memory_space<hbm>> -> memref<1000000x32xf32, #tpu.memory_space<hbm>>
    tpu.enqueue_indirect_dma source(%dma_start3A_605 : memref<1000000x32xf32, #tpu.memory_space<hbm>>) target(%dma_start3A_599 : memref<50x32xf32, #tpu.memory_space<vmem>>) offsets(%dma_start3A_602 : memref<50xi32, #tpu.memory_space<vmem>>) semaphore(%arg10 : memref<!tpu.dma_semaphore, #tpu.memory_space<semaphore_mem>>)
    %dma_start3A_606 = arith.constant 18 : i32
    %dma_start3A_607 = arith.constant 18 : i32
    %dma_start3A_608 = arith.constant 0 : i32
    %dma_start3A_609 = arith.constant 0 : i32
    %dma_start3A_610 = tpu.memref_slice %arg8[%dma_start3A_607, %dma_start3A_608, %dma_start3A_609] : memref<32x50x32xf32, #tpu.memory_space<vmem>> -> memref<1x50x32xf32, #tpu.memory_space<vmem>>
    %dma_start3A_611 = tpu.memref_squeeze %dma_start3A_610 : memref<1x50x32xf32, #tpu.memory_space<vmem>> -> memref<50x32xf32, #tpu.memory_space<vmem>>
    %dma_start3A_612 = arith.constant 0 : i32
    %dma_start3A_613 = tpu.memref_slice %arg6[%dma_start3A_606, %dma_start3A_612] : memref<32x50xi32, #tpu.memory_space<vmem>> -> memref<1x50xi32, #tpu.memory_space<vmem>>
    %dma_start3A_614 = tpu.memref_squeeze %dma_start3A_613 : memref<1x50xi32, #tpu.memory_space<vmem>> -> memref<50xi32, #tpu.memory_space<vmem>>
    %dma_start3A_615 = arith.constant 0 : i32
    %dma_start3A_616 = arith.constant 0 : i32
    %dma_start3A_617 = tpu.memref_slice %arg3[%dma_start3A_615, %dma_start3A_616] : memref<1000000x32xf32, #tpu.memory_space<hbm>> -> memref<1000000x32xf32, #tpu.memory_space<hbm>>
    tpu.enqueue_indirect_dma source(%dma_start3A_617 : memref<1000000x32xf32, #tpu.memory_space<hbm>>) target(%dma_start3A_611 : memref<50x32xf32, #tpu.memory_space<vmem>>) offsets(%dma_start3A_614 : memref<50xi32, #tpu.memory_space<vmem>>) semaphore(%arg10 : memref<!tpu.dma_semaphore, #tpu.memory_space<semaphore_mem>>)
    %dma_start3A_618 = arith.constant 19 : i32
    %dma_start3A_619 = arith.constant 19 : i32
    %dma_start3A_620 = arith.constant 0 : i32
    %dma_start3A_621 = arith.constant 0 : i32
    %dma_start3A_622 = tpu.memref_slice %arg8[%dma_start3A_619, %dma_start3A_620, %dma_start3A_621] : memref<32x50x32xf32, #tpu.memory_space<vmem>> -> memref<1x50x32xf32, #tpu.memory_space<vmem>>
    %dma_start3A_623 = tpu.memref_squeeze %dma_start3A_622 : memref<1x50x32xf32, #tpu.memory_space<vmem>> -> memref<50x32xf32, #tpu.memory_space<vmem>>
    %dma_start3A_624 = arith.constant 0 : i32
    %dma_start3A_625 = tpu.memref_slice %arg6[%dma_start3A_618, %dma_start3A_624] : memref<32x50xi32, #tpu.memory_space<vmem>> -> memref<1x50xi32, #tpu.memory_space<vmem>>
    %dma_start3A_626 = tpu.memref_squeeze %dma_start3A_625 : memref<1x50xi32, #tpu.memory_space<vmem>> -> memref<50xi32, #tpu.memory_space<vmem>>
    %dma_start3A_627 = arith.constant 0 : i32
    %dma_start3A_628 = arith.constant 0 : i32
    %dma_start3A_629 = tpu.memref_slice %arg3[%dma_start3A_627, %dma_start3A_628] : memref<1000000x32xf32, #tpu.memory_space<hbm>> -> memref<1000000x32xf32, #tpu.memory_space<hbm>>
    tpu.enqueue_indirect_dma source(%dma_start3A_629 : memref<1000000x32xf32, #tpu.memory_space<hbm>>) target(%dma_start3A_623 : memref<50x32xf32, #tpu.memory_space<vmem>>) offsets(%dma_start3A_626 : memref<50xi32, #tpu.memory_space<vmem>>) semaphore(%arg10 : memref<!tpu.dma_semaphore, #tpu.memory_space<semaphore_mem>>)
    %dma_start3A_630 = arith.constant 20 : i32
    %dma_start3A_631 = arith.constant 20 : i32
    %dma_start3A_632 = arith.constant 0 : i32
    %dma_start3A_633 = arith.constant 0 : i32
    %dma_start3A_634 = tpu.memref_slice %arg8[%dma_start3A_631, %dma_start3A_632, %dma_start3A_633] : memref<32x50x32xf32, #tpu.memory_space<vmem>> -> memref<1x50x32xf32, #tpu.memory_space<vmem>>
    %dma_start3A_635 = tpu.memref_squeeze %dma_start3A_634 : memref<1x50x32xf32, #tpu.memory_space<vmem>> -> memref<50x32xf32, #tpu.memory_space<vmem>>
    %dma_start3A_636 = arith.constant 0 : i32
    %dma_start3A_637 = tpu.memref_slice %arg6[%dma_start3A_630, %dma_start3A_636] : memref<32x50xi32, #tpu.memory_space<vmem>> -> memref<1x50xi32, #tpu.memory_space<vmem>>
    %dma_start3A_638 = tpu.memref_squeeze %dma_start3A_637 : memref<1x50xi32, #tpu.memory_space<vmem>> -> memref<50xi32, #tpu.memory_space<vmem>>
    %dma_start3A_639 = arith.constant 0 : i32
    %dma_start3A_640 = arith.constant 0 : i32
    %dma_start3A_641 = tpu.memref_slice %arg3[%dma_start3A_639, %dma_start3A_640] : memref<1000000x32xf32, #tpu.memory_space<hbm>> -> memref<1000000x32xf32, #tpu.memory_space<hbm>>
    tpu.enqueue_indirect_dma source(%dma_start3A_641 : memref<1000000x32xf32, #tpu.memory_space<hbm>>) target(%dma_start3A_635 : memref<50x32xf32, #tpu.memory_space<vmem>>) offsets(%dma_start3A_638 : memref<50xi32, #tpu.memory_space<vmem>>) semaphore(%arg10 : memref<!tpu.dma_semaphore, #tpu.memory_space<semaphore_mem>>)
    %dma_start3A_642 = arith.constant 21 : i32
    %dma_start3A_643 = arith.constant 21 : i32
    %dma_start3A_644 = arith.constant 0 : i32
    %dma_start3A_645 = arith.constant 0 : i32
    %dma_start3A_646 = tpu.memref_slice %arg8[%dma_start3A_643, %dma_start3A_644, %dma_start3A_645] : memref<32x50x32xf32, #tpu.memory_space<vmem>> -> memref<1x50x32xf32, #tpu.memory_space<vmem>>
    %dma_start3A_647 = tpu.memref_squeeze %dma_start3A_646 : memref<1x50x32xf32, #tpu.memory_space<vmem>> -> memref<50x32xf32, #tpu.memory_space<vmem>>
    %dma_start3A_648 = arith.constant 0 : i32
    %dma_start3A_649 = tpu.memref_slice %arg6[%dma_start3A_642, %dma_start3A_648] : memref<32x50xi32, #tpu.memory_space<vmem>> -> memref<1x50xi32, #tpu.memory_space<vmem>>
    %dma_start3A_650 = tpu.memref_squeeze %dma_start3A_649 : memref<1x50xi32, #tpu.memory_space<vmem>> -> memref<50xi32, #tpu.memory_space<vmem>>
    %dma_start3A_651 = arith.constant 0 : i32
    %dma_start3A_652 = arith.constant 0 : i32
    %dma_start3A_653 = tpu.memref_slice %arg3[%dma_start3A_651, %dma_start3A_652] : memref<1000000x32xf32, #tpu.memory_space<hbm>> -> memref<1000000x32xf32, #tpu.memory_space<hbm>>
    tpu.enqueue_indirect_dma source(%dma_start3A_653 : memref<1000000x32xf32, #tpu.memory_space<hbm>>) target(%dma_start3A_647 : memref<50x32xf32, #tpu.memory_space<vmem>>) offsets(%dma_start3A_650 : memref<50xi32, #tpu.memory_space<vmem>>) semaphore(%arg10 : memref<!tpu.dma_semaphore, #tpu.memory_space<semaphore_mem>>)
    %dma_start3A_654 = arith.constant 22 : i32
    %dma_start3A_655 = arith.constant 22 : i32
    %dma_start3A_656 = arith.constant 0 : i32
    %dma_start3A_657 = arith.constant 0 : i32
    %dma_start3A_658 = tpu.memref_slice %arg8[%dma_start3A_655, %dma_start3A_656, %dma_start3A_657] : memref<32x50x32xf32, #tpu.memory_space<vmem>> -> memref<1x50x32xf32, #tpu.memory_space<vmem>>
    %dma_start3A_659 = tpu.memref_squeeze %dma_start3A_658 : memref<1x50x32xf32, #tpu.memory_space<vmem>> -> memref<50x32xf32, #tpu.memory_space<vmem>>
    %dma_start3A_660 = arith.constant 0 : i32
    %dma_start3A_661 = tpu.memref_slice %arg6[%dma_start3A_654, %dma_start3A_660] : memref<32x50xi32, #tpu.memory_space<vmem>> -> memref<1x50xi32, #tpu.memory_space<vmem>>
    %dma_start3A_662 = tpu.memref_squeeze %dma_start3A_661 : memref<1x50xi32, #tpu.memory_space<vmem>> -> memref<50xi32, #tpu.memory_space<vmem>>
    %dma_start3A_663 = arith.constant 0 : i32
    %dma_start3A_664 = arith.constant 0 : i32
    %dma_start3A_665 = tpu.memref_slice %arg3[%dma_start3A_663, %dma_start3A_664] : memref<1000000x32xf32, #tpu.memory_space<hbm>> -> memref<1000000x32xf32, #tpu.memory_space<hbm>>
    tpu.enqueue_indirect_dma source(%dma_start3A_665 : memref<1000000x32xf32, #tpu.memory_space<hbm>>) target(%dma_start3A_659 : memref<50x32xf32, #tpu.memory_space<vmem>>) offsets(%dma_start3A_662 : memref<50xi32, #tpu.memory_space<vmem>>) semaphore(%arg10 : memref<!tpu.dma_semaphore, #tpu.memory_space<semaphore_mem>>)
    %dma_start3A_666 = arith.constant 23 : i32
    %dma_start3A_667 = arith.constant 23 : i32
    %dma_start3A_668 = arith.constant 0 : i32
    %dma_start3A_669 = arith.constant 0 : i32
    %dma_start3A_670 = tpu.memref_slice %arg8[%dma_start3A_667, %dma_start3A_668, %dma_start3A_669] : memref<32x50x32xf32, #tpu.memory_space<vmem>> -> memref<1x50x32xf32, #tpu.memory_space<vmem>>
    %dma_start3A_671 = tpu.memref_squeeze %dma_start3A_670 : memref<1x50x32xf32, #tpu.memory_space<vmem>> -> memref<50x32xf32, #tpu.memory_space<vmem>>
    %dma_start3A_672 = arith.constant 0 : i32
    %dma_start3A_673 = tpu.memref_slice %arg6[%dma_start3A_666, %dma_start3A_672] : memref<32x50xi32, #tpu.memory_space<vmem>> -> memref<1x50xi32, #tpu.memory_space<vmem>>
    %dma_start3A_674 = tpu.memref_squeeze %dma_start3A_673 : memref<1x50xi32, #tpu.memory_space<vmem>> -> memref<50xi32, #tpu.memory_space<vmem>>
    %dma_start3A_675 = arith.constant 0 : i32
    %dma_start3A_676 = arith.constant 0 : i32
    %dma_start3A_677 = tpu.memref_slice %arg3[%dma_start3A_675, %dma_start3A_676] : memref<1000000x32xf32, #tpu.memory_space<hbm>> -> memref<1000000x32xf32, #tpu.memory_space<hbm>>
    tpu.enqueue_indirect_dma source(%dma_start3A_677 : memref<1000000x32xf32, #tpu.memory_space<hbm>>) target(%dma_start3A_671 : memref<50x32xf32, #tpu.memory_space<vmem>>) offsets(%dma_start3A_674 : memref<50xi32, #tpu.memory_space<vmem>>) semaphore(%arg10 : memref<!tpu.dma_semaphore, #tpu.memory_space<semaphore_mem>>)
    %dma_start3A_678 = arith.constant 24 : i32
    %dma_start3A_679 = arith.constant 24 : i32
    %dma_start3A_680 = arith.constant 0 : i32
    %dma_start3A_681 = arith.constant 0 : i32
    %dma_start3A_682 = tpu.memref_slice %arg8[%dma_start3A_679, %dma_start3A_680, %dma_start3A_681] : memref<32x50x32xf32, #tpu.memory_space<vmem>> -> memref<1x50x32xf32, #tpu.memory_space<vmem>>
    %dma_start3A_683 = tpu.memref_squeeze %dma_start3A_682 : memref<1x50x32xf32, #tpu.memory_space<vmem>> -> memref<50x32xf32, #tpu.memory_space<vmem>>
    %dma_start3A_684 = arith.constant 0 : i32
    %dma_start3A_685 = tpu.memref_slice %arg6[%dma_start3A_678, %dma_start3A_684] : memref<32x50xi32, #tpu.memory_space<vmem>> -> memref<1x50xi32, #tpu.memory_space<vmem>>
    %dma_start3A_686 = tpu.memref_squeeze %dma_start3A_685 : memref<1x50xi32, #tpu.memory_space<vmem>> -> memref<50xi32, #tpu.memory_space<vmem>>
    %dma_start3A_687 = arith.constant 0 : i32
    %dma_start3A_688 = arith.constant 0 : i32
    %dma_start3A_689 = tpu.memref_slice %arg3[%dma_start3A_687, %dma_start3A_688] : memref<1000000x32xf32, #tpu.memory_space<hbm>> -> memref<1000000x32xf32, #tpu.memory_space<hbm>>
    tpu.enqueue_indirect_dma source(%dma_start3A_689 : memref<1000000x32xf32, #tpu.memory_space<hbm>>) target(%dma_start3A_683 : memref<50x32xf32, #tpu.memory_space<vmem>>) offsets(%dma_start3A_686 : memref<50xi32, #tpu.memory_space<vmem>>) semaphore(%arg10 : memref<!tpu.dma_semaphore, #tpu.memory_space<semaphore_mem>>)
    %dma_start3A_690 = arith.constant 25 : i32
    %dma_start3A_691 = arith.constant 25 : i32
    %dma_start3A_692 = arith.constant 0 : i32
    %dma_start3A_693 = arith.constant 0 : i32
    %dma_start3A_694 = tpu.memref_slice %arg8[%dma_start3A_691, %dma_start3A_692, %dma_start3A_693] : memref<32x50x32xf32, #tpu.memory_space<vmem>> -> memref<1x50x32xf32, #tpu.memory_space<vmem>>
    %dma_start3A_695 = tpu.memref_squeeze %dma_start3A_694 : memref<1x50x32xf32, #tpu.memory_space<vmem>> -> memref<50x32xf32, #tpu.memory_space<vmem>>
    %dma_start3A_696 = arith.constant 0 : i32
    %dma_start3A_697 = tpu.memref_slice %arg6[%dma_start3A_690, %dma_start3A_696] : memref<32x50xi32, #tpu.memory_space<vmem>> -> memref<1x50xi32, #tpu.memory_space<vmem>>
    %dma_start3A_698 = tpu.memref_squeeze %dma_start3A_697 : memref<1x50xi32, #tpu.memory_space<vmem>> -> memref<50xi32, #tpu.memory_space<vmem>>
    %dma_start3A_699 = arith.constant 0 : i32
    %dma_start3A_700 = arith.constant 0 : i32
    %dma_start3A_701 = tpu.memref_slice %arg3[%dma_start3A_699, %dma_start3A_700] : memref<1000000x32xf32, #tpu.memory_space<hbm>> -> memref<1000000x32xf32, #tpu.memory_space<hbm>>
    tpu.enqueue_indirect_dma source(%dma_start3A_701 : memref<1000000x32xf32, #tpu.memory_space<hbm>>) target(%dma_start3A_695 : memref<50x32xf32, #tpu.memory_space<vmem>>) offsets(%dma_start3A_698 : memref<50xi32, #tpu.memory_space<vmem>>) semaphore(%arg10 : memref<!tpu.dma_semaphore, #tpu.memory_space<semaphore_mem>>)
    %dma_start3A_702 = arith.constant 26 : i32
    %dma_start3A_703 = arith.constant 26 : i32
    %dma_start3A_704 = arith.constant 0 : i32
    %dma_start3A_705 = arith.constant 0 : i32
    %dma_start3A_706 = tpu.memref_slice %arg8[%dma_start3A_703, %dma_start3A_704, %dma_start3A_705] : memref<32x50x32xf32, #tpu.memory_space<vmem>> -> memref<1x50x32xf32, #tpu.memory_space<vmem>>
    %dma_start3A_707 = tpu.memref_squeeze %dma_start3A_706 : memref<1x50x32xf32, #tpu.memory_space<vmem>> -> memref<50x32xf32, #tpu.memory_space<vmem>>
    %dma_start3A_708 = arith.constant 0 : i32
    %dma_start3A_709 = tpu.memref_slice %arg6[%dma_start3A_702, %dma_start3A_708] : memref<32x50xi32, #tpu.memory_space<vmem>> -> memref<1x50xi32, #tpu.memory_space<vmem>>
    %dma_start3A_710 = tpu.memref_squeeze %dma_start3A_709 : memref<1x50xi32, #tpu.memory_space<vmem>> -> memref<50xi32, #tpu.memory_space<vmem>>
    %dma_start3A_711 = arith.constant 0 : i32
    %dma_start3A_712 = arith.constant 0 : i32
    %dma_start3A_713 = tpu.memref_slice %arg3[%dma_start3A_711, %dma_start3A_712] : memref<1000000x32xf32, #tpu.memory_space<hbm>> -> memref<1000000x32xf32, #tpu.memory_space<hbm>>
    tpu.enqueue_indirect_dma source(%dma_start3A_713 : memref<1000000x32xf32, #tpu.memory_space<hbm>>) target(%dma_start3A_707 : memref<50x32xf32, #tpu.memory_space<vmem>>) offsets(%dma_start3A_710 : memref<50xi32, #tpu.memory_space<vmem>>) semaphore(%arg10 : memref<!tpu.dma_semaphore, #tpu.memory_space<semaphore_mem>>)
    %dma_start3A_714 = arith.constant 27 : i32
    %dma_start3A_715 = arith.constant 27 : i32
    %dma_start3A_716 = arith.constant 0 : i32
    %dma_start3A_717 = arith.constant 0 : i32
    %dma_start3A_718 = tpu.memref_slice %arg8[%dma_start3A_715, %dma_start3A_716, %dma_start3A_717] : memref<32x50x32xf32, #tpu.memory_space<vmem>> -> memref<1x50x32xf32, #tpu.memory_space<vmem>>
    %dma_start3A_719 = tpu.memref_squeeze %dma_start3A_718 : memref<1x50x32xf32, #tpu.memory_space<vmem>> -> memref<50x32xf32, #tpu.memory_space<vmem>>
    %dma_start3A_720 = arith.constant 0 : i32
    %dma_start3A_721 = tpu.memref_slice %arg6[%dma_start3A_714, %dma_start3A_720] : memref<32x50xi32, #tpu.memory_space<vmem>> -> memref<1x50xi32, #tpu.memory_space<vmem>>
    %dma_start3A_722 = tpu.memref_squeeze %dma_start3A_721 : memref<1x50xi32, #tpu.memory_space<vmem>> -> memref<50xi32, #tpu.memory_space<vmem>>
    %dma_start3A_723 = arith.constant 0 : i32
    %dma_start3A_724 = arith.constant 0 : i32
    %dma_start3A_725 = tpu.memref_slice %arg3[%dma_start3A_723, %dma_start3A_724] : memref<1000000x32xf32, #tpu.memory_space<hbm>> -> memref<1000000x32xf32, #tpu.memory_space<hbm>>
    tpu.enqueue_indirect_dma source(%dma_start3A_725 : memref<1000000x32xf32, #tpu.memory_space<hbm>>) target(%dma_start3A_719 : memref<50x32xf32, #tpu.memory_space<vmem>>) offsets(%dma_start3A_722 : memref<50xi32, #tpu.memory_space<vmem>>) semaphore(%arg10 : memref<!tpu.dma_semaphore, #tpu.memory_space<semaphore_mem>>)
    %dma_start3A_726 = arith.constant 28 : i32
    %dma_start3A_727 = arith.constant 28 : i32
    %dma_start3A_728 = arith.constant 0 : i32
    %dma_start3A_729 = arith.constant 0 : i32
    %dma_start3A_730 = tpu.memref_slice %arg8[%dma_start3A_727, %dma_start3A_728, %dma_start3A_729] : memref<32x50x32xf32, #tpu.memory_space<vmem>> -> memref<1x50x32xf32, #tpu.memory_space<vmem>>
    %dma_start3A_731 = tpu.memref_squeeze %dma_start3A_730 : memref<1x50x32xf32, #tpu.memory_space<vmem>> -> memref<50x32xf32, #tpu.memory_space<vmem>>
    %dma_start3A_732 = arith.constant 0 : i32
    %dma_start3A_733 = tpu.memref_slice %arg6[%dma_start3A_726, %dma_start3A_732] : memref<32x50xi32, #tpu.memory_space<vmem>> -> memref<1x50xi32, #tpu.memory_space<vmem>>
    %dma_start3A_734 = tpu.memref_squeeze %dma_start3A_733 : memref<1x50xi32, #tpu.memory_space<vmem>> -> memref<50xi32, #tpu.memory_space<vmem>>
    %dma_start3A_735 = arith.constant 0 : i32
    %dma_start3A_736 = arith.constant 0 : i32
    %dma_start3A_737 = tpu.memref_slice %arg3[%dma_start3A_735, %dma_start3A_736] : memref<1000000x32xf32, #tpu.memory_space<hbm>> -> memref<1000000x32xf32, #tpu.memory_space<hbm>>
    tpu.enqueue_indirect_dma source(%dma_start3A_737 : memref<1000000x32xf32, #tpu.memory_space<hbm>>) target(%dma_start3A_731 : memref<50x32xf32, #tpu.memory_space<vmem>>) offsets(%dma_start3A_734 : memref<50xi32, #tpu.memory_space<vmem>>) semaphore(%arg10 : memref<!tpu.dma_semaphore, #tpu.memory_space<semaphore_mem>>)
    %dma_start3A_738 = arith.constant 29 : i32
    %dma_start3A_739 = arith.constant 29 : i32
    %dma_start3A_740 = arith.constant 0 : i32
    %dma_start3A_741 = arith.constant 0 : i32
    %dma_start3A_742 = tpu.memref_slice %arg8[%dma_start3A_739, %dma_start3A_740, %dma_start3A_741] : memref<32x50x32xf32, #tpu.memory_space<vmem>> -> memref<1x50x32xf32, #tpu.memory_space<vmem>>
    %dma_start3A_743 = tpu.memref_squeeze %dma_start3A_742 : memref<1x50x32xf32, #tpu.memory_space<vmem>> -> memref<50x32xf32, #tpu.memory_space<vmem>>
    %dma_start3A_744 = arith.constant 0 : i32
    %dma_start3A_745 = tpu.memref_slice %arg6[%dma_start3A_738, %dma_start3A_744] : memref<32x50xi32, #tpu.memory_space<vmem>> -> memref<1x50xi32, #tpu.memory_space<vmem>>
    %dma_start3A_746 = tpu.memref_squeeze %dma_start3A_745 : memref<1x50xi32, #tpu.memory_space<vmem>> -> memref<50xi32, #tpu.memory_space<vmem>>
    %dma_start3A_747 = arith.constant 0 : i32
    %dma_start3A_748 = arith.constant 0 : i32
    %dma_start3A_749 = tpu.memref_slice %arg3[%dma_start3A_747, %dma_start3A_748] : memref<1000000x32xf32, #tpu.memory_space<hbm>> -> memref<1000000x32xf32, #tpu.memory_space<hbm>>
    tpu.enqueue_indirect_dma source(%dma_start3A_749 : memref<1000000x32xf32, #tpu.memory_space<hbm>>) target(%dma_start3A_743 : memref<50x32xf32, #tpu.memory_space<vmem>>) offsets(%dma_start3A_746 : memref<50xi32, #tpu.memory_space<vmem>>) semaphore(%arg10 : memref<!tpu.dma_semaphore, #tpu.memory_space<semaphore_mem>>)
    %dma_start3A_750 = arith.constant 30 : i32
    %dma_start3A_751 = arith.constant 30 : i32
    %dma_start3A_752 = arith.constant 0 : i32
    %dma_start3A_753 = arith.constant 0 : i32
    %dma_start3A_754 = tpu.memref_slice %arg8[%dma_start3A_751, %dma_start3A_752, %dma_start3A_753] : memref<32x50x32xf32, #tpu.memory_space<vmem>> -> memref<1x50x32xf32, #tpu.memory_space<vmem>>
    %dma_start3A_755 = tpu.memref_squeeze %dma_start3A_754 : memref<1x50x32xf32, #tpu.memory_space<vmem>> -> memref<50x32xf32, #tpu.memory_space<vmem>>
    %dma_start3A_756 = arith.constant 0 : i32
    %dma_start3A_757 = tpu.memref_slice %arg6[%dma_start3A_750, %dma_start3A_756] : memref<32x50xi32, #tpu.memory_space<vmem>> -> memref<1x50xi32, #tpu.memory_space<vmem>>
    %dma_start3A_758 = tpu.memref_squeeze %dma_start3A_757 : memref<1x50xi32, #tpu.memory_space<vmem>> -> memref<50xi32, #tpu.memory_space<vmem>>
    %dma_start3A_759 = arith.constant 0 : i32
    %dma_start3A_760 = arith.constant 0 : i32
    %dma_start3A_761 = tpu.memref_slice %arg3[%dma_start3A_759, %dma_start3A_760] : memref<1000000x32xf32, #tpu.memory_space<hbm>> -> memref<1000000x32xf32, #tpu.memory_space<hbm>>
    tpu.enqueue_indirect_dma source(%dma_start3A_761 : memref<1000000x32xf32, #tpu.memory_space<hbm>>) target(%dma_start3A_755 : memref<50x32xf32, #tpu.memory_space<vmem>>) offsets(%dma_start3A_758 : memref<50xi32, #tpu.memory_space<vmem>>) semaphore(%arg10 : memref<!tpu.dma_semaphore, #tpu.memory_space<semaphore_mem>>)
    %dma_start3A_762 = arith.constant 31 : i32
    %dma_start3A_763 = arith.constant 31 : i32
    %dma_start3A_764 = arith.constant 0 : i32
    %dma_start3A_765 = arith.constant 0 : i32
    %dma_start3A_766 = tpu.memref_slice %arg8[%dma_start3A_763, %dma_start3A_764, %dma_start3A_765] : memref<32x50x32xf32, #tpu.memory_space<vmem>> -> memref<1x50x32xf32, #tpu.memory_space<vmem>>
    %dma_start3A_767 = tpu.memref_squeeze %dma_start3A_766 : memref<1x50x32xf32, #tpu.memory_space<vmem>> -> memref<50x32xf32, #tpu.memory_space<vmem>>
    %dma_start3A_768 = arith.constant 0 : i32
    %dma_start3A_769 = tpu.memref_slice %arg6[%dma_start3A_762, %dma_start3A_768] : memref<32x50xi32, #tpu.memory_space<vmem>> -> memref<1x50xi32, #tpu.memory_space<vmem>>
    %dma_start3A_770 = tpu.memref_squeeze %dma_start3A_769 : memref<1x50xi32, #tpu.memory_space<vmem>> -> memref<50xi32, #tpu.memory_space<vmem>>
    %dma_start3A_771 = arith.constant 0 : i32
    %dma_start3A_772 = arith.constant 0 : i32
    %dma_start3A_773 = tpu.memref_slice %arg3[%dma_start3A_771, %dma_start3A_772] : memref<1000000x32xf32, #tpu.memory_space<hbm>> -> memref<1000000x32xf32, #tpu.memory_space<hbm>>
    tpu.enqueue_indirect_dma source(%dma_start3A_773 : memref<1000000x32xf32, #tpu.memory_space<hbm>>) target(%dma_start3A_767 : memref<50x32xf32, #tpu.memory_space<vmem>>) offsets(%dma_start3A_770 : memref<50xi32, #tpu.memory_space<vmem>>) semaphore(%arg10 : memref<!tpu.dma_semaphore, #tpu.memory_space<semaphore_mem>>)
    %dma_wait3A = arith.constant 0 : i32
    %dma_wait3A_774 = arith.constant 0 : i32
    %dma_wait3A_775 = arith.constant 0 : i32
    %dma_wait3A_776 = arith.constant 0 : i32
    %dma_wait3A_777 = tpu.memref_slice %arg7[%dma_wait3A_774, %dma_wait3A_775, %dma_wait3A_776] : memref<32x50x32xf32, #tpu.memory_space<vmem>> -> memref<1x50x32xf32, #tpu.memory_space<vmem>>
    %dma_wait3A_778 = tpu.memref_squeeze %dma_wait3A_777 : memref<1x50x32xf32, #tpu.memory_space<vmem>> -> memref<50x32xf32, #tpu.memory_space<vmem>>
    %dma_wait3A_779 = arith.constant 0 : i32
    %dma_wait3A_780 = tpu.memref_slice %arg5[%dma_wait3A, %dma_wait3A_779] : memref<32x50xi32, #tpu.memory_space<vmem>> -> memref<1x50xi32, #tpu.memory_space<vmem>>
    %dma_wait3A_781 = tpu.memref_squeeze %dma_wait3A_780 : memref<1x50xi32, #tpu.memory_space<vmem>> -> memref<50xi32, #tpu.memory_space<vmem>>
    %dma_wait3A_782 = arith.constant 0 : i32
    %dma_wait3A_783 = arith.constant 0 : i32
    %dma_wait3A_784 = tpu.memref_slice %arg3[%dma_wait3A_782, %dma_wait3A_783] : memref<1000000x32xf32, #tpu.memory_space<hbm>> -> memref<1000000x32xf32, #tpu.memory_space<hbm>>
    tpu.wait_indirect_dma semaphore(%arg9 : memref<!tpu.dma_semaphore, #tpu.memory_space<semaphore_mem>>) src(%dma_wait3A_784 : memref<1000000x32xf32, #tpu.memory_space<hbm>>) dst(%dma_wait3A_778 : memref<50x32xf32, #tpu.memory_space<vmem>>)
    %dma_wait3A_785 = arith.constant 1 : i32
    %dma_wait3A_786 = arith.constant 1 : i32
    %dma_wait3A_787 = arith.constant 0 : i32
    %dma_wait3A_788 = arith.constant 0 : i32
    %dma_wait3A_789 = tpu.memref_slice %arg7[%dma_wait3A_786, %dma_wait3A_787, %dma_wait3A_788] : memref<32x50x32xf32, #tpu.memory_space<vmem>> -> memref<1x50x32xf32, #tpu.memory_space<vmem>>
    %dma_wait3A_790 = tpu.memref_squeeze %dma_wait3A_789 : memref<1x50x32xf32, #tpu.memory_space<vmem>> -> memref<50x32xf32, #tpu.memory_space<vmem>>
    %dma_wait3A_791 = arith.constant 0 : i32
    %dma_wait3A_792 = tpu.memref_slice %arg5[%dma_wait3A_785, %dma_wait3A_791] : memref<32x50xi32, #tpu.memory_space<vmem>> -> memref<1x50xi32, #tpu.memory_space<vmem>>
    %dma_wait3A_793 = tpu.memref_squeeze %dma_wait3A_792 : memref<1x50xi32, #tpu.memory_space<vmem>> -> memref<50xi32, #tpu.memory_space<vmem>>
    %dma_wait3A_794 = arith.constant 0 : i32
    %dma_wait3A_795 = arith.constant 0 : i32
    %dma_wait3A_796 = tpu.memref_slice %arg3[%dma_wait3A_794, %dma_wait3A_795] : memref<1000000x32xf32, #tpu.memory_space<hbm>> -> memref<1000000x32xf32, #tpu.memory_space<hbm>>
    tpu.wait_indirect_dma semaphore(%arg9 : memref<!tpu.dma_semaphore, #tpu.memory_space<semaphore_mem>>) src(%dma_wait3A_796 : memref<1000000x32xf32, #tpu.memory_space<hbm>>) dst(%dma_wait3A_790 : memref<50x32xf32, #tpu.memory_space<vmem>>)
    %dma_wait3A_797 = arith.constant 2 : i32
    %dma_wait3A_798 = arith.constant 2 : i32
    %dma_wait3A_799 = arith.constant 0 : i32
    %dma_wait3A_800 = arith.constant 0 : i32
    %dma_wait3A_801 = tpu.memref_slice %arg7[%dma_wait3A_798, %dma_wait3A_799, %dma_wait3A_800] : memref<32x50x32xf32, #tpu.memory_space<vmem>> -> memref<1x50x32xf32, #tpu.memory_space<vmem>>
    %dma_wait3A_802 = tpu.memref_squeeze %dma_wait3A_801 : memref<1x50x32xf32, #tpu.memory_space<vmem>> -> memref<50x32xf32, #tpu.memory_space<vmem>>
    %dma_wait3A_803 = arith.constant 0 : i32
    %dma_wait3A_804 = tpu.memref_slice %arg5[%dma_wait3A_797, %dma_wait3A_803] : memref<32x50xi32, #tpu.memory_space<vmem>> -> memref<1x50xi32, #tpu.memory_space<vmem>>
    %dma_wait3A_805 = tpu.memref_squeeze %dma_wait3A_804 : memref<1x50xi32, #tpu.memory_space<vmem>> -> memref<50xi32, #tpu.memory_space<vmem>>
    %dma_wait3A_806 = arith.constant 0 : i32
    %dma_wait3A_807 = arith.constant 0 : i32
    %dma_wait3A_808 = tpu.memref_slice %arg3[%dma_wait3A_806, %dma_wait3A_807] : memref<1000000x32xf32, #tpu.memory_space<hbm>> -> memref<1000000x32xf32, #tpu.memory_space<hbm>>
    tpu.wait_indirect_dma semaphore(%arg9 : memref<!tpu.dma_semaphore, #tpu.memory_space<semaphore_mem>>) src(%dma_wait3A_808 : memref<1000000x32xf32, #tpu.memory_space<hbm>>) dst(%dma_wait3A_802 : memref<50x32xf32, #tpu.memory_space<vmem>>)
    %dma_wait3A_809 = arith.constant 3 : i32
    %dma_wait3A_810 = arith.constant 3 : i32
    %dma_wait3A_811 = arith.constant 0 : i32
    %dma_wait3A_812 = arith.constant 0 : i32
    %dma_wait3A_813 = tpu.memref_slice %arg7[%dma_wait3A_810, %dma_wait3A_811, %dma_wait3A_812] : memref<32x50x32xf32, #tpu.memory_space<vmem>> -> memref<1x50x32xf32, #tpu.memory_space<vmem>>
    %dma_wait3A_814 = tpu.memref_squeeze %dma_wait3A_813 : memref<1x50x32xf32, #tpu.memory_space<vmem>> -> memref<50x32xf32, #tpu.memory_space<vmem>>
    %dma_wait3A_815 = arith.constant 0 : i32
    %dma_wait3A_816 = tpu.memref_slice %arg5[%dma_wait3A_809, %dma_wait3A_815] : memref<32x50xi32, #tpu.memory_space<vmem>> -> memref<1x50xi32, #tpu.memory_space<vmem>>
    %dma_wait3A_817 = tpu.memref_squeeze %dma_wait3A_816 : memref<1x50xi32, #tpu.memory_space<vmem>> -> memref<50xi32, #tpu.memory_space<vmem>>
    %dma_wait3A_818 = arith.constant 0 : i32
    %dma_wait3A_819 = arith.constant 0 : i32
    %dma_wait3A_820 = tpu.memref_slice %arg3[%dma_wait3A_818, %dma_wait3A_819] : memref<1000000x32xf32, #tpu.memory_space<hbm>> -> memref<1000000x32xf32, #tpu.memory_space<hbm>>
    tpu.wait_indirect_dma semaphore(%arg9 : memref<!tpu.dma_semaphore, #tpu.memory_space<semaphore_mem>>) src(%dma_wait3A_820 : memref<1000000x32xf32, #tpu.memory_space<hbm>>) dst(%dma_wait3A_814 : memref<50x32xf32, #tpu.memory_space<vmem>>)
    %dma_wait3A_821 = arith.constant 4 : i32
    %dma_wait3A_822 = arith.constant 4 : i32
    %dma_wait3A_823 = arith.constant 0 : i32
    %dma_wait3A_824 = arith.constant 0 : i32
    %dma_wait3A_825 = tpu.memref_slice %arg7[%dma_wait3A_822, %dma_wait3A_823, %dma_wait3A_824] : memref<32x50x32xf32, #tpu.memory_space<vmem>> -> memref<1x50x32xf32, #tpu.memory_space<vmem>>
    %dma_wait3A_826 = tpu.memref_squeeze %dma_wait3A_825 : memref<1x50x32xf32, #tpu.memory_space<vmem>> -> memref<50x32xf32, #tpu.memory_space<vmem>>
    %dma_wait3A_827 = arith.constant 0 : i32
    %dma_wait3A_828 = tpu.memref_slice %arg5[%dma_wait3A_821, %dma_wait3A_827] : memref<32x50xi32, #tpu.memory_space<vmem>> -> memref<1x50xi32, #tpu.memory_space<vmem>>
    %dma_wait3A_829 = tpu.memref_squeeze %dma_wait3A_828 : memref<1x50xi32, #tpu.memory_space<vmem>> -> memref<50xi32, #tpu.memory_space<vmem>>
    %dma_wait3A_830 = arith.constant 0 : i32
    %dma_wait3A_831 = arith.constant 0 : i32
    %dma_wait3A_832 = tpu.memref_slice %arg3[%dma_wait3A_830, %dma_wait3A_831] : memref<1000000x32xf32, #tpu.memory_space<hbm>> -> memref<1000000x32xf32, #tpu.memory_space<hbm>>
    tpu.wait_indirect_dma semaphore(%arg9 : memref<!tpu.dma_semaphore, #tpu.memory_space<semaphore_mem>>) src(%dma_wait3A_832 : memref<1000000x32xf32, #tpu.memory_space<hbm>>) dst(%dma_wait3A_826 : memref<50x32xf32, #tpu.memory_space<vmem>>)
    %dma_wait3A_833 = arith.constant 5 : i32
    %dma_wait3A_834 = arith.constant 5 : i32
    %dma_wait3A_835 = arith.constant 0 : i32
    %dma_wait3A_836 = arith.constant 0 : i32
    %dma_wait3A_837 = tpu.memref_slice %arg7[%dma_wait3A_834, %dma_wait3A_835, %dma_wait3A_836] : memref<32x50x32xf32, #tpu.memory_space<vmem>> -> memref<1x50x32xf32, #tpu.memory_space<vmem>>
    %dma_wait3A_838 = tpu.memref_squeeze %dma_wait3A_837 : memref<1x50x32xf32, #tpu.memory_space<vmem>> -> memref<50x32xf32, #tpu.memory_space<vmem>>
    %dma_wait3A_839 = arith.constant 0 : i32
    %dma_wait3A_840 = tpu.memref_slice %arg5[%dma_wait3A_833, %dma_wait3A_839] : memref<32x50xi32, #tpu.memory_space<vmem>> -> memref<1x50xi32, #tpu.memory_space<vmem>>
    %dma_wait3A_841 = tpu.memref_squeeze %dma_wait3A_840 : memref<1x50xi32, #tpu.memory_space<vmem>> -> memref<50xi32, #tpu.memory_space<vmem>>
    %dma_wait3A_842 = arith.constant 0 : i32
    %dma_wait3A_843 = arith.constant 0 : i32
    %dma_wait3A_844 = tpu.memref_slice %arg3[%dma_wait3A_842, %dma_wait3A_843] : memref<1000000x32xf32, #tpu.memory_space<hbm>> -> memref<1000000x32xf32, #tpu.memory_space<hbm>>
    tpu.wait_indirect_dma semaphore(%arg9 : memref<!tpu.dma_semaphore, #tpu.memory_space<semaphore_mem>>) src(%dma_wait3A_844 : memref<1000000x32xf32, #tpu.memory_space<hbm>>) dst(%dma_wait3A_838 : memref<50x32xf32, #tpu.memory_space<vmem>>)
    %dma_wait3A_845 = arith.constant 6 : i32
    %dma_wait3A_846 = arith.constant 6 : i32
    %dma_wait3A_847 = arith.constant 0 : i32
    %dma_wait3A_848 = arith.constant 0 : i32
    %dma_wait3A_849 = tpu.memref_slice %arg7[%dma_wait3A_846, %dma_wait3A_847, %dma_wait3A_848] : memref<32x50x32xf32, #tpu.memory_space<vmem>> -> memref<1x50x32xf32, #tpu.memory_space<vmem>>
    %dma_wait3A_850 = tpu.memref_squeeze %dma_wait3A_849 : memref<1x50x32xf32, #tpu.memory_space<vmem>> -> memref<50x32xf32, #tpu.memory_space<vmem>>
    %dma_wait3A_851 = arith.constant 0 : i32
    %dma_wait3A_852 = tpu.memref_slice %arg5[%dma_wait3A_845, %dma_wait3A_851] : memref<32x50xi32, #tpu.memory_space<vmem>> -> memref<1x50xi32, #tpu.memory_space<vmem>>
    %dma_wait3A_853 = tpu.memref_squeeze %dma_wait3A_852 : memref<1x50xi32, #tpu.memory_space<vmem>> -> memref<50xi32, #tpu.memory_space<vmem>>
    %dma_wait3A_854 = arith.constant 0 : i32
    %dma_wait3A_855 = arith.constant 0 : i32
    %dma_wait3A_856 = tpu.memref_slice %arg3[%dma_wait3A_854, %dma_wait3A_855] : memref<1000000x32xf32, #tpu.memory_space<hbm>> -> memref<1000000x32xf32, #tpu.memory_space<hbm>>
    tpu.wait_indirect_dma semaphore(%arg9 : memref<!tpu.dma_semaphore, #tpu.memory_space<semaphore_mem>>) src(%dma_wait3A_856 : memref<1000000x32xf32, #tpu.memory_space<hbm>>) dst(%dma_wait3A_850 : memref<50x32xf32, #tpu.memory_space<vmem>>)
    %dma_wait3A_857 = arith.constant 7 : i32
    %dma_wait3A_858 = arith.constant 7 : i32
    %dma_wait3A_859 = arith.constant 0 : i32
    %dma_wait3A_860 = arith.constant 0 : i32
    %dma_wait3A_861 = tpu.memref_slice %arg7[%dma_wait3A_858, %dma_wait3A_859, %dma_wait3A_860] : memref<32x50x32xf32, #tpu.memory_space<vmem>> -> memref<1x50x32xf32, #tpu.memory_space<vmem>>
    %dma_wait3A_862 = tpu.memref_squeeze %dma_wait3A_861 : memref<1x50x32xf32, #tpu.memory_space<vmem>> -> memref<50x32xf32, #tpu.memory_space<vmem>>
    %dma_wait3A_863 = arith.constant 0 : i32
    %dma_wait3A_864 = tpu.memref_slice %arg5[%dma_wait3A_857, %dma_wait3A_863] : memref<32x50xi32, #tpu.memory_space<vmem>> -> memref<1x50xi32, #tpu.memory_space<vmem>>
    %dma_wait3A_865 = tpu.memref_squeeze %dma_wait3A_864 : memref<1x50xi32, #tpu.memory_space<vmem>> -> memref<50xi32, #tpu.memory_space<vmem>>
    %dma_wait3A_866 = arith.constant 0 : i32
    %dma_wait3A_867 = arith.constant 0 : i32
    %dma_wait3A_868 = tpu.memref_slice %arg3[%dma_wait3A_866, %dma_wait3A_867] : memref<1000000x32xf32, #tpu.memory_space<hbm>> -> memref<1000000x32xf32, #tpu.memory_space<hbm>>
    tpu.wait_indirect_dma semaphore(%arg9 : memref<!tpu.dma_semaphore, #tpu.memory_space<semaphore_mem>>) src(%dma_wait3A_868 : memref<1000000x32xf32, #tpu.memory_space<hbm>>) dst(%dma_wait3A_862 : memref<50x32xf32, #tpu.memory_space<vmem>>)
    %dma_wait3A_869 = arith.constant 8 : i32
    %dma_wait3A_870 = arith.constant 8 : i32
    %dma_wait3A_871 = arith.constant 0 : i32
    %dma_wait3A_872 = arith.constant 0 : i32
    %dma_wait3A_873 = tpu.memref_slice %arg7[%dma_wait3A_870, %dma_wait3A_871, %dma_wait3A_872] : memref<32x50x32xf32, #tpu.memory_space<vmem>> -> memref<1x50x32xf32, #tpu.memory_space<vmem>>
    %dma_wait3A_874 = tpu.memref_squeeze %dma_wait3A_873 : memref<1x50x32xf32, #tpu.memory_space<vmem>> -> memref<50x32xf32, #tpu.memory_space<vmem>>
    %dma_wait3A_875 = arith.constant 0 : i32
    %dma_wait3A_876 = tpu.memref_slice %arg5[%dma_wait3A_869, %dma_wait3A_875] : memref<32x50xi32, #tpu.memory_space<vmem>> -> memref<1x50xi32, #tpu.memory_space<vmem>>
    %dma_wait3A_877 = tpu.memref_squeeze %dma_wait3A_876 : memref<1x50xi32, #tpu.memory_space<vmem>> -> memref<50xi32, #tpu.memory_space<vmem>>
    %dma_wait3A_878 = arith.constant 0 : i32
    %dma_wait3A_879 = arith.constant 0 : i32
    %dma_wait3A_880 = tpu.memref_slice %arg3[%dma_wait3A_878, %dma_wait3A_879] : memref<1000000x32xf32, #tpu.memory_space<hbm>> -> memref<1000000x32xf32, #tpu.memory_space<hbm>>
    tpu.wait_indirect_dma semaphore(%arg9 : memref<!tpu.dma_semaphore, #tpu.memory_space<semaphore_mem>>) src(%dma_wait3A_880 : memref<1000000x32xf32, #tpu.memory_space<hbm>>) dst(%dma_wait3A_874 : memref<50x32xf32, #tpu.memory_space<vmem>>)
    %dma_wait3A_881 = arith.constant 9 : i32
    %dma_wait3A_882 = arith.constant 9 : i32
    %dma_wait3A_883 = arith.constant 0 : i32
    %dma_wait3A_884 = arith.constant 0 : i32
    %dma_wait3A_885 = tpu.memref_slice %arg7[%dma_wait3A_882, %dma_wait3A_883, %dma_wait3A_884] : memref<32x50x32xf32, #tpu.memory_space<vmem>> -> memref<1x50x32xf32, #tpu.memory_space<vmem>>
    %dma_wait3A_886 = tpu.memref_squeeze %dma_wait3A_885 : memref<1x50x32xf32, #tpu.memory_space<vmem>> -> memref<50x32xf32, #tpu.memory_space<vmem>>
    %dma_wait3A_887 = arith.constant 0 : i32
    %dma_wait3A_888 = tpu.memref_slice %arg5[%dma_wait3A_881, %dma_wait3A_887] : memref<32x50xi32, #tpu.memory_space<vmem>> -> memref<1x50xi32, #tpu.memory_space<vmem>>
    %dma_wait3A_889 = tpu.memref_squeeze %dma_wait3A_888 : memref<1x50xi32, #tpu.memory_space<vmem>> -> memref<50xi32, #tpu.memory_space<vmem>>
    %dma_wait3A_890 = arith.constant 0 : i32
    %dma_wait3A_891 = arith.constant 0 : i32
    %dma_wait3A_892 = tpu.memref_slice %arg3[%dma_wait3A_890, %dma_wait3A_891] : memref<1000000x32xf32, #tpu.memory_space<hbm>> -> memref<1000000x32xf32, #tpu.memory_space<hbm>>
    tpu.wait_indirect_dma semaphore(%arg9 : memref<!tpu.dma_semaphore, #tpu.memory_space<semaphore_mem>>) src(%dma_wait3A_892 : memref<1000000x32xf32, #tpu.memory_space<hbm>>) dst(%dma_wait3A_886 : memref<50x32xf32, #tpu.memory_space<vmem>>)
    %dma_wait3A_893 = arith.constant 10 : i32
    %dma_wait3A_894 = arith.constant 10 : i32
    %dma_wait3A_895 = arith.constant 0 : i32
    %dma_wait3A_896 = arith.constant 0 : i32
    %dma_wait3A_897 = tpu.memref_slice %arg7[%dma_wait3A_894, %dma_wait3A_895, %dma_wait3A_896] : memref<32x50x32xf32, #tpu.memory_space<vmem>> -> memref<1x50x32xf32, #tpu.memory_space<vmem>>
    %dma_wait3A_898 = tpu.memref_squeeze %dma_wait3A_897 : memref<1x50x32xf32, #tpu.memory_space<vmem>> -> memref<50x32xf32, #tpu.memory_space<vmem>>
    %dma_wait3A_899 = arith.constant 0 : i32
    %dma_wait3A_900 = tpu.memref_slice %arg5[%dma_wait3A_893, %dma_wait3A_899] : memref<32x50xi32, #tpu.memory_space<vmem>> -> memref<1x50xi32, #tpu.memory_space<vmem>>
    %dma_wait3A_901 = tpu.memref_squeeze %dma_wait3A_900 : memref<1x50xi32, #tpu.memory_space<vmem>> -> memref<50xi32, #tpu.memory_space<vmem>>
    %dma_wait3A_902 = arith.constant 0 : i32
    %dma_wait3A_903 = arith.constant 0 : i32
    %dma_wait3A_904 = tpu.memref_slice %arg3[%dma_wait3A_902, %dma_wait3A_903] : memref<1000000x32xf32, #tpu.memory_space<hbm>> -> memref<1000000x32xf32, #tpu.memory_space<hbm>>
    tpu.wait_indirect_dma semaphore(%arg9 : memref<!tpu.dma_semaphore, #tpu.memory_space<semaphore_mem>>) src(%dma_wait3A_904 : memref<1000000x32xf32, #tpu.memory_space<hbm>>) dst(%dma_wait3A_898 : memref<50x32xf32, #tpu.memory_space<vmem>>)
    %dma_wait3A_905 = arith.constant 11 : i32
    %dma_wait3A_906 = arith.constant 11 : i32
    %dma_wait3A_907 = arith.constant 0 : i32
    %dma_wait3A_908 = arith.constant 0 : i32
    %dma_wait3A_909 = tpu.memref_slice %arg7[%dma_wait3A_906, %dma_wait3A_907, %dma_wait3A_908] : memref<32x50x32xf32, #tpu.memory_space<vmem>> -> memref<1x50x32xf32, #tpu.memory_space<vmem>>
    %dma_wait3A_910 = tpu.memref_squeeze %dma_wait3A_909 : memref<1x50x32xf32, #tpu.memory_space<vmem>> -> memref<50x32xf32, #tpu.memory_space<vmem>>
    %dma_wait3A_911 = arith.constant 0 : i32
    %dma_wait3A_912 = tpu.memref_slice %arg5[%dma_wait3A_905, %dma_wait3A_911] : memref<32x50xi32, #tpu.memory_space<vmem>> -> memref<1x50xi32, #tpu.memory_space<vmem>>
    %dma_wait3A_913 = tpu.memref_squeeze %dma_wait3A_912 : memref<1x50xi32, #tpu.memory_space<vmem>> -> memref<50xi32, #tpu.memory_space<vmem>>
    %dma_wait3A_914 = arith.constant 0 : i32
    %dma_wait3A_915 = arith.constant 0 : i32
    %dma_wait3A_916 = tpu.memref_slice %arg3[%dma_wait3A_914, %dma_wait3A_915] : memref<1000000x32xf32, #tpu.memory_space<hbm>> -> memref<1000000x32xf32, #tpu.memory_space<hbm>>
    tpu.wait_indirect_dma semaphore(%arg9 : memref<!tpu.dma_semaphore, #tpu.memory_space<semaphore_mem>>) src(%dma_wait3A_916 : memref<1000000x32xf32, #tpu.memory_space<hbm>>) dst(%dma_wait3A_910 : memref<50x32xf32, #tpu.memory_space<vmem>>)
    %dma_wait3A_917 = arith.constant 12 : i32
    %dma_wait3A_918 = arith.constant 12 : i32
    %dma_wait3A_919 = arith.constant 0 : i32
    %dma_wait3A_920 = arith.constant 0 : i32
    %dma_wait3A_921 = tpu.memref_slice %arg7[%dma_wait3A_918, %dma_wait3A_919, %dma_wait3A_920] : memref<32x50x32xf32, #tpu.memory_space<vmem>> -> memref<1x50x32xf32, #tpu.memory_space<vmem>>
    %dma_wait3A_922 = tpu.memref_squeeze %dma_wait3A_921 : memref<1x50x32xf32, #tpu.memory_space<vmem>> -> memref<50x32xf32, #tpu.memory_space<vmem>>
    %dma_wait3A_923 = arith.constant 0 : i32
    %dma_wait3A_924 = tpu.memref_slice %arg5[%dma_wait3A_917, %dma_wait3A_923] : memref<32x50xi32, #tpu.memory_space<vmem>> -> memref<1x50xi32, #tpu.memory_space<vmem>>
    %dma_wait3A_925 = tpu.memref_squeeze %dma_wait3A_924 : memref<1x50xi32, #tpu.memory_space<vmem>> -> memref<50xi32, #tpu.memory_space<vmem>>
    %dma_wait3A_926 = arith.constant 0 : i32
    %dma_wait3A_927 = arith.constant 0 : i32
    %dma_wait3A_928 = tpu.memref_slice %arg3[%dma_wait3A_926, %dma_wait3A_927] : memref<1000000x32xf32, #tpu.memory_space<hbm>> -> memref<1000000x32xf32, #tpu.memory_space<hbm>>
    tpu.wait_indirect_dma semaphore(%arg9 : memref<!tpu.dma_semaphore, #tpu.memory_space<semaphore_mem>>) src(%dma_wait3A_928 : memref<1000000x32xf32, #tpu.memory_space<hbm>>) dst(%dma_wait3A_922 : memref<50x32xf32, #tpu.memory_space<vmem>>)
    %dma_wait3A_929 = arith.constant 13 : i32
    %dma_wait3A_930 = arith.constant 13 : i32
    %dma_wait3A_931 = arith.constant 0 : i32
    %dma_wait3A_932 = arith.constant 0 : i32
    %dma_wait3A_933 = tpu.memref_slice %arg7[%dma_wait3A_930, %dma_wait3A_931, %dma_wait3A_932] : memref<32x50x32xf32, #tpu.memory_space<vmem>> -> memref<1x50x32xf32, #tpu.memory_space<vmem>>
    %dma_wait3A_934 = tpu.memref_squeeze %dma_wait3A_933 : memref<1x50x32xf32, #tpu.memory_space<vmem>> -> memref<50x32xf32, #tpu.memory_space<vmem>>
    %dma_wait3A_935 = arith.constant 0 : i32
    %dma_wait3A_936 = tpu.memref_slice %arg5[%dma_wait3A_929, %dma_wait3A_935] : memref<32x50xi32, #tpu.memory_space<vmem>> -> memref<1x50xi32, #tpu.memory_space<vmem>>
    %dma_wait3A_937 = tpu.memref_squeeze %dma_wait3A_936 : memref<1x50xi32, #tpu.memory_space<vmem>> -> memref<50xi32, #tpu.memory_space<vmem>>
    %dma_wait3A_938 = arith.constant 0 : i32
    %dma_wait3A_939 = arith.constant 0 : i32
    %dma_wait3A_940 = tpu.memref_slice %arg3[%dma_wait3A_938, %dma_wait3A_939] : memref<1000000x32xf32, #tpu.memory_space<hbm>> -> memref<1000000x32xf32, #tpu.memory_space<hbm>>
    tpu.wait_indirect_dma semaphore(%arg9 : memref<!tpu.dma_semaphore, #tpu.memory_space<semaphore_mem>>) src(%dma_wait3A_940 : memref<1000000x32xf32, #tpu.memory_space<hbm>>) dst(%dma_wait3A_934 : memref<50x32xf32, #tpu.memory_space<vmem>>)
    %dma_wait3A_941 = arith.constant 14 : i32
    %dma_wait3A_942 = arith.constant 14 : i32
    %dma_wait3A_943 = arith.constant 0 : i32
    %dma_wait3A_944 = arith.constant 0 : i32
    %dma_wait3A_945 = tpu.memref_slice %arg7[%dma_wait3A_942, %dma_wait3A_943, %dma_wait3A_944] : memref<32x50x32xf32, #tpu.memory_space<vmem>> -> memref<1x50x32xf32, #tpu.memory_space<vmem>>
    %dma_wait3A_946 = tpu.memref_squeeze %dma_wait3A_945 : memref<1x50x32xf32, #tpu.memory_space<vmem>> -> memref<50x32xf32, #tpu.memory_space<vmem>>
    %dma_wait3A_947 = arith.constant 0 : i32
    %dma_wait3A_948 = tpu.memref_slice %arg5[%dma_wait3A_941, %dma_wait3A_947] : memref<32x50xi32, #tpu.memory_space<vmem>> -> memref<1x50xi32, #tpu.memory_space<vmem>>
    %dma_wait3A_949 = tpu.memref_squeeze %dma_wait3A_948 : memref<1x50xi32, #tpu.memory_space<vmem>> -> memref<50xi32, #tpu.memory_space<vmem>>
    %dma_wait3A_950 = arith.constant 0 : i32
    %dma_wait3A_951 = arith.constant 0 : i32
    %dma_wait3A_952 = tpu.memref_slice %arg3[%dma_wait3A_950, %dma_wait3A_951] : memref<1000000x32xf32, #tpu.memory_space<hbm>> -> memref<1000000x32xf32, #tpu.memory_space<hbm>>
    tpu.wait_indirect_dma semaphore(%arg9 : memref<!tpu.dma_semaphore, #tpu.memory_space<semaphore_mem>>) src(%dma_wait3A_952 : memref<1000000x32xf32, #tpu.memory_space<hbm>>) dst(%dma_wait3A_946 : memref<50x32xf32, #tpu.memory_space<vmem>>)
    %dma_wait3A_953 = arith.constant 15 : i32
    %dma_wait3A_954 = arith.constant 15 : i32
    %dma_wait3A_955 = arith.constant 0 : i32
    %dma_wait3A_956 = arith.constant 0 : i32
    %dma_wait3A_957 = tpu.memref_slice %arg7[%dma_wait3A_954, %dma_wait3A_955, %dma_wait3A_956] : memref<32x50x32xf32, #tpu.memory_space<vmem>> -> memref<1x50x32xf32, #tpu.memory_space<vmem>>
    %dma_wait3A_958 = tpu.memref_squeeze %dma_wait3A_957 : memref<1x50x32xf32, #tpu.memory_space<vmem>> -> memref<50x32xf32, #tpu.memory_space<vmem>>
    %dma_wait3A_959 = arith.constant 0 : i32
    %dma_wait3A_960 = tpu.memref_slice %arg5[%dma_wait3A_953, %dma_wait3A_959] : memref<32x50xi32, #tpu.memory_space<vmem>> -> memref<1x50xi32, #tpu.memory_space<vmem>>
    %dma_wait3A_961 = tpu.memref_squeeze %dma_wait3A_960 : memref<1x50xi32, #tpu.memory_space<vmem>> -> memref<50xi32, #tpu.memory_space<vmem>>
    %dma_wait3A_962 = arith.constant 0 : i32
    %dma_wait3A_963 = arith.constant 0 : i32
    %dma_wait3A_964 = tpu.memref_slice %arg3[%dma_wait3A_962, %dma_wait3A_963] : memref<1000000x32xf32, #tpu.memory_space<hbm>> -> memref<1000000x32xf32, #tpu.memory_space<hbm>>
    tpu.wait_indirect_dma semaphore(%arg9 : memref<!tpu.dma_semaphore, #tpu.memory_space<semaphore_mem>>) src(%dma_wait3A_964 : memref<1000000x32xf32, #tpu.memory_space<hbm>>) dst(%dma_wait3A_958 : memref<50x32xf32, #tpu.memory_space<vmem>>)
    %dma_wait3A_965 = arith.constant 16 : i32
    %dma_wait3A_966 = arith.constant 16 : i32
    %dma_wait3A_967 = arith.constant 0 : i32
    %dma_wait3A_968 = arith.constant 0 : i32
    %dma_wait3A_969 = tpu.memref_slice %arg7[%dma_wait3A_966, %dma_wait3A_967, %dma_wait3A_968] : memref<32x50x32xf32, #tpu.memory_space<vmem>> -> memref<1x50x32xf32, #tpu.memory_space<vmem>>
    %dma_wait3A_970 = tpu.memref_squeeze %dma_wait3A_969 : memref<1x50x32xf32, #tpu.memory_space<vmem>> -> memref<50x32xf32, #tpu.memory_space<vmem>>
    %dma_wait3A_971 = arith.constant 0 : i32
    %dma_wait3A_972 = tpu.memref_slice %arg5[%dma_wait3A_965, %dma_wait3A_971] : memref<32x50xi32, #tpu.memory_space<vmem>> -> memref<1x50xi32, #tpu.memory_space<vmem>>
    %dma_wait3A_973 = tpu.memref_squeeze %dma_wait3A_972 : memref<1x50xi32, #tpu.memory_space<vmem>> -> memref<50xi32, #tpu.memory_space<vmem>>
    %dma_wait3A_974 = arith.constant 0 : i32
    %dma_wait3A_975 = arith.constant 0 : i32
    %dma_wait3A_976 = tpu.memref_slice %arg3[%dma_wait3A_974, %dma_wait3A_975] : memref<1000000x32xf32, #tpu.memory_space<hbm>> -> memref<1000000x32xf32, #tpu.memory_space<hbm>>
    tpu.wait_indirect_dma semaphore(%arg9 : memref<!tpu.dma_semaphore, #tpu.memory_space<semaphore_mem>>) src(%dma_wait3A_976 : memref<1000000x32xf32, #tpu.memory_space<hbm>>) dst(%dma_wait3A_970 : memref<50x32xf32, #tpu.memory_space<vmem>>)
    %dma_wait3A_977 = arith.constant 17 : i32
    %dma_wait3A_978 = arith.constant 17 : i32
    %dma_wait3A_979 = arith.constant 0 : i32
    %dma_wait3A_980 = arith.constant 0 : i32
    %dma_wait3A_981 = tpu.memref_slice %arg7[%dma_wait3A_978, %dma_wait3A_979, %dma_wait3A_980] : memref<32x50x32xf32, #tpu.memory_space<vmem>> -> memref<1x50x32xf32, #tpu.memory_space<vmem>>
    %dma_wait3A_982 = tpu.memref_squeeze %dma_wait3A_981 : memref<1x50x32xf32, #tpu.memory_space<vmem>> -> memref<50x32xf32, #tpu.memory_space<vmem>>
    %dma_wait3A_983 = arith.constant 0 : i32
    %dma_wait3A_984 = tpu.memref_slice %arg5[%dma_wait3A_977, %dma_wait3A_983] : memref<32x50xi32, #tpu.memory_space<vmem>> -> memref<1x50xi32, #tpu.memory_space<vmem>>
    %dma_wait3A_985 = tpu.memref_squeeze %dma_wait3A_984 : memref<1x50xi32, #tpu.memory_space<vmem>> -> memref<50xi32, #tpu.memory_space<vmem>>
    %dma_wait3A_986 = arith.constant 0 : i32
    %dma_wait3A_987 = arith.constant 0 : i32
    %dma_wait3A_988 = tpu.memref_slice %arg3[%dma_wait3A_986, %dma_wait3A_987] : memref<1000000x32xf32, #tpu.memory_space<hbm>> -> memref<1000000x32xf32, #tpu.memory_space<hbm>>
    tpu.wait_indirect_dma semaphore(%arg9 : memref<!tpu.dma_semaphore, #tpu.memory_space<semaphore_mem>>) src(%dma_wait3A_988 : memref<1000000x32xf32, #tpu.memory_space<hbm>>) dst(%dma_wait3A_982 : memref<50x32xf32, #tpu.memory_space<vmem>>)
    %dma_wait3A_989 = arith.constant 18 : i32
    %dma_wait3A_990 = arith.constant 18 : i32
    %dma_wait3A_991 = arith.constant 0 : i32
    %dma_wait3A_992 = arith.constant 0 : i32
    %dma_wait3A_993 = tpu.memref_slice %arg7[%dma_wait3A_990, %dma_wait3A_991, %dma_wait3A_992] : memref<32x50x32xf32, #tpu.memory_space<vmem>> -> memref<1x50x32xf32, #tpu.memory_space<vmem>>
    %dma_wait3A_994 = tpu.memref_squeeze %dma_wait3A_993 : memref<1x50x32xf32, #tpu.memory_space<vmem>> -> memref<50x32xf32, #tpu.memory_space<vmem>>
    %dma_wait3A_995 = arith.constant 0 : i32
    %dma_wait3A_996 = tpu.memref_slice %arg5[%dma_wait3A_989, %dma_wait3A_995] : memref<32x50xi32, #tpu.memory_space<vmem>> -> memref<1x50xi32, #tpu.memory_space<vmem>>
    %dma_wait3A_997 = tpu.memref_squeeze %dma_wait3A_996 : memref<1x50xi32, #tpu.memory_space<vmem>> -> memref<50xi32, #tpu.memory_space<vmem>>
    %dma_wait3A_998 = arith.constant 0 : i32
    %dma_wait3A_999 = arith.constant 0 : i32
    %dma_wait3A_1000 = tpu.memref_slice %arg3[%dma_wait3A_998, %dma_wait3A_999] : memref<1000000x32xf32, #tpu.memory_space<hbm>> -> memref<1000000x32xf32, #tpu.memory_space<hbm>>
    tpu.wait_indirect_dma semaphore(%arg9 : memref<!tpu.dma_semaphore, #tpu.memory_space<semaphore_mem>>) src(%dma_wait3A_1000 : memref<1000000x32xf32, #tpu.memory_space<hbm>>) dst(%dma_wait3A_994 : memref<50x32xf32, #tpu.memory_space<vmem>>)
    %dma_wait3A_1001 = arith.constant 19 : i32
    %dma_wait3A_1002 = arith.constant 19 : i32
    %dma_wait3A_1003 = arith.constant 0 : i32
    %dma_wait3A_1004 = arith.constant 0 : i32
    %dma_wait3A_1005 = tpu.memref_slice %arg7[%dma_wait3A_1002, %dma_wait3A_1003, %dma_wait3A_1004] : memref<32x50x32xf32, #tpu.memory_space<vmem>> -> memref<1x50x32xf32, #tpu.memory_space<vmem>>
    %dma_wait3A_1006 = tpu.memref_squeeze %dma_wait3A_1005 : memref<1x50x32xf32, #tpu.memory_space<vmem>> -> memref<50x32xf32, #tpu.memory_space<vmem>>
    %dma_wait3A_1007 = arith.constant 0 : i32
    %dma_wait3A_1008 = tpu.memref_slice %arg5[%dma_wait3A_1001, %dma_wait3A_1007] : memref<32x50xi32, #tpu.memory_space<vmem>> -> memref<1x50xi32, #tpu.memory_space<vmem>>
    %dma_wait3A_1009 = tpu.memref_squeeze %dma_wait3A_1008 : memref<1x50xi32, #tpu.memory_space<vmem>> -> memref<50xi32, #tpu.memory_space<vmem>>
    %dma_wait3A_1010 = arith.constant 0 : i32
    %dma_wait3A_1011 = arith.constant 0 : i32
    %dma_wait3A_1012 = tpu.memref_slice %arg3[%dma_wait3A_1010, %dma_wait3A_1011] : memref<1000000x32xf32, #tpu.memory_space<hbm>> -> memref<1000000x32xf32, #tpu.memory_space<hbm>>
    tpu.wait_indirect_dma semaphore(%arg9 : memref<!tpu.dma_semaphore, #tpu.memory_space<semaphore_mem>>) src(%dma_wait3A_1012 : memref<1000000x32xf32, #tpu.memory_space<hbm>>) dst(%dma_wait3A_1006 : memref<50x32xf32, #tpu.memory_space<vmem>>)
    %dma_wait3A_1013 = arith.constant 20 : i32
    %dma_wait3A_1014 = arith.constant 20 : i32
    %dma_wait3A_1015 = arith.constant 0 : i32
    %dma_wait3A_1016 = arith.constant 0 : i32
    %dma_wait3A_1017 = tpu.memref_slice %arg7[%dma_wait3A_1014, %dma_wait3A_1015, %dma_wait3A_1016] : memref<32x50x32xf32, #tpu.memory_space<vmem>> -> memref<1x50x32xf32, #tpu.memory_space<vmem>>
    %dma_wait3A_1018 = tpu.memref_squeeze %dma_wait3A_1017 : memref<1x50x32xf32, #tpu.memory_space<vmem>> -> memref<50x32xf32, #tpu.memory_space<vmem>>
    %dma_wait3A_1019 = arith.constant 0 : i32
    %dma_wait3A_1020 = tpu.memref_slice %arg5[%dma_wait3A_1013, %dma_wait3A_1019] : memref<32x50xi32, #tpu.memory_space<vmem>> -> memref<1x50xi32, #tpu.memory_space<vmem>>
    %dma_wait3A_1021 = tpu.memref_squeeze %dma_wait3A_1020 : memref<1x50xi32, #tpu.memory_space<vmem>> -> memref<50xi32, #tpu.memory_space<vmem>>
    %dma_wait3A_1022 = arith.constant 0 : i32
    %dma_wait3A_1023 = arith.constant 0 : i32
    %dma_wait3A_1024 = tpu.memref_slice %arg3[%dma_wait3A_1022, %dma_wait3A_1023] : memref<1000000x32xf32, #tpu.memory_space<hbm>> -> memref<1000000x32xf32, #tpu.memory_space<hbm>>
    tpu.wait_indirect_dma semaphore(%arg9 : memref<!tpu.dma_semaphore, #tpu.memory_space<semaphore_mem>>) src(%dma_wait3A_1024 : memref<1000000x32xf32, #tpu.memory_space<hbm>>) dst(%dma_wait3A_1018 : memref<50x32xf32, #tpu.memory_space<vmem>>)
    %dma_wait3A_1025 = arith.constant 21 : i32
    %dma_wait3A_1026 = arith.constant 21 : i32
    %dma_wait3A_1027 = arith.constant 0 : i32
    %dma_wait3A_1028 = arith.constant 0 : i32
    %dma_wait3A_1029 = tpu.memref_slice %arg7[%dma_wait3A_1026, %dma_wait3A_1027, %dma_wait3A_1028] : memref<32x50x32xf32, #tpu.memory_space<vmem>> -> memref<1x50x32xf32, #tpu.memory_space<vmem>>
    %dma_wait3A_1030 = tpu.memref_squeeze %dma_wait3A_1029 : memref<1x50x32xf32, #tpu.memory_space<vmem>> -> memref<50x32xf32, #tpu.memory_space<vmem>>
    %dma_wait3A_1031 = arith.constant 0 : i32
    %dma_wait3A_1032 = tpu.memref_slice %arg5[%dma_wait3A_1025, %dma_wait3A_1031] : memref<32x50xi32, #tpu.memory_space<vmem>> -> memref<1x50xi32, #tpu.memory_space<vmem>>
    %dma_wait3A_1033 = tpu.memref_squeeze %dma_wait3A_1032 : memref<1x50xi32, #tpu.memory_space<vmem>> -> memref<50xi32, #tpu.memory_space<vmem>>
    %dma_wait3A_1034 = arith.constant 0 : i32
    %dma_wait3A_1035 = arith.constant 0 : i32
    %dma_wait3A_1036 = tpu.memref_slice %arg3[%dma_wait3A_1034, %dma_wait3A_1035] : memref<1000000x32xf32, #tpu.memory_space<hbm>> -> memref<1000000x32xf32, #tpu.memory_space<hbm>>
    tpu.wait_indirect_dma semaphore(%arg9 : memref<!tpu.dma_semaphore, #tpu.memory_space<semaphore_mem>>) src(%dma_wait3A_1036 : memref<1000000x32xf32, #tpu.memory_space<hbm>>) dst(%dma_wait3A_1030 : memref<50x32xf32, #tpu.memory_space<vmem>>)
    %dma_wait3A_1037 = arith.constant 22 : i32
    %dma_wait3A_1038 = arith.constant 22 : i32
    %dma_wait3A_1039 = arith.constant 0 : i32
    %dma_wait3A_1040 = arith.constant 0 : i32
    %dma_wait3A_1041 = tpu.memref_slice %arg7[%dma_wait3A_1038, %dma_wait3A_1039, %dma_wait3A_1040] : memref<32x50x32xf32, #tpu.memory_space<vmem>> -> memref<1x50x32xf32, #tpu.memory_space<vmem>>
    %dma_wait3A_1042 = tpu.memref_squeeze %dma_wait3A_1041 : memref<1x50x32xf32, #tpu.memory_space<vmem>> -> memref<50x32xf32, #tpu.memory_space<vmem>>
    %dma_wait3A_1043 = arith.constant 0 : i32
    %dma_wait3A_1044 = tpu.memref_slice %arg5[%dma_wait3A_1037, %dma_wait3A_1043] : memref<32x50xi32, #tpu.memory_space<vmem>> -> memref<1x50xi32, #tpu.memory_space<vmem>>
    %dma_wait3A_1045 = tpu.memref_squeeze %dma_wait3A_1044 : memref<1x50xi32, #tpu.memory_space<vmem>> -> memref<50xi32, #tpu.memory_space<vmem>>
    %dma_wait3A_1046 = arith.constant 0 : i32
    %dma_wait3A_1047 = arith.constant 0 : i32
    %dma_wait3A_1048 = tpu.memref_slice %arg3[%dma_wait3A_1046, %dma_wait3A_1047] : memref<1000000x32xf32, #tpu.memory_space<hbm>> -> memref<1000000x32xf32, #tpu.memory_space<hbm>>
    tpu.wait_indirect_dma semaphore(%arg9 : memref<!tpu.dma_semaphore, #tpu.memory_space<semaphore_mem>>) src(%dma_wait3A_1048 : memref<1000000x32xf32, #tpu.memory_space<hbm>>) dst(%dma_wait3A_1042 : memref<50x32xf32, #tpu.memory_space<vmem>>)
    %dma_wait3A_1049 = arith.constant 23 : i32
    %dma_wait3A_1050 = arith.constant 23 : i32
    %dma_wait3A_1051 = arith.constant 0 : i32
    %dma_wait3A_1052 = arith.constant 0 : i32
    %dma_wait3A_1053 = tpu.memref_slice %arg7[%dma_wait3A_1050, %dma_wait3A_1051, %dma_wait3A_1052] : memref<32x50x32xf32, #tpu.memory_space<vmem>> -> memref<1x50x32xf32, #tpu.memory_space<vmem>>
    %dma_wait3A_1054 = tpu.memref_squeeze %dma_wait3A_1053 : memref<1x50x32xf32, #tpu.memory_space<vmem>> -> memref<50x32xf32, #tpu.memory_space<vmem>>
    %dma_wait3A_1055 = arith.constant 0 : i32
    %dma_wait3A_1056 = tpu.memref_slice %arg5[%dma_wait3A_1049, %dma_wait3A_1055] : memref<32x50xi32, #tpu.memory_space<vmem>> -> memref<1x50xi32, #tpu.memory_space<vmem>>
    %dma_wait3A_1057 = tpu.memref_squeeze %dma_wait3A_1056 : memref<1x50xi32, #tpu.memory_space<vmem>> -> memref<50xi32, #tpu.memory_space<vmem>>
    %dma_wait3A_1058 = arith.constant 0 : i32
    %dma_wait3A_1059 = arith.constant 0 : i32
    %dma_wait3A_1060 = tpu.memref_slice %arg3[%dma_wait3A_1058, %dma_wait3A_1059] : memref<1000000x32xf32, #tpu.memory_space<hbm>> -> memref<1000000x32xf32, #tpu.memory_space<hbm>>
    tpu.wait_indirect_dma semaphore(%arg9 : memref<!tpu.dma_semaphore, #tpu.memory_space<semaphore_mem>>) src(%dma_wait3A_1060 : memref<1000000x32xf32, #tpu.memory_space<hbm>>) dst(%dma_wait3A_1054 : memref<50x32xf32, #tpu.memory_space<vmem>>)
    %dma_wait3A_1061 = arith.constant 24 : i32
    %dma_wait3A_1062 = arith.constant 24 : i32
    %dma_wait3A_1063 = arith.constant 0 : i32
    %dma_wait3A_1064 = arith.constant 0 : i32
    %dma_wait3A_1065 = tpu.memref_slice %arg7[%dma_wait3A_1062, %dma_wait3A_1063, %dma_wait3A_1064] : memref<32x50x32xf32, #tpu.memory_space<vmem>> -> memref<1x50x32xf32, #tpu.memory_space<vmem>>
    %dma_wait3A_1066 = tpu.memref_squeeze %dma_wait3A_1065 : memref<1x50x32xf32, #tpu.memory_space<vmem>> -> memref<50x32xf32, #tpu.memory_space<vmem>>
    %dma_wait3A_1067 = arith.constant 0 : i32
    %dma_wait3A_1068 = tpu.memref_slice %arg5[%dma_wait3A_1061, %dma_wait3A_1067] : memref<32x50xi32, #tpu.memory_space<vmem>> -> memref<1x50xi32, #tpu.memory_space<vmem>>
    %dma_wait3A_1069 = tpu.memref_squeeze %dma_wait3A_1068 : memref<1x50xi32, #tpu.memory_space<vmem>> -> memref<50xi32, #tpu.memory_space<vmem>>
    %dma_wait3A_1070 = arith.constant 0 : i32
    %dma_wait3A_1071 = arith.constant 0 : i32
    %dma_wait3A_1072 = tpu.memref_slice %arg3[%dma_wait3A_1070, %dma_wait3A_1071] : memref<1000000x32xf32, #tpu.memory_space<hbm>> -> memref<1000000x32xf32, #tpu.memory_space<hbm>>
    tpu.wait_indirect_dma semaphore(%arg9 : memref<!tpu.dma_semaphore, #tpu.memory_space<semaphore_mem>>) src(%dma_wait3A_1072 : memref<1000000x32xf32, #tpu.memory_space<hbm>>) dst(%dma_wait3A_1066 : memref<50x32xf32, #tpu.memory_space<vmem>>)
    %dma_wait3A_1073 = arith.constant 25 : i32
    %dma_wait3A_1074 = arith.constant 25 : i32
    %dma_wait3A_1075 = arith.constant 0 : i32
    %dma_wait3A_1076 = arith.constant 0 : i32
    %dma_wait3A_1077 = tpu.memref_slice %arg7[%dma_wait3A_1074, %dma_wait3A_1075, %dma_wait3A_1076] : memref<32x50x32xf32, #tpu.memory_space<vmem>> -> memref<1x50x32xf32, #tpu.memory_space<vmem>>
    %dma_wait3A_1078 = tpu.memref_squeeze %dma_wait3A_1077 : memref<1x50x32xf32, #tpu.memory_space<vmem>> -> memref<50x32xf32, #tpu.memory_space<vmem>>
    %dma_wait3A_1079 = arith.constant 0 : i32
    %dma_wait3A_1080 = tpu.memref_slice %arg5[%dma_wait3A_1073, %dma_wait3A_1079] : memref<32x50xi32, #tpu.memory_space<vmem>> -> memref<1x50xi32, #tpu.memory_space<vmem>>
    %dma_wait3A_1081 = tpu.memref_squeeze %dma_wait3A_1080 : memref<1x50xi32, #tpu.memory_space<vmem>> -> memref<50xi32, #tpu.memory_space<vmem>>
    %dma_wait3A_1082 = arith.constant 0 : i32
    %dma_wait3A_1083 = arith.constant 0 : i32
    %dma_wait3A_1084 = tpu.memref_slice %arg3[%dma_wait3A_1082, %dma_wait3A_1083] : memref<1000000x32xf32, #tpu.memory_space<hbm>> -> memref<1000000x32xf32, #tpu.memory_space<hbm>>
    tpu.wait_indirect_dma semaphore(%arg9 : memref<!tpu.dma_semaphore, #tpu.memory_space<semaphore_mem>>) src(%dma_wait3A_1084 : memref<1000000x32xf32, #tpu.memory_space<hbm>>) dst(%dma_wait3A_1078 : memref<50x32xf32, #tpu.memory_space<vmem>>)
    %dma_wait3A_1085 = arith.constant 26 : i32
    %dma_wait3A_1086 = arith.constant 26 : i32
    %dma_wait3A_1087 = arith.constant 0 : i32
    %dma_wait3A_1088 = arith.constant 0 : i32
    %dma_wait3A_1089 = tpu.memref_slice %arg7[%dma_wait3A_1086, %dma_wait3A_1087, %dma_wait3A_1088] : memref<32x50x32xf32, #tpu.memory_space<vmem>> -> memref<1x50x32xf32, #tpu.memory_space<vmem>>
    %dma_wait3A_1090 = tpu.memref_squeeze %dma_wait3A_1089 : memref<1x50x32xf32, #tpu.memory_space<vmem>> -> memref<50x32xf32, #tpu.memory_space<vmem>>
    %dma_wait3A_1091 = arith.constant 0 : i32
    %dma_wait3A_1092 = tpu.memref_slice %arg5[%dma_wait3A_1085, %dma_wait3A_1091] : memref<32x50xi32, #tpu.memory_space<vmem>> -> memref<1x50xi32, #tpu.memory_space<vmem>>
    %dma_wait3A_1093 = tpu.memref_squeeze %dma_wait3A_1092 : memref<1x50xi32, #tpu.memory_space<vmem>> -> memref<50xi32, #tpu.memory_space<vmem>>
    %dma_wait3A_1094 = arith.constant 0 : i32
    %dma_wait3A_1095 = arith.constant 0 : i32
    %dma_wait3A_1096 = tpu.memref_slice %arg3[%dma_wait3A_1094, %dma_wait3A_1095] : memref<1000000x32xf32, #tpu.memory_space<hbm>> -> memref<1000000x32xf32, #tpu.memory_space<hbm>>
    tpu.wait_indirect_dma semaphore(%arg9 : memref<!tpu.dma_semaphore, #tpu.memory_space<semaphore_mem>>) src(%dma_wait3A_1096 : memref<1000000x32xf32, #tpu.memory_space<hbm>>) dst(%dma_wait3A_1090 : memref<50x32xf32, #tpu.memory_space<vmem>>)
    %dma_wait3A_1097 = arith.constant 27 : i32
    %dma_wait3A_1098 = arith.constant 27 : i32
    %dma_wait3A_1099 = arith.constant 0 : i32
    %dma_wait3A_1100 = arith.constant 0 : i32
    %dma_wait3A_1101 = tpu.memref_slice %arg7[%dma_wait3A_1098, %dma_wait3A_1099, %dma_wait3A_1100] : memref<32x50x32xf32, #tpu.memory_space<vmem>> -> memref<1x50x32xf32, #tpu.memory_space<vmem>>
    %dma_wait3A_1102 = tpu.memref_squeeze %dma_wait3A_1101 : memref<1x50x32xf32, #tpu.memory_space<vmem>> -> memref<50x32xf32, #tpu.memory_space<vmem>>
    %dma_wait3A_1103 = arith.constant 0 : i32
    %dma_wait3A_1104 = tpu.memref_slice %arg5[%dma_wait3A_1097, %dma_wait3A_1103] : memref<32x50xi32, #tpu.memory_space<vmem>> -> memref<1x50xi32, #tpu.memory_space<vmem>>
    %dma_wait3A_1105 = tpu.memref_squeeze %dma_wait3A_1104 : memref<1x50xi32, #tpu.memory_space<vmem>> -> memref<50xi32, #tpu.memory_space<vmem>>
    %dma_wait3A_1106 = arith.constant 0 : i32
    %dma_wait3A_1107 = arith.constant 0 : i32
    %dma_wait3A_1108 = tpu.memref_slice %arg3[%dma_wait3A_1106, %dma_wait3A_1107] : memref<1000000x32xf32, #tpu.memory_space<hbm>> -> memref<1000000x32xf32, #tpu.memory_space<hbm>>
    tpu.wait_indirect_dma semaphore(%arg9 : memref<!tpu.dma_semaphore, #tpu.memory_space<semaphore_mem>>) src(%dma_wait3A_1108 : memref<1000000x32xf32, #tpu.memory_space<hbm>>) dst(%dma_wait3A_1102 : memref<50x32xf32, #tpu.memory_space<vmem>>)
    %dma_wait3A_1109 = arith.constant 28 : i32
    %dma_wait3A_1110 = arith.constant 28 : i32
    %dma_wait3A_1111 = arith.constant 0 : i32
    %dma_wait3A_1112 = arith.constant 0 : i32
    %dma_wait3A_1113 = tpu.memref_slice %arg7[%dma_wait3A_1110, %dma_wait3A_1111, %dma_wait3A_1112] : memref<32x50x32xf32, #tpu.memory_space<vmem>> -> memref<1x50x32xf32, #tpu.memory_space<vmem>>
    %dma_wait3A_1114 = tpu.memref_squeeze %dma_wait3A_1113 : memref<1x50x32xf32, #tpu.memory_space<vmem>> -> memref<50x32xf32, #tpu.memory_space<vmem>>
    %dma_wait3A_1115 = arith.constant 0 : i32
    %dma_wait3A_1116 = tpu.memref_slice %arg5[%dma_wait3A_1109, %dma_wait3A_1115] : memref<32x50xi32, #tpu.memory_space<vmem>> -> memref<1x50xi32, #tpu.memory_space<vmem>>
    %dma_wait3A_1117 = tpu.memref_squeeze %dma_wait3A_1116 : memref<1x50xi32, #tpu.memory_space<vmem>> -> memref<50xi32, #tpu.memory_space<vmem>>
    %dma_wait3A_1118 = arith.constant 0 : i32
    %dma_wait3A_1119 = arith.constant 0 : i32
    %dma_wait3A_1120 = tpu.memref_slice %arg3[%dma_wait3A_1118, %dma_wait3A_1119] : memref<1000000x32xf32, #tpu.memory_space<hbm>> -> memref<1000000x32xf32, #tpu.memory_space<hbm>>
    tpu.wait_indirect_dma semaphore(%arg9 : memref<!tpu.dma_semaphore, #tpu.memory_space<semaphore_mem>>) src(%dma_wait3A_1120 : memref<1000000x32xf32, #tpu.memory_space<hbm>>) dst(%dma_wait3A_1114 : memref<50x32xf32, #tpu.memory_space<vmem>>)
    %dma_wait3A_1121 = arith.constant 29 : i32
    %dma_wait3A_1122 = arith.constant 29 : i32
    %dma_wait3A_1123 = arith.constant 0 : i32
    %dma_wait3A_1124 = arith.constant 0 : i32
    %dma_wait3A_1125 = tpu.memref_slice %arg7[%dma_wait3A_1122, %dma_wait3A_1123, %dma_wait3A_1124] : memref<32x50x32xf32, #tpu.memory_space<vmem>> -> memref<1x50x32xf32, #tpu.memory_space<vmem>>
    %dma_wait3A_1126 = tpu.memref_squeeze %dma_wait3A_1125 : memref<1x50x32xf32, #tpu.memory_space<vmem>> -> memref<50x32xf32, #tpu.memory_space<vmem>>
    %dma_wait3A_1127 = arith.constant 0 : i32
    %dma_wait3A_1128 = tpu.memref_slice %arg5[%dma_wait3A_1121, %dma_wait3A_1127] : memref<32x50xi32, #tpu.memory_space<vmem>> -> memref<1x50xi32, #tpu.memory_space<vmem>>
    %dma_wait3A_1129 = tpu.memref_squeeze %dma_wait3A_1128 : memref<1x50xi32, #tpu.memory_space<vmem>> -> memref<50xi32, #tpu.memory_space<vmem>>
    %dma_wait3A_1130 = arith.constant 0 : i32
    %dma_wait3A_1131 = arith.constant 0 : i32
    %dma_wait3A_1132 = tpu.memref_slice %arg3[%dma_wait3A_1130, %dma_wait3A_1131] : memref<1000000x32xf32, #tpu.memory_space<hbm>> -> memref<1000000x32xf32, #tpu.memory_space<hbm>>
    tpu.wait_indirect_dma semaphore(%arg9 : memref<!tpu.dma_semaphore, #tpu.memory_space<semaphore_mem>>) src(%dma_wait3A_1132 : memref<1000000x32xf32, #tpu.memory_space<hbm>>) dst(%dma_wait3A_1126 : memref<50x32xf32, #tpu.memory_space<vmem>>)
    %dma_wait3A_1133 = arith.constant 30 : i32
    %dma_wait3A_1134 = arith.constant 30 : i32
    %dma_wait3A_1135 = arith.constant 0 : i32
    %dma_wait3A_1136 = arith.constant 0 : i32
    %dma_wait3A_1137 = tpu.memref_slice %arg7[%dma_wait3A_1134, %dma_wait3A_1135, %dma_wait3A_1136] : memref<32x50x32xf32, #tpu.memory_space<vmem>> -> memref<1x50x32xf32, #tpu.memory_space<vmem>>
    %dma_wait3A_1138 = tpu.memref_squeeze %dma_wait3A_1137 : memref<1x50x32xf32, #tpu.memory_space<vmem>> -> memref<50x32xf32, #tpu.memory_space<vmem>>
    %dma_wait3A_1139 = arith.constant 0 : i32
    %dma_wait3A_1140 = tpu.memref_slice %arg5[%dma_wait3A_1133, %dma_wait3A_1139] : memref<32x50xi32, #tpu.memory_space<vmem>> -> memref<1x50xi32, #tpu.memory_space<vmem>>
    %dma_wait3A_1141 = tpu.memref_squeeze %dma_wait3A_1140 : memref<1x50xi32, #tpu.memory_space<vmem>> -> memref<50xi32, #tpu.memory_space<vmem>>
    %dma_wait3A_1142 = arith.constant 0 : i32
    %dma_wait3A_1143 = arith.constant 0 : i32
    %dma_wait3A_1144 = tpu.memref_slice %arg3[%dma_wait3A_1142, %dma_wait3A_1143] : memref<1000000x32xf32, #tpu.memory_space<hbm>> -> memref<1000000x32xf32, #tpu.memory_space<hbm>>
    tpu.wait_indirect_dma semaphore(%arg9 : memref<!tpu.dma_semaphore, #tpu.memory_space<semaphore_mem>>) src(%dma_wait3A_1144 : memref<1000000x32xf32, #tpu.memory_space<hbm>>) dst(%dma_wait3A_1138 : memref<50x32xf32, #tpu.memory_space<vmem>>)
    %dma_wait3A_1145 = arith.constant 31 : i32
    %dma_wait3A_1146 = arith.constant 31 : i32
    %dma_wait3A_1147 = arith.constant 0 : i32
    %dma_wait3A_1148 = arith.constant 0 : i32
    %dma_wait3A_1149 = tpu.memref_slice %arg7[%dma_wait3A_1146, %dma_wait3A_1147, %dma_wait3A_1148] : memref<32x50x32xf32, #tpu.memory_space<vmem>> -> memref<1x50x32xf32, #tpu.memory_space<vmem>>
    %dma_wait3A_1150 = tpu.memref_squeeze %dma_wait3A_1149 : memref<1x50x32xf32, #tpu.memory_space<vmem>> -> memref<50x32xf32, #tpu.memory_space<vmem>>
    %dma_wait3A_1151 = arith.constant 0 : i32
    %dma_wait3A_1152 = tpu.memref_slice %arg5[%dma_wait3A_1145, %dma_wait3A_1151] : memref<32x50xi32, #tpu.memory_space<vmem>> -> memref<1x50xi32, #tpu.memory_space<vmem>>
    %dma_wait3A_1153 = tpu.memref_squeeze %dma_wait3A_1152 : memref<1x50xi32, #tpu.memory_space<vmem>> -> memref<50xi32, #tpu.memory_space<vmem>>
    %dma_wait3A_1154 = arith.constant 0 : i32
    %dma_wait3A_1155 = arith.constant 0 : i32
    %dma_wait3A_1156 = tpu.memref_slice %arg3[%dma_wait3A_1154, %dma_wait3A_1155] : memref<1000000x32xf32, #tpu.memory_space<hbm>> -> memref<1000000x32xf32, #tpu.memory_space<hbm>>
    tpu.wait_indirect_dma semaphore(%arg9 : memref<!tpu.dma_semaphore, #tpu.memory_space<semaphore_mem>>) src(%dma_wait3A_1156 : memref<1000000x32xf32, #tpu.memory_space<hbm>>) dst(%dma_wait3A_1150 : memref<50x32xf32, #tpu.memory_space<vmem>>)
    %add3A_1157 = arith.constant 0 : i32
    %add3A_1158 = arith.addi %mul3A_2, %add3A_1157 : i32
    %dma_start3A_1159 = arith.constant 0 : i32
    %dma_start3A_1160 = arith.constant 0 : i32
    %dma_start3A_1161 = tpu.memref_slice %arg4[%add3A_1158, %dma_start3A_1159, %dma_start3A_1160] : memref<16384x50x32xf32, #tpu.memory_space<hbm>> -> memref<32x50x32xf32, #tpu.memory_space<hbm>>
    %dma_start3A_1162 = arith.constant 0 : i32
    %dma_start3A_1163 = arith.constant 0 : i32
    %dma_start3A_1164 = tpu.memref_slice %arg4[%add3A_1158, %dma_start3A_1162, %dma_start3A_1163] : memref<16384x50x32xf32, #tpu.memory_space<hbm>> -> memref<32x50x32xf32, #tpu.memory_space<hbm>>
    tpu.enqueue_dma source(%arg7 : memref<32x50x32xf32, #tpu.memory_space<vmem>>) target(%dma_start3A_1164 : memref<32x50x32xf32, #tpu.memory_space<hbm>>) target_semaphore(%arg11 : memref<!tpu.dma_semaphore, #tpu.memory_space<semaphore_mem>>)
    %scan3A = arith.constant 0 : i32
    %scan3A_1165 = arith.constant 0 : i32
    %scan3A_1166 = arith.constant 7 : i32
    %scan3A_1167 = arith.addi %scan3A_1165, %scan3A_1166 : i32
    %scan3A_1168 = arith.constant 1 : i32
    scf.for %scan3A_1578 = %scan3A_1165 to %scan3A_1167 step %scan3A_1168  : i32 {
      %mul3A_1579 = arith.constant 2 : i32
      %mul3A_1580 = arith.muli %mul3A_1579, %scan3A_1578 : i32
      %add3A_1581 = arith.constant 1 : i32
      %add3A_1582 = arith.addi %mul3A_1580, %add3A_1581 : i32
      %sub3A = arith.constant 1 : i32
      %sub3A_1583 = arith.subi %add3A_1582, %sub3A : i32
      %mul3A_1584 = arith.constant 32 : i32
      %mul3A_1585 = arith.muli %sub3A_1583, %mul3A_1584 : i32
      %add3A_1586 = arith.addi %mul3A_2, %mul3A_1585 : i32
      %dma_wait3A_1587 = arith.constant 0 : i32
      %dma_wait3A_1588 = arith.constant 0 : i32
      %dma_wait3A_1589 = tpu.memref_slice %arg4[%add3A_1586, %dma_wait3A_1587, %dma_wait3A_1588] : memref<16384x50x32xf32, #tpu.memory_space<hbm>> -> memref<32x50x32xf32, #tpu.memory_space<hbm>>
      %dma_wait3A_1590 = arith.constant 0 : i32
      %dma_wait3A_1591 = arith.constant 0 : i32
      %dma_wait3A_1592 = tpu.memref_slice %arg4[%add3A_1586, %dma_wait3A_1590, %dma_wait3A_1591] : memref<16384x50x32xf32, #tpu.memory_space<hbm>> -> memref<32x50x32xf32, #tpu.memory_space<hbm>>
      tpu.wait_dma2 semaphore(%arg11 : memref<!tpu.dma_semaphore, #tpu.memory_space<semaphore_mem>>) src(%arg7 : memref<32x50x32xf32, #tpu.memory_space<vmem>>) dst(%dma_wait3A_1592 : memref<32x50x32xf32, #tpu.memory_space<hbm>>)
      %add3A_1593 = arith.constant 1 : i32
      %add3A_1594 = arith.addi %add3A_1582, %add3A_1593 : i32
      %mul3A_1595 = arith.constant 32 : i32
      %mul3A_1596 = arith.muli %add3A_1594, %mul3A_1595 : i32
      %add3A_1597 = arith.addi %mul3A_2, %mul3A_1596 : i32
      "tpu.region"() ({
        %run_scoped3A = tpu.sem_alloc : memref<!tpu.dma_semaphore, #tpu.memory_space<semaphore_mem>>
        %dma_start3A_3168 = arith.constant 0 : i32
        %dma_start3A_3169 = tpu.memref_slice %arg2[%add3A_1597, %dma_start3A_3168] : memref<16384x50xi32, #tpu.memory_space<hbm>> -> memref<32x50xi32, #tpu.memory_space<hbm>>
        %dma_start3A_3170 = arith.constant 0 : i32
        %dma_start3A_3171 = tpu.memref_slice %arg2[%add3A_1597, %dma_start3A_3170] : memref<16384x50xi32, #tpu.memory_space<hbm>> -> memref<32x50xi32, #tpu.memory_space<hbm>>
        tpu.enqueue_dma source(%dma_start3A_3171 : memref<32x50xi32, #tpu.memory_space<hbm>>) target(%arg5 : memref<32x50xi32, #tpu.memory_space<vmem>>) target_semaphore(%run_scoped3A : memref<!tpu.dma_semaphore, #tpu.memory_space<semaphore_mem>>)
        %dma_wait3A_3172 = arith.constant 0 : i32
        %dma_wait3A_3173 = tpu.memref_slice %arg2[%add3A_1597, %dma_wait3A_3172] : memref<16384x50xi32, #tpu.memory_space<hbm>> -> memref<32x50xi32, #tpu.memory_space<hbm>>
        %dma_wait3A_3174 = arith.constant 0 : i32
        %dma_wait3A_3175 = tpu.memref_slice %arg2[%add3A_1597, %dma_wait3A_3174] : memref<16384x50xi32, #tpu.memory_space<hbm>> -> memref<32x50xi32, #tpu.memory_space<hbm>>
        tpu.wait_dma2 semaphore(%run_scoped3A : memref<!tpu.dma_semaphore, #tpu.memory_space<semaphore_mem>>) src(%dma_wait3A_3175 : memref<32x50xi32, #tpu.memory_space<hbm>>) dst(%arg5 : memref<32x50xi32, #tpu.memory_space<vmem>>)
        tpu.yield
      }) : () -> ()
      %dma_start3A_1598 = arith.constant 0 : i32
      %dma_start3A_1599 = arith.constant 0 : i32
      %dma_start3A_1600 = arith.constant 0 : i32
      %dma_start3A_1601 = arith.constant 0 : i32
      %dma_start3A_1602 = tpu.memref_slice %arg7[%dma_start3A_1599, %dma_start3A_1600, %dma_start3A_1601] : memref<32x50x32xf32, #tpu.memory_space<vmem>> -> memref<1x50x32xf32, #tpu.memory_space<vmem>>
      %dma_start3A_1603 = tpu.memref_squeeze %dma_start3A_1602 : memref<1x50x32xf32, #tpu.memory_space<vmem>> -> memref<50x32xf32, #tpu.memory_space<vmem>>
      %dma_start3A_1604 = arith.constant 0 : i32
      %dma_start3A_1605 = tpu.memref_slice %arg5[%dma_start3A_1598, %dma_start3A_1604] : memref<32x50xi32, #tpu.memory_space<vmem>> -> memref<1x50xi32, #tpu.memory_space<vmem>>
      %dma_start3A_1606 = tpu.memref_squeeze %dma_start3A_1605 : memref<1x50xi32, #tpu.memory_space<vmem>> -> memref<50xi32, #tpu.memory_space<vmem>>
      %dma_start3A_1607 = arith.constant 0 : i32
      %dma_start3A_1608 = arith.constant 0 : i32
      %dma_start3A_1609 = tpu.memref_slice %arg3[%dma_start3A_1607, %dma_start3A_1608] : memref<1000000x32xf32, #tpu.memory_space<hbm>> -> memref<1000000x32xf32, #tpu.memory_space<hbm>>
      tpu.enqueue_indirect_dma source(%dma_start3A_1609 : memref<1000000x32xf32, #tpu.memory_space<hbm>>) target(%dma_start3A_1603 : memref<50x32xf32, #tpu.memory_space<vmem>>) offsets(%dma_start3A_1606 : memref<50xi32, #tpu.memory_space<vmem>>) semaphore(%arg9 : memref<!tpu.dma_semaphore, #tpu.memory_space<semaphore_mem>>)
      %dma_start3A_1610 = arith.constant 1 : i32
      %dma_start3A_1611 = arith.constant 1 : i32
      %dma_start3A_1612 = arith.constant 0 : i32
      %dma_start3A_1613 = arith.constant 0 : i32
      %dma_start3A_1614 = tpu.memref_slice %arg7[%dma_start3A_1611, %dma_start3A_1612, %dma_start3A_1613] : memref<32x50x32xf32, #tpu.memory_space<vmem>> -> memref<1x50x32xf32, #tpu.memory_space<vmem>>
      %dma_start3A_1615 = tpu.memref_squeeze %dma_start3A_1614 : memref<1x50x32xf32, #tpu.memory_space<vmem>> -> memref<50x32xf32, #tpu.memory_space<vmem>>
      %dma_start3A_1616 = arith.constant 0 : i32
      %dma_start3A_1617 = tpu.memref_slice %arg5[%dma_start3A_1610, %dma_start3A_1616] : memref<32x50xi32, #tpu.memory_space<vmem>> -> memref<1x50xi32, #tpu.memory_space<vmem>>
      %dma_start3A_1618 = tpu.memref_squeeze %dma_start3A_1617 : memref<1x50xi32, #tpu.memory_space<vmem>> -> memref<50xi32, #tpu.memory_space<vmem>>
      %dma_start3A_1619 = arith.constant 0 : i32
      %dma_start3A_1620 = arith.constant 0 : i32
      %dma_start3A_1621 = tpu.memref_slice %arg3[%dma_start3A_1619, %dma_start3A_1620] : memref<1000000x32xf32, #tpu.memory_space<hbm>> -> memref<1000000x32xf32, #tpu.memory_space<hbm>>
      tpu.enqueue_indirect_dma source(%dma_start3A_1621 : memref<1000000x32xf32, #tpu.memory_space<hbm>>) target(%dma_start3A_1615 : memref<50x32xf32, #tpu.memory_space<vmem>>) offsets(%dma_start3A_1618 : memref<50xi32, #tpu.memory_space<vmem>>) semaphore(%arg9 : memref<!tpu.dma_semaphore, #tpu.memory_space<semaphore_mem>>)
      %dma_start3A_1622 = arith.constant 2 : i32
      %dma_start3A_1623 = arith.constant 2 : i32
      %dma_start3A_1624 = arith.constant 0 : i32
      %dma_start3A_1625 = arith.constant 0 : i32
      %dma_start3A_1626 = tpu.memref_slice %arg7[%dma_start3A_1623, %dma_start3A_1624, %dma_start3A_1625] : memref<32x50x32xf32, #tpu.memory_space<vmem>> -> memref<1x50x32xf32, #tpu.memory_space<vmem>>
      %dma_start3A_1627 = tpu.memref_squeeze %dma_start3A_1626 : memref<1x50x32xf32, #tpu.memory_space<vmem>> -> memref<50x32xf32, #tpu.memory_space<vmem>>
      %dma_start3A_1628 = arith.constant 0 : i32
      %dma_start3A_1629 = tpu.memref_slice %arg5[%dma_start3A_1622, %dma_start3A_1628] : memref<32x50xi32, #tpu.memory_space<vmem>> -> memref<1x50xi32, #tpu.memory_space<vmem>>
      %dma_start3A_1630 = tpu.memref_squeeze %dma_start3A_1629 : memref<1x50xi32, #tpu.memory_space<vmem>> -> memref<50xi32, #tpu.memory_space<vmem>>
      %dma_start3A_1631 = arith.constant 0 : i32
      %dma_start3A_1632 = arith.constant 0 : i32
      %dma_start3A_1633 = tpu.memref_slice %arg3[%dma_start3A_1631, %dma_start3A_1632] : memref<1000000x32xf32, #tpu.memory_space<hbm>> -> memref<1000000x32xf32, #tpu.memory_space<hbm>>
      tpu.enqueue_indirect_dma source(%dma_start3A_1633 : memref<1000000x32xf32, #tpu.memory_space<hbm>>) target(%dma_start3A_1627 : memref<50x32xf32, #tpu.memory_space<vmem>>) offsets(%dma_start3A_1630 : memref<50xi32, #tpu.memory_space<vmem>>) semaphore(%arg9 : memref<!tpu.dma_semaphore, #tpu.memory_space<semaphore_mem>>)
      %dma_start3A_1634 = arith.constant 3 : i32
      %dma_start3A_1635 = arith.constant 3 : i32
      %dma_start3A_1636 = arith.constant 0 : i32
      %dma_start3A_1637 = arith.constant 0 : i32
      %dma_start3A_1638 = tpu.memref_slice %arg7[%dma_start3A_1635, %dma_start3A_1636, %dma_start3A_1637] : memref<32x50x32xf32, #tpu.memory_space<vmem>> -> memref<1x50x32xf32, #tpu.memory_space<vmem>>
      %dma_start3A_1639 = tpu.memref_squeeze %dma_start3A_1638 : memref<1x50x32xf32, #tpu.memory_space<vmem>> -> memref<50x32xf32, #tpu.memory_space<vmem>>
      %dma_start3A_1640 = arith.constant 0 : i32
      %dma_start3A_1641 = tpu.memref_slice %arg5[%dma_start3A_1634, %dma_start3A_1640] : memref<32x50xi32, #tpu.memory_space<vmem>> -> memref<1x50xi32, #tpu.memory_space<vmem>>
      %dma_start3A_1642 = tpu.memref_squeeze %dma_start3A_1641 : memref<1x50xi32, #tpu.memory_space<vmem>> -> memref<50xi32, #tpu.memory_space<vmem>>
      %dma_start3A_1643 = arith.constant 0 : i32
      %dma_start3A_1644 = arith.constant 0 : i32
      %dma_start3A_1645 = tpu.memref_slice %arg3[%dma_start3A_1643, %dma_start3A_1644] : memref<1000000x32xf32, #tpu.memory_space<hbm>> -> memref<1000000x32xf32, #tpu.memory_space<hbm>>
      tpu.enqueue_indirect_dma source(%dma_start3A_1645 : memref<1000000x32xf32, #tpu.memory_space<hbm>>) target(%dma_start3A_1639 : memref<50x32xf32, #tpu.memory_space<vmem>>) offsets(%dma_start3A_1642 : memref<50xi32, #tpu.memory_space<vmem>>) semaphore(%arg9 : memref<!tpu.dma_semaphore, #tpu.memory_space<semaphore_mem>>)
      %dma_start3A_1646 = arith.constant 4 : i32
      %dma_start3A_1647 = arith.constant 4 : i32
      %dma_start3A_1648 = arith.constant 0 : i32
      %dma_start3A_1649 = arith.constant 0 : i32
      %dma_start3A_1650 = tpu.memref_slice %arg7[%dma_start3A_1647, %dma_start3A_1648, %dma_start3A_1649] : memref<32x50x32xf32, #tpu.memory_space<vmem>> -> memref<1x50x32xf32, #tpu.memory_space<vmem>>
      %dma_start3A_1651 = tpu.memref_squeeze %dma_start3A_1650 : memref<1x50x32xf32, #tpu.memory_space<vmem>> -> memref<50x32xf32, #tpu.memory_space<vmem>>
      %dma_start3A_1652 = arith.constant 0 : i32
      %dma_start3A_1653 = tpu.memref_slice %arg5[%dma_start3A_1646, %dma_start3A_1652] : memref<32x50xi32, #tpu.memory_space<vmem>> -> memref<1x50xi32, #tpu.memory_space<vmem>>
      %dma_start3A_1654 = tpu.memref_squeeze %dma_start3A_1653 : memref<1x50xi32, #tpu.memory_space<vmem>> -> memref<50xi32, #tpu.memory_space<vmem>>
      %dma_start3A_1655 = arith.constant 0 : i32
      %dma_start3A_1656 = arith.constant 0 : i32
      %dma_start3A_1657 = tpu.memref_slice %arg3[%dma_start3A_1655, %dma_start3A_1656] : memref<1000000x32xf32, #tpu.memory_space<hbm>> -> memref<1000000x32xf32, #tpu.memory_space<hbm>>
      tpu.enqueue_indirect_dma source(%dma_start3A_1657 : memref<1000000x32xf32, #tpu.memory_space<hbm>>) target(%dma_start3A_1651 : memref<50x32xf32, #tpu.memory_space<vmem>>) offsets(%dma_start3A_1654 : memref<50xi32, #tpu.memory_space<vmem>>) semaphore(%arg9 : memref<!tpu.dma_semaphore, #tpu.memory_space<semaphore_mem>>)
      %dma_start3A_1658 = arith.constant 5 : i32
      %dma_start3A_1659 = arith.constant 5 : i32
      %dma_start3A_1660 = arith.constant 0 : i32
      %dma_start3A_1661 = arith.constant 0 : i32
      %dma_start3A_1662 = tpu.memref_slice %arg7[%dma_start3A_1659, %dma_start3A_1660, %dma_start3A_1661] : memref<32x50x32xf32, #tpu.memory_space<vmem>> -> memref<1x50x32xf32, #tpu.memory_space<vmem>>
      %dma_start3A_1663 = tpu.memref_squeeze %dma_start3A_1662 : memref<1x50x32xf32, #tpu.memory_space<vmem>> -> memref<50x32xf32, #tpu.memory_space<vmem>>
      %dma_start3A_1664 = arith.constant 0 : i32
      %dma_start3A_1665 = tpu.memref_slice %arg5[%dma_start3A_1658, %dma_start3A_1664] : memref<32x50xi32, #tpu.memory_space<vmem>> -> memref<1x50xi32, #tpu.memory_space<vmem>>
      %dma_start3A_1666 = tpu.memref_squeeze %dma_start3A_1665 : memref<1x50xi32, #tpu.memory_space<vmem>> -> memref<50xi32, #tpu.memory_space<vmem>>
      %dma_start3A_1667 = arith.constant 0 : i32
      %dma_start3A_1668 = arith.constant 0 : i32
      %dma_start3A_1669 = tpu.memref_slice %arg3[%dma_start3A_1667, %dma_start3A_1668] : memref<1000000x32xf32, #tpu.memory_space<hbm>> -> memref<1000000x32xf32, #tpu.memory_space<hbm>>
      tpu.enqueue_indirect_dma source(%dma_start3A_1669 : memref<1000000x32xf32, #tpu.memory_space<hbm>>) target(%dma_start3A_1663 : memref<50x32xf32, #tpu.memory_space<vmem>>) offsets(%dma_start3A_1666 : memref<50xi32, #tpu.memory_space<vmem>>) semaphore(%arg9 : memref<!tpu.dma_semaphore, #tpu.memory_space<semaphore_mem>>)
      %dma_start3A_1670 = arith.constant 6 : i32
      %dma_start3A_1671 = arith.constant 6 : i32
      %dma_start3A_1672 = arith.constant 0 : i32
      %dma_start3A_1673 = arith.constant 0 : i32
      %dma_start3A_1674 = tpu.memref_slice %arg7[%dma_start3A_1671, %dma_start3A_1672, %dma_start3A_1673] : memref<32x50x32xf32, #tpu.memory_space<vmem>> -> memref<1x50x32xf32, #tpu.memory_space<vmem>>
      %dma_start3A_1675 = tpu.memref_squeeze %dma_start3A_1674 : memref<1x50x32xf32, #tpu.memory_space<vmem>> -> memref<50x32xf32, #tpu.memory_space<vmem>>
      %dma_start3A_1676 = arith.constant 0 : i32
      %dma_start3A_1677 = tpu.memref_slice %arg5[%dma_start3A_1670, %dma_start3A_1676] : memref<32x50xi32, #tpu.memory_space<vmem>> -> memref<1x50xi32, #tpu.memory_space<vmem>>
      %dma_start3A_1678 = tpu.memref_squeeze %dma_start3A_1677 : memref<1x50xi32, #tpu.memory_space<vmem>> -> memref<50xi32, #tpu.memory_space<vmem>>
      %dma_start3A_1679 = arith.constant 0 : i32
      %dma_start3A_1680 = arith.constant 0 : i32
      %dma_start3A_1681 = tpu.memref_slice %arg3[%dma_start3A_1679, %dma_start3A_1680] : memref<1000000x32xf32, #tpu.memory_space<hbm>> -> memref<1000000x32xf32, #tpu.memory_space<hbm>>
      tpu.enqueue_indirect_dma source(%dma_start3A_1681 : memref<1000000x32xf32, #tpu.memory_space<hbm>>) target(%dma_start3A_1675 : memref<50x32xf32, #tpu.memory_space<vmem>>) offsets(%dma_start3A_1678 : memref<50xi32, #tpu.memory_space<vmem>>) semaphore(%arg9 : memref<!tpu.dma_semaphore, #tpu.memory_space<semaphore_mem>>)
      %dma_start3A_1682 = arith.constant 7 : i32
      %dma_start3A_1683 = arith.constant 7 : i32
      %dma_start3A_1684 = arith.constant 0 : i32
      %dma_start3A_1685 = arith.constant 0 : i32
      %dma_start3A_1686 = tpu.memref_slice %arg7[%dma_start3A_1683, %dma_start3A_1684, %dma_start3A_1685] : memref<32x50x32xf32, #tpu.memory_space<vmem>> -> memref<1x50x32xf32, #tpu.memory_space<vmem>>
      %dma_start3A_1687 = tpu.memref_squeeze %dma_start3A_1686 : memref<1x50x32xf32, #tpu.memory_space<vmem>> -> memref<50x32xf32, #tpu.memory_space<vmem>>
      %dma_start3A_1688 = arith.constant 0 : i32
      %dma_start3A_1689 = tpu.memref_slice %arg5[%dma_start3A_1682, %dma_start3A_1688] : memref<32x50xi32, #tpu.memory_space<vmem>> -> memref<1x50xi32, #tpu.memory_space<vmem>>
      %dma_start3A_1690 = tpu.memref_squeeze %dma_start3A_1689 : memref<1x50xi32, #tpu.memory_space<vmem>> -> memref<50xi32, #tpu.memory_space<vmem>>
      %dma_start3A_1691 = arith.constant 0 : i32
      %dma_start3A_1692 = arith.constant 0 : i32
      %dma_start3A_1693 = tpu.memref_slice %arg3[%dma_start3A_1691, %dma_start3A_1692] : memref<1000000x32xf32, #tpu.memory_space<hbm>> -> memref<1000000x32xf32, #tpu.memory_space<hbm>>
      tpu.enqueue_indirect_dma source(%dma_start3A_1693 : memref<1000000x32xf32, #tpu.memory_space<hbm>>) target(%dma_start3A_1687 : memref<50x32xf32, #tpu.memory_space<vmem>>) offsets(%dma_start3A_1690 : memref<50xi32, #tpu.memory_space<vmem>>) semaphore(%arg9 : memref<!tpu.dma_semaphore, #tpu.memory_space<semaphore_mem>>)
      %dma_start3A_1694 = arith.constant 8 : i32
      %dma_start3A_1695 = arith.constant 8 : i32
      %dma_start3A_1696 = arith.constant 0 : i32
      %dma_start3A_1697 = arith.constant 0 : i32
      %dma_start3A_1698 = tpu.memref_slice %arg7[%dma_start3A_1695, %dma_start3A_1696, %dma_start3A_1697] : memref<32x50x32xf32, #tpu.memory_space<vmem>> -> memref<1x50x32xf32, #tpu.memory_space<vmem>>
      %dma_start3A_1699 = tpu.memref_squeeze %dma_start3A_1698 : memref<1x50x32xf32, #tpu.memory_space<vmem>> -> memref<50x32xf32, #tpu.memory_space<vmem>>
      %dma_start3A_1700 = arith.constant 0 : i32
      %dma_start3A_1701 = tpu.memref_slice %arg5[%dma_start3A_1694, %dma_start3A_1700] : memref<32x50xi32, #tpu.memory_space<vmem>> -> memref<1x50xi32, #tpu.memory_space<vmem>>
      %dma_start3A_1702 = tpu.memref_squeeze %dma_start3A_1701 : memref<1x50xi32, #tpu.memory_space<vmem>> -> memref<50xi32, #tpu.memory_space<vmem>>
      %dma_start3A_1703 = arith.constant 0 : i32
      %dma_start3A_1704 = arith.constant 0 : i32
      %dma_start3A_1705 = tpu.memref_slice %arg3[%dma_start3A_1703, %dma_start3A_1704] : memref<1000000x32xf32, #tpu.memory_space<hbm>> -> memref<1000000x32xf32, #tpu.memory_space<hbm>>
      tpu.enqueue_indirect_dma source(%dma_start3A_1705 : memref<1000000x32xf32, #tpu.memory_space<hbm>>) target(%dma_start3A_1699 : memref<50x32xf32, #tpu.memory_space<vmem>>) offsets(%dma_start3A_1702 : memref<50xi32, #tpu.memory_space<vmem>>) semaphore(%arg9 : memref<!tpu.dma_semaphore, #tpu.memory_space<semaphore_mem>>)
      %dma_start3A_1706 = arith.constant 9 : i32
      %dma_start3A_1707 = arith.constant 9 : i32
      %dma_start3A_1708 = arith.constant 0 : i32
      %dma_start3A_1709 = arith.constant 0 : i32
      %dma_start3A_1710 = tpu.memref_slice %arg7[%dma_start3A_1707, %dma_start3A_1708, %dma_start3A_1709] : memref<32x50x32xf32, #tpu.memory_space<vmem>> -> memref<1x50x32xf32, #tpu.memory_space<vmem>>
      %dma_start3A_1711 = tpu.memref_squeeze %dma_start3A_1710 : memref<1x50x32xf32, #tpu.memory_space<vmem>> -> memref<50x32xf32, #tpu.memory_space<vmem>>
      %dma_start3A_1712 = arith.constant 0 : i32
      %dma_start3A_1713 = tpu.memref_slice %arg5[%dma_start3A_1706, %dma_start3A_1712] : memref<32x50xi32, #tpu.memory_space<vmem>> -> memref<1x50xi32, #tpu.memory_space<vmem>>
      %dma_start3A_1714 = tpu.memref_squeeze %dma_start3A_1713 : memref<1x50xi32, #tpu.memory_space<vmem>> -> memref<50xi32, #tpu.memory_space<vmem>>
      %dma_start3A_1715 = arith.constant 0 : i32
      %dma_start3A_1716 = arith.constant 0 : i32
      %dma_start3A_1717 = tpu.memref_slice %arg3[%dma_start3A_1715, %dma_start3A_1716] : memref<1000000x32xf32, #tpu.memory_space<hbm>> -> memref<1000000x32xf32, #tpu.memory_space<hbm>>
      tpu.enqueue_indirect_dma source(%dma_start3A_1717 : memref<1000000x32xf32, #tpu.memory_space<hbm>>) target(%dma_start3A_1711 : memref<50x32xf32, #tpu.memory_space<vmem>>) offsets(%dma_start3A_1714 : memref<50xi32, #tpu.memory_space<vmem>>) semaphore(%arg9 : memref<!tpu.dma_semaphore, #tpu.memory_space<semaphore_mem>>)
      %dma_start3A_1718 = arith.constant 10 : i32
      %dma_start3A_1719 = arith.constant 10 : i32
      %dma_start3A_1720 = arith.constant 0 : i32
      %dma_start3A_1721 = arith.constant 0 : i32
      %dma_start3A_1722 = tpu.memref_slice %arg7[%dma_start3A_1719, %dma_start3A_1720, %dma_start3A_1721] : memref<32x50x32xf32, #tpu.memory_space<vmem>> -> memref<1x50x32xf32, #tpu.memory_space<vmem>>
      %dma_start3A_1723 = tpu.memref_squeeze %dma_start3A_1722 : memref<1x50x32xf32, #tpu.memory_space<vmem>> -> memref<50x32xf32, #tpu.memory_space<vmem>>
      %dma_start3A_1724 = arith.constant 0 : i32
      %dma_start3A_1725 = tpu.memref_slice %arg5[%dma_start3A_1718, %dma_start3A_1724] : memref<32x50xi32, #tpu.memory_space<vmem>> -> memref<1x50xi32, #tpu.memory_space<vmem>>
      %dma_start3A_1726 = tpu.memref_squeeze %dma_start3A_1725 : memref<1x50xi32, #tpu.memory_space<vmem>> -> memref<50xi32, #tpu.memory_space<vmem>>
      %dma_start3A_1727 = arith.constant 0 : i32
      %dma_start3A_1728 = arith.constant 0 : i32
      %dma_start3A_1729 = tpu.memref_slice %arg3[%dma_start3A_1727, %dma_start3A_1728] : memref<1000000x32xf32, #tpu.memory_space<hbm>> -> memref<1000000x32xf32, #tpu.memory_space<hbm>>
      tpu.enqueue_indirect_dma source(%dma_start3A_1729 : memref<1000000x32xf32, #tpu.memory_space<hbm>>) target(%dma_start3A_1723 : memref<50x32xf32, #tpu.memory_space<vmem>>) offsets(%dma_start3A_1726 : memref<50xi32, #tpu.memory_space<vmem>>) semaphore(%arg9 : memref<!tpu.dma_semaphore, #tpu.memory_space<semaphore_mem>>)
      %dma_start3A_1730 = arith.constant 11 : i32
      %dma_start3A_1731 = arith.constant 11 : i32
      %dma_start3A_1732 = arith.constant 0 : i32
      %dma_start3A_1733 = arith.constant 0 : i32
      %dma_start3A_1734 = tpu.memref_slice %arg7[%dma_start3A_1731, %dma_start3A_1732, %dma_start3A_1733] : memref<32x50x32xf32, #tpu.memory_space<vmem>> -> memref<1x50x32xf32, #tpu.memory_space<vmem>>
      %dma_start3A_1735 = tpu.memref_squeeze %dma_start3A_1734 : memref<1x50x32xf32, #tpu.memory_space<vmem>> -> memref<50x32xf32, #tpu.memory_space<vmem>>
      %dma_start3A_1736 = arith.constant 0 : i32
      %dma_start3A_1737 = tpu.memref_slice %arg5[%dma_start3A_1730, %dma_start3A_1736] : memref<32x50xi32, #tpu.memory_space<vmem>> -> memref<1x50xi32, #tpu.memory_space<vmem>>
      %dma_start3A_1738 = tpu.memref_squeeze %dma_start3A_1737 : memref<1x50xi32, #tpu.memory_space<vmem>> -> memref<50xi32, #tpu.memory_space<vmem>>
      %dma_start3A_1739 = arith.constant 0 : i32
      %dma_start3A_1740 = arith.constant 0 : i32
      %dma_start3A_1741 = tpu.memref_slice %arg3[%dma_start3A_1739, %dma_start3A_1740] : memref<1000000x32xf32, #tpu.memory_space<hbm>> -> memref<1000000x32xf32, #tpu.memory_space<hbm>>
      tpu.enqueue_indirect_dma source(%dma_start3A_1741 : memref<1000000x32xf32, #tpu.memory_space<hbm>>) target(%dma_start3A_1735 : memref<50x32xf32, #tpu.memory_space<vmem>>) offsets(%dma_start3A_1738 : memref<50xi32, #tpu.memory_space<vmem>>) semaphore(%arg9 : memref<!tpu.dma_semaphore, #tpu.memory_space<semaphore_mem>>)
      %dma_start3A_1742 = arith.constant 12 : i32
      %dma_start3A_1743 = arith.constant 12 : i32
      %dma_start3A_1744 = arith.constant 0 : i32
      %dma_start3A_1745 = arith.constant 0 : i32
      %dma_start3A_1746 = tpu.memref_slice %arg7[%dma_start3A_1743, %dma_start3A_1744, %dma_start3A_1745] : memref<32x50x32xf32, #tpu.memory_space<vmem>> -> memref<1x50x32xf32, #tpu.memory_space<vmem>>
      %dma_start3A_1747 = tpu.memref_squeeze %dma_start3A_1746 : memref<1x50x32xf32, #tpu.memory_space<vmem>> -> memref<50x32xf32, #tpu.memory_space<vmem>>
      %dma_start3A_1748 = arith.constant 0 : i32
      %dma_start3A_1749 = tpu.memref_slice %arg5[%dma_start3A_1742, %dma_start3A_1748] : memref<32x50xi32, #tpu.memory_space<vmem>> -> memref<1x50xi32, #tpu.memory_space<vmem>>
      %dma_start3A_1750 = tpu.memref_squeeze %dma_start3A_1749 : memref<1x50xi32, #tpu.memory_space<vmem>> -> memref<50xi32, #tpu.memory_space<vmem>>
      %dma_start3A_1751 = arith.constant 0 : i32
      %dma_start3A_1752 = arith.constant 0 : i32
      %dma_start3A_1753 = tpu.memref_slice %arg3[%dma_start3A_1751, %dma_start3A_1752] : memref<1000000x32xf32, #tpu.memory_space<hbm>> -> memref<1000000x32xf32, #tpu.memory_space<hbm>>
      tpu.enqueue_indirect_dma source(%dma_start3A_1753 : memref<1000000x32xf32, #tpu.memory_space<hbm>>) target(%dma_start3A_1747 : memref<50x32xf32, #tpu.memory_space<vmem>>) offsets(%dma_start3A_1750 : memref<50xi32, #tpu.memory_space<vmem>>) semaphore(%arg9 : memref<!tpu.dma_semaphore, #tpu.memory_space<semaphore_mem>>)
      %dma_start3A_1754 = arith.constant 13 : i32
      %dma_start3A_1755 = arith.constant 13 : i32
      %dma_start3A_1756 = arith.constant 0 : i32
      %dma_start3A_1757 = arith.constant 0 : i32
      %dma_start3A_1758 = tpu.memref_slice %arg7[%dma_start3A_1755, %dma_start3A_1756, %dma_start3A_1757] : memref<32x50x32xf32, #tpu.memory_space<vmem>> -> memref<1x50x32xf32, #tpu.memory_space<vmem>>
      %dma_start3A_1759 = tpu.memref_squeeze %dma_start3A_1758 : memref<1x50x32xf32, #tpu.memory_space<vmem>> -> memref<50x32xf32, #tpu.memory_space<vmem>>
      %dma_start3A_1760 = arith.constant 0 : i32
      %dma_start3A_1761 = tpu.memref_slice %arg5[%dma_start3A_1754, %dma_start3A_1760] : memref<32x50xi32, #tpu.memory_space<vmem>> -> memref<1x50xi32, #tpu.memory_space<vmem>>
      %dma_start3A_1762 = tpu.memref_squeeze %dma_start3A_1761 : memref<1x50xi32, #tpu.memory_space<vmem>> -> memref<50xi32, #tpu.memory_space<vmem>>
      %dma_start3A_1763 = arith.constant 0 : i32
      %dma_start3A_1764 = arith.constant 0 : i32
      %dma_start3A_1765 = tpu.memref_slice %arg3[%dma_start3A_1763, %dma_start3A_1764] : memref<1000000x32xf32, #tpu.memory_space<hbm>> -> memref<1000000x32xf32, #tpu.memory_space<hbm>>
      tpu.enqueue_indirect_dma source(%dma_start3A_1765 : memref<1000000x32xf32, #tpu.memory_space<hbm>>) target(%dma_start3A_1759 : memref<50x32xf32, #tpu.memory_space<vmem>>) offsets(%dma_start3A_1762 : memref<50xi32, #tpu.memory_space<vmem>>) semaphore(%arg9 : memref<!tpu.dma_semaphore, #tpu.memory_space<semaphore_mem>>)
      %dma_start3A_1766 = arith.constant 14 : i32
      %dma_start3A_1767 = arith.constant 14 : i32
      %dma_start3A_1768 = arith.constant 0 : i32
      %dma_start3A_1769 = arith.constant 0 : i32
      %dma_start3A_1770 = tpu.memref_slice %arg7[%dma_start3A_1767, %dma_start3A_1768, %dma_start3A_1769] : memref<32x50x32xf32, #tpu.memory_space<vmem>> -> memref<1x50x32xf32, #tpu.memory_space<vmem>>
      %dma_start3A_1771 = tpu.memref_squeeze %dma_start3A_1770 : memref<1x50x32xf32, #tpu.memory_space<vmem>> -> memref<50x32xf32, #tpu.memory_space<vmem>>
      %dma_start3A_1772 = arith.constant 0 : i32
      %dma_start3A_1773 = tpu.memref_slice %arg5[%dma_start3A_1766, %dma_start3A_1772] : memref<32x50xi32, #tpu.memory_space<vmem>> -> memref<1x50xi32, #tpu.memory_space<vmem>>
      %dma_start3A_1774 = tpu.memref_squeeze %dma_start3A_1773 : memref<1x50xi32, #tpu.memory_space<vmem>> -> memref<50xi32, #tpu.memory_space<vmem>>
      %dma_start3A_1775 = arith.constant 0 : i32
      %dma_start3A_1776 = arith.constant 0 : i32
      %dma_start3A_1777 = tpu.memref_slice %arg3[%dma_start3A_1775, %dma_start3A_1776] : memref<1000000x32xf32, #tpu.memory_space<hbm>> -> memref<1000000x32xf32, #tpu.memory_space<hbm>>
      tpu.enqueue_indirect_dma source(%dma_start3A_1777 : memref<1000000x32xf32, #tpu.memory_space<hbm>>) target(%dma_start3A_1771 : memref<50x32xf32, #tpu.memory_space<vmem>>) offsets(%dma_start3A_1774 : memref<50xi32, #tpu.memory_space<vmem>>) semaphore(%arg9 : memref<!tpu.dma_semaphore, #tpu.memory_space<semaphore_mem>>)
      %dma_start3A_1778 = arith.constant 15 : i32
      %dma_start3A_1779 = arith.constant 15 : i32
      %dma_start3A_1780 = arith.constant 0 : i32
      %dma_start3A_1781 = arith.constant 0 : i32
      %dma_start3A_1782 = tpu.memref_slice %arg7[%dma_start3A_1779, %dma_start3A_1780, %dma_start3A_1781] : memref<32x50x32xf32, #tpu.memory_space<vmem>> -> memref<1x50x32xf32, #tpu.memory_space<vmem>>
      %dma_start3A_1783 = tpu.memref_squeeze %dma_start3A_1782 : memref<1x50x32xf32, #tpu.memory_space<vmem>> -> memref<50x32xf32, #tpu.memory_space<vmem>>
      %dma_start3A_1784 = arith.constant 0 : i32
      %dma_start3A_1785 = tpu.memref_slice %arg5[%dma_start3A_1778, %dma_start3A_1784] : memref<32x50xi32, #tpu.memory_space<vmem>> -> memref<1x50xi32, #tpu.memory_space<vmem>>
      %dma_start3A_1786 = tpu.memref_squeeze %dma_start3A_1785 : memref<1x50xi32, #tpu.memory_space<vmem>> -> memref<50xi32, #tpu.memory_space<vmem>>
      %dma_start3A_1787 = arith.constant 0 : i32
      %dma_start3A_1788 = arith.constant 0 : i32
      %dma_start3A_1789 = tpu.memref_slice %arg3[%dma_start3A_1787, %dma_start3A_1788] : memref<1000000x32xf32, #tpu.memory_space<hbm>> -> memref<1000000x32xf32, #tpu.memory_space<hbm>>
      tpu.enqueue_indirect_dma source(%dma_start3A_1789 : memref<1000000x32xf32, #tpu.memory_space<hbm>>) target(%dma_start3A_1783 : memref<50x32xf32, #tpu.memory_space<vmem>>) offsets(%dma_start3A_1786 : memref<50xi32, #tpu.memory_space<vmem>>) semaphore(%arg9 : memref<!tpu.dma_semaphore, #tpu.memory_space<semaphore_mem>>)
      %dma_start3A_1790 = arith.constant 16 : i32
      %dma_start3A_1791 = arith.constant 16 : i32
      %dma_start3A_1792 = arith.constant 0 : i32
      %dma_start3A_1793 = arith.constant 0 : i32
      %dma_start3A_1794 = tpu.memref_slice %arg7[%dma_start3A_1791, %dma_start3A_1792, %dma_start3A_1793] : memref<32x50x32xf32, #tpu.memory_space<vmem>> -> memref<1x50x32xf32, #tpu.memory_space<vmem>>
      %dma_start3A_1795 = tpu.memref_squeeze %dma_start3A_1794 : memref<1x50x32xf32, #tpu.memory_space<vmem>> -> memref<50x32xf32, #tpu.memory_space<vmem>>
      %dma_start3A_1796 = arith.constant 0 : i32
      %dma_start3A_1797 = tpu.memref_slice %arg5[%dma_start3A_1790, %dma_start3A_1796] : memref<32x50xi32, #tpu.memory_space<vmem>> -> memref<1x50xi32, #tpu.memory_space<vmem>>
      %dma_start3A_1798 = tpu.memref_squeeze %dma_start3A_1797 : memref<1x50xi32, #tpu.memory_space<vmem>> -> memref<50xi32, #tpu.memory_space<vmem>>
      %dma_start3A_1799 = arith.constant 0 : i32
      %dma_start3A_1800 = arith.constant 0 : i32
      %dma_start3A_1801 = tpu.memref_slice %arg3[%dma_start3A_1799, %dma_start3A_1800] : memref<1000000x32xf32, #tpu.memory_space<hbm>> -> memref<1000000x32xf32, #tpu.memory_space<hbm>>
      tpu.enqueue_indirect_dma source(%dma_start3A_1801 : memref<1000000x32xf32, #tpu.memory_space<hbm>>) target(%dma_start3A_1795 : memref<50x32xf32, #tpu.memory_space<vmem>>) offsets(%dma_start3A_1798 : memref<50xi32, #tpu.memory_space<vmem>>) semaphore(%arg9 : memref<!tpu.dma_semaphore, #tpu.memory_space<semaphore_mem>>)
      %dma_start3A_1802 = arith.constant 17 : i32
      %dma_start3A_1803 = arith.constant 17 : i32
      %dma_start3A_1804 = arith.constant 0 : i32
      %dma_start3A_1805 = arith.constant 0 : i32
      %dma_start3A_1806 = tpu.memref_slice %arg7[%dma_start3A_1803, %dma_start3A_1804, %dma_start3A_1805] : memref<32x50x32xf32, #tpu.memory_space<vmem>> -> memref<1x50x32xf32, #tpu.memory_space<vmem>>
      %dma_start3A_1807 = tpu.memref_squeeze %dma_start3A_1806 : memref<1x50x32xf32, #tpu.memory_space<vmem>> -> memref<50x32xf32, #tpu.memory_space<vmem>>
      %dma_start3A_1808 = arith.constant 0 : i32
      %dma_start3A_1809 = tpu.memref_slice %arg5[%dma_start3A_1802, %dma_start3A_1808] : memref<32x50xi32, #tpu.memory_space<vmem>> -> memref<1x50xi32, #tpu.memory_space<vmem>>
      %dma_start3A_1810 = tpu.memref_squeeze %dma_start3A_1809 : memref<1x50xi32, #tpu.memory_space<vmem>> -> memref<50xi32, #tpu.memory_space<vmem>>
      %dma_start3A_1811 = arith.constant 0 : i32
      %dma_start3A_1812 = arith.constant 0 : i32
      %dma_start3A_1813 = tpu.memref_slice %arg3[%dma_start3A_1811, %dma_start3A_1812] : memref<1000000x32xf32, #tpu.memory_space<hbm>> -> memref<1000000x32xf32, #tpu.memory_space<hbm>>
      tpu.enqueue_indirect_dma source(%dma_start3A_1813 : memref<1000000x32xf32, #tpu.memory_space<hbm>>) target(%dma_start3A_1807 : memref<50x32xf32, #tpu.memory_space<vmem>>) offsets(%dma_start3A_1810 : memref<50xi32, #tpu.memory_space<vmem>>) semaphore(%arg9 : memref<!tpu.dma_semaphore, #tpu.memory_space<semaphore_mem>>)
      %dma_start3A_1814 = arith.constant 18 : i32
      %dma_start3A_1815 = arith.constant 18 : i32
      %dma_start3A_1816 = arith.constant 0 : i32
      %dma_start3A_1817 = arith.constant 0 : i32
      %dma_start3A_1818 = tpu.memref_slice %arg7[%dma_start3A_1815, %dma_start3A_1816, %dma_start3A_1817] : memref<32x50x32xf32, #tpu.memory_space<vmem>> -> memref<1x50x32xf32, #tpu.memory_space<vmem>>
      %dma_start3A_1819 = tpu.memref_squeeze %dma_start3A_1818 : memref<1x50x32xf32, #tpu.memory_space<vmem>> -> memref<50x32xf32, #tpu.memory_space<vmem>>
      %dma_start3A_1820 = arith.constant 0 : i32
      %dma_start3A_1821 = tpu.memref_slice %arg5[%dma_start3A_1814, %dma_start3A_1820] : memref<32x50xi32, #tpu.memory_space<vmem>> -> memref<1x50xi32, #tpu.memory_space<vmem>>
      %dma_start3A_1822 = tpu.memref_squeeze %dma_start3A_1821 : memref<1x50xi32, #tpu.memory_space<vmem>> -> memref<50xi32, #tpu.memory_space<vmem>>
      %dma_start3A_1823 = arith.constant 0 : i32
      %dma_start3A_1824 = arith.constant 0 : i32
      %dma_start3A_1825 = tpu.memref_slice %arg3[%dma_start3A_1823, %dma_start3A_1824] : memref<1000000x32xf32, #tpu.memory_space<hbm>> -> memref<1000000x32xf32, #tpu.memory_space<hbm>>
      tpu.enqueue_indirect_dma source(%dma_start3A_1825 : memref<1000000x32xf32, #tpu.memory_space<hbm>>) target(%dma_start3A_1819 : memref<50x32xf32, #tpu.memory_space<vmem>>) offsets(%dma_start3A_1822 : memref<50xi32, #tpu.memory_space<vmem>>) semaphore(%arg9 : memref<!tpu.dma_semaphore, #tpu.memory_space<semaphore_mem>>)
      %dma_start3A_1826 = arith.constant 19 : i32
      %dma_start3A_1827 = arith.constant 19 : i32
      %dma_start3A_1828 = arith.constant 0 : i32
      %dma_start3A_1829 = arith.constant 0 : i32
      %dma_start3A_1830 = tpu.memref_slice %arg7[%dma_start3A_1827, %dma_start3A_1828, %dma_start3A_1829] : memref<32x50x32xf32, #tpu.memory_space<vmem>> -> memref<1x50x32xf32, #tpu.memory_space<vmem>>
      %dma_start3A_1831 = tpu.memref_squeeze %dma_start3A_1830 : memref<1x50x32xf32, #tpu.memory_space<vmem>> -> memref<50x32xf32, #tpu.memory_space<vmem>>
      %dma_start3A_1832 = arith.constant 0 : i32
      %dma_start3A_1833 = tpu.memref_slice %arg5[%dma_start3A_1826, %dma_start3A_1832] : memref<32x50xi32, #tpu.memory_space<vmem>> -> memref<1x50xi32, #tpu.memory_space<vmem>>
      %dma_start3A_1834 = tpu.memref_squeeze %dma_start3A_1833 : memref<1x50xi32, #tpu.memory_space<vmem>> -> memref<50xi32, #tpu.memory_space<vmem>>
      %dma_start3A_1835 = arith.constant 0 : i32
      %dma_start3A_1836 = arith.constant 0 : i32
      %dma_start3A_1837 = tpu.memref_slice %arg3[%dma_start3A_1835, %dma_start3A_1836] : memref<1000000x32xf32, #tpu.memory_space<hbm>> -> memref<1000000x32xf32, #tpu.memory_space<hbm>>
      tpu.enqueue_indirect_dma source(%dma_start3A_1837 : memref<1000000x32xf32, #tpu.memory_space<hbm>>) target(%dma_start3A_1831 : memref<50x32xf32, #tpu.memory_space<vmem>>) offsets(%dma_start3A_1834 : memref<50xi32, #tpu.memory_space<vmem>>) semaphore(%arg9 : memref<!tpu.dma_semaphore, #tpu.memory_space<semaphore_mem>>)
      %dma_start3A_1838 = arith.constant 20 : i32
      %dma_start3A_1839 = arith.constant 20 : i32
      %dma_start3A_1840 = arith.constant 0 : i32
      %dma_start3A_1841 = arith.constant 0 : i32
      %dma_start3A_1842 = tpu.memref_slice %arg7[%dma_start3A_1839, %dma_start3A_1840, %dma_start3A_1841] : memref<32x50x32xf32, #tpu.memory_space<vmem>> -> memref<1x50x32xf32, #tpu.memory_space<vmem>>
      %dma_start3A_1843 = tpu.memref_squeeze %dma_start3A_1842 : memref<1x50x32xf32, #tpu.memory_space<vmem>> -> memref<50x32xf32, #tpu.memory_space<vmem>>
      %dma_start3A_1844 = arith.constant 0 : i32
      %dma_start3A_1845 = tpu.memref_slice %arg5[%dma_start3A_1838, %dma_start3A_1844] : memref<32x50xi32, #tpu.memory_space<vmem>> -> memref<1x50xi32, #tpu.memory_space<vmem>>
      %dma_start3A_1846 = tpu.memref_squeeze %dma_start3A_1845 : memref<1x50xi32, #tpu.memory_space<vmem>> -> memref<50xi32, #tpu.memory_space<vmem>>
      %dma_start3A_1847 = arith.constant 0 : i32
      %dma_start3A_1848 = arith.constant 0 : i32
      %dma_start3A_1849 = tpu.memref_slice %arg3[%dma_start3A_1847, %dma_start3A_1848] : memref<1000000x32xf32, #tpu.memory_space<hbm>> -> memref<1000000x32xf32, #tpu.memory_space<hbm>>
      tpu.enqueue_indirect_dma source(%dma_start3A_1849 : memref<1000000x32xf32, #tpu.memory_space<hbm>>) target(%dma_start3A_1843 : memref<50x32xf32, #tpu.memory_space<vmem>>) offsets(%dma_start3A_1846 : memref<50xi32, #tpu.memory_space<vmem>>) semaphore(%arg9 : memref<!tpu.dma_semaphore, #tpu.memory_space<semaphore_mem>>)
      %dma_start3A_1850 = arith.constant 21 : i32
      %dma_start3A_1851 = arith.constant 21 : i32
      %dma_start3A_1852 = arith.constant 0 : i32
      %dma_start3A_1853 = arith.constant 0 : i32
      %dma_start3A_1854 = tpu.memref_slice %arg7[%dma_start3A_1851, %dma_start3A_1852, %dma_start3A_1853] : memref<32x50x32xf32, #tpu.memory_space<vmem>> -> memref<1x50x32xf32, #tpu.memory_space<vmem>>
      %dma_start3A_1855 = tpu.memref_squeeze %dma_start3A_1854 : memref<1x50x32xf32, #tpu.memory_space<vmem>> -> memref<50x32xf32, #tpu.memory_space<vmem>>
      %dma_start3A_1856 = arith.constant 0 : i32
      %dma_start3A_1857 = tpu.memref_slice %arg5[%dma_start3A_1850, %dma_start3A_1856] : memref<32x50xi32, #tpu.memory_space<vmem>> -> memref<1x50xi32, #tpu.memory_space<vmem>>
      %dma_start3A_1858 = tpu.memref_squeeze %dma_start3A_1857 : memref<1x50xi32, #tpu.memory_space<vmem>> -> memref<50xi32, #tpu.memory_space<vmem>>
      %dma_start3A_1859 = arith.constant 0 : i32
      %dma_start3A_1860 = arith.constant 0 : i32
      %dma_start3A_1861 = tpu.memref_slice %arg3[%dma_start3A_1859, %dma_start3A_1860] : memref<1000000x32xf32, #tpu.memory_space<hbm>> -> memref<1000000x32xf32, #tpu.memory_space<hbm>>
      tpu.enqueue_indirect_dma source(%dma_start3A_1861 : memref<1000000x32xf32, #tpu.memory_space<hbm>>) target(%dma_start3A_1855 : memref<50x32xf32, #tpu.memory_space<vmem>>) offsets(%dma_start3A_1858 : memref<50xi32, #tpu.memory_space<vmem>>) semaphore(%arg9 : memref<!tpu.dma_semaphore, #tpu.memory_space<semaphore_mem>>)
      %dma_start3A_1862 = arith.constant 22 : i32
      %dma_start3A_1863 = arith.constant 22 : i32
      %dma_start3A_1864 = arith.constant 0 : i32
      %dma_start3A_1865 = arith.constant 0 : i32
      %dma_start3A_1866 = tpu.memref_slice %arg7[%dma_start3A_1863, %dma_start3A_1864, %dma_start3A_1865] : memref<32x50x32xf32, #tpu.memory_space<vmem>> -> memref<1x50x32xf32, #tpu.memory_space<vmem>>
      %dma_start3A_1867 = tpu.memref_squeeze %dma_start3A_1866 : memref<1x50x32xf32, #tpu.memory_space<vmem>> -> memref<50x32xf32, #tpu.memory_space<vmem>>
      %dma_start3A_1868 = arith.constant 0 : i32
      %dma_start3A_1869 = tpu.memref_slice %arg5[%dma_start3A_1862, %dma_start3A_1868] : memref<32x50xi32, #tpu.memory_space<vmem>> -> memref<1x50xi32, #tpu.memory_space<vmem>>
      %dma_start3A_1870 = tpu.memref_squeeze %dma_start3A_1869 : memref<1x50xi32, #tpu.memory_space<vmem>> -> memref<50xi32, #tpu.memory_space<vmem>>
      %dma_start3A_1871 = arith.constant 0 : i32
      %dma_start3A_1872 = arith.constant 0 : i32
      %dma_start3A_1873 = tpu.memref_slice %arg3[%dma_start3A_1871, %dma_start3A_1872] : memref<1000000x32xf32, #tpu.memory_space<hbm>> -> memref<1000000x32xf32, #tpu.memory_space<hbm>>
      tpu.enqueue_indirect_dma source(%dma_start3A_1873 : memref<1000000x32xf32, #tpu.memory_space<hbm>>) target(%dma_start3A_1867 : memref<50x32xf32, #tpu.memory_space<vmem>>) offsets(%dma_start3A_1870 : memref<50xi32, #tpu.memory_space<vmem>>) semaphore(%arg9 : memref<!tpu.dma_semaphore, #tpu.memory_space<semaphore_mem>>)
      %dma_start3A_1874 = arith.constant 23 : i32
      %dma_start3A_1875 = arith.constant 23 : i32
      %dma_start3A_1876 = arith.constant 0 : i32
      %dma_start3A_1877 = arith.constant 0 : i32
      %dma_start3A_1878 = tpu.memref_slice %arg7[%dma_start3A_1875, %dma_start3A_1876, %dma_start3A_1877] : memref<32x50x32xf32, #tpu.memory_space<vmem>> -> memref<1x50x32xf32, #tpu.memory_space<vmem>>
      %dma_start3A_1879 = tpu.memref_squeeze %dma_start3A_1878 : memref<1x50x32xf32, #tpu.memory_space<vmem>> -> memref<50x32xf32, #tpu.memory_space<vmem>>
      %dma_start3A_1880 = arith.constant 0 : i32
      %dma_start3A_1881 = tpu.memref_slice %arg5[%dma_start3A_1874, %dma_start3A_1880] : memref<32x50xi32, #tpu.memory_space<vmem>> -> memref<1x50xi32, #tpu.memory_space<vmem>>
      %dma_start3A_1882 = tpu.memref_squeeze %dma_start3A_1881 : memref<1x50xi32, #tpu.memory_space<vmem>> -> memref<50xi32, #tpu.memory_space<vmem>>
      %dma_start3A_1883 = arith.constant 0 : i32
      %dma_start3A_1884 = arith.constant 0 : i32
      %dma_start3A_1885 = tpu.memref_slice %arg3[%dma_start3A_1883, %dma_start3A_1884] : memref<1000000x32xf32, #tpu.memory_space<hbm>> -> memref<1000000x32xf32, #tpu.memory_space<hbm>>
      tpu.enqueue_indirect_dma source(%dma_start3A_1885 : memref<1000000x32xf32, #tpu.memory_space<hbm>>) target(%dma_start3A_1879 : memref<50x32xf32, #tpu.memory_space<vmem>>) offsets(%dma_start3A_1882 : memref<50xi32, #tpu.memory_space<vmem>>) semaphore(%arg9 : memref<!tpu.dma_semaphore, #tpu.memory_space<semaphore_mem>>)
      %dma_start3A_1886 = arith.constant 24 : i32
      %dma_start3A_1887 = arith.constant 24 : i32
      %dma_start3A_1888 = arith.constant 0 : i32
      %dma_start3A_1889 = arith.constant 0 : i32
      %dma_start3A_1890 = tpu.memref_slice %arg7[%dma_start3A_1887, %dma_start3A_1888, %dma_start3A_1889] : memref<32x50x32xf32, #tpu.memory_space<vmem>> -> memref<1x50x32xf32, #tpu.memory_space<vmem>>
      %dma_start3A_1891 = tpu.memref_squeeze %dma_start3A_1890 : memref<1x50x32xf32, #tpu.memory_space<vmem>> -> memref<50x32xf32, #tpu.memory_space<vmem>>
      %dma_start3A_1892 = arith.constant 0 : i32
      %dma_start3A_1893 = tpu.memref_slice %arg5[%dma_start3A_1886, %dma_start3A_1892] : memref<32x50xi32, #tpu.memory_space<vmem>> -> memref<1x50xi32, #tpu.memory_space<vmem>>
      %dma_start3A_1894 = tpu.memref_squeeze %dma_start3A_1893 : memref<1x50xi32, #tpu.memory_space<vmem>> -> memref<50xi32, #tpu.memory_space<vmem>>
      %dma_start3A_1895 = arith.constant 0 : i32
      %dma_start3A_1896 = arith.constant 0 : i32
      %dma_start3A_1897 = tpu.memref_slice %arg3[%dma_start3A_1895, %dma_start3A_1896] : memref<1000000x32xf32, #tpu.memory_space<hbm>> -> memref<1000000x32xf32, #tpu.memory_space<hbm>>
      tpu.enqueue_indirect_dma source(%dma_start3A_1897 : memref<1000000x32xf32, #tpu.memory_space<hbm>>) target(%dma_start3A_1891 : memref<50x32xf32, #tpu.memory_space<vmem>>) offsets(%dma_start3A_1894 : memref<50xi32, #tpu.memory_space<vmem>>) semaphore(%arg9 : memref<!tpu.dma_semaphore, #tpu.memory_space<semaphore_mem>>)
      %dma_start3A_1898 = arith.constant 25 : i32
      %dma_start3A_1899 = arith.constant 25 : i32
      %dma_start3A_1900 = arith.constant 0 : i32
      %dma_start3A_1901 = arith.constant 0 : i32
      %dma_start3A_1902 = tpu.memref_slice %arg7[%dma_start3A_1899, %dma_start3A_1900, %dma_start3A_1901] : memref<32x50x32xf32, #tpu.memory_space<vmem>> -> memref<1x50x32xf32, #tpu.memory_space<vmem>>
      %dma_start3A_1903 = tpu.memref_squeeze %dma_start3A_1902 : memref<1x50x32xf32, #tpu.memory_space<vmem>> -> memref<50x32xf32, #tpu.memory_space<vmem>>
      %dma_start3A_1904 = arith.constant 0 : i32
      %dma_start3A_1905 = tpu.memref_slice %arg5[%dma_start3A_1898, %dma_start3A_1904] : memref<32x50xi32, #tpu.memory_space<vmem>> -> memref<1x50xi32, #tpu.memory_space<vmem>>
      %dma_start3A_1906 = tpu.memref_squeeze %dma_start3A_1905 : memref<1x50xi32, #tpu.memory_space<vmem>> -> memref<50xi32, #tpu.memory_space<vmem>>
      %dma_start3A_1907 = arith.constant 0 : i32
      %dma_start3A_1908 = arith.constant 0 : i32
      %dma_start3A_1909 = tpu.memref_slice %arg3[%dma_start3A_1907, %dma_start3A_1908] : memref<1000000x32xf32, #tpu.memory_space<hbm>> -> memref<1000000x32xf32, #tpu.memory_space<hbm>>
      tpu.enqueue_indirect_dma source(%dma_start3A_1909 : memref<1000000x32xf32, #tpu.memory_space<hbm>>) target(%dma_start3A_1903 : memref<50x32xf32, #tpu.memory_space<vmem>>) offsets(%dma_start3A_1906 : memref<50xi32, #tpu.memory_space<vmem>>) semaphore(%arg9 : memref<!tpu.dma_semaphore, #tpu.memory_space<semaphore_mem>>)
      %dma_start3A_1910 = arith.constant 26 : i32
      %dma_start3A_1911 = arith.constant 26 : i32
      %dma_start3A_1912 = arith.constant 0 : i32
      %dma_start3A_1913 = arith.constant 0 : i32
      %dma_start3A_1914 = tpu.memref_slice %arg7[%dma_start3A_1911, %dma_start3A_1912, %dma_start3A_1913] : memref<32x50x32xf32, #tpu.memory_space<vmem>> -> memref<1x50x32xf32, #tpu.memory_space<vmem>>
      %dma_start3A_1915 = tpu.memref_squeeze %dma_start3A_1914 : memref<1x50x32xf32, #tpu.memory_space<vmem>> -> memref<50x32xf32, #tpu.memory_space<vmem>>
      %dma_start3A_1916 = arith.constant 0 : i32
      %dma_start3A_1917 = tpu.memref_slice %arg5[%dma_start3A_1910, %dma_start3A_1916] : memref<32x50xi32, #tpu.memory_space<vmem>> -> memref<1x50xi32, #tpu.memory_space<vmem>>
      %dma_start3A_1918 = tpu.memref_squeeze %dma_start3A_1917 : memref<1x50xi32, #tpu.memory_space<vmem>> -> memref<50xi32, #tpu.memory_space<vmem>>
      %dma_start3A_1919 = arith.constant 0 : i32
      %dma_start3A_1920 = arith.constant 0 : i32
      %dma_start3A_1921 = tpu.memref_slice %arg3[%dma_start3A_1919, %dma_start3A_1920] : memref<1000000x32xf32, #tpu.memory_space<hbm>> -> memref<1000000x32xf32, #tpu.memory_space<hbm>>
      tpu.enqueue_indirect_dma source(%dma_start3A_1921 : memref<1000000x32xf32, #tpu.memory_space<hbm>>) target(%dma_start3A_1915 : memref<50x32xf32, #tpu.memory_space<vmem>>) offsets(%dma_start3A_1918 : memref<50xi32, #tpu.memory_space<vmem>>) semaphore(%arg9 : memref<!tpu.dma_semaphore, #tpu.memory_space<semaphore_mem>>)
      %dma_start3A_1922 = arith.constant 27 : i32
      %dma_start3A_1923 = arith.constant 27 : i32
      %dma_start3A_1924 = arith.constant 0 : i32
      %dma_start3A_1925 = arith.constant 0 : i32
      %dma_start3A_1926 = tpu.memref_slice %arg7[%dma_start3A_1923, %dma_start3A_1924, %dma_start3A_1925] : memref<32x50x32xf32, #tpu.memory_space<vmem>> -> memref<1x50x32xf32, #tpu.memory_space<vmem>>
      %dma_start3A_1927 = tpu.memref_squeeze %dma_start3A_1926 : memref<1x50x32xf32, #tpu.memory_space<vmem>> -> memref<50x32xf32, #tpu.memory_space<vmem>>
      %dma_start3A_1928 = arith.constant 0 : i32
      %dma_start3A_1929 = tpu.memref_slice %arg5[%dma_start3A_1922, %dma_start3A_1928] : memref<32x50xi32, #tpu.memory_space<vmem>> -> memref<1x50xi32, #tpu.memory_space<vmem>>
      %dma_start3A_1930 = tpu.memref_squeeze %dma_start3A_1929 : memref<1x50xi32, #tpu.memory_space<vmem>> -> memref<50xi32, #tpu.memory_space<vmem>>
      %dma_start3A_1931 = arith.constant 0 : i32
      %dma_start3A_1932 = arith.constant 0 : i32
      %dma_start3A_1933 = tpu.memref_slice %arg3[%dma_start3A_1931, %dma_start3A_1932] : memref<1000000x32xf32, #tpu.memory_space<hbm>> -> memref<1000000x32xf32, #tpu.memory_space<hbm>>
      tpu.enqueue_indirect_dma source(%dma_start3A_1933 : memref<1000000x32xf32, #tpu.memory_space<hbm>>) target(%dma_start3A_1927 : memref<50x32xf32, #tpu.memory_space<vmem>>) offsets(%dma_start3A_1930 : memref<50xi32, #tpu.memory_space<vmem>>) semaphore(%arg9 : memref<!tpu.dma_semaphore, #tpu.memory_space<semaphore_mem>>)
      %dma_start3A_1934 = arith.constant 28 : i32
      %dma_start3A_1935 = arith.constant 28 : i32
      %dma_start3A_1936 = arith.constant 0 : i32
      %dma_start3A_1937 = arith.constant 0 : i32
      %dma_start3A_1938 = tpu.memref_slice %arg7[%dma_start3A_1935, %dma_start3A_1936, %dma_start3A_1937] : memref<32x50x32xf32, #tpu.memory_space<vmem>> -> memref<1x50x32xf32, #tpu.memory_space<vmem>>
      %dma_start3A_1939 = tpu.memref_squeeze %dma_start3A_1938 : memref<1x50x32xf32, #tpu.memory_space<vmem>> -> memref<50x32xf32, #tpu.memory_space<vmem>>
      %dma_start3A_1940 = arith.constant 0 : i32
      %dma_start3A_1941 = tpu.memref_slice %arg5[%dma_start3A_1934, %dma_start3A_1940] : memref<32x50xi32, #tpu.memory_space<vmem>> -> memref<1x50xi32, #tpu.memory_space<vmem>>
      %dma_start3A_1942 = tpu.memref_squeeze %dma_start3A_1941 : memref<1x50xi32, #tpu.memory_space<vmem>> -> memref<50xi32, #tpu.memory_space<vmem>>
      %dma_start3A_1943 = arith.constant 0 : i32
      %dma_start3A_1944 = arith.constant 0 : i32
      %dma_start3A_1945 = tpu.memref_slice %arg3[%dma_start3A_1943, %dma_start3A_1944] : memref<1000000x32xf32, #tpu.memory_space<hbm>> -> memref<1000000x32xf32, #tpu.memory_space<hbm>>
      tpu.enqueue_indirect_dma source(%dma_start3A_1945 : memref<1000000x32xf32, #tpu.memory_space<hbm>>) target(%dma_start3A_1939 : memref<50x32xf32, #tpu.memory_space<vmem>>) offsets(%dma_start3A_1942 : memref<50xi32, #tpu.memory_space<vmem>>) semaphore(%arg9 : memref<!tpu.dma_semaphore, #tpu.memory_space<semaphore_mem>>)
      %dma_start3A_1946 = arith.constant 29 : i32
      %dma_start3A_1947 = arith.constant 29 : i32
      %dma_start3A_1948 = arith.constant 0 : i32
      %dma_start3A_1949 = arith.constant 0 : i32
      %dma_start3A_1950 = tpu.memref_slice %arg7[%dma_start3A_1947, %dma_start3A_1948, %dma_start3A_1949] : memref<32x50x32xf32, #tpu.memory_space<vmem>> -> memref<1x50x32xf32, #tpu.memory_space<vmem>>
      %dma_start3A_1951 = tpu.memref_squeeze %dma_start3A_1950 : memref<1x50x32xf32, #tpu.memory_space<vmem>> -> memref<50x32xf32, #tpu.memory_space<vmem>>
      %dma_start3A_1952 = arith.constant 0 : i32
      %dma_start3A_1953 = tpu.memref_slice %arg5[%dma_start3A_1946, %dma_start3A_1952] : memref<32x50xi32, #tpu.memory_space<vmem>> -> memref<1x50xi32, #tpu.memory_space<vmem>>
      %dma_start3A_1954 = tpu.memref_squeeze %dma_start3A_1953 : memref<1x50xi32, #tpu.memory_space<vmem>> -> memref<50xi32, #tpu.memory_space<vmem>>
      %dma_start3A_1955 = arith.constant 0 : i32
      %dma_start3A_1956 = arith.constant 0 : i32
      %dma_start3A_1957 = tpu.memref_slice %arg3[%dma_start3A_1955, %dma_start3A_1956] : memref<1000000x32xf32, #tpu.memory_space<hbm>> -> memref<1000000x32xf32, #tpu.memory_space<hbm>>
      tpu.enqueue_indirect_dma source(%dma_start3A_1957 : memref<1000000x32xf32, #tpu.memory_space<hbm>>) target(%dma_start3A_1951 : memref<50x32xf32, #tpu.memory_space<vmem>>) offsets(%dma_start3A_1954 : memref<50xi32, #tpu.memory_space<vmem>>) semaphore(%arg9 : memref<!tpu.dma_semaphore, #tpu.memory_space<semaphore_mem>>)
      %dma_start3A_1958 = arith.constant 30 : i32
      %dma_start3A_1959 = arith.constant 30 : i32
      %dma_start3A_1960 = arith.constant 0 : i32
      %dma_start3A_1961 = arith.constant 0 : i32
      %dma_start3A_1962 = tpu.memref_slice %arg7[%dma_start3A_1959, %dma_start3A_1960, %dma_start3A_1961] : memref<32x50x32xf32, #tpu.memory_space<vmem>> -> memref<1x50x32xf32, #tpu.memory_space<vmem>>
      %dma_start3A_1963 = tpu.memref_squeeze %dma_start3A_1962 : memref<1x50x32xf32, #tpu.memory_space<vmem>> -> memref<50x32xf32, #tpu.memory_space<vmem>>
      %dma_start3A_1964 = arith.constant 0 : i32
      %dma_start3A_1965 = tpu.memref_slice %arg5[%dma_start3A_1958, %dma_start3A_1964] : memref<32x50xi32, #tpu.memory_space<vmem>> -> memref<1x50xi32, #tpu.memory_space<vmem>>
      %dma_start3A_1966 = tpu.memref_squeeze %dma_start3A_1965 : memref<1x50xi32, #tpu.memory_space<vmem>> -> memref<50xi32, #tpu.memory_space<vmem>>
      %dma_start3A_1967 = arith.constant 0 : i32
      %dma_start3A_1968 = arith.constant 0 : i32
      %dma_start3A_1969 = tpu.memref_slice %arg3[%dma_start3A_1967, %dma_start3A_1968] : memref<1000000x32xf32, #tpu.memory_space<hbm>> -> memref<1000000x32xf32, #tpu.memory_space<hbm>>
      tpu.enqueue_indirect_dma source(%dma_start3A_1969 : memref<1000000x32xf32, #tpu.memory_space<hbm>>) target(%dma_start3A_1963 : memref<50x32xf32, #tpu.memory_space<vmem>>) offsets(%dma_start3A_1966 : memref<50xi32, #tpu.memory_space<vmem>>) semaphore(%arg9 : memref<!tpu.dma_semaphore, #tpu.memory_space<semaphore_mem>>)
      %dma_start3A_1970 = arith.constant 31 : i32
      %dma_start3A_1971 = arith.constant 31 : i32
      %dma_start3A_1972 = arith.constant 0 : i32
      %dma_start3A_1973 = arith.constant 0 : i32
      %dma_start3A_1974 = tpu.memref_slice %arg7[%dma_start3A_1971, %dma_start3A_1972, %dma_start3A_1973] : memref<32x50x32xf32, #tpu.memory_space<vmem>> -> memref<1x50x32xf32, #tpu.memory_space<vmem>>
      %dma_start3A_1975 = tpu.memref_squeeze %dma_start3A_1974 : memref<1x50x32xf32, #tpu.memory_space<vmem>> -> memref<50x32xf32, #tpu.memory_space<vmem>>
      %dma_start3A_1976 = arith.constant 0 : i32
      %dma_start3A_1977 = tpu.memref_slice %arg5[%dma_start3A_1970, %dma_start3A_1976] : memref<32x50xi32, #tpu.memory_space<vmem>> -> memref<1x50xi32, #tpu.memory_space<vmem>>
      %dma_start3A_1978 = tpu.memref_squeeze %dma_start3A_1977 : memref<1x50xi32, #tpu.memory_space<vmem>> -> memref<50xi32, #tpu.memory_space<vmem>>
      %dma_start3A_1979 = arith.constant 0 : i32
      %dma_start3A_1980 = arith.constant 0 : i32
      %dma_start3A_1981 = tpu.memref_slice %arg3[%dma_start3A_1979, %dma_start3A_1980] : memref<1000000x32xf32, #tpu.memory_space<hbm>> -> memref<1000000x32xf32, #tpu.memory_space<hbm>>
      tpu.enqueue_indirect_dma source(%dma_start3A_1981 : memref<1000000x32xf32, #tpu.memory_space<hbm>>) target(%dma_start3A_1975 : memref<50x32xf32, #tpu.memory_space<vmem>>) offsets(%dma_start3A_1978 : memref<50xi32, #tpu.memory_space<vmem>>) semaphore(%arg9 : memref<!tpu.dma_semaphore, #tpu.memory_space<semaphore_mem>>)
      %dma_wait3A_1982 = arith.constant 0 : i32
      %dma_wait3A_1983 = arith.constant 0 : i32
      %dma_wait3A_1984 = arith.constant 0 : i32
      %dma_wait3A_1985 = arith.constant 0 : i32
      %dma_wait3A_1986 = tpu.memref_slice %arg8[%dma_wait3A_1983, %dma_wait3A_1984, %dma_wait3A_1985] : memref<32x50x32xf32, #tpu.memory_space<vmem>> -> memref<1x50x32xf32, #tpu.memory_space<vmem>>
      %dma_wait3A_1987 = tpu.memref_squeeze %dma_wait3A_1986 : memref<1x50x32xf32, #tpu.memory_space<vmem>> -> memref<50x32xf32, #tpu.memory_space<vmem>>
      %dma_wait3A_1988 = arith.constant 0 : i32
      %dma_wait3A_1989 = tpu.memref_slice %arg6[%dma_wait3A_1982, %dma_wait3A_1988] : memref<32x50xi32, #tpu.memory_space<vmem>> -> memref<1x50xi32, #tpu.memory_space<vmem>>
      %dma_wait3A_1990 = tpu.memref_squeeze %dma_wait3A_1989 : memref<1x50xi32, #tpu.memory_space<vmem>> -> memref<50xi32, #tpu.memory_space<vmem>>
      %dma_wait3A_1991 = arith.constant 0 : i32
      %dma_wait3A_1992 = arith.constant 0 : i32
      %dma_wait3A_1993 = tpu.memref_slice %arg3[%dma_wait3A_1991, %dma_wait3A_1992] : memref<1000000x32xf32, #tpu.memory_space<hbm>> -> memref<1000000x32xf32, #tpu.memory_space<hbm>>
      tpu.wait_indirect_dma semaphore(%arg10 : memref<!tpu.dma_semaphore, #tpu.memory_space<semaphore_mem>>) src(%dma_wait3A_1993 : memref<1000000x32xf32, #tpu.memory_space<hbm>>) dst(%dma_wait3A_1987 : memref<50x32xf32, #tpu.memory_space<vmem>>)
      %dma_wait3A_1994 = arith.constant 1 : i32
      %dma_wait3A_1995 = arith.constant 1 : i32
      %dma_wait3A_1996 = arith.constant 0 : i32
      %dma_wait3A_1997 = arith.constant 0 : i32
      %dma_wait3A_1998 = tpu.memref_slice %arg8[%dma_wait3A_1995, %dma_wait3A_1996, %dma_wait3A_1997] : memref<32x50x32xf32, #tpu.memory_space<vmem>> -> memref<1x50x32xf32, #tpu.memory_space<vmem>>
      %dma_wait3A_1999 = tpu.memref_squeeze %dma_wait3A_1998 : memref<1x50x32xf32, #tpu.memory_space<vmem>> -> memref<50x32xf32, #tpu.memory_space<vmem>>
      %dma_wait3A_2000 = arith.constant 0 : i32
      %dma_wait3A_2001 = tpu.memref_slice %arg6[%dma_wait3A_1994, %dma_wait3A_2000] : memref<32x50xi32, #tpu.memory_space<vmem>> -> memref<1x50xi32, #tpu.memory_space<vmem>>
      %dma_wait3A_2002 = tpu.memref_squeeze %dma_wait3A_2001 : memref<1x50xi32, #tpu.memory_space<vmem>> -> memref<50xi32, #tpu.memory_space<vmem>>
      %dma_wait3A_2003 = arith.constant 0 : i32
      %dma_wait3A_2004 = arith.constant 0 : i32
      %dma_wait3A_2005 = tpu.memref_slice %arg3[%dma_wait3A_2003, %dma_wait3A_2004] : memref<1000000x32xf32, #tpu.memory_space<hbm>> -> memref<1000000x32xf32, #tpu.memory_space<hbm>>
      tpu.wait_indirect_dma semaphore(%arg10 : memref<!tpu.dma_semaphore, #tpu.memory_space<semaphore_mem>>) src(%dma_wait3A_2005 : memref<1000000x32xf32, #tpu.memory_space<hbm>>) dst(%dma_wait3A_1999 : memref<50x32xf32, #tpu.memory_space<vmem>>)
      %dma_wait3A_2006 = arith.constant 2 : i32
      %dma_wait3A_2007 = arith.constant 2 : i32
      %dma_wait3A_2008 = arith.constant 0 : i32
      %dma_wait3A_2009 = arith.constant 0 : i32
      %dma_wait3A_2010 = tpu.memref_slice %arg8[%dma_wait3A_2007, %dma_wait3A_2008, %dma_wait3A_2009] : memref<32x50x32xf32, #tpu.memory_space<vmem>> -> memref<1x50x32xf32, #tpu.memory_space<vmem>>
      %dma_wait3A_2011 = tpu.memref_squeeze %dma_wait3A_2010 : memref<1x50x32xf32, #tpu.memory_space<vmem>> -> memref<50x32xf32, #tpu.memory_space<vmem>>
      %dma_wait3A_2012 = arith.constant 0 : i32
      %dma_wait3A_2013 = tpu.memref_slice %arg6[%dma_wait3A_2006, %dma_wait3A_2012] : memref<32x50xi32, #tpu.memory_space<vmem>> -> memref<1x50xi32, #tpu.memory_space<vmem>>
      %dma_wait3A_2014 = tpu.memref_squeeze %dma_wait3A_2013 : memref<1x50xi32, #tpu.memory_space<vmem>> -> memref<50xi32, #tpu.memory_space<vmem>>
      %dma_wait3A_2015 = arith.constant 0 : i32
      %dma_wait3A_2016 = arith.constant 0 : i32
      %dma_wait3A_2017 = tpu.memref_slice %arg3[%dma_wait3A_2015, %dma_wait3A_2016] : memref<1000000x32xf32, #tpu.memory_space<hbm>> -> memref<1000000x32xf32, #tpu.memory_space<hbm>>
      tpu.wait_indirect_dma semaphore(%arg10 : memref<!tpu.dma_semaphore, #tpu.memory_space<semaphore_mem>>) src(%dma_wait3A_2017 : memref<1000000x32xf32, #tpu.memory_space<hbm>>) dst(%dma_wait3A_2011 : memref<50x32xf32, #tpu.memory_space<vmem>>)
      %dma_wait3A_2018 = arith.constant 3 : i32
      %dma_wait3A_2019 = arith.constant 3 : i32
      %dma_wait3A_2020 = arith.constant 0 : i32
      %dma_wait3A_2021 = arith.constant 0 : i32
      %dma_wait3A_2022 = tpu.memref_slice %arg8[%dma_wait3A_2019, %dma_wait3A_2020, %dma_wait3A_2021] : memref<32x50x32xf32, #tpu.memory_space<vmem>> -> memref<1x50x32xf32, #tpu.memory_space<vmem>>
      %dma_wait3A_2023 = tpu.memref_squeeze %dma_wait3A_2022 : memref<1x50x32xf32, #tpu.memory_space<vmem>> -> memref<50x32xf32, #tpu.memory_space<vmem>>
      %dma_wait3A_2024 = arith.constant 0 : i32
      %dma_wait3A_2025 = tpu.memref_slice %arg6[%dma_wait3A_2018, %dma_wait3A_2024] : memref<32x50xi32, #tpu.memory_space<vmem>> -> memref<1x50xi32, #tpu.memory_space<vmem>>
      %dma_wait3A_2026 = tpu.memref_squeeze %dma_wait3A_2025 : memref<1x50xi32, #tpu.memory_space<vmem>> -> memref<50xi32, #tpu.memory_space<vmem>>
      %dma_wait3A_2027 = arith.constant 0 : i32
      %dma_wait3A_2028 = arith.constant 0 : i32
      %dma_wait3A_2029 = tpu.memref_slice %arg3[%dma_wait3A_2027, %dma_wait3A_2028] : memref<1000000x32xf32, #tpu.memory_space<hbm>> -> memref<1000000x32xf32, #tpu.memory_space<hbm>>
      tpu.wait_indirect_dma semaphore(%arg10 : memref<!tpu.dma_semaphore, #tpu.memory_space<semaphore_mem>>) src(%dma_wait3A_2029 : memref<1000000x32xf32, #tpu.memory_space<hbm>>) dst(%dma_wait3A_2023 : memref<50x32xf32, #tpu.memory_space<vmem>>)
      %dma_wait3A_2030 = arith.constant 4 : i32
      %dma_wait3A_2031 = arith.constant 4 : i32
      %dma_wait3A_2032 = arith.constant 0 : i32
      %dma_wait3A_2033 = arith.constant 0 : i32
      %dma_wait3A_2034 = tpu.memref_slice %arg8[%dma_wait3A_2031, %dma_wait3A_2032, %dma_wait3A_2033] : memref<32x50x32xf32, #tpu.memory_space<vmem>> -> memref<1x50x32xf32, #tpu.memory_space<vmem>>
      %dma_wait3A_2035 = tpu.memref_squeeze %dma_wait3A_2034 : memref<1x50x32xf32, #tpu.memory_space<vmem>> -> memref<50x32xf32, #tpu.memory_space<vmem>>
      %dma_wait3A_2036 = arith.constant 0 : i32
      %dma_wait3A_2037 = tpu.memref_slice %arg6[%dma_wait3A_2030, %dma_wait3A_2036] : memref<32x50xi32, #tpu.memory_space<vmem>> -> memref<1x50xi32, #tpu.memory_space<vmem>>
      %dma_wait3A_2038 = tpu.memref_squeeze %dma_wait3A_2037 : memref<1x50xi32, #tpu.memory_space<vmem>> -> memref<50xi32, #tpu.memory_space<vmem>>
      %dma_wait3A_2039 = arith.constant 0 : i32
      %dma_wait3A_2040 = arith.constant 0 : i32
      %dma_wait3A_2041 = tpu.memref_slice %arg3[%dma_wait3A_2039, %dma_wait3A_2040] : memref<1000000x32xf32, #tpu.memory_space<hbm>> -> memref<1000000x32xf32, #tpu.memory_space<hbm>>
      tpu.wait_indirect_dma semaphore(%arg10 : memref<!tpu.dma_semaphore, #tpu.memory_space<semaphore_mem>>) src(%dma_wait3A_2041 : memref<1000000x32xf32, #tpu.memory_space<hbm>>) dst(%dma_wait3A_2035 : memref<50x32xf32, #tpu.memory_space<vmem>>)
      %dma_wait3A_2042 = arith.constant 5 : i32
      %dma_wait3A_2043 = arith.constant 5 : i32
      %dma_wait3A_2044 = arith.constant 0 : i32
      %dma_wait3A_2045 = arith.constant 0 : i32
      %dma_wait3A_2046 = tpu.memref_slice %arg8[%dma_wait3A_2043, %dma_wait3A_2044, %dma_wait3A_2045] : memref<32x50x32xf32, #tpu.memory_space<vmem>> -> memref<1x50x32xf32, #tpu.memory_space<vmem>>
      %dma_wait3A_2047 = tpu.memref_squeeze %dma_wait3A_2046 : memref<1x50x32xf32, #tpu.memory_space<vmem>> -> memref<50x32xf32, #tpu.memory_space<vmem>>
      %dma_wait3A_2048 = arith.constant 0 : i32
      %dma_wait3A_2049 = tpu.memref_slice %arg6[%dma_wait3A_2042, %dma_wait3A_2048] : memref<32x50xi32, #tpu.memory_space<vmem>> -> memref<1x50xi32, #tpu.memory_space<vmem>>
      %dma_wait3A_2050 = tpu.memref_squeeze %dma_wait3A_2049 : memref<1x50xi32, #tpu.memory_space<vmem>> -> memref<50xi32, #tpu.memory_space<vmem>>
      %dma_wait3A_2051 = arith.constant 0 : i32
      %dma_wait3A_2052 = arith.constant 0 : i32
      %dma_wait3A_2053 = tpu.memref_slice %arg3[%dma_wait3A_2051, %dma_wait3A_2052] : memref<1000000x32xf32, #tpu.memory_space<hbm>> -> memref<1000000x32xf32, #tpu.memory_space<hbm>>
      tpu.wait_indirect_dma semaphore(%arg10 : memref<!tpu.dma_semaphore, #tpu.memory_space<semaphore_mem>>) src(%dma_wait3A_2053 : memref<1000000x32xf32, #tpu.memory_space<hbm>>) dst(%dma_wait3A_2047 : memref<50x32xf32, #tpu.memory_space<vmem>>)
      %dma_wait3A_2054 = arith.constant 6 : i32
      %dma_wait3A_2055 = arith.constant 6 : i32
      %dma_wait3A_2056 = arith.constant 0 : i32
      %dma_wait3A_2057 = arith.constant 0 : i32
      %dma_wait3A_2058 = tpu.memref_slice %arg8[%dma_wait3A_2055, %dma_wait3A_2056, %dma_wait3A_2057] : memref<32x50x32xf32, #tpu.memory_space<vmem>> -> memref<1x50x32xf32, #tpu.memory_space<vmem>>
      %dma_wait3A_2059 = tpu.memref_squeeze %dma_wait3A_2058 : memref<1x50x32xf32, #tpu.memory_space<vmem>> -> memref<50x32xf32, #tpu.memory_space<vmem>>
      %dma_wait3A_2060 = arith.constant 0 : i32
      %dma_wait3A_2061 = tpu.memref_slice %arg6[%dma_wait3A_2054, %dma_wait3A_2060] : memref<32x50xi32, #tpu.memory_space<vmem>> -> memref<1x50xi32, #tpu.memory_space<vmem>>
      %dma_wait3A_2062 = tpu.memref_squeeze %dma_wait3A_2061 : memref<1x50xi32, #tpu.memory_space<vmem>> -> memref<50xi32, #tpu.memory_space<vmem>>
      %dma_wait3A_2063 = arith.constant 0 : i32
      %dma_wait3A_2064 = arith.constant 0 : i32
      %dma_wait3A_2065 = tpu.memref_slice %arg3[%dma_wait3A_2063, %dma_wait3A_2064] : memref<1000000x32xf32, #tpu.memory_space<hbm>> -> memref<1000000x32xf32, #tpu.memory_space<hbm>>
      tpu.wait_indirect_dma semaphore(%arg10 : memref<!tpu.dma_semaphore, #tpu.memory_space<semaphore_mem>>) src(%dma_wait3A_2065 : memref<1000000x32xf32, #tpu.memory_space<hbm>>) dst(%dma_wait3A_2059 : memref<50x32xf32, #tpu.memory_space<vmem>>)
      %dma_wait3A_2066 = arith.constant 7 : i32
      %dma_wait3A_2067 = arith.constant 7 : i32
      %dma_wait3A_2068 = arith.constant 0 : i32
      %dma_wait3A_2069 = arith.constant 0 : i32
      %dma_wait3A_2070 = tpu.memref_slice %arg8[%dma_wait3A_2067, %dma_wait3A_2068, %dma_wait3A_2069] : memref<32x50x32xf32, #tpu.memory_space<vmem>> -> memref<1x50x32xf32, #tpu.memory_space<vmem>>
      %dma_wait3A_2071 = tpu.memref_squeeze %dma_wait3A_2070 : memref<1x50x32xf32, #tpu.memory_space<vmem>> -> memref<50x32xf32, #tpu.memory_space<vmem>>
      %dma_wait3A_2072 = arith.constant 0 : i32
      %dma_wait3A_2073 = tpu.memref_slice %arg6[%dma_wait3A_2066, %dma_wait3A_2072] : memref<32x50xi32, #tpu.memory_space<vmem>> -> memref<1x50xi32, #tpu.memory_space<vmem>>
      %dma_wait3A_2074 = tpu.memref_squeeze %dma_wait3A_2073 : memref<1x50xi32, #tpu.memory_space<vmem>> -> memref<50xi32, #tpu.memory_space<vmem>>
      %dma_wait3A_2075 = arith.constant 0 : i32
      %dma_wait3A_2076 = arith.constant 0 : i32
      %dma_wait3A_2077 = tpu.memref_slice %arg3[%dma_wait3A_2075, %dma_wait3A_2076] : memref<1000000x32xf32, #tpu.memory_space<hbm>> -> memref<1000000x32xf32, #tpu.memory_space<hbm>>
      tpu.wait_indirect_dma semaphore(%arg10 : memref<!tpu.dma_semaphore, #tpu.memory_space<semaphore_mem>>) src(%dma_wait3A_2077 : memref<1000000x32xf32, #tpu.memory_space<hbm>>) dst(%dma_wait3A_2071 : memref<50x32xf32, #tpu.memory_space<vmem>>)
      %dma_wait3A_2078 = arith.constant 8 : i32
      %dma_wait3A_2079 = arith.constant 8 : i32
      %dma_wait3A_2080 = arith.constant 0 : i32
      %dma_wait3A_2081 = arith.constant 0 : i32
      %dma_wait3A_2082 = tpu.memref_slice %arg8[%dma_wait3A_2079, %dma_wait3A_2080, %dma_wait3A_2081] : memref<32x50x32xf32, #tpu.memory_space<vmem>> -> memref<1x50x32xf32, #tpu.memory_space<vmem>>
      %dma_wait3A_2083 = tpu.memref_squeeze %dma_wait3A_2082 : memref<1x50x32xf32, #tpu.memory_space<vmem>> -> memref<50x32xf32, #tpu.memory_space<vmem>>
      %dma_wait3A_2084 = arith.constant 0 : i32
      %dma_wait3A_2085 = tpu.memref_slice %arg6[%dma_wait3A_2078, %dma_wait3A_2084] : memref<32x50xi32, #tpu.memory_space<vmem>> -> memref<1x50xi32, #tpu.memory_space<vmem>>
      %dma_wait3A_2086 = tpu.memref_squeeze %dma_wait3A_2085 : memref<1x50xi32, #tpu.memory_space<vmem>> -> memref<50xi32, #tpu.memory_space<vmem>>
      %dma_wait3A_2087 = arith.constant 0 : i32
      %dma_wait3A_2088 = arith.constant 0 : i32
      %dma_wait3A_2089 = tpu.memref_slice %arg3[%dma_wait3A_2087, %dma_wait3A_2088] : memref<1000000x32xf32, #tpu.memory_space<hbm>> -> memref<1000000x32xf32, #tpu.memory_space<hbm>>
      tpu.wait_indirect_dma semaphore(%arg10 : memref<!tpu.dma_semaphore, #tpu.memory_space<semaphore_mem>>) src(%dma_wait3A_2089 : memref<1000000x32xf32, #tpu.memory_space<hbm>>) dst(%dma_wait3A_2083 : memref<50x32xf32, #tpu.memory_space<vmem>>)
      %dma_wait3A_2090 = arith.constant 9 : i32
      %dma_wait3A_2091 = arith.constant 9 : i32
      %dma_wait3A_2092 = arith.constant 0 : i32
      %dma_wait3A_2093 = arith.constant 0 : i32
      %dma_wait3A_2094 = tpu.memref_slice %arg8[%dma_wait3A_2091, %dma_wait3A_2092, %dma_wait3A_2093] : memref<32x50x32xf32, #tpu.memory_space<vmem>> -> memref<1x50x32xf32, #tpu.memory_space<vmem>>
      %dma_wait3A_2095 = tpu.memref_squeeze %dma_wait3A_2094 : memref<1x50x32xf32, #tpu.memory_space<vmem>> -> memref<50x32xf32, #tpu.memory_space<vmem>>
      %dma_wait3A_2096 = arith.constant 0 : i32
      %dma_wait3A_2097 = tpu.memref_slice %arg6[%dma_wait3A_2090, %dma_wait3A_2096] : memref<32x50xi32, #tpu.memory_space<vmem>> -> memref<1x50xi32, #tpu.memory_space<vmem>>
      %dma_wait3A_2098 = tpu.memref_squeeze %dma_wait3A_2097 : memref<1x50xi32, #tpu.memory_space<vmem>> -> memref<50xi32, #tpu.memory_space<vmem>>
      %dma_wait3A_2099 = arith.constant 0 : i32
      %dma_wait3A_2100 = arith.constant 0 : i32
      %dma_wait3A_2101 = tpu.memref_slice %arg3[%dma_wait3A_2099, %dma_wait3A_2100] : memref<1000000x32xf32, #tpu.memory_space<hbm>> -> memref<1000000x32xf32, #tpu.memory_space<hbm>>
      tpu.wait_indirect_dma semaphore(%arg10 : memref<!tpu.dma_semaphore, #tpu.memory_space<semaphore_mem>>) src(%dma_wait3A_2101 : memref<1000000x32xf32, #tpu.memory_space<hbm>>) dst(%dma_wait3A_2095 : memref<50x32xf32, #tpu.memory_space<vmem>>)
      %dma_wait3A_2102 = arith.constant 10 : i32
      %dma_wait3A_2103 = arith.constant 10 : i32
      %dma_wait3A_2104 = arith.constant 0 : i32
      %dma_wait3A_2105 = arith.constant 0 : i32
      %dma_wait3A_2106 = tpu.memref_slice %arg8[%dma_wait3A_2103, %dma_wait3A_2104, %dma_wait3A_2105] : memref<32x50x32xf32, #tpu.memory_space<vmem>> -> memref<1x50x32xf32, #tpu.memory_space<vmem>>
      %dma_wait3A_2107 = tpu.memref_squeeze %dma_wait3A_2106 : memref<1x50x32xf32, #tpu.memory_space<vmem>> -> memref<50x32xf32, #tpu.memory_space<vmem>>
      %dma_wait3A_2108 = arith.constant 0 : i32
      %dma_wait3A_2109 = tpu.memref_slice %arg6[%dma_wait3A_2102, %dma_wait3A_2108] : memref<32x50xi32, #tpu.memory_space<vmem>> -> memref<1x50xi32, #tpu.memory_space<vmem>>
      %dma_wait3A_2110 = tpu.memref_squeeze %dma_wait3A_2109 : memref<1x50xi32, #tpu.memory_space<vmem>> -> memref<50xi32, #tpu.memory_space<vmem>>
      %dma_wait3A_2111 = arith.constant 0 : i32
      %dma_wait3A_2112 = arith.constant 0 : i32
      %dma_wait3A_2113 = tpu.memref_slice %arg3[%dma_wait3A_2111, %dma_wait3A_2112] : memref<1000000x32xf32, #tpu.memory_space<hbm>> -> memref<1000000x32xf32, #tpu.memory_space<hbm>>
      tpu.wait_indirect_dma semaphore(%arg10 : memref<!tpu.dma_semaphore, #tpu.memory_space<semaphore_mem>>) src(%dma_wait3A_2113 : memref<1000000x32xf32, #tpu.memory_space<hbm>>) dst(%dma_wait3A_2107 : memref<50x32xf32, #tpu.memory_space<vmem>>)
      %dma_wait3A_2114 = arith.constant 11 : i32
      %dma_wait3A_2115 = arith.constant 11 : i32
      %dma_wait3A_2116 = arith.constant 0 : i32
      %dma_wait3A_2117 = arith.constant 0 : i32
      %dma_wait3A_2118 = tpu.memref_slice %arg8[%dma_wait3A_2115, %dma_wait3A_2116, %dma_wait3A_2117] : memref<32x50x32xf32, #tpu.memory_space<vmem>> -> memref<1x50x32xf32, #tpu.memory_space<vmem>>
      %dma_wait3A_2119 = tpu.memref_squeeze %dma_wait3A_2118 : memref<1x50x32xf32, #tpu.memory_space<vmem>> -> memref<50x32xf32, #tpu.memory_space<vmem>>
      %dma_wait3A_2120 = arith.constant 0 : i32
      %dma_wait3A_2121 = tpu.memref_slice %arg6[%dma_wait3A_2114, %dma_wait3A_2120] : memref<32x50xi32, #tpu.memory_space<vmem>> -> memref<1x50xi32, #tpu.memory_space<vmem>>
      %dma_wait3A_2122 = tpu.memref_squeeze %dma_wait3A_2121 : memref<1x50xi32, #tpu.memory_space<vmem>> -> memref<50xi32, #tpu.memory_space<vmem>>
      %dma_wait3A_2123 = arith.constant 0 : i32
      %dma_wait3A_2124 = arith.constant 0 : i32
      %dma_wait3A_2125 = tpu.memref_slice %arg3[%dma_wait3A_2123, %dma_wait3A_2124] : memref<1000000x32xf32, #tpu.memory_space<hbm>> -> memref<1000000x32xf32, #tpu.memory_space<hbm>>
      tpu.wait_indirect_dma semaphore(%arg10 : memref<!tpu.dma_semaphore, #tpu.memory_space<semaphore_mem>>) src(%dma_wait3A_2125 : memref<1000000x32xf32, #tpu.memory_space<hbm>>) dst(%dma_wait3A_2119 : memref<50x32xf32, #tpu.memory_space<vmem>>)
      %dma_wait3A_2126 = arith.constant 12 : i32
      %dma_wait3A_2127 = arith.constant 12 : i32
      %dma_wait3A_2128 = arith.constant 0 : i32
      %dma_wait3A_2129 = arith.constant 0 : i32
      %dma_wait3A_2130 = tpu.memref_slice %arg8[%dma_wait3A_2127, %dma_wait3A_2128, %dma_wait3A_2129] : memref<32x50x32xf32, #tpu.memory_space<vmem>> -> memref<1x50x32xf32, #tpu.memory_space<vmem>>
      %dma_wait3A_2131 = tpu.memref_squeeze %dma_wait3A_2130 : memref<1x50x32xf32, #tpu.memory_space<vmem>> -> memref<50x32xf32, #tpu.memory_space<vmem>>
      %dma_wait3A_2132 = arith.constant 0 : i32
      %dma_wait3A_2133 = tpu.memref_slice %arg6[%dma_wait3A_2126, %dma_wait3A_2132] : memref<32x50xi32, #tpu.memory_space<vmem>> -> memref<1x50xi32, #tpu.memory_space<vmem>>
      %dma_wait3A_2134 = tpu.memref_squeeze %dma_wait3A_2133 : memref<1x50xi32, #tpu.memory_space<vmem>> -> memref<50xi32, #tpu.memory_space<vmem>>
      %dma_wait3A_2135 = arith.constant 0 : i32
      %dma_wait3A_2136 = arith.constant 0 : i32
      %dma_wait3A_2137 = tpu.memref_slice %arg3[%dma_wait3A_2135, %dma_wait3A_2136] : memref<1000000x32xf32, #tpu.memory_space<hbm>> -> memref<1000000x32xf32, #tpu.memory_space<hbm>>
      tpu.wait_indirect_dma semaphore(%arg10 : memref<!tpu.dma_semaphore, #tpu.memory_space<semaphore_mem>>) src(%dma_wait3A_2137 : memref<1000000x32xf32, #tpu.memory_space<hbm>>) dst(%dma_wait3A_2131 : memref<50x32xf32, #tpu.memory_space<vmem>>)
      %dma_wait3A_2138 = arith.constant 13 : i32
      %dma_wait3A_2139 = arith.constant 13 : i32
      %dma_wait3A_2140 = arith.constant 0 : i32
      %dma_wait3A_2141 = arith.constant 0 : i32
      %dma_wait3A_2142 = tpu.memref_slice %arg8[%dma_wait3A_2139, %dma_wait3A_2140, %dma_wait3A_2141] : memref<32x50x32xf32, #tpu.memory_space<vmem>> -> memref<1x50x32xf32, #tpu.memory_space<vmem>>
      %dma_wait3A_2143 = tpu.memref_squeeze %dma_wait3A_2142 : memref<1x50x32xf32, #tpu.memory_space<vmem>> -> memref<50x32xf32, #tpu.memory_space<vmem>>
      %dma_wait3A_2144 = arith.constant 0 : i32
      %dma_wait3A_2145 = tpu.memref_slice %arg6[%dma_wait3A_2138, %dma_wait3A_2144] : memref<32x50xi32, #tpu.memory_space<vmem>> -> memref<1x50xi32, #tpu.memory_space<vmem>>
      %dma_wait3A_2146 = tpu.memref_squeeze %dma_wait3A_2145 : memref<1x50xi32, #tpu.memory_space<vmem>> -> memref<50xi32, #tpu.memory_space<vmem>>
      %dma_wait3A_2147 = arith.constant 0 : i32
      %dma_wait3A_2148 = arith.constant 0 : i32
      %dma_wait3A_2149 = tpu.memref_slice %arg3[%dma_wait3A_2147, %dma_wait3A_2148] : memref<1000000x32xf32, #tpu.memory_space<hbm>> -> memref<1000000x32xf32, #tpu.memory_space<hbm>>
      tpu.wait_indirect_dma semaphore(%arg10 : memref<!tpu.dma_semaphore, #tpu.memory_space<semaphore_mem>>) src(%dma_wait3A_2149 : memref<1000000x32xf32, #tpu.memory_space<hbm>>) dst(%dma_wait3A_2143 : memref<50x32xf32, #tpu.memory_space<vmem>>)
      %dma_wait3A_2150 = arith.constant 14 : i32
      %dma_wait3A_2151 = arith.constant 14 : i32
      %dma_wait3A_2152 = arith.constant 0 : i32
      %dma_wait3A_2153 = arith.constant 0 : i32
      %dma_wait3A_2154 = tpu.memref_slice %arg8[%dma_wait3A_2151, %dma_wait3A_2152, %dma_wait3A_2153] : memref<32x50x32xf32, #tpu.memory_space<vmem>> -> memref<1x50x32xf32, #tpu.memory_space<vmem>>
      %dma_wait3A_2155 = tpu.memref_squeeze %dma_wait3A_2154 : memref<1x50x32xf32, #tpu.memory_space<vmem>> -> memref<50x32xf32, #tpu.memory_space<vmem>>
      %dma_wait3A_2156 = arith.constant 0 : i32
      %dma_wait3A_2157 = tpu.memref_slice %arg6[%dma_wait3A_2150, %dma_wait3A_2156] : memref<32x50xi32, #tpu.memory_space<vmem>> -> memref<1x50xi32, #tpu.memory_space<vmem>>
      %dma_wait3A_2158 = tpu.memref_squeeze %dma_wait3A_2157 : memref<1x50xi32, #tpu.memory_space<vmem>> -> memref<50xi32, #tpu.memory_space<vmem>>
      %dma_wait3A_2159 = arith.constant 0 : i32
      %dma_wait3A_2160 = arith.constant 0 : i32
      %dma_wait3A_2161 = tpu.memref_slice %arg3[%dma_wait3A_2159, %dma_wait3A_2160] : memref<1000000x32xf32, #tpu.memory_space<hbm>> -> memref<1000000x32xf32, #tpu.memory_space<hbm>>
      tpu.wait_indirect_dma semaphore(%arg10 : memref<!tpu.dma_semaphore, #tpu.memory_space<semaphore_mem>>) src(%dma_wait3A_2161 : memref<1000000x32xf32, #tpu.memory_space<hbm>>) dst(%dma_wait3A_2155 : memref<50x32xf32, #tpu.memory_space<vmem>>)
      %dma_wait3A_2162 = arith.constant 15 : i32
      %dma_wait3A_2163 = arith.constant 15 : i32
      %dma_wait3A_2164 = arith.constant 0 : i32
      %dma_wait3A_2165 = arith.constant 0 : i32
      %dma_wait3A_2166 = tpu.memref_slice %arg8[%dma_wait3A_2163, %dma_wait3A_2164, %dma_wait3A_2165] : memref<32x50x32xf32, #tpu.memory_space<vmem>> -> memref<1x50x32xf32, #tpu.memory_space<vmem>>
      %dma_wait3A_2167 = tpu.memref_squeeze %dma_wait3A_2166 : memref<1x50x32xf32, #tpu.memory_space<vmem>> -> memref<50x32xf32, #tpu.memory_space<vmem>>
      %dma_wait3A_2168 = arith.constant 0 : i32
      %dma_wait3A_2169 = tpu.memref_slice %arg6[%dma_wait3A_2162, %dma_wait3A_2168] : memref<32x50xi32, #tpu.memory_space<vmem>> -> memref<1x50xi32, #tpu.memory_space<vmem>>
      %dma_wait3A_2170 = tpu.memref_squeeze %dma_wait3A_2169 : memref<1x50xi32, #tpu.memory_space<vmem>> -> memref<50xi32, #tpu.memory_space<vmem>>
      %dma_wait3A_2171 = arith.constant 0 : i32
      %dma_wait3A_2172 = arith.constant 0 : i32
      %dma_wait3A_2173 = tpu.memref_slice %arg3[%dma_wait3A_2171, %dma_wait3A_2172] : memref<1000000x32xf32, #tpu.memory_space<hbm>> -> memref<1000000x32xf32, #tpu.memory_space<hbm>>
      tpu.wait_indirect_dma semaphore(%arg10 : memref<!tpu.dma_semaphore, #tpu.memory_space<semaphore_mem>>) src(%dma_wait3A_2173 : memref<1000000x32xf32, #tpu.memory_space<hbm>>) dst(%dma_wait3A_2167 : memref<50x32xf32, #tpu.memory_space<vmem>>)
      %dma_wait3A_2174 = arith.constant 16 : i32
      %dma_wait3A_2175 = arith.constant 16 : i32
      %dma_wait3A_2176 = arith.constant 0 : i32
      %dma_wait3A_2177 = arith.constant 0 : i32
      %dma_wait3A_2178 = tpu.memref_slice %arg8[%dma_wait3A_2175, %dma_wait3A_2176, %dma_wait3A_2177] : memref<32x50x32xf32, #tpu.memory_space<vmem>> -> memref<1x50x32xf32, #tpu.memory_space<vmem>>
      %dma_wait3A_2179 = tpu.memref_squeeze %dma_wait3A_2178 : memref<1x50x32xf32, #tpu.memory_space<vmem>> -> memref<50x32xf32, #tpu.memory_space<vmem>>
      %dma_wait3A_2180 = arith.constant 0 : i32
      %dma_wait3A_2181 = tpu.memref_slice %arg6[%dma_wait3A_2174, %dma_wait3A_2180] : memref<32x50xi32, #tpu.memory_space<vmem>> -> memref<1x50xi32, #tpu.memory_space<vmem>>
      %dma_wait3A_2182 = tpu.memref_squeeze %dma_wait3A_2181 : memref<1x50xi32, #tpu.memory_space<vmem>> -> memref<50xi32, #tpu.memory_space<vmem>>
      %dma_wait3A_2183 = arith.constant 0 : i32
      %dma_wait3A_2184 = arith.constant 0 : i32
      %dma_wait3A_2185 = tpu.memref_slice %arg3[%dma_wait3A_2183, %dma_wait3A_2184] : memref<1000000x32xf32, #tpu.memory_space<hbm>> -> memref<1000000x32xf32, #tpu.memory_space<hbm>>
      tpu.wait_indirect_dma semaphore(%arg10 : memref<!tpu.dma_semaphore, #tpu.memory_space<semaphore_mem>>) src(%dma_wait3A_2185 : memref<1000000x32xf32, #tpu.memory_space<hbm>>) dst(%dma_wait3A_2179 : memref<50x32xf32, #tpu.memory_space<vmem>>)
      %dma_wait3A_2186 = arith.constant 17 : i32
      %dma_wait3A_2187 = arith.constant 17 : i32
      %dma_wait3A_2188 = arith.constant 0 : i32
      %dma_wait3A_2189 = arith.constant 0 : i32
      %dma_wait3A_2190 = tpu.memref_slice %arg8[%dma_wait3A_2187, %dma_wait3A_2188, %dma_wait3A_2189] : memref<32x50x32xf32, #tpu.memory_space<vmem>> -> memref<1x50x32xf32, #tpu.memory_space<vmem>>
      %dma_wait3A_2191 = tpu.memref_squeeze %dma_wait3A_2190 : memref<1x50x32xf32, #tpu.memory_space<vmem>> -> memref<50x32xf32, #tpu.memory_space<vmem>>
      %dma_wait3A_2192 = arith.constant 0 : i32
      %dma_wait3A_2193 = tpu.memref_slice %arg6[%dma_wait3A_2186, %dma_wait3A_2192] : memref<32x50xi32, #tpu.memory_space<vmem>> -> memref<1x50xi32, #tpu.memory_space<vmem>>
      %dma_wait3A_2194 = tpu.memref_squeeze %dma_wait3A_2193 : memref<1x50xi32, #tpu.memory_space<vmem>> -> memref<50xi32, #tpu.memory_space<vmem>>
      %dma_wait3A_2195 = arith.constant 0 : i32
      %dma_wait3A_2196 = arith.constant 0 : i32
      %dma_wait3A_2197 = tpu.memref_slice %arg3[%dma_wait3A_2195, %dma_wait3A_2196] : memref<1000000x32xf32, #tpu.memory_space<hbm>> -> memref<1000000x32xf32, #tpu.memory_space<hbm>>
      tpu.wait_indirect_dma semaphore(%arg10 : memref<!tpu.dma_semaphore, #tpu.memory_space<semaphore_mem>>) src(%dma_wait3A_2197 : memref<1000000x32xf32, #tpu.memory_space<hbm>>) dst(%dma_wait3A_2191 : memref<50x32xf32, #tpu.memory_space<vmem>>)
      %dma_wait3A_2198 = arith.constant 18 : i32
      %dma_wait3A_2199 = arith.constant 18 : i32
      %dma_wait3A_2200 = arith.constant 0 : i32
      %dma_wait3A_2201 = arith.constant 0 : i32
      %dma_wait3A_2202 = tpu.memref_slice %arg8[%dma_wait3A_2199, %dma_wait3A_2200, %dma_wait3A_2201] : memref<32x50x32xf32, #tpu.memory_space<vmem>> -> memref<1x50x32xf32, #tpu.memory_space<vmem>>
      %dma_wait3A_2203 = tpu.memref_squeeze %dma_wait3A_2202 : memref<1x50x32xf32, #tpu.memory_space<vmem>> -> memref<50x32xf32, #tpu.memory_space<vmem>>
      %dma_wait3A_2204 = arith.constant 0 : i32
      %dma_wait3A_2205 = tpu.memref_slice %arg6[%dma_wait3A_2198, %dma_wait3A_2204] : memref<32x50xi32, #tpu.memory_space<vmem>> -> memref<1x50xi32, #tpu.memory_space<vmem>>
      %dma_wait3A_2206 = tpu.memref_squeeze %dma_wait3A_2205 : memref<1x50xi32, #tpu.memory_space<vmem>> -> memref<50xi32, #tpu.memory_space<vmem>>
      %dma_wait3A_2207 = arith.constant 0 : i32
      %dma_wait3A_2208 = arith.constant 0 : i32
      %dma_wait3A_2209 = tpu.memref_slice %arg3[%dma_wait3A_2207, %dma_wait3A_2208] : memref<1000000x32xf32, #tpu.memory_space<hbm>> -> memref<1000000x32xf32, #tpu.memory_space<hbm>>
      tpu.wait_indirect_dma semaphore(%arg10 : memref<!tpu.dma_semaphore, #tpu.memory_space<semaphore_mem>>) src(%dma_wait3A_2209 : memref<1000000x32xf32, #tpu.memory_space<hbm>>) dst(%dma_wait3A_2203 : memref<50x32xf32, #tpu.memory_space<vmem>>)
      %dma_wait3A_2210 = arith.constant 19 : i32
      %dma_wait3A_2211 = arith.constant 19 : i32
      %dma_wait3A_2212 = arith.constant 0 : i32
      %dma_wait3A_2213 = arith.constant 0 : i32
      %dma_wait3A_2214 = tpu.memref_slice %arg8[%dma_wait3A_2211, %dma_wait3A_2212, %dma_wait3A_2213] : memref<32x50x32xf32, #tpu.memory_space<vmem>> -> memref<1x50x32xf32, #tpu.memory_space<vmem>>
      %dma_wait3A_2215 = tpu.memref_squeeze %dma_wait3A_2214 : memref<1x50x32xf32, #tpu.memory_space<vmem>> -> memref<50x32xf32, #tpu.memory_space<vmem>>
      %dma_wait3A_2216 = arith.constant 0 : i32
      %dma_wait3A_2217 = tpu.memref_slice %arg6[%dma_wait3A_2210, %dma_wait3A_2216] : memref<32x50xi32, #tpu.memory_space<vmem>> -> memref<1x50xi32, #tpu.memory_space<vmem>>
      %dma_wait3A_2218 = tpu.memref_squeeze %dma_wait3A_2217 : memref<1x50xi32, #tpu.memory_space<vmem>> -> memref<50xi32, #tpu.memory_space<vmem>>
      %dma_wait3A_2219 = arith.constant 0 : i32
      %dma_wait3A_2220 = arith.constant 0 : i32
      %dma_wait3A_2221 = tpu.memref_slice %arg3[%dma_wait3A_2219, %dma_wait3A_2220] : memref<1000000x32xf32, #tpu.memory_space<hbm>> -> memref<1000000x32xf32, #tpu.memory_space<hbm>>
      tpu.wait_indirect_dma semaphore(%arg10 : memref<!tpu.dma_semaphore, #tpu.memory_space<semaphore_mem>>) src(%dma_wait3A_2221 : memref<1000000x32xf32, #tpu.memory_space<hbm>>) dst(%dma_wait3A_2215 : memref<50x32xf32, #tpu.memory_space<vmem>>)
      %dma_wait3A_2222 = arith.constant 20 : i32
      %dma_wait3A_2223 = arith.constant 20 : i32
      %dma_wait3A_2224 = arith.constant 0 : i32
      %dma_wait3A_2225 = arith.constant 0 : i32
      %dma_wait3A_2226 = tpu.memref_slice %arg8[%dma_wait3A_2223, %dma_wait3A_2224, %dma_wait3A_2225] : memref<32x50x32xf32, #tpu.memory_space<vmem>> -> memref<1x50x32xf32, #tpu.memory_space<vmem>>
      %dma_wait3A_2227 = tpu.memref_squeeze %dma_wait3A_2226 : memref<1x50x32xf32, #tpu.memory_space<vmem>> -> memref<50x32xf32, #tpu.memory_space<vmem>>
      %dma_wait3A_2228 = arith.constant 0 : i32
      %dma_wait3A_2229 = tpu.memref_slice %arg6[%dma_wait3A_2222, %dma_wait3A_2228] : memref<32x50xi32, #tpu.memory_space<vmem>> -> memref<1x50xi32, #tpu.memory_space<vmem>>
      %dma_wait3A_2230 = tpu.memref_squeeze %dma_wait3A_2229 : memref<1x50xi32, #tpu.memory_space<vmem>> -> memref<50xi32, #tpu.memory_space<vmem>>
      %dma_wait3A_2231 = arith.constant 0 : i32
      %dma_wait3A_2232 = arith.constant 0 : i32
      %dma_wait3A_2233 = tpu.memref_slice %arg3[%dma_wait3A_2231, %dma_wait3A_2232] : memref<1000000x32xf32, #tpu.memory_space<hbm>> -> memref<1000000x32xf32, #tpu.memory_space<hbm>>
      tpu.wait_indirect_dma semaphore(%arg10 : memref<!tpu.dma_semaphore, #tpu.memory_space<semaphore_mem>>) src(%dma_wait3A_2233 : memref<1000000x32xf32, #tpu.memory_space<hbm>>) dst(%dma_wait3A_2227 : memref<50x32xf32, #tpu.memory_space<vmem>>)
      %dma_wait3A_2234 = arith.constant 21 : i32
      %dma_wait3A_2235 = arith.constant 21 : i32
      %dma_wait3A_2236 = arith.constant 0 : i32
      %dma_wait3A_2237 = arith.constant 0 : i32
      %dma_wait3A_2238 = tpu.memref_slice %arg8[%dma_wait3A_2235, %dma_wait3A_2236, %dma_wait3A_2237] : memref<32x50x32xf32, #tpu.memory_space<vmem>> -> memref<1x50x32xf32, #tpu.memory_space<vmem>>
      %dma_wait3A_2239 = tpu.memref_squeeze %dma_wait3A_2238 : memref<1x50x32xf32, #tpu.memory_space<vmem>> -> memref<50x32xf32, #tpu.memory_space<vmem>>
      %dma_wait3A_2240 = arith.constant 0 : i32
      %dma_wait3A_2241 = tpu.memref_slice %arg6[%dma_wait3A_2234, %dma_wait3A_2240] : memref<32x50xi32, #tpu.memory_space<vmem>> -> memref<1x50xi32, #tpu.memory_space<vmem>>
      %dma_wait3A_2242 = tpu.memref_squeeze %dma_wait3A_2241 : memref<1x50xi32, #tpu.memory_space<vmem>> -> memref<50xi32, #tpu.memory_space<vmem>>
      %dma_wait3A_2243 = arith.constant 0 : i32
      %dma_wait3A_2244 = arith.constant 0 : i32
      %dma_wait3A_2245 = tpu.memref_slice %arg3[%dma_wait3A_2243, %dma_wait3A_2244] : memref<1000000x32xf32, #tpu.memory_space<hbm>> -> memref<1000000x32xf32, #tpu.memory_space<hbm>>
      tpu.wait_indirect_dma semaphore(%arg10 : memref<!tpu.dma_semaphore, #tpu.memory_space<semaphore_mem>>) src(%dma_wait3A_2245 : memref<1000000x32xf32, #tpu.memory_space<hbm>>) dst(%dma_wait3A_2239 : memref<50x32xf32, #tpu.memory_space<vmem>>)
      %dma_wait3A_2246 = arith.constant 22 : i32
      %dma_wait3A_2247 = arith.constant 22 : i32
      %dma_wait3A_2248 = arith.constant 0 : i32
      %dma_wait3A_2249 = arith.constant 0 : i32
      %dma_wait3A_2250 = tpu.memref_slice %arg8[%dma_wait3A_2247, %dma_wait3A_2248, %dma_wait3A_2249] : memref<32x50x32xf32, #tpu.memory_space<vmem>> -> memref<1x50x32xf32, #tpu.memory_space<vmem>>
      %dma_wait3A_2251 = tpu.memref_squeeze %dma_wait3A_2250 : memref<1x50x32xf32, #tpu.memory_space<vmem>> -> memref<50x32xf32, #tpu.memory_space<vmem>>
      %dma_wait3A_2252 = arith.constant 0 : i32
      %dma_wait3A_2253 = tpu.memref_slice %arg6[%dma_wait3A_2246, %dma_wait3A_2252] : memref<32x50xi32, #tpu.memory_space<vmem>> -> memref<1x50xi32, #tpu.memory_space<vmem>>
      %dma_wait3A_2254 = tpu.memref_squeeze %dma_wait3A_2253 : memref<1x50xi32, #tpu.memory_space<vmem>> -> memref<50xi32, #tpu.memory_space<vmem>>
      %dma_wait3A_2255 = arith.constant 0 : i32
      %dma_wait3A_2256 = arith.constant 0 : i32
      %dma_wait3A_2257 = tpu.memref_slice %arg3[%dma_wait3A_2255, %dma_wait3A_2256] : memref<1000000x32xf32, #tpu.memory_space<hbm>> -> memref<1000000x32xf32, #tpu.memory_space<hbm>>
      tpu.wait_indirect_dma semaphore(%arg10 : memref<!tpu.dma_semaphore, #tpu.memory_space<semaphore_mem>>) src(%dma_wait3A_2257 : memref<1000000x32xf32, #tpu.memory_space<hbm>>) dst(%dma_wait3A_2251 : memref<50x32xf32, #tpu.memory_space<vmem>>)
      %dma_wait3A_2258 = arith.constant 23 : i32
      %dma_wait3A_2259 = arith.constant 23 : i32
      %dma_wait3A_2260 = arith.constant 0 : i32
      %dma_wait3A_2261 = arith.constant 0 : i32
      %dma_wait3A_2262 = tpu.memref_slice %arg8[%dma_wait3A_2259, %dma_wait3A_2260, %dma_wait3A_2261] : memref<32x50x32xf32, #tpu.memory_space<vmem>> -> memref<1x50x32xf32, #tpu.memory_space<vmem>>
      %dma_wait3A_2263 = tpu.memref_squeeze %dma_wait3A_2262 : memref<1x50x32xf32, #tpu.memory_space<vmem>> -> memref<50x32xf32, #tpu.memory_space<vmem>>
      %dma_wait3A_2264 = arith.constant 0 : i32
      %dma_wait3A_2265 = tpu.memref_slice %arg6[%dma_wait3A_2258, %dma_wait3A_2264] : memref<32x50xi32, #tpu.memory_space<vmem>> -> memref<1x50xi32, #tpu.memory_space<vmem>>
      %dma_wait3A_2266 = tpu.memref_squeeze %dma_wait3A_2265 : memref<1x50xi32, #tpu.memory_space<vmem>> -> memref<50xi32, #tpu.memory_space<vmem>>
      %dma_wait3A_2267 = arith.constant 0 : i32
      %dma_wait3A_2268 = arith.constant 0 : i32
      %dma_wait3A_2269 = tpu.memref_slice %arg3[%dma_wait3A_2267, %dma_wait3A_2268] : memref<1000000x32xf32, #tpu.memory_space<hbm>> -> memref<1000000x32xf32, #tpu.memory_space<hbm>>
      tpu.wait_indirect_dma semaphore(%arg10 : memref<!tpu.dma_semaphore, #tpu.memory_space<semaphore_mem>>) src(%dma_wait3A_2269 : memref<1000000x32xf32, #tpu.memory_space<hbm>>) dst(%dma_wait3A_2263 : memref<50x32xf32, #tpu.memory_space<vmem>>)
      %dma_wait3A_2270 = arith.constant 24 : i32
      %dma_wait3A_2271 = arith.constant 24 : i32
      %dma_wait3A_2272 = arith.constant 0 : i32
      %dma_wait3A_2273 = arith.constant 0 : i32
      %dma_wait3A_2274 = tpu.memref_slice %arg8[%dma_wait3A_2271, %dma_wait3A_2272, %dma_wait3A_2273] : memref<32x50x32xf32, #tpu.memory_space<vmem>> -> memref<1x50x32xf32, #tpu.memory_space<vmem>>
      %dma_wait3A_2275 = tpu.memref_squeeze %dma_wait3A_2274 : memref<1x50x32xf32, #tpu.memory_space<vmem>> -> memref<50x32xf32, #tpu.memory_space<vmem>>
      %dma_wait3A_2276 = arith.constant 0 : i32
      %dma_wait3A_2277 = tpu.memref_slice %arg6[%dma_wait3A_2270, %dma_wait3A_2276] : memref<32x50xi32, #tpu.memory_space<vmem>> -> memref<1x50xi32, #tpu.memory_space<vmem>>
      %dma_wait3A_2278 = tpu.memref_squeeze %dma_wait3A_2277 : memref<1x50xi32, #tpu.memory_space<vmem>> -> memref<50xi32, #tpu.memory_space<vmem>>
      %dma_wait3A_2279 = arith.constant 0 : i32
      %dma_wait3A_2280 = arith.constant 0 : i32
      %dma_wait3A_2281 = tpu.memref_slice %arg3[%dma_wait3A_2279, %dma_wait3A_2280] : memref<1000000x32xf32, #tpu.memory_space<hbm>> -> memref<1000000x32xf32, #tpu.memory_space<hbm>>
      tpu.wait_indirect_dma semaphore(%arg10 : memref<!tpu.dma_semaphore, #tpu.memory_space<semaphore_mem>>) src(%dma_wait3A_2281 : memref<1000000x32xf32, #tpu.memory_space<hbm>>) dst(%dma_wait3A_2275 : memref<50x32xf32, #tpu.memory_space<vmem>>)
      %dma_wait3A_2282 = arith.constant 25 : i32
      %dma_wait3A_2283 = arith.constant 25 : i32
      %dma_wait3A_2284 = arith.constant 0 : i32
      %dma_wait3A_2285 = arith.constant 0 : i32
      %dma_wait3A_2286 = tpu.memref_slice %arg8[%dma_wait3A_2283, %dma_wait3A_2284, %dma_wait3A_2285] : memref<32x50x32xf32, #tpu.memory_space<vmem>> -> memref<1x50x32xf32, #tpu.memory_space<vmem>>
      %dma_wait3A_2287 = tpu.memref_squeeze %dma_wait3A_2286 : memref<1x50x32xf32, #tpu.memory_space<vmem>> -> memref<50x32xf32, #tpu.memory_space<vmem>>
      %dma_wait3A_2288 = arith.constant 0 : i32
      %dma_wait3A_2289 = tpu.memref_slice %arg6[%dma_wait3A_2282, %dma_wait3A_2288] : memref<32x50xi32, #tpu.memory_space<vmem>> -> memref<1x50xi32, #tpu.memory_space<vmem>>
      %dma_wait3A_2290 = tpu.memref_squeeze %dma_wait3A_2289 : memref<1x50xi32, #tpu.memory_space<vmem>> -> memref<50xi32, #tpu.memory_space<vmem>>
      %dma_wait3A_2291 = arith.constant 0 : i32
      %dma_wait3A_2292 = arith.constant 0 : i32
      %dma_wait3A_2293 = tpu.memref_slice %arg3[%dma_wait3A_2291, %dma_wait3A_2292] : memref<1000000x32xf32, #tpu.memory_space<hbm>> -> memref<1000000x32xf32, #tpu.memory_space<hbm>>
      tpu.wait_indirect_dma semaphore(%arg10 : memref<!tpu.dma_semaphore, #tpu.memory_space<semaphore_mem>>) src(%dma_wait3A_2293 : memref<1000000x32xf32, #tpu.memory_space<hbm>>) dst(%dma_wait3A_2287 : memref<50x32xf32, #tpu.memory_space<vmem>>)
      %dma_wait3A_2294 = arith.constant 26 : i32
      %dma_wait3A_2295 = arith.constant 26 : i32
      %dma_wait3A_2296 = arith.constant 0 : i32
      %dma_wait3A_2297 = arith.constant 0 : i32
      %dma_wait3A_2298 = tpu.memref_slice %arg8[%dma_wait3A_2295, %dma_wait3A_2296, %dma_wait3A_2297] : memref<32x50x32xf32, #tpu.memory_space<vmem>> -> memref<1x50x32xf32, #tpu.memory_space<vmem>>
      %dma_wait3A_2299 = tpu.memref_squeeze %dma_wait3A_2298 : memref<1x50x32xf32, #tpu.memory_space<vmem>> -> memref<50x32xf32, #tpu.memory_space<vmem>>
      %dma_wait3A_2300 = arith.constant 0 : i32
      %dma_wait3A_2301 = tpu.memref_slice %arg6[%dma_wait3A_2294, %dma_wait3A_2300] : memref<32x50xi32, #tpu.memory_space<vmem>> -> memref<1x50xi32, #tpu.memory_space<vmem>>
      %dma_wait3A_2302 = tpu.memref_squeeze %dma_wait3A_2301 : memref<1x50xi32, #tpu.memory_space<vmem>> -> memref<50xi32, #tpu.memory_space<vmem>>
      %dma_wait3A_2303 = arith.constant 0 : i32
      %dma_wait3A_2304 = arith.constant 0 : i32
      %dma_wait3A_2305 = tpu.memref_slice %arg3[%dma_wait3A_2303, %dma_wait3A_2304] : memref<1000000x32xf32, #tpu.memory_space<hbm>> -> memref<1000000x32xf32, #tpu.memory_space<hbm>>
      tpu.wait_indirect_dma semaphore(%arg10 : memref<!tpu.dma_semaphore, #tpu.memory_space<semaphore_mem>>) src(%dma_wait3A_2305 : memref<1000000x32xf32, #tpu.memory_space<hbm>>) dst(%dma_wait3A_2299 : memref<50x32xf32, #tpu.memory_space<vmem>>)
      %dma_wait3A_2306 = arith.constant 27 : i32
      %dma_wait3A_2307 = arith.constant 27 : i32
      %dma_wait3A_2308 = arith.constant 0 : i32
      %dma_wait3A_2309 = arith.constant 0 : i32
      %dma_wait3A_2310 = tpu.memref_slice %arg8[%dma_wait3A_2307, %dma_wait3A_2308, %dma_wait3A_2309] : memref<32x50x32xf32, #tpu.memory_space<vmem>> -> memref<1x50x32xf32, #tpu.memory_space<vmem>>
      %dma_wait3A_2311 = tpu.memref_squeeze %dma_wait3A_2310 : memref<1x50x32xf32, #tpu.memory_space<vmem>> -> memref<50x32xf32, #tpu.memory_space<vmem>>
      %dma_wait3A_2312 = arith.constant 0 : i32
      %dma_wait3A_2313 = tpu.memref_slice %arg6[%dma_wait3A_2306, %dma_wait3A_2312] : memref<32x50xi32, #tpu.memory_space<vmem>> -> memref<1x50xi32, #tpu.memory_space<vmem>>
      %dma_wait3A_2314 = tpu.memref_squeeze %dma_wait3A_2313 : memref<1x50xi32, #tpu.memory_space<vmem>> -> memref<50xi32, #tpu.memory_space<vmem>>
      %dma_wait3A_2315 = arith.constant 0 : i32
      %dma_wait3A_2316 = arith.constant 0 : i32
      %dma_wait3A_2317 = tpu.memref_slice %arg3[%dma_wait3A_2315, %dma_wait3A_2316] : memref<1000000x32xf32, #tpu.memory_space<hbm>> -> memref<1000000x32xf32, #tpu.memory_space<hbm>>
      tpu.wait_indirect_dma semaphore(%arg10 : memref<!tpu.dma_semaphore, #tpu.memory_space<semaphore_mem>>) src(%dma_wait3A_2317 : memref<1000000x32xf32, #tpu.memory_space<hbm>>) dst(%dma_wait3A_2311 : memref<50x32xf32, #tpu.memory_space<vmem>>)
      %dma_wait3A_2318 = arith.constant 28 : i32
      %dma_wait3A_2319 = arith.constant 28 : i32
      %dma_wait3A_2320 = arith.constant 0 : i32
      %dma_wait3A_2321 = arith.constant 0 : i32
      %dma_wait3A_2322 = tpu.memref_slice %arg8[%dma_wait3A_2319, %dma_wait3A_2320, %dma_wait3A_2321] : memref<32x50x32xf32, #tpu.memory_space<vmem>> -> memref<1x50x32xf32, #tpu.memory_space<vmem>>
      %dma_wait3A_2323 = tpu.memref_squeeze %dma_wait3A_2322 : memref<1x50x32xf32, #tpu.memory_space<vmem>> -> memref<50x32xf32, #tpu.memory_space<vmem>>
      %dma_wait3A_2324 = arith.constant 0 : i32
      %dma_wait3A_2325 = tpu.memref_slice %arg6[%dma_wait3A_2318, %dma_wait3A_2324] : memref<32x50xi32, #tpu.memory_space<vmem>> -> memref<1x50xi32, #tpu.memory_space<vmem>>
      %dma_wait3A_2326 = tpu.memref_squeeze %dma_wait3A_2325 : memref<1x50xi32, #tpu.memory_space<vmem>> -> memref<50xi32, #tpu.memory_space<vmem>>
      %dma_wait3A_2327 = arith.constant 0 : i32
      %dma_wait3A_2328 = arith.constant 0 : i32
      %dma_wait3A_2329 = tpu.memref_slice %arg3[%dma_wait3A_2327, %dma_wait3A_2328] : memref<1000000x32xf32, #tpu.memory_space<hbm>> -> memref<1000000x32xf32, #tpu.memory_space<hbm>>
      tpu.wait_indirect_dma semaphore(%arg10 : memref<!tpu.dma_semaphore, #tpu.memory_space<semaphore_mem>>) src(%dma_wait3A_2329 : memref<1000000x32xf32, #tpu.memory_space<hbm>>) dst(%dma_wait3A_2323 : memref<50x32xf32, #tpu.memory_space<vmem>>)
      %dma_wait3A_2330 = arith.constant 29 : i32
      %dma_wait3A_2331 = arith.constant 29 : i32
      %dma_wait3A_2332 = arith.constant 0 : i32
      %dma_wait3A_2333 = arith.constant 0 : i32
      %dma_wait3A_2334 = tpu.memref_slice %arg8[%dma_wait3A_2331, %dma_wait3A_2332, %dma_wait3A_2333] : memref<32x50x32xf32, #tpu.memory_space<vmem>> -> memref<1x50x32xf32, #tpu.memory_space<vmem>>
      %dma_wait3A_2335 = tpu.memref_squeeze %dma_wait3A_2334 : memref<1x50x32xf32, #tpu.memory_space<vmem>> -> memref<50x32xf32, #tpu.memory_space<vmem>>
      %dma_wait3A_2336 = arith.constant 0 : i32
      %dma_wait3A_2337 = tpu.memref_slice %arg6[%dma_wait3A_2330, %dma_wait3A_2336] : memref<32x50xi32, #tpu.memory_space<vmem>> -> memref<1x50xi32, #tpu.memory_space<vmem>>
      %dma_wait3A_2338 = tpu.memref_squeeze %dma_wait3A_2337 : memref<1x50xi32, #tpu.memory_space<vmem>> -> memref<50xi32, #tpu.memory_space<vmem>>
      %dma_wait3A_2339 = arith.constant 0 : i32
      %dma_wait3A_2340 = arith.constant 0 : i32
      %dma_wait3A_2341 = tpu.memref_slice %arg3[%dma_wait3A_2339, %dma_wait3A_2340] : memref<1000000x32xf32, #tpu.memory_space<hbm>> -> memref<1000000x32xf32, #tpu.memory_space<hbm>>
      tpu.wait_indirect_dma semaphore(%arg10 : memref<!tpu.dma_semaphore, #tpu.memory_space<semaphore_mem>>) src(%dma_wait3A_2341 : memref<1000000x32xf32, #tpu.memory_space<hbm>>) dst(%dma_wait3A_2335 : memref<50x32xf32, #tpu.memory_space<vmem>>)
      %dma_wait3A_2342 = arith.constant 30 : i32
      %dma_wait3A_2343 = arith.constant 30 : i32
      %dma_wait3A_2344 = arith.constant 0 : i32
      %dma_wait3A_2345 = arith.constant 0 : i32
      %dma_wait3A_2346 = tpu.memref_slice %arg8[%dma_wait3A_2343, %dma_wait3A_2344, %dma_wait3A_2345] : memref<32x50x32xf32, #tpu.memory_space<vmem>> -> memref<1x50x32xf32, #tpu.memory_space<vmem>>
      %dma_wait3A_2347 = tpu.memref_squeeze %dma_wait3A_2346 : memref<1x50x32xf32, #tpu.memory_space<vmem>> -> memref<50x32xf32, #tpu.memory_space<vmem>>
      %dma_wait3A_2348 = arith.constant 0 : i32
      %dma_wait3A_2349 = tpu.memref_slice %arg6[%dma_wait3A_2342, %dma_wait3A_2348] : memref<32x50xi32, #tpu.memory_space<vmem>> -> memref<1x50xi32, #tpu.memory_space<vmem>>
      %dma_wait3A_2350 = tpu.memref_squeeze %dma_wait3A_2349 : memref<1x50xi32, #tpu.memory_space<vmem>> -> memref<50xi32, #tpu.memory_space<vmem>>
      %dma_wait3A_2351 = arith.constant 0 : i32
      %dma_wait3A_2352 = arith.constant 0 : i32
      %dma_wait3A_2353 = tpu.memref_slice %arg3[%dma_wait3A_2351, %dma_wait3A_2352] : memref<1000000x32xf32, #tpu.memory_space<hbm>> -> memref<1000000x32xf32, #tpu.memory_space<hbm>>
      tpu.wait_indirect_dma semaphore(%arg10 : memref<!tpu.dma_semaphore, #tpu.memory_space<semaphore_mem>>) src(%dma_wait3A_2353 : memref<1000000x32xf32, #tpu.memory_space<hbm>>) dst(%dma_wait3A_2347 : memref<50x32xf32, #tpu.memory_space<vmem>>)
      %dma_wait3A_2354 = arith.constant 31 : i32
      %dma_wait3A_2355 = arith.constant 31 : i32
      %dma_wait3A_2356 = arith.constant 0 : i32
      %dma_wait3A_2357 = arith.constant 0 : i32
      %dma_wait3A_2358 = tpu.memref_slice %arg8[%dma_wait3A_2355, %dma_wait3A_2356, %dma_wait3A_2357] : memref<32x50x32xf32, #tpu.memory_space<vmem>> -> memref<1x50x32xf32, #tpu.memory_space<vmem>>
      %dma_wait3A_2359 = tpu.memref_squeeze %dma_wait3A_2358 : memref<1x50x32xf32, #tpu.memory_space<vmem>> -> memref<50x32xf32, #tpu.memory_space<vmem>>
      %dma_wait3A_2360 = arith.constant 0 : i32
      %dma_wait3A_2361 = tpu.memref_slice %arg6[%dma_wait3A_2354, %dma_wait3A_2360] : memref<32x50xi32, #tpu.memory_space<vmem>> -> memref<1x50xi32, #tpu.memory_space<vmem>>
      %dma_wait3A_2362 = tpu.memref_squeeze %dma_wait3A_2361 : memref<1x50xi32, #tpu.memory_space<vmem>> -> memref<50xi32, #tpu.memory_space<vmem>>
      %dma_wait3A_2363 = arith.constant 0 : i32
      %dma_wait3A_2364 = arith.constant 0 : i32
      %dma_wait3A_2365 = tpu.memref_slice %arg3[%dma_wait3A_2363, %dma_wait3A_2364] : memref<1000000x32xf32, #tpu.memory_space<hbm>> -> memref<1000000x32xf32, #tpu.memory_space<hbm>>
      tpu.wait_indirect_dma semaphore(%arg10 : memref<!tpu.dma_semaphore, #tpu.memory_space<semaphore_mem>>) src(%dma_wait3A_2365 : memref<1000000x32xf32, #tpu.memory_space<hbm>>) dst(%dma_wait3A_2359 : memref<50x32xf32, #tpu.memory_space<vmem>>)
      %mul3A_2366 = arith.constant 32 : i32
      %mul3A_2367 = arith.muli %add3A_1582, %mul3A_2366 : i32
      %add3A_2368 = arith.addi %mul3A_2, %mul3A_2367 : i32
      %dma_start3A_2369 = arith.constant 0 : i32
      %dma_start3A_2370 = arith.constant 0 : i32
      %dma_start3A_2371 = tpu.memref_slice %arg4[%add3A_2368, %dma_start3A_2369, %dma_start3A_2370] : memref<16384x50x32xf32, #tpu.memory_space<hbm>> -> memref<32x50x32xf32, #tpu.memory_space<hbm>>
      %dma_start3A_2372 = arith.constant 0 : i32
      %dma_start3A_2373 = arith.constant 0 : i32
      %dma_start3A_2374 = tpu.memref_slice %arg4[%add3A_2368, %dma_start3A_2372, %dma_start3A_2373] : memref<16384x50x32xf32, #tpu.memory_space<hbm>> -> memref<32x50x32xf32, #tpu.memory_space<hbm>>
      tpu.enqueue_dma source(%arg8 : memref<32x50x32xf32, #tpu.memory_space<vmem>>) target(%dma_start3A_2374 : memref<32x50x32xf32, #tpu.memory_space<hbm>>) target_semaphore(%arg12 : memref<!tpu.dma_semaphore, #tpu.memory_space<semaphore_mem>>)
      %mul3A_2375 = arith.constant 32 : i32
      %mul3A_2376 = arith.muli %add3A_1582, %mul3A_2375 : i32
      %add3A_2377 = arith.addi %mul3A_2, %mul3A_2376 : i32
      %dma_wait3A_2378 = arith.constant 0 : i32
      %dma_wait3A_2379 = arith.constant 0 : i32
      %dma_wait3A_2380 = tpu.memref_slice %arg4[%add3A_2377, %dma_wait3A_2378, %dma_wait3A_2379] : memref<16384x50x32xf32, #tpu.memory_space<hbm>> -> memref<32x50x32xf32, #tpu.memory_space<hbm>>
      %dma_wait3A_2381 = arith.constant 0 : i32
      %dma_wait3A_2382 = arith.constant 0 : i32
      %dma_wait3A_2383 = tpu.memref_slice %arg4[%add3A_2377, %dma_wait3A_2381, %dma_wait3A_2382] : memref<16384x50x32xf32, #tpu.memory_space<hbm>> -> memref<32x50x32xf32, #tpu.memory_space<hbm>>
      tpu.wait_dma2 semaphore(%arg12 : memref<!tpu.dma_semaphore, #tpu.memory_space<semaphore_mem>>) src(%arg8 : memref<32x50x32xf32, #tpu.memory_space<vmem>>) dst(%dma_wait3A_2383 : memref<32x50x32xf32, #tpu.memory_space<hbm>>)
      %add3A_2384 = arith.constant 2 : i32
      %add3A_2385 = arith.addi %add3A_1582, %add3A_2384 : i32
      %mul3A_2386 = arith.constant 32 : i32
      %mul3A_2387 = arith.muli %add3A_2385, %mul3A_2386 : i32
      %add3A_2388 = arith.addi %mul3A_2, %mul3A_2387 : i32
      "tpu.region"() ({
        %run_scoped3A = tpu.sem_alloc : memref<!tpu.dma_semaphore, #tpu.memory_space<semaphore_mem>>
        %dma_start3A_3168 = arith.constant 0 : i32
        %dma_start3A_3169 = tpu.memref_slice %arg2[%add3A_2388, %dma_start3A_3168] : memref<16384x50xi32, #tpu.memory_space<hbm>> -> memref<32x50xi32, #tpu.memory_space<hbm>>
        %dma_start3A_3170 = arith.constant 0 : i32
        %dma_start3A_3171 = tpu.memref_slice %arg2[%add3A_2388, %dma_start3A_3170] : memref<16384x50xi32, #tpu.memory_space<hbm>> -> memref<32x50xi32, #tpu.memory_space<hbm>>
        tpu.enqueue_dma source(%dma_start3A_3171 : memref<32x50xi32, #tpu.memory_space<hbm>>) target(%arg6 : memref<32x50xi32, #tpu.memory_space<vmem>>) target_semaphore(%run_scoped3A : memref<!tpu.dma_semaphore, #tpu.memory_space<semaphore_mem>>)
        %dma_wait3A_3172 = arith.constant 0 : i32
        %dma_wait3A_3173 = tpu.memref_slice %arg2[%add3A_2388, %dma_wait3A_3172] : memref<16384x50xi32, #tpu.memory_space<hbm>> -> memref<32x50xi32, #tpu.memory_space<hbm>>
        %dma_wait3A_3174 = arith.constant 0 : i32
        %dma_wait3A_3175 = tpu.memref_slice %arg2[%add3A_2388, %dma_wait3A_3174] : memref<16384x50xi32, #tpu.memory_space<hbm>> -> memref<32x50xi32, #tpu.memory_space<hbm>>
        tpu.wait_dma2 semaphore(%run_scoped3A : memref<!tpu.dma_semaphore, #tpu.memory_space<semaphore_mem>>) src(%dma_wait3A_3175 : memref<32x50xi32, #tpu.memory_space<hbm>>) dst(%arg6 : memref<32x50xi32, #tpu.memory_space<vmem>>)
        tpu.yield
      }) : () -> ()
      %dma_start3A_2389 = arith.constant 0 : i32
      %dma_start3A_2390 = arith.constant 0 : i32
      %dma_start3A_2391 = arith.constant 0 : i32
      %dma_start3A_2392 = arith.constant 0 : i32
      %dma_start3A_2393 = tpu.memref_slice %arg8[%dma_start3A_2390, %dma_start3A_2391, %dma_start3A_2392] : memref<32x50x32xf32, #tpu.memory_space<vmem>> -> memref<1x50x32xf32, #tpu.memory_space<vmem>>
      %dma_start3A_2394 = tpu.memref_squeeze %dma_start3A_2393 : memref<1x50x32xf32, #tpu.memory_space<vmem>> -> memref<50x32xf32, #tpu.memory_space<vmem>>
      %dma_start3A_2395 = arith.constant 0 : i32
      %dma_start3A_2396 = tpu.memref_slice %arg6[%dma_start3A_2389, %dma_start3A_2395] : memref<32x50xi32, #tpu.memory_space<vmem>> -> memref<1x50xi32, #tpu.memory_space<vmem>>
      %dma_start3A_2397 = tpu.memref_squeeze %dma_start3A_2396 : memref<1x50xi32, #tpu.memory_space<vmem>> -> memref<50xi32, #tpu.memory_space<vmem>>
      %dma_start3A_2398 = arith.constant 0 : i32
      %dma_start3A_2399 = arith.constant 0 : i32
      %dma_start3A_2400 = tpu.memref_slice %arg3[%dma_start3A_2398, %dma_start3A_2399] : memref<1000000x32xf32, #tpu.memory_space<hbm>> -> memref<1000000x32xf32, #tpu.memory_space<hbm>>
      tpu.enqueue_indirect_dma source(%dma_start3A_2400 : memref<1000000x32xf32, #tpu.memory_space<hbm>>) target(%dma_start3A_2394 : memref<50x32xf32, #tpu.memory_space<vmem>>) offsets(%dma_start3A_2397 : memref<50xi32, #tpu.memory_space<vmem>>) semaphore(%arg10 : memref<!tpu.dma_semaphore, #tpu.memory_space<semaphore_mem>>)
      %dma_start3A_2401 = arith.constant 1 : i32
      %dma_start3A_2402 = arith.constant 1 : i32
      %dma_start3A_2403 = arith.constant 0 : i32
      %dma_start3A_2404 = arith.constant 0 : i32
      %dma_start3A_2405 = tpu.memref_slice %arg8[%dma_start3A_2402, %dma_start3A_2403, %dma_start3A_2404] : memref<32x50x32xf32, #tpu.memory_space<vmem>> -> memref<1x50x32xf32, #tpu.memory_space<vmem>>
      %dma_start3A_2406 = tpu.memref_squeeze %dma_start3A_2405 : memref<1x50x32xf32, #tpu.memory_space<vmem>> -> memref<50x32xf32, #tpu.memory_space<vmem>>
      %dma_start3A_2407 = arith.constant 0 : i32
      %dma_start3A_2408 = tpu.memref_slice %arg6[%dma_start3A_2401, %dma_start3A_2407] : memref<32x50xi32, #tpu.memory_space<vmem>> -> memref<1x50xi32, #tpu.memory_space<vmem>>
      %dma_start3A_2409 = tpu.memref_squeeze %dma_start3A_2408 : memref<1x50xi32, #tpu.memory_space<vmem>> -> memref<50xi32, #tpu.memory_space<vmem>>
      %dma_start3A_2410 = arith.constant 0 : i32
      %dma_start3A_2411 = arith.constant 0 : i32
      %dma_start3A_2412 = tpu.memref_slice %arg3[%dma_start3A_2410, %dma_start3A_2411] : memref<1000000x32xf32, #tpu.memory_space<hbm>> -> memref<1000000x32xf32, #tpu.memory_space<hbm>>
      tpu.enqueue_indirect_dma source(%dma_start3A_2412 : memref<1000000x32xf32, #tpu.memory_space<hbm>>) target(%dma_start3A_2406 : memref<50x32xf32, #tpu.memory_space<vmem>>) offsets(%dma_start3A_2409 : memref<50xi32, #tpu.memory_space<vmem>>) semaphore(%arg10 : memref<!tpu.dma_semaphore, #tpu.memory_space<semaphore_mem>>)
      %dma_start3A_2413 = arith.constant 2 : i32
      %dma_start3A_2414 = arith.constant 2 : i32
      %dma_start3A_2415 = arith.constant 0 : i32
      %dma_start3A_2416 = arith.constant 0 : i32
      %dma_start3A_2417 = tpu.memref_slice %arg8[%dma_start3A_2414, %dma_start3A_2415, %dma_start3A_2416] : memref<32x50x32xf32, #tpu.memory_space<vmem>> -> memref<1x50x32xf32, #tpu.memory_space<vmem>>
      %dma_start3A_2418 = tpu.memref_squeeze %dma_start3A_2417 : memref<1x50x32xf32, #tpu.memory_space<vmem>> -> memref<50x32xf32, #tpu.memory_space<vmem>>
      %dma_start3A_2419 = arith.constant 0 : i32
      %dma_start3A_2420 = tpu.memref_slice %arg6[%dma_start3A_2413, %dma_start3A_2419] : memref<32x50xi32, #tpu.memory_space<vmem>> -> memref<1x50xi32, #tpu.memory_space<vmem>>
      %dma_start3A_2421 = tpu.memref_squeeze %dma_start3A_2420 : memref<1x50xi32, #tpu.memory_space<vmem>> -> memref<50xi32, #tpu.memory_space<vmem>>
      %dma_start3A_2422 = arith.constant 0 : i32
      %dma_start3A_2423 = arith.constant 0 : i32
      %dma_start3A_2424 = tpu.memref_slice %arg3[%dma_start3A_2422, %dma_start3A_2423] : memref<1000000x32xf32, #tpu.memory_space<hbm>> -> memref<1000000x32xf32, #tpu.memory_space<hbm>>
      tpu.enqueue_indirect_dma source(%dma_start3A_2424 : memref<1000000x32xf32, #tpu.memory_space<hbm>>) target(%dma_start3A_2418 : memref<50x32xf32, #tpu.memory_space<vmem>>) offsets(%dma_start3A_2421 : memref<50xi32, #tpu.memory_space<vmem>>) semaphore(%arg10 : memref<!tpu.dma_semaphore, #tpu.memory_space<semaphore_mem>>)
      %dma_start3A_2425 = arith.constant 3 : i32
      %dma_start3A_2426 = arith.constant 3 : i32
      %dma_start3A_2427 = arith.constant 0 : i32
      %dma_start3A_2428 = arith.constant 0 : i32
      %dma_start3A_2429 = tpu.memref_slice %arg8[%dma_start3A_2426, %dma_start3A_2427, %dma_start3A_2428] : memref<32x50x32xf32, #tpu.memory_space<vmem>> -> memref<1x50x32xf32, #tpu.memory_space<vmem>>
      %dma_start3A_2430 = tpu.memref_squeeze %dma_start3A_2429 : memref<1x50x32xf32, #tpu.memory_space<vmem>> -> memref<50x32xf32, #tpu.memory_space<vmem>>
      %dma_start3A_2431 = arith.constant 0 : i32
      %dma_start3A_2432 = tpu.memref_slice %arg6[%dma_start3A_2425, %dma_start3A_2431] : memref<32x50xi32, #tpu.memory_space<vmem>> -> memref<1x50xi32, #tpu.memory_space<vmem>>
      %dma_start3A_2433 = tpu.memref_squeeze %dma_start3A_2432 : memref<1x50xi32, #tpu.memory_space<vmem>> -> memref<50xi32, #tpu.memory_space<vmem>>
      %dma_start3A_2434 = arith.constant 0 : i32
      %dma_start3A_2435 = arith.constant 0 : i32
      %dma_start3A_2436 = tpu.memref_slice %arg3[%dma_start3A_2434, %dma_start3A_2435] : memref<1000000x32xf32, #tpu.memory_space<hbm>> -> memref<1000000x32xf32, #tpu.memory_space<hbm>>
      tpu.enqueue_indirect_dma source(%dma_start3A_2436 : memref<1000000x32xf32, #tpu.memory_space<hbm>>) target(%dma_start3A_2430 : memref<50x32xf32, #tpu.memory_space<vmem>>) offsets(%dma_start3A_2433 : memref<50xi32, #tpu.memory_space<vmem>>) semaphore(%arg10 : memref<!tpu.dma_semaphore, #tpu.memory_space<semaphore_mem>>)
      %dma_start3A_2437 = arith.constant 4 : i32
      %dma_start3A_2438 = arith.constant 4 : i32
      %dma_start3A_2439 = arith.constant 0 : i32
      %dma_start3A_2440 = arith.constant 0 : i32
      %dma_start3A_2441 = tpu.memref_slice %arg8[%dma_start3A_2438, %dma_start3A_2439, %dma_start3A_2440] : memref<32x50x32xf32, #tpu.memory_space<vmem>> -> memref<1x50x32xf32, #tpu.memory_space<vmem>>
      %dma_start3A_2442 = tpu.memref_squeeze %dma_start3A_2441 : memref<1x50x32xf32, #tpu.memory_space<vmem>> -> memref<50x32xf32, #tpu.memory_space<vmem>>
      %dma_start3A_2443 = arith.constant 0 : i32
      %dma_start3A_2444 = tpu.memref_slice %arg6[%dma_start3A_2437, %dma_start3A_2443] : memref<32x50xi32, #tpu.memory_space<vmem>> -> memref<1x50xi32, #tpu.memory_space<vmem>>
      %dma_start3A_2445 = tpu.memref_squeeze %dma_start3A_2444 : memref<1x50xi32, #tpu.memory_space<vmem>> -> memref<50xi32, #tpu.memory_space<vmem>>
      %dma_start3A_2446 = arith.constant 0 : i32
      %dma_start3A_2447 = arith.constant 0 : i32
      %dma_start3A_2448 = tpu.memref_slice %arg3[%dma_start3A_2446, %dma_start3A_2447] : memref<1000000x32xf32, #tpu.memory_space<hbm>> -> memref<1000000x32xf32, #tpu.memory_space<hbm>>
      tpu.enqueue_indirect_dma source(%dma_start3A_2448 : memref<1000000x32xf32, #tpu.memory_space<hbm>>) target(%dma_start3A_2442 : memref<50x32xf32, #tpu.memory_space<vmem>>) offsets(%dma_start3A_2445 : memref<50xi32, #tpu.memory_space<vmem>>) semaphore(%arg10 : memref<!tpu.dma_semaphore, #tpu.memory_space<semaphore_mem>>)
      %dma_start3A_2449 = arith.constant 5 : i32
      %dma_start3A_2450 = arith.constant 5 : i32
      %dma_start3A_2451 = arith.constant 0 : i32
      %dma_start3A_2452 = arith.constant 0 : i32
      %dma_start3A_2453 = tpu.memref_slice %arg8[%dma_start3A_2450, %dma_start3A_2451, %dma_start3A_2452] : memref<32x50x32xf32, #tpu.memory_space<vmem>> -> memref<1x50x32xf32, #tpu.memory_space<vmem>>
      %dma_start3A_2454 = tpu.memref_squeeze %dma_start3A_2453 : memref<1x50x32xf32, #tpu.memory_space<vmem>> -> memref<50x32xf32, #tpu.memory_space<vmem>>
      %dma_start3A_2455 = arith.constant 0 : i32
      %dma_start3A_2456 = tpu.memref_slice %arg6[%dma_start3A_2449, %dma_start3A_2455] : memref<32x50xi32, #tpu.memory_space<vmem>> -> memref<1x50xi32, #tpu.memory_space<vmem>>
      %dma_start3A_2457 = tpu.memref_squeeze %dma_start3A_2456 : memref<1x50xi32, #tpu.memory_space<vmem>> -> memref<50xi32, #tpu.memory_space<vmem>>
      %dma_start3A_2458 = arith.constant 0 : i32
      %dma_start3A_2459 = arith.constant 0 : i32
      %dma_start3A_2460 = tpu.memref_slice %arg3[%dma_start3A_2458, %dma_start3A_2459] : memref<1000000x32xf32, #tpu.memory_space<hbm>> -> memref<1000000x32xf32, #tpu.memory_space<hbm>>
      tpu.enqueue_indirect_dma source(%dma_start3A_2460 : memref<1000000x32xf32, #tpu.memory_space<hbm>>) target(%dma_start3A_2454 : memref<50x32xf32, #tpu.memory_space<vmem>>) offsets(%dma_start3A_2457 : memref<50xi32, #tpu.memory_space<vmem>>) semaphore(%arg10 : memref<!tpu.dma_semaphore, #tpu.memory_space<semaphore_mem>>)
      %dma_start3A_2461 = arith.constant 6 : i32
      %dma_start3A_2462 = arith.constant 6 : i32
      %dma_start3A_2463 = arith.constant 0 : i32
      %dma_start3A_2464 = arith.constant 0 : i32
      %dma_start3A_2465 = tpu.memref_slice %arg8[%dma_start3A_2462, %dma_start3A_2463, %dma_start3A_2464] : memref<32x50x32xf32, #tpu.memory_space<vmem>> -> memref<1x50x32xf32, #tpu.memory_space<vmem>>
      %dma_start3A_2466 = tpu.memref_squeeze %dma_start3A_2465 : memref<1x50x32xf32, #tpu.memory_space<vmem>> -> memref<50x32xf32, #tpu.memory_space<vmem>>
      %dma_start3A_2467 = arith.constant 0 : i32
      %dma_start3A_2468 = tpu.memref_slice %arg6[%dma_start3A_2461, %dma_start3A_2467] : memref<32x50xi32, #tpu.memory_space<vmem>> -> memref<1x50xi32, #tpu.memory_space<vmem>>
      %dma_start3A_2469 = tpu.memref_squeeze %dma_start3A_2468 : memref<1x50xi32, #tpu.memory_space<vmem>> -> memref<50xi32, #tpu.memory_space<vmem>>
      %dma_start3A_2470 = arith.constant 0 : i32
      %dma_start3A_2471 = arith.constant 0 : i32
      %dma_start3A_2472 = tpu.memref_slice %arg3[%dma_start3A_2470, %dma_start3A_2471] : memref<1000000x32xf32, #tpu.memory_space<hbm>> -> memref<1000000x32xf32, #tpu.memory_space<hbm>>
      tpu.enqueue_indirect_dma source(%dma_start3A_2472 : memref<1000000x32xf32, #tpu.memory_space<hbm>>) target(%dma_start3A_2466 : memref<50x32xf32, #tpu.memory_space<vmem>>) offsets(%dma_start3A_2469 : memref<50xi32, #tpu.memory_space<vmem>>) semaphore(%arg10 : memref<!tpu.dma_semaphore, #tpu.memory_space<semaphore_mem>>)
      %dma_start3A_2473 = arith.constant 7 : i32
      %dma_start3A_2474 = arith.constant 7 : i32
      %dma_start3A_2475 = arith.constant 0 : i32
      %dma_start3A_2476 = arith.constant 0 : i32
      %dma_start3A_2477 = tpu.memref_slice %arg8[%dma_start3A_2474, %dma_start3A_2475, %dma_start3A_2476] : memref<32x50x32xf32, #tpu.memory_space<vmem>> -> memref<1x50x32xf32, #tpu.memory_space<vmem>>
      %dma_start3A_2478 = tpu.memref_squeeze %dma_start3A_2477 : memref<1x50x32xf32, #tpu.memory_space<vmem>> -> memref<50x32xf32, #tpu.memory_space<vmem>>
      %dma_start3A_2479 = arith.constant 0 : i32
      %dma_start3A_2480 = tpu.memref_slice %arg6[%dma_start3A_2473, %dma_start3A_2479] : memref<32x50xi32, #tpu.memory_space<vmem>> -> memref<1x50xi32, #tpu.memory_space<vmem>>
      %dma_start3A_2481 = tpu.memref_squeeze %dma_start3A_2480 : memref<1x50xi32, #tpu.memory_space<vmem>> -> memref<50xi32, #tpu.memory_space<vmem>>
      %dma_start3A_2482 = arith.constant 0 : i32
      %dma_start3A_2483 = arith.constant 0 : i32
      %dma_start3A_2484 = tpu.memref_slice %arg3[%dma_start3A_2482, %dma_start3A_2483] : memref<1000000x32xf32, #tpu.memory_space<hbm>> -> memref<1000000x32xf32, #tpu.memory_space<hbm>>
      tpu.enqueue_indirect_dma source(%dma_start3A_2484 : memref<1000000x32xf32, #tpu.memory_space<hbm>>) target(%dma_start3A_2478 : memref<50x32xf32, #tpu.memory_space<vmem>>) offsets(%dma_start3A_2481 : memref<50xi32, #tpu.memory_space<vmem>>) semaphore(%arg10 : memref<!tpu.dma_semaphore, #tpu.memory_space<semaphore_mem>>)
      %dma_start3A_2485 = arith.constant 8 : i32
      %dma_start3A_2486 = arith.constant 8 : i32
      %dma_start3A_2487 = arith.constant 0 : i32
      %dma_start3A_2488 = arith.constant 0 : i32
      %dma_start3A_2489 = tpu.memref_slice %arg8[%dma_start3A_2486, %dma_start3A_2487, %dma_start3A_2488] : memref<32x50x32xf32, #tpu.memory_space<vmem>> -> memref<1x50x32xf32, #tpu.memory_space<vmem>>
      %dma_start3A_2490 = tpu.memref_squeeze %dma_start3A_2489 : memref<1x50x32xf32, #tpu.memory_space<vmem>> -> memref<50x32xf32, #tpu.memory_space<vmem>>
      %dma_start3A_2491 = arith.constant 0 : i32
      %dma_start3A_2492 = tpu.memref_slice %arg6[%dma_start3A_2485, %dma_start3A_2491] : memref<32x50xi32, #tpu.memory_space<vmem>> -> memref<1x50xi32, #tpu.memory_space<vmem>>
      %dma_start3A_2493 = tpu.memref_squeeze %dma_start3A_2492 : memref<1x50xi32, #tpu.memory_space<vmem>> -> memref<50xi32, #tpu.memory_space<vmem>>
      %dma_start3A_2494 = arith.constant 0 : i32
      %dma_start3A_2495 = arith.constant 0 : i32
      %dma_start3A_2496 = tpu.memref_slice %arg3[%dma_start3A_2494, %dma_start3A_2495] : memref<1000000x32xf32, #tpu.memory_space<hbm>> -> memref<1000000x32xf32, #tpu.memory_space<hbm>>
      tpu.enqueue_indirect_dma source(%dma_start3A_2496 : memref<1000000x32xf32, #tpu.memory_space<hbm>>) target(%dma_start3A_2490 : memref<50x32xf32, #tpu.memory_space<vmem>>) offsets(%dma_start3A_2493 : memref<50xi32, #tpu.memory_space<vmem>>) semaphore(%arg10 : memref<!tpu.dma_semaphore, #tpu.memory_space<semaphore_mem>>)
      %dma_start3A_2497 = arith.constant 9 : i32
      %dma_start3A_2498 = arith.constant 9 : i32
      %dma_start3A_2499 = arith.constant 0 : i32
      %dma_start3A_2500 = arith.constant 0 : i32
      %dma_start3A_2501 = tpu.memref_slice %arg8[%dma_start3A_2498, %dma_start3A_2499, %dma_start3A_2500] : memref<32x50x32xf32, #tpu.memory_space<vmem>> -> memref<1x50x32xf32, #tpu.memory_space<vmem>>
      %dma_start3A_2502 = tpu.memref_squeeze %dma_start3A_2501 : memref<1x50x32xf32, #tpu.memory_space<vmem>> -> memref<50x32xf32, #tpu.memory_space<vmem>>
      %dma_start3A_2503 = arith.constant 0 : i32
      %dma_start3A_2504 = tpu.memref_slice %arg6[%dma_start3A_2497, %dma_start3A_2503] : memref<32x50xi32, #tpu.memory_space<vmem>> -> memref<1x50xi32, #tpu.memory_space<vmem>>
      %dma_start3A_2505 = tpu.memref_squeeze %dma_start3A_2504 : memref<1x50xi32, #tpu.memory_space<vmem>> -> memref<50xi32, #tpu.memory_space<vmem>>
      %dma_start3A_2506 = arith.constant 0 : i32
      %dma_start3A_2507 = arith.constant 0 : i32
      %dma_start3A_2508 = tpu.memref_slice %arg3[%dma_start3A_2506, %dma_start3A_2507] : memref<1000000x32xf32, #tpu.memory_space<hbm>> -> memref<1000000x32xf32, #tpu.memory_space<hbm>>
      tpu.enqueue_indirect_dma source(%dma_start3A_2508 : memref<1000000x32xf32, #tpu.memory_space<hbm>>) target(%dma_start3A_2502 : memref<50x32xf32, #tpu.memory_space<vmem>>) offsets(%dma_start3A_2505 : memref<50xi32, #tpu.memory_space<vmem>>) semaphore(%arg10 : memref<!tpu.dma_semaphore, #tpu.memory_space<semaphore_mem>>)
      %dma_start3A_2509 = arith.constant 10 : i32
      %dma_start3A_2510 = arith.constant 10 : i32
      %dma_start3A_2511 = arith.constant 0 : i32
      %dma_start3A_2512 = arith.constant 0 : i32
      %dma_start3A_2513 = tpu.memref_slice %arg8[%dma_start3A_2510, %dma_start3A_2511, %dma_start3A_2512] : memref<32x50x32xf32, #tpu.memory_space<vmem>> -> memref<1x50x32xf32, #tpu.memory_space<vmem>>
      %dma_start3A_2514 = tpu.memref_squeeze %dma_start3A_2513 : memref<1x50x32xf32, #tpu.memory_space<vmem>> -> memref<50x32xf32, #tpu.memory_space<vmem>>
      %dma_start3A_2515 = arith.constant 0 : i32
      %dma_start3A_2516 = tpu.memref_slice %arg6[%dma_start3A_2509, %dma_start3A_2515] : memref<32x50xi32, #tpu.memory_space<vmem>> -> memref<1x50xi32, #tpu.memory_space<vmem>>
      %dma_start3A_2517 = tpu.memref_squeeze %dma_start3A_2516 : memref<1x50xi32, #tpu.memory_space<vmem>> -> memref<50xi32, #tpu.memory_space<vmem>>
      %dma_start3A_2518 = arith.constant 0 : i32
      %dma_start3A_2519 = arith.constant 0 : i32
      %dma_start3A_2520 = tpu.memref_slice %arg3[%dma_start3A_2518, %dma_start3A_2519] : memref<1000000x32xf32, #tpu.memory_space<hbm>> -> memref<1000000x32xf32, #tpu.memory_space<hbm>>
      tpu.enqueue_indirect_dma source(%dma_start3A_2520 : memref<1000000x32xf32, #tpu.memory_space<hbm>>) target(%dma_start3A_2514 : memref<50x32xf32, #tpu.memory_space<vmem>>) offsets(%dma_start3A_2517 : memref<50xi32, #tpu.memory_space<vmem>>) semaphore(%arg10 : memref<!tpu.dma_semaphore, #tpu.memory_space<semaphore_mem>>)
      %dma_start3A_2521 = arith.constant 11 : i32
      %dma_start3A_2522 = arith.constant 11 : i32
      %dma_start3A_2523 = arith.constant 0 : i32
      %dma_start3A_2524 = arith.constant 0 : i32
      %dma_start3A_2525 = tpu.memref_slice %arg8[%dma_start3A_2522, %dma_start3A_2523, %dma_start3A_2524] : memref<32x50x32xf32, #tpu.memory_space<vmem>> -> memref<1x50x32xf32, #tpu.memory_space<vmem>>
      %dma_start3A_2526 = tpu.memref_squeeze %dma_start3A_2525 : memref<1x50x32xf32, #tpu.memory_space<vmem>> -> memref<50x32xf32, #tpu.memory_space<vmem>>
      %dma_start3A_2527 = arith.constant 0 : i32
      %dma_start3A_2528 = tpu.memref_slice %arg6[%dma_start3A_2521, %dma_start3A_2527] : memref<32x50xi32, #tpu.memory_space<vmem>> -> memref<1x50xi32, #tpu.memory_space<vmem>>
      %dma_start3A_2529 = tpu.memref_squeeze %dma_start3A_2528 : memref<1x50xi32, #tpu.memory_space<vmem>> -> memref<50xi32, #tpu.memory_space<vmem>>
      %dma_start3A_2530 = arith.constant 0 : i32
      %dma_start3A_2531 = arith.constant 0 : i32
      %dma_start3A_2532 = tpu.memref_slice %arg3[%dma_start3A_2530, %dma_start3A_2531] : memref<1000000x32xf32, #tpu.memory_space<hbm>> -> memref<1000000x32xf32, #tpu.memory_space<hbm>>
      tpu.enqueue_indirect_dma source(%dma_start3A_2532 : memref<1000000x32xf32, #tpu.memory_space<hbm>>) target(%dma_start3A_2526 : memref<50x32xf32, #tpu.memory_space<vmem>>) offsets(%dma_start3A_2529 : memref<50xi32, #tpu.memory_space<vmem>>) semaphore(%arg10 : memref<!tpu.dma_semaphore, #tpu.memory_space<semaphore_mem>>)
      %dma_start3A_2533 = arith.constant 12 : i32
      %dma_start3A_2534 = arith.constant 12 : i32
      %dma_start3A_2535 = arith.constant 0 : i32
      %dma_start3A_2536 = arith.constant 0 : i32
      %dma_start3A_2537 = tpu.memref_slice %arg8[%dma_start3A_2534, %dma_start3A_2535, %dma_start3A_2536] : memref<32x50x32xf32, #tpu.memory_space<vmem>> -> memref<1x50x32xf32, #tpu.memory_space<vmem>>
      %dma_start3A_2538 = tpu.memref_squeeze %dma_start3A_2537 : memref<1x50x32xf32, #tpu.memory_space<vmem>> -> memref<50x32xf32, #tpu.memory_space<vmem>>
      %dma_start3A_2539 = arith.constant 0 : i32
      %dma_start3A_2540 = tpu.memref_slice %arg6[%dma_start3A_2533, %dma_start3A_2539] : memref<32x50xi32, #tpu.memory_space<vmem>> -> memref<1x50xi32, #tpu.memory_space<vmem>>
      %dma_start3A_2541 = tpu.memref_squeeze %dma_start3A_2540 : memref<1x50xi32, #tpu.memory_space<vmem>> -> memref<50xi32, #tpu.memory_space<vmem>>
      %dma_start3A_2542 = arith.constant 0 : i32
      %dma_start3A_2543 = arith.constant 0 : i32
      %dma_start3A_2544 = tpu.memref_slice %arg3[%dma_start3A_2542, %dma_start3A_2543] : memref<1000000x32xf32, #tpu.memory_space<hbm>> -> memref<1000000x32xf32, #tpu.memory_space<hbm>>
      tpu.enqueue_indirect_dma source(%dma_start3A_2544 : memref<1000000x32xf32, #tpu.memory_space<hbm>>) target(%dma_start3A_2538 : memref<50x32xf32, #tpu.memory_space<vmem>>) offsets(%dma_start3A_2541 : memref<50xi32, #tpu.memory_space<vmem>>) semaphore(%arg10 : memref<!tpu.dma_semaphore, #tpu.memory_space<semaphore_mem>>)
      %dma_start3A_2545 = arith.constant 13 : i32
      %dma_start3A_2546 = arith.constant 13 : i32
      %dma_start3A_2547 = arith.constant 0 : i32
      %dma_start3A_2548 = arith.constant 0 : i32
      %dma_start3A_2549 = tpu.memref_slice %arg8[%dma_start3A_2546, %dma_start3A_2547, %dma_start3A_2548] : memref<32x50x32xf32, #tpu.memory_space<vmem>> -> memref<1x50x32xf32, #tpu.memory_space<vmem>>
      %dma_start3A_2550 = tpu.memref_squeeze %dma_start3A_2549 : memref<1x50x32xf32, #tpu.memory_space<vmem>> -> memref<50x32xf32, #tpu.memory_space<vmem>>
      %dma_start3A_2551 = arith.constant 0 : i32
      %dma_start3A_2552 = tpu.memref_slice %arg6[%dma_start3A_2545, %dma_start3A_2551] : memref<32x50xi32, #tpu.memory_space<vmem>> -> memref<1x50xi32, #tpu.memory_space<vmem>>
      %dma_start3A_2553 = tpu.memref_squeeze %dma_start3A_2552 : memref<1x50xi32, #tpu.memory_space<vmem>> -> memref<50xi32, #tpu.memory_space<vmem>>
      %dma_start3A_2554 = arith.constant 0 : i32
      %dma_start3A_2555 = arith.constant 0 : i32
      %dma_start3A_2556 = tpu.memref_slice %arg3[%dma_start3A_2554, %dma_start3A_2555] : memref<1000000x32xf32, #tpu.memory_space<hbm>> -> memref<1000000x32xf32, #tpu.memory_space<hbm>>
      tpu.enqueue_indirect_dma source(%dma_start3A_2556 : memref<1000000x32xf32, #tpu.memory_space<hbm>>) target(%dma_start3A_2550 : memref<50x32xf32, #tpu.memory_space<vmem>>) offsets(%dma_start3A_2553 : memref<50xi32, #tpu.memory_space<vmem>>) semaphore(%arg10 : memref<!tpu.dma_semaphore, #tpu.memory_space<semaphore_mem>>)
      %dma_start3A_2557 = arith.constant 14 : i32
      %dma_start3A_2558 = arith.constant 14 : i32
      %dma_start3A_2559 = arith.constant 0 : i32
      %dma_start3A_2560 = arith.constant 0 : i32
      %dma_start3A_2561 = tpu.memref_slice %arg8[%dma_start3A_2558, %dma_start3A_2559, %dma_start3A_2560] : memref<32x50x32xf32, #tpu.memory_space<vmem>> -> memref<1x50x32xf32, #tpu.memory_space<vmem>>
      %dma_start3A_2562 = tpu.memref_squeeze %dma_start3A_2561 : memref<1x50x32xf32, #tpu.memory_space<vmem>> -> memref<50x32xf32, #tpu.memory_space<vmem>>
      %dma_start3A_2563 = arith.constant 0 : i32
      %dma_start3A_2564 = tpu.memref_slice %arg6[%dma_start3A_2557, %dma_start3A_2563] : memref<32x50xi32, #tpu.memory_space<vmem>> -> memref<1x50xi32, #tpu.memory_space<vmem>>
      %dma_start3A_2565 = tpu.memref_squeeze %dma_start3A_2564 : memref<1x50xi32, #tpu.memory_space<vmem>> -> memref<50xi32, #tpu.memory_space<vmem>>
      %dma_start3A_2566 = arith.constant 0 : i32
      %dma_start3A_2567 = arith.constant 0 : i32
      %dma_start3A_2568 = tpu.memref_slice %arg3[%dma_start3A_2566, %dma_start3A_2567] : memref<1000000x32xf32, #tpu.memory_space<hbm>> -> memref<1000000x32xf32, #tpu.memory_space<hbm>>
      tpu.enqueue_indirect_dma source(%dma_start3A_2568 : memref<1000000x32xf32, #tpu.memory_space<hbm>>) target(%dma_start3A_2562 : memref<50x32xf32, #tpu.memory_space<vmem>>) offsets(%dma_start3A_2565 : memref<50xi32, #tpu.memory_space<vmem>>) semaphore(%arg10 : memref<!tpu.dma_semaphore, #tpu.memory_space<semaphore_mem>>)
      %dma_start3A_2569 = arith.constant 15 : i32
      %dma_start3A_2570 = arith.constant 15 : i32
      %dma_start3A_2571 = arith.constant 0 : i32
      %dma_start3A_2572 = arith.constant 0 : i32
      %dma_start3A_2573 = tpu.memref_slice %arg8[%dma_start3A_2570, %dma_start3A_2571, %dma_start3A_2572] : memref<32x50x32xf32, #tpu.memory_space<vmem>> -> memref<1x50x32xf32, #tpu.memory_space<vmem>>
      %dma_start3A_2574 = tpu.memref_squeeze %dma_start3A_2573 : memref<1x50x32xf32, #tpu.memory_space<vmem>> -> memref<50x32xf32, #tpu.memory_space<vmem>>
      %dma_start3A_2575 = arith.constant 0 : i32
      %dma_start3A_2576 = tpu.memref_slice %arg6[%dma_start3A_2569, %dma_start3A_2575] : memref<32x50xi32, #tpu.memory_space<vmem>> -> memref<1x50xi32, #tpu.memory_space<vmem>>
      %dma_start3A_2577 = tpu.memref_squeeze %dma_start3A_2576 : memref<1x50xi32, #tpu.memory_space<vmem>> -> memref<50xi32, #tpu.memory_space<vmem>>
      %dma_start3A_2578 = arith.constant 0 : i32
      %dma_start3A_2579 = arith.constant 0 : i32
      %dma_start3A_2580 = tpu.memref_slice %arg3[%dma_start3A_2578, %dma_start3A_2579] : memref<1000000x32xf32, #tpu.memory_space<hbm>> -> memref<1000000x32xf32, #tpu.memory_space<hbm>>
      tpu.enqueue_indirect_dma source(%dma_start3A_2580 : memref<1000000x32xf32, #tpu.memory_space<hbm>>) target(%dma_start3A_2574 : memref<50x32xf32, #tpu.memory_space<vmem>>) offsets(%dma_start3A_2577 : memref<50xi32, #tpu.memory_space<vmem>>) semaphore(%arg10 : memref<!tpu.dma_semaphore, #tpu.memory_space<semaphore_mem>>)
      %dma_start3A_2581 = arith.constant 16 : i32
      %dma_start3A_2582 = arith.constant 16 : i32
      %dma_start3A_2583 = arith.constant 0 : i32
      %dma_start3A_2584 = arith.constant 0 : i32
      %dma_start3A_2585 = tpu.memref_slice %arg8[%dma_start3A_2582, %dma_start3A_2583, %dma_start3A_2584] : memref<32x50x32xf32, #tpu.memory_space<vmem>> -> memref<1x50x32xf32, #tpu.memory_space<vmem>>
      %dma_start3A_2586 = tpu.memref_squeeze %dma_start3A_2585 : memref<1x50x32xf32, #tpu.memory_space<vmem>> -> memref<50x32xf32, #tpu.memory_space<vmem>>
      %dma_start3A_2587 = arith.constant 0 : i32
      %dma_start3A_2588 = tpu.memref_slice %arg6[%dma_start3A_2581, %dma_start3A_2587] : memref<32x50xi32, #tpu.memory_space<vmem>> -> memref<1x50xi32, #tpu.memory_space<vmem>>
      %dma_start3A_2589 = tpu.memref_squeeze %dma_start3A_2588 : memref<1x50xi32, #tpu.memory_space<vmem>> -> memref<50xi32, #tpu.memory_space<vmem>>
      %dma_start3A_2590 = arith.constant 0 : i32
      %dma_start3A_2591 = arith.constant 0 : i32
      %dma_start3A_2592 = tpu.memref_slice %arg3[%dma_start3A_2590, %dma_start3A_2591] : memref<1000000x32xf32, #tpu.memory_space<hbm>> -> memref<1000000x32xf32, #tpu.memory_space<hbm>>
      tpu.enqueue_indirect_dma source(%dma_start3A_2592 : memref<1000000x32xf32, #tpu.memory_space<hbm>>) target(%dma_start3A_2586 : memref<50x32xf32, #tpu.memory_space<vmem>>) offsets(%dma_start3A_2589 : memref<50xi32, #tpu.memory_space<vmem>>) semaphore(%arg10 : memref<!tpu.dma_semaphore, #tpu.memory_space<semaphore_mem>>)
      %dma_start3A_2593 = arith.constant 17 : i32
      %dma_start3A_2594 = arith.constant 17 : i32
      %dma_start3A_2595 = arith.constant 0 : i32
      %dma_start3A_2596 = arith.constant 0 : i32
      %dma_start3A_2597 = tpu.memref_slice %arg8[%dma_start3A_2594, %dma_start3A_2595, %dma_start3A_2596] : memref<32x50x32xf32, #tpu.memory_space<vmem>> -> memref<1x50x32xf32, #tpu.memory_space<vmem>>
      %dma_start3A_2598 = tpu.memref_squeeze %dma_start3A_2597 : memref<1x50x32xf32, #tpu.memory_space<vmem>> -> memref<50x32xf32, #tpu.memory_space<vmem>>
      %dma_start3A_2599 = arith.constant 0 : i32
      %dma_start3A_2600 = tpu.memref_slice %arg6[%dma_start3A_2593, %dma_start3A_2599] : memref<32x50xi32, #tpu.memory_space<vmem>> -> memref<1x50xi32, #tpu.memory_space<vmem>>
      %dma_start3A_2601 = tpu.memref_squeeze %dma_start3A_2600 : memref<1x50xi32, #tpu.memory_space<vmem>> -> memref<50xi32, #tpu.memory_space<vmem>>
      %dma_start3A_2602 = arith.constant 0 : i32
      %dma_start3A_2603 = arith.constant 0 : i32
      %dma_start3A_2604 = tpu.memref_slice %arg3[%dma_start3A_2602, %dma_start3A_2603] : memref<1000000x32xf32, #tpu.memory_space<hbm>> -> memref<1000000x32xf32, #tpu.memory_space<hbm>>
      tpu.enqueue_indirect_dma source(%dma_start3A_2604 : memref<1000000x32xf32, #tpu.memory_space<hbm>>) target(%dma_start3A_2598 : memref<50x32xf32, #tpu.memory_space<vmem>>) offsets(%dma_start3A_2601 : memref<50xi32, #tpu.memory_space<vmem>>) semaphore(%arg10 : memref<!tpu.dma_semaphore, #tpu.memory_space<semaphore_mem>>)
      %dma_start3A_2605 = arith.constant 18 : i32
      %dma_start3A_2606 = arith.constant 18 : i32
      %dma_start3A_2607 = arith.constant 0 : i32
      %dma_start3A_2608 = arith.constant 0 : i32
      %dma_start3A_2609 = tpu.memref_slice %arg8[%dma_start3A_2606, %dma_start3A_2607, %dma_start3A_2608] : memref<32x50x32xf32, #tpu.memory_space<vmem>> -> memref<1x50x32xf32, #tpu.memory_space<vmem>>
      %dma_start3A_2610 = tpu.memref_squeeze %dma_start3A_2609 : memref<1x50x32xf32, #tpu.memory_space<vmem>> -> memref<50x32xf32, #tpu.memory_space<vmem>>
      %dma_start3A_2611 = arith.constant 0 : i32
      %dma_start3A_2612 = tpu.memref_slice %arg6[%dma_start3A_2605, %dma_start3A_2611] : memref<32x50xi32, #tpu.memory_space<vmem>> -> memref<1x50xi32, #tpu.memory_space<vmem>>
      %dma_start3A_2613 = tpu.memref_squeeze %dma_start3A_2612 : memref<1x50xi32, #tpu.memory_space<vmem>> -> memref<50xi32, #tpu.memory_space<vmem>>
      %dma_start3A_2614 = arith.constant 0 : i32
      %dma_start3A_2615 = arith.constant 0 : i32
      %dma_start3A_2616 = tpu.memref_slice %arg3[%dma_start3A_2614, %dma_start3A_2615] : memref<1000000x32xf32, #tpu.memory_space<hbm>> -> memref<1000000x32xf32, #tpu.memory_space<hbm>>
      tpu.enqueue_indirect_dma source(%dma_start3A_2616 : memref<1000000x32xf32, #tpu.memory_space<hbm>>) target(%dma_start3A_2610 : memref<50x32xf32, #tpu.memory_space<vmem>>) offsets(%dma_start3A_2613 : memref<50xi32, #tpu.memory_space<vmem>>) semaphore(%arg10 : memref<!tpu.dma_semaphore, #tpu.memory_space<semaphore_mem>>)
      %dma_start3A_2617 = arith.constant 19 : i32
      %dma_start3A_2618 = arith.constant 19 : i32
      %dma_start3A_2619 = arith.constant 0 : i32
      %dma_start3A_2620 = arith.constant 0 : i32
      %dma_start3A_2621 = tpu.memref_slice %arg8[%dma_start3A_2618, %dma_start3A_2619, %dma_start3A_2620] : memref<32x50x32xf32, #tpu.memory_space<vmem>> -> memref<1x50x32xf32, #tpu.memory_space<vmem>>
      %dma_start3A_2622 = tpu.memref_squeeze %dma_start3A_2621 : memref<1x50x32xf32, #tpu.memory_space<vmem>> -> memref<50x32xf32, #tpu.memory_space<vmem>>
      %dma_start3A_2623 = arith.constant 0 : i32
      %dma_start3A_2624 = tpu.memref_slice %arg6[%dma_start3A_2617, %dma_start3A_2623] : memref<32x50xi32, #tpu.memory_space<vmem>> -> memref<1x50xi32, #tpu.memory_space<vmem>>
      %dma_start3A_2625 = tpu.memref_squeeze %dma_start3A_2624 : memref<1x50xi32, #tpu.memory_space<vmem>> -> memref<50xi32, #tpu.memory_space<vmem>>
      %dma_start3A_2626 = arith.constant 0 : i32
      %dma_start3A_2627 = arith.constant 0 : i32
      %dma_start3A_2628 = tpu.memref_slice %arg3[%dma_start3A_2626, %dma_start3A_2627] : memref<1000000x32xf32, #tpu.memory_space<hbm>> -> memref<1000000x32xf32, #tpu.memory_space<hbm>>
      tpu.enqueue_indirect_dma source(%dma_start3A_2628 : memref<1000000x32xf32, #tpu.memory_space<hbm>>) target(%dma_start3A_2622 : memref<50x32xf32, #tpu.memory_space<vmem>>) offsets(%dma_start3A_2625 : memref<50xi32, #tpu.memory_space<vmem>>) semaphore(%arg10 : memref<!tpu.dma_semaphore, #tpu.memory_space<semaphore_mem>>)
      %dma_start3A_2629 = arith.constant 20 : i32
      %dma_start3A_2630 = arith.constant 20 : i32
      %dma_start3A_2631 = arith.constant 0 : i32
      %dma_start3A_2632 = arith.constant 0 : i32
      %dma_start3A_2633 = tpu.memref_slice %arg8[%dma_start3A_2630, %dma_start3A_2631, %dma_start3A_2632] : memref<32x50x32xf32, #tpu.memory_space<vmem>> -> memref<1x50x32xf32, #tpu.memory_space<vmem>>
      %dma_start3A_2634 = tpu.memref_squeeze %dma_start3A_2633 : memref<1x50x32xf32, #tpu.memory_space<vmem>> -> memref<50x32xf32, #tpu.memory_space<vmem>>
      %dma_start3A_2635 = arith.constant 0 : i32
      %dma_start3A_2636 = tpu.memref_slice %arg6[%dma_start3A_2629, %dma_start3A_2635] : memref<32x50xi32, #tpu.memory_space<vmem>> -> memref<1x50xi32, #tpu.memory_space<vmem>>
      %dma_start3A_2637 = tpu.memref_squeeze %dma_start3A_2636 : memref<1x50xi32, #tpu.memory_space<vmem>> -> memref<50xi32, #tpu.memory_space<vmem>>
      %dma_start3A_2638 = arith.constant 0 : i32
      %dma_start3A_2639 = arith.constant 0 : i32
      %dma_start3A_2640 = tpu.memref_slice %arg3[%dma_start3A_2638, %dma_start3A_2639] : memref<1000000x32xf32, #tpu.memory_space<hbm>> -> memref<1000000x32xf32, #tpu.memory_space<hbm>>
      tpu.enqueue_indirect_dma source(%dma_start3A_2640 : memref<1000000x32xf32, #tpu.memory_space<hbm>>) target(%dma_start3A_2634 : memref<50x32xf32, #tpu.memory_space<vmem>>) offsets(%dma_start3A_2637 : memref<50xi32, #tpu.memory_space<vmem>>) semaphore(%arg10 : memref<!tpu.dma_semaphore, #tpu.memory_space<semaphore_mem>>)
      %dma_start3A_2641 = arith.constant 21 : i32
      %dma_start3A_2642 = arith.constant 21 : i32
      %dma_start3A_2643 = arith.constant 0 : i32
      %dma_start3A_2644 = arith.constant 0 : i32
      %dma_start3A_2645 = tpu.memref_slice %arg8[%dma_start3A_2642, %dma_start3A_2643, %dma_start3A_2644] : memref<32x50x32xf32, #tpu.memory_space<vmem>> -> memref<1x50x32xf32, #tpu.memory_space<vmem>>
      %dma_start3A_2646 = tpu.memref_squeeze %dma_start3A_2645 : memref<1x50x32xf32, #tpu.memory_space<vmem>> -> memref<50x32xf32, #tpu.memory_space<vmem>>
      %dma_start3A_2647 = arith.constant 0 : i32
      %dma_start3A_2648 = tpu.memref_slice %arg6[%dma_start3A_2641, %dma_start3A_2647] : memref<32x50xi32, #tpu.memory_space<vmem>> -> memref<1x50xi32, #tpu.memory_space<vmem>>
      %dma_start3A_2649 = tpu.memref_squeeze %dma_start3A_2648 : memref<1x50xi32, #tpu.memory_space<vmem>> -> memref<50xi32, #tpu.memory_space<vmem>>
      %dma_start3A_2650 = arith.constant 0 : i32
      %dma_start3A_2651 = arith.constant 0 : i32
      %dma_start3A_2652 = tpu.memref_slice %arg3[%dma_start3A_2650, %dma_start3A_2651] : memref<1000000x32xf32, #tpu.memory_space<hbm>> -> memref<1000000x32xf32, #tpu.memory_space<hbm>>
      tpu.enqueue_indirect_dma source(%dma_start3A_2652 : memref<1000000x32xf32, #tpu.memory_space<hbm>>) target(%dma_start3A_2646 : memref<50x32xf32, #tpu.memory_space<vmem>>) offsets(%dma_start3A_2649 : memref<50xi32, #tpu.memory_space<vmem>>) semaphore(%arg10 : memref<!tpu.dma_semaphore, #tpu.memory_space<semaphore_mem>>)
      %dma_start3A_2653 = arith.constant 22 : i32
      %dma_start3A_2654 = arith.constant 22 : i32
      %dma_start3A_2655 = arith.constant 0 : i32
      %dma_start3A_2656 = arith.constant 0 : i32
      %dma_start3A_2657 = tpu.memref_slice %arg8[%dma_start3A_2654, %dma_start3A_2655, %dma_start3A_2656] : memref<32x50x32xf32, #tpu.memory_space<vmem>> -> memref<1x50x32xf32, #tpu.memory_space<vmem>>
      %dma_start3A_2658 = tpu.memref_squeeze %dma_start3A_2657 : memref<1x50x32xf32, #tpu.memory_space<vmem>> -> memref<50x32xf32, #tpu.memory_space<vmem>>
      %dma_start3A_2659 = arith.constant 0 : i32
      %dma_start3A_2660 = tpu.memref_slice %arg6[%dma_start3A_2653, %dma_start3A_2659] : memref<32x50xi32, #tpu.memory_space<vmem>> -> memref<1x50xi32, #tpu.memory_space<vmem>>
      %dma_start3A_2661 = tpu.memref_squeeze %dma_start3A_2660 : memref<1x50xi32, #tpu.memory_space<vmem>> -> memref<50xi32, #tpu.memory_space<vmem>>
      %dma_start3A_2662 = arith.constant 0 : i32
      %dma_start3A_2663 = arith.constant 0 : i32
      %dma_start3A_2664 = tpu.memref_slice %arg3[%dma_start3A_2662, %dma_start3A_2663] : memref<1000000x32xf32, #tpu.memory_space<hbm>> -> memref<1000000x32xf32, #tpu.memory_space<hbm>>
      tpu.enqueue_indirect_dma source(%dma_start3A_2664 : memref<1000000x32xf32, #tpu.memory_space<hbm>>) target(%dma_start3A_2658 : memref<50x32xf32, #tpu.memory_space<vmem>>) offsets(%dma_start3A_2661 : memref<50xi32, #tpu.memory_space<vmem>>) semaphore(%arg10 : memref<!tpu.dma_semaphore, #tpu.memory_space<semaphore_mem>>)
      %dma_start3A_2665 = arith.constant 23 : i32
      %dma_start3A_2666 = arith.constant 23 : i32
      %dma_start3A_2667 = arith.constant 0 : i32
      %dma_start3A_2668 = arith.constant 0 : i32
      %dma_start3A_2669 = tpu.memref_slice %arg8[%dma_start3A_2666, %dma_start3A_2667, %dma_start3A_2668] : memref<32x50x32xf32, #tpu.memory_space<vmem>> -> memref<1x50x32xf32, #tpu.memory_space<vmem>>
      %dma_start3A_2670 = tpu.memref_squeeze %dma_start3A_2669 : memref<1x50x32xf32, #tpu.memory_space<vmem>> -> memref<50x32xf32, #tpu.memory_space<vmem>>
      %dma_start3A_2671 = arith.constant 0 : i32
      %dma_start3A_2672 = tpu.memref_slice %arg6[%dma_start3A_2665, %dma_start3A_2671] : memref<32x50xi32, #tpu.memory_space<vmem>> -> memref<1x50xi32, #tpu.memory_space<vmem>>
      %dma_start3A_2673 = tpu.memref_squeeze %dma_start3A_2672 : memref<1x50xi32, #tpu.memory_space<vmem>> -> memref<50xi32, #tpu.memory_space<vmem>>
      %dma_start3A_2674 = arith.constant 0 : i32
      %dma_start3A_2675 = arith.constant 0 : i32
      %dma_start3A_2676 = tpu.memref_slice %arg3[%dma_start3A_2674, %dma_start3A_2675] : memref<1000000x32xf32, #tpu.memory_space<hbm>> -> memref<1000000x32xf32, #tpu.memory_space<hbm>>
      tpu.enqueue_indirect_dma source(%dma_start3A_2676 : memref<1000000x32xf32, #tpu.memory_space<hbm>>) target(%dma_start3A_2670 : memref<50x32xf32, #tpu.memory_space<vmem>>) offsets(%dma_start3A_2673 : memref<50xi32, #tpu.memory_space<vmem>>) semaphore(%arg10 : memref<!tpu.dma_semaphore, #tpu.memory_space<semaphore_mem>>)
      %dma_start3A_2677 = arith.constant 24 : i32
      %dma_start3A_2678 = arith.constant 24 : i32
      %dma_start3A_2679 = arith.constant 0 : i32
      %dma_start3A_2680 = arith.constant 0 : i32
      %dma_start3A_2681 = tpu.memref_slice %arg8[%dma_start3A_2678, %dma_start3A_2679, %dma_start3A_2680] : memref<32x50x32xf32, #tpu.memory_space<vmem>> -> memref<1x50x32xf32, #tpu.memory_space<vmem>>
      %dma_start3A_2682 = tpu.memref_squeeze %dma_start3A_2681 : memref<1x50x32xf32, #tpu.memory_space<vmem>> -> memref<50x32xf32, #tpu.memory_space<vmem>>
      %dma_start3A_2683 = arith.constant 0 : i32
      %dma_start3A_2684 = tpu.memref_slice %arg6[%dma_start3A_2677, %dma_start3A_2683] : memref<32x50xi32, #tpu.memory_space<vmem>> -> memref<1x50xi32, #tpu.memory_space<vmem>>
      %dma_start3A_2685 = tpu.memref_squeeze %dma_start3A_2684 : memref<1x50xi32, #tpu.memory_space<vmem>> -> memref<50xi32, #tpu.memory_space<vmem>>
      %dma_start3A_2686 = arith.constant 0 : i32
      %dma_start3A_2687 = arith.constant 0 : i32
      %dma_start3A_2688 = tpu.memref_slice %arg3[%dma_start3A_2686, %dma_start3A_2687] : memref<1000000x32xf32, #tpu.memory_space<hbm>> -> memref<1000000x32xf32, #tpu.memory_space<hbm>>
      tpu.enqueue_indirect_dma source(%dma_start3A_2688 : memref<1000000x32xf32, #tpu.memory_space<hbm>>) target(%dma_start3A_2682 : memref<50x32xf32, #tpu.memory_space<vmem>>) offsets(%dma_start3A_2685 : memref<50xi32, #tpu.memory_space<vmem>>) semaphore(%arg10 : memref<!tpu.dma_semaphore, #tpu.memory_space<semaphore_mem>>)
      %dma_start3A_2689 = arith.constant 25 : i32
      %dma_start3A_2690 = arith.constant 25 : i32
      %dma_start3A_2691 = arith.constant 0 : i32
      %dma_start3A_2692 = arith.constant 0 : i32
      %dma_start3A_2693 = tpu.memref_slice %arg8[%dma_start3A_2690, %dma_start3A_2691, %dma_start3A_2692] : memref<32x50x32xf32, #tpu.memory_space<vmem>> -> memref<1x50x32xf32, #tpu.memory_space<vmem>>
      %dma_start3A_2694 = tpu.memref_squeeze %dma_start3A_2693 : memref<1x50x32xf32, #tpu.memory_space<vmem>> -> memref<50x32xf32, #tpu.memory_space<vmem>>
      %dma_start3A_2695 = arith.constant 0 : i32
      %dma_start3A_2696 = tpu.memref_slice %arg6[%dma_start3A_2689, %dma_start3A_2695] : memref<32x50xi32, #tpu.memory_space<vmem>> -> memref<1x50xi32, #tpu.memory_space<vmem>>
      %dma_start3A_2697 = tpu.memref_squeeze %dma_start3A_2696 : memref<1x50xi32, #tpu.memory_space<vmem>> -> memref<50xi32, #tpu.memory_space<vmem>>
      %dma_start3A_2698 = arith.constant 0 : i32
      %dma_start3A_2699 = arith.constant 0 : i32
      %dma_start3A_2700 = tpu.memref_slice %arg3[%dma_start3A_2698, %dma_start3A_2699] : memref<1000000x32xf32, #tpu.memory_space<hbm>> -> memref<1000000x32xf32, #tpu.memory_space<hbm>>
      tpu.enqueue_indirect_dma source(%dma_start3A_2700 : memref<1000000x32xf32, #tpu.memory_space<hbm>>) target(%dma_start3A_2694 : memref<50x32xf32, #tpu.memory_space<vmem>>) offsets(%dma_start3A_2697 : memref<50xi32, #tpu.memory_space<vmem>>) semaphore(%arg10 : memref<!tpu.dma_semaphore, #tpu.memory_space<semaphore_mem>>)
      %dma_start3A_2701 = arith.constant 26 : i32
      %dma_start3A_2702 = arith.constant 26 : i32
      %dma_start3A_2703 = arith.constant 0 : i32
      %dma_start3A_2704 = arith.constant 0 : i32
      %dma_start3A_2705 = tpu.memref_slice %arg8[%dma_start3A_2702, %dma_start3A_2703, %dma_start3A_2704] : memref<32x50x32xf32, #tpu.memory_space<vmem>> -> memref<1x50x32xf32, #tpu.memory_space<vmem>>
      %dma_start3A_2706 = tpu.memref_squeeze %dma_start3A_2705 : memref<1x50x32xf32, #tpu.memory_space<vmem>> -> memref<50x32xf32, #tpu.memory_space<vmem>>
      %dma_start3A_2707 = arith.constant 0 : i32
      %dma_start3A_2708 = tpu.memref_slice %arg6[%dma_start3A_2701, %dma_start3A_2707] : memref<32x50xi32, #tpu.memory_space<vmem>> -> memref<1x50xi32, #tpu.memory_space<vmem>>
      %dma_start3A_2709 = tpu.memref_squeeze %dma_start3A_2708 : memref<1x50xi32, #tpu.memory_space<vmem>> -> memref<50xi32, #tpu.memory_space<vmem>>
      %dma_start3A_2710 = arith.constant 0 : i32
      %dma_start3A_2711 = arith.constant 0 : i32
      %dma_start3A_2712 = tpu.memref_slice %arg3[%dma_start3A_2710, %dma_start3A_2711] : memref<1000000x32xf32, #tpu.memory_space<hbm>> -> memref<1000000x32xf32, #tpu.memory_space<hbm>>
      tpu.enqueue_indirect_dma source(%dma_start3A_2712 : memref<1000000x32xf32, #tpu.memory_space<hbm>>) target(%dma_start3A_2706 : memref<50x32xf32, #tpu.memory_space<vmem>>) offsets(%dma_start3A_2709 : memref<50xi32, #tpu.memory_space<vmem>>) semaphore(%arg10 : memref<!tpu.dma_semaphore, #tpu.memory_space<semaphore_mem>>)
      %dma_start3A_2713 = arith.constant 27 : i32
      %dma_start3A_2714 = arith.constant 27 : i32
      %dma_start3A_2715 = arith.constant 0 : i32
      %dma_start3A_2716 = arith.constant 0 : i32
      %dma_start3A_2717 = tpu.memref_slice %arg8[%dma_start3A_2714, %dma_start3A_2715, %dma_start3A_2716] : memref<32x50x32xf32, #tpu.memory_space<vmem>> -> memref<1x50x32xf32, #tpu.memory_space<vmem>>
      %dma_start3A_2718 = tpu.memref_squeeze %dma_start3A_2717 : memref<1x50x32xf32, #tpu.memory_space<vmem>> -> memref<50x32xf32, #tpu.memory_space<vmem>>
      %dma_start3A_2719 = arith.constant 0 : i32
      %dma_start3A_2720 = tpu.memref_slice %arg6[%dma_start3A_2713, %dma_start3A_2719] : memref<32x50xi32, #tpu.memory_space<vmem>> -> memref<1x50xi32, #tpu.memory_space<vmem>>
      %dma_start3A_2721 = tpu.memref_squeeze %dma_start3A_2720 : memref<1x50xi32, #tpu.memory_space<vmem>> -> memref<50xi32, #tpu.memory_space<vmem>>
      %dma_start3A_2722 = arith.constant 0 : i32
      %dma_start3A_2723 = arith.constant 0 : i32
      %dma_start3A_2724 = tpu.memref_slice %arg3[%dma_start3A_2722, %dma_start3A_2723] : memref<1000000x32xf32, #tpu.memory_space<hbm>> -> memref<1000000x32xf32, #tpu.memory_space<hbm>>
      tpu.enqueue_indirect_dma source(%dma_start3A_2724 : memref<1000000x32xf32, #tpu.memory_space<hbm>>) target(%dma_start3A_2718 : memref<50x32xf32, #tpu.memory_space<vmem>>) offsets(%dma_start3A_2721 : memref<50xi32, #tpu.memory_space<vmem>>) semaphore(%arg10 : memref<!tpu.dma_semaphore, #tpu.memory_space<semaphore_mem>>)
      %dma_start3A_2725 = arith.constant 28 : i32
      %dma_start3A_2726 = arith.constant 28 : i32
      %dma_start3A_2727 = arith.constant 0 : i32
      %dma_start3A_2728 = arith.constant 0 : i32
      %dma_start3A_2729 = tpu.memref_slice %arg8[%dma_start3A_2726, %dma_start3A_2727, %dma_start3A_2728] : memref<32x50x32xf32, #tpu.memory_space<vmem>> -> memref<1x50x32xf32, #tpu.memory_space<vmem>>
      %dma_start3A_2730 = tpu.memref_squeeze %dma_start3A_2729 : memref<1x50x32xf32, #tpu.memory_space<vmem>> -> memref<50x32xf32, #tpu.memory_space<vmem>>
      %dma_start3A_2731 = arith.constant 0 : i32
      %dma_start3A_2732 = tpu.memref_slice %arg6[%dma_start3A_2725, %dma_start3A_2731] : memref<32x50xi32, #tpu.memory_space<vmem>> -> memref<1x50xi32, #tpu.memory_space<vmem>>
      %dma_start3A_2733 = tpu.memref_squeeze %dma_start3A_2732 : memref<1x50xi32, #tpu.memory_space<vmem>> -> memref<50xi32, #tpu.memory_space<vmem>>
      %dma_start3A_2734 = arith.constant 0 : i32
      %dma_start3A_2735 = arith.constant 0 : i32
      %dma_start3A_2736 = tpu.memref_slice %arg3[%dma_start3A_2734, %dma_start3A_2735] : memref<1000000x32xf32, #tpu.memory_space<hbm>> -> memref<1000000x32xf32, #tpu.memory_space<hbm>>
      tpu.enqueue_indirect_dma source(%dma_start3A_2736 : memref<1000000x32xf32, #tpu.memory_space<hbm>>) target(%dma_start3A_2730 : memref<50x32xf32, #tpu.memory_space<vmem>>) offsets(%dma_start3A_2733 : memref<50xi32, #tpu.memory_space<vmem>>) semaphore(%arg10 : memref<!tpu.dma_semaphore, #tpu.memory_space<semaphore_mem>>)
      %dma_start3A_2737 = arith.constant 29 : i32
      %dma_start3A_2738 = arith.constant 29 : i32
      %dma_start3A_2739 = arith.constant 0 : i32
      %dma_start3A_2740 = arith.constant 0 : i32
      %dma_start3A_2741 = tpu.memref_slice %arg8[%dma_start3A_2738, %dma_start3A_2739, %dma_start3A_2740] : memref<32x50x32xf32, #tpu.memory_space<vmem>> -> memref<1x50x32xf32, #tpu.memory_space<vmem>>
      %dma_start3A_2742 = tpu.memref_squeeze %dma_start3A_2741 : memref<1x50x32xf32, #tpu.memory_space<vmem>> -> memref<50x32xf32, #tpu.memory_space<vmem>>
      %dma_start3A_2743 = arith.constant 0 : i32
      %dma_start3A_2744 = tpu.memref_slice %arg6[%dma_start3A_2737, %dma_start3A_2743] : memref<32x50xi32, #tpu.memory_space<vmem>> -> memref<1x50xi32, #tpu.memory_space<vmem>>
      %dma_start3A_2745 = tpu.memref_squeeze %dma_start3A_2744 : memref<1x50xi32, #tpu.memory_space<vmem>> -> memref<50xi32, #tpu.memory_space<vmem>>
      %dma_start3A_2746 = arith.constant 0 : i32
      %dma_start3A_2747 = arith.constant 0 : i32
      %dma_start3A_2748 = tpu.memref_slice %arg3[%dma_start3A_2746, %dma_start3A_2747] : memref<1000000x32xf32, #tpu.memory_space<hbm>> -> memref<1000000x32xf32, #tpu.memory_space<hbm>>
      tpu.enqueue_indirect_dma source(%dma_start3A_2748 : memref<1000000x32xf32, #tpu.memory_space<hbm>>) target(%dma_start3A_2742 : memref<50x32xf32, #tpu.memory_space<vmem>>) offsets(%dma_start3A_2745 : memref<50xi32, #tpu.memory_space<vmem>>) semaphore(%arg10 : memref<!tpu.dma_semaphore, #tpu.memory_space<semaphore_mem>>)
      %dma_start3A_2749 = arith.constant 30 : i32
      %dma_start3A_2750 = arith.constant 30 : i32
      %dma_start3A_2751 = arith.constant 0 : i32
      %dma_start3A_2752 = arith.constant 0 : i32
      %dma_start3A_2753 = tpu.memref_slice %arg8[%dma_start3A_2750, %dma_start3A_2751, %dma_start3A_2752] : memref<32x50x32xf32, #tpu.memory_space<vmem>> -> memref<1x50x32xf32, #tpu.memory_space<vmem>>
      %dma_start3A_2754 = tpu.memref_squeeze %dma_start3A_2753 : memref<1x50x32xf32, #tpu.memory_space<vmem>> -> memref<50x32xf32, #tpu.memory_space<vmem>>
      %dma_start3A_2755 = arith.constant 0 : i32
      %dma_start3A_2756 = tpu.memref_slice %arg6[%dma_start3A_2749, %dma_start3A_2755] : memref<32x50xi32, #tpu.memory_space<vmem>> -> memref<1x50xi32, #tpu.memory_space<vmem>>
      %dma_start3A_2757 = tpu.memref_squeeze %dma_start3A_2756 : memref<1x50xi32, #tpu.memory_space<vmem>> -> memref<50xi32, #tpu.memory_space<vmem>>
      %dma_start3A_2758 = arith.constant 0 : i32
      %dma_start3A_2759 = arith.constant 0 : i32
      %dma_start3A_2760 = tpu.memref_slice %arg3[%dma_start3A_2758, %dma_start3A_2759] : memref<1000000x32xf32, #tpu.memory_space<hbm>> -> memref<1000000x32xf32, #tpu.memory_space<hbm>>
      tpu.enqueue_indirect_dma source(%dma_start3A_2760 : memref<1000000x32xf32, #tpu.memory_space<hbm>>) target(%dma_start3A_2754 : memref<50x32xf32, #tpu.memory_space<vmem>>) offsets(%dma_start3A_2757 : memref<50xi32, #tpu.memory_space<vmem>>) semaphore(%arg10 : memref<!tpu.dma_semaphore, #tpu.memory_space<semaphore_mem>>)
      %dma_start3A_2761 = arith.constant 31 : i32
      %dma_start3A_2762 = arith.constant 31 : i32
      %dma_start3A_2763 = arith.constant 0 : i32
      %dma_start3A_2764 = arith.constant 0 : i32
      %dma_start3A_2765 = tpu.memref_slice %arg8[%dma_start3A_2762, %dma_start3A_2763, %dma_start3A_2764] : memref<32x50x32xf32, #tpu.memory_space<vmem>> -> memref<1x50x32xf32, #tpu.memory_space<vmem>>
      %dma_start3A_2766 = tpu.memref_squeeze %dma_start3A_2765 : memref<1x50x32xf32, #tpu.memory_space<vmem>> -> memref<50x32xf32, #tpu.memory_space<vmem>>
      %dma_start3A_2767 = arith.constant 0 : i32
      %dma_start3A_2768 = tpu.memref_slice %arg6[%dma_start3A_2761, %dma_start3A_2767] : memref<32x50xi32, #tpu.memory_space<vmem>> -> memref<1x50xi32, #tpu.memory_space<vmem>>
      %dma_start3A_2769 = tpu.memref_squeeze %dma_start3A_2768 : memref<1x50xi32, #tpu.memory_space<vmem>> -> memref<50xi32, #tpu.memory_space<vmem>>
      %dma_start3A_2770 = arith.constant 0 : i32
      %dma_start3A_2771 = arith.constant 0 : i32
      %dma_start3A_2772 = tpu.memref_slice %arg3[%dma_start3A_2770, %dma_start3A_2771] : memref<1000000x32xf32, #tpu.memory_space<hbm>> -> memref<1000000x32xf32, #tpu.memory_space<hbm>>
      tpu.enqueue_indirect_dma source(%dma_start3A_2772 : memref<1000000x32xf32, #tpu.memory_space<hbm>>) target(%dma_start3A_2766 : memref<50x32xf32, #tpu.memory_space<vmem>>) offsets(%dma_start3A_2769 : memref<50xi32, #tpu.memory_space<vmem>>) semaphore(%arg10 : memref<!tpu.dma_semaphore, #tpu.memory_space<semaphore_mem>>)
      %dma_wait3A_2773 = arith.constant 0 : i32
      %dma_wait3A_2774 = arith.constant 0 : i32
      %dma_wait3A_2775 = arith.constant 0 : i32
      %dma_wait3A_2776 = arith.constant 0 : i32
      %dma_wait3A_2777 = tpu.memref_slice %arg7[%dma_wait3A_2774, %dma_wait3A_2775, %dma_wait3A_2776] : memref<32x50x32xf32, #tpu.memory_space<vmem>> -> memref<1x50x32xf32, #tpu.memory_space<vmem>>
      %dma_wait3A_2778 = tpu.memref_squeeze %dma_wait3A_2777 : memref<1x50x32xf32, #tpu.memory_space<vmem>> -> memref<50x32xf32, #tpu.memory_space<vmem>>
      %dma_wait3A_2779 = arith.constant 0 : i32
      %dma_wait3A_2780 = tpu.memref_slice %arg5[%dma_wait3A_2773, %dma_wait3A_2779] : memref<32x50xi32, #tpu.memory_space<vmem>> -> memref<1x50xi32, #tpu.memory_space<vmem>>
      %dma_wait3A_2781 = tpu.memref_squeeze %dma_wait3A_2780 : memref<1x50xi32, #tpu.memory_space<vmem>> -> memref<50xi32, #tpu.memory_space<vmem>>
      %dma_wait3A_2782 = arith.constant 0 : i32
      %dma_wait3A_2783 = arith.constant 0 : i32
      %dma_wait3A_2784 = tpu.memref_slice %arg3[%dma_wait3A_2782, %dma_wait3A_2783] : memref<1000000x32xf32, #tpu.memory_space<hbm>> -> memref<1000000x32xf32, #tpu.memory_space<hbm>>
      tpu.wait_indirect_dma semaphore(%arg9 : memref<!tpu.dma_semaphore, #tpu.memory_space<semaphore_mem>>) src(%dma_wait3A_2784 : memref<1000000x32xf32, #tpu.memory_space<hbm>>) dst(%dma_wait3A_2778 : memref<50x32xf32, #tpu.memory_space<vmem>>)
      %dma_wait3A_2785 = arith.constant 1 : i32
      %dma_wait3A_2786 = arith.constant 1 : i32
      %dma_wait3A_2787 = arith.constant 0 : i32
      %dma_wait3A_2788 = arith.constant 0 : i32
      %dma_wait3A_2789 = tpu.memref_slice %arg7[%dma_wait3A_2786, %dma_wait3A_2787, %dma_wait3A_2788] : memref<32x50x32xf32, #tpu.memory_space<vmem>> -> memref<1x50x32xf32, #tpu.memory_space<vmem>>
      %dma_wait3A_2790 = tpu.memref_squeeze %dma_wait3A_2789 : memref<1x50x32xf32, #tpu.memory_space<vmem>> -> memref<50x32xf32, #tpu.memory_space<vmem>>
      %dma_wait3A_2791 = arith.constant 0 : i32
      %dma_wait3A_2792 = tpu.memref_slice %arg5[%dma_wait3A_2785, %dma_wait3A_2791] : memref<32x50xi32, #tpu.memory_space<vmem>> -> memref<1x50xi32, #tpu.memory_space<vmem>>
      %dma_wait3A_2793 = tpu.memref_squeeze %dma_wait3A_2792 : memref<1x50xi32, #tpu.memory_space<vmem>> -> memref<50xi32, #tpu.memory_space<vmem>>
      %dma_wait3A_2794 = arith.constant 0 : i32
      %dma_wait3A_2795 = arith.constant 0 : i32
      %dma_wait3A_2796 = tpu.memref_slice %arg3[%dma_wait3A_2794, %dma_wait3A_2795] : memref<1000000x32xf32, #tpu.memory_space<hbm>> -> memref<1000000x32xf32, #tpu.memory_space<hbm>>
      tpu.wait_indirect_dma semaphore(%arg9 : memref<!tpu.dma_semaphore, #tpu.memory_space<semaphore_mem>>) src(%dma_wait3A_2796 : memref<1000000x32xf32, #tpu.memory_space<hbm>>) dst(%dma_wait3A_2790 : memref<50x32xf32, #tpu.memory_space<vmem>>)
      %dma_wait3A_2797 = arith.constant 2 : i32
      %dma_wait3A_2798 = arith.constant 2 : i32
      %dma_wait3A_2799 = arith.constant 0 : i32
      %dma_wait3A_2800 = arith.constant 0 : i32
      %dma_wait3A_2801 = tpu.memref_slice %arg7[%dma_wait3A_2798, %dma_wait3A_2799, %dma_wait3A_2800] : memref<32x50x32xf32, #tpu.memory_space<vmem>> -> memref<1x50x32xf32, #tpu.memory_space<vmem>>
      %dma_wait3A_2802 = tpu.memref_squeeze %dma_wait3A_2801 : memref<1x50x32xf32, #tpu.memory_space<vmem>> -> memref<50x32xf32, #tpu.memory_space<vmem>>
      %dma_wait3A_2803 = arith.constant 0 : i32
      %dma_wait3A_2804 = tpu.memref_slice %arg5[%dma_wait3A_2797, %dma_wait3A_2803] : memref<32x50xi32, #tpu.memory_space<vmem>> -> memref<1x50xi32, #tpu.memory_space<vmem>>
      %dma_wait3A_2805 = tpu.memref_squeeze %dma_wait3A_2804 : memref<1x50xi32, #tpu.memory_space<vmem>> -> memref<50xi32, #tpu.memory_space<vmem>>
      %dma_wait3A_2806 = arith.constant 0 : i32
      %dma_wait3A_2807 = arith.constant 0 : i32
      %dma_wait3A_2808 = tpu.memref_slice %arg3[%dma_wait3A_2806, %dma_wait3A_2807] : memref<1000000x32xf32, #tpu.memory_space<hbm>> -> memref<1000000x32xf32, #tpu.memory_space<hbm>>
      tpu.wait_indirect_dma semaphore(%arg9 : memref<!tpu.dma_semaphore, #tpu.memory_space<semaphore_mem>>) src(%dma_wait3A_2808 : memref<1000000x32xf32, #tpu.memory_space<hbm>>) dst(%dma_wait3A_2802 : memref<50x32xf32, #tpu.memory_space<vmem>>)
      %dma_wait3A_2809 = arith.constant 3 : i32
      %dma_wait3A_2810 = arith.constant 3 : i32
      %dma_wait3A_2811 = arith.constant 0 : i32
      %dma_wait3A_2812 = arith.constant 0 : i32
      %dma_wait3A_2813 = tpu.memref_slice %arg7[%dma_wait3A_2810, %dma_wait3A_2811, %dma_wait3A_2812] : memref<32x50x32xf32, #tpu.memory_space<vmem>> -> memref<1x50x32xf32, #tpu.memory_space<vmem>>
      %dma_wait3A_2814 = tpu.memref_squeeze %dma_wait3A_2813 : memref<1x50x32xf32, #tpu.memory_space<vmem>> -> memref<50x32xf32, #tpu.memory_space<vmem>>
      %dma_wait3A_2815 = arith.constant 0 : i32
      %dma_wait3A_2816 = tpu.memref_slice %arg5[%dma_wait3A_2809, %dma_wait3A_2815] : memref<32x50xi32, #tpu.memory_space<vmem>> -> memref<1x50xi32, #tpu.memory_space<vmem>>
      %dma_wait3A_2817 = tpu.memref_squeeze %dma_wait3A_2816 : memref<1x50xi32, #tpu.memory_space<vmem>> -> memref<50xi32, #tpu.memory_space<vmem>>
      %dma_wait3A_2818 = arith.constant 0 : i32
      %dma_wait3A_2819 = arith.constant 0 : i32
      %dma_wait3A_2820 = tpu.memref_slice %arg3[%dma_wait3A_2818, %dma_wait3A_2819] : memref<1000000x32xf32, #tpu.memory_space<hbm>> -> memref<1000000x32xf32, #tpu.memory_space<hbm>>
      tpu.wait_indirect_dma semaphore(%arg9 : memref<!tpu.dma_semaphore, #tpu.memory_space<semaphore_mem>>) src(%dma_wait3A_2820 : memref<1000000x32xf32, #tpu.memory_space<hbm>>) dst(%dma_wait3A_2814 : memref<50x32xf32, #tpu.memory_space<vmem>>)
      %dma_wait3A_2821 = arith.constant 4 : i32
      %dma_wait3A_2822 = arith.constant 4 : i32
      %dma_wait3A_2823 = arith.constant 0 : i32
      %dma_wait3A_2824 = arith.constant 0 : i32
      %dma_wait3A_2825 = tpu.memref_slice %arg7[%dma_wait3A_2822, %dma_wait3A_2823, %dma_wait3A_2824] : memref<32x50x32xf32, #tpu.memory_space<vmem>> -> memref<1x50x32xf32, #tpu.memory_space<vmem>>
      %dma_wait3A_2826 = tpu.memref_squeeze %dma_wait3A_2825 : memref<1x50x32xf32, #tpu.memory_space<vmem>> -> memref<50x32xf32, #tpu.memory_space<vmem>>
      %dma_wait3A_2827 = arith.constant 0 : i32
      %dma_wait3A_2828 = tpu.memref_slice %arg5[%dma_wait3A_2821, %dma_wait3A_2827] : memref<32x50xi32, #tpu.memory_space<vmem>> -> memref<1x50xi32, #tpu.memory_space<vmem>>
      %dma_wait3A_2829 = tpu.memref_squeeze %dma_wait3A_2828 : memref<1x50xi32, #tpu.memory_space<vmem>> -> memref<50xi32, #tpu.memory_space<vmem>>
      %dma_wait3A_2830 = arith.constant 0 : i32
      %dma_wait3A_2831 = arith.constant 0 : i32
      %dma_wait3A_2832 = tpu.memref_slice %arg3[%dma_wait3A_2830, %dma_wait3A_2831] : memref<1000000x32xf32, #tpu.memory_space<hbm>> -> memref<1000000x32xf32, #tpu.memory_space<hbm>>
      tpu.wait_indirect_dma semaphore(%arg9 : memref<!tpu.dma_semaphore, #tpu.memory_space<semaphore_mem>>) src(%dma_wait3A_2832 : memref<1000000x32xf32, #tpu.memory_space<hbm>>) dst(%dma_wait3A_2826 : memref<50x32xf32, #tpu.memory_space<vmem>>)
      %dma_wait3A_2833 = arith.constant 5 : i32
      %dma_wait3A_2834 = arith.constant 5 : i32
      %dma_wait3A_2835 = arith.constant 0 : i32
      %dma_wait3A_2836 = arith.constant 0 : i32
      %dma_wait3A_2837 = tpu.memref_slice %arg7[%dma_wait3A_2834, %dma_wait3A_2835, %dma_wait3A_2836] : memref<32x50x32xf32, #tpu.memory_space<vmem>> -> memref<1x50x32xf32, #tpu.memory_space<vmem>>
      %dma_wait3A_2838 = tpu.memref_squeeze %dma_wait3A_2837 : memref<1x50x32xf32, #tpu.memory_space<vmem>> -> memref<50x32xf32, #tpu.memory_space<vmem>>
      %dma_wait3A_2839 = arith.constant 0 : i32
      %dma_wait3A_2840 = tpu.memref_slice %arg5[%dma_wait3A_2833, %dma_wait3A_2839] : memref<32x50xi32, #tpu.memory_space<vmem>> -> memref<1x50xi32, #tpu.memory_space<vmem>>
      %dma_wait3A_2841 = tpu.memref_squeeze %dma_wait3A_2840 : memref<1x50xi32, #tpu.memory_space<vmem>> -> memref<50xi32, #tpu.memory_space<vmem>>
      %dma_wait3A_2842 = arith.constant 0 : i32
      %dma_wait3A_2843 = arith.constant 0 : i32
      %dma_wait3A_2844 = tpu.memref_slice %arg3[%dma_wait3A_2842, %dma_wait3A_2843] : memref<1000000x32xf32, #tpu.memory_space<hbm>> -> memref<1000000x32xf32, #tpu.memory_space<hbm>>
      tpu.wait_indirect_dma semaphore(%arg9 : memref<!tpu.dma_semaphore, #tpu.memory_space<semaphore_mem>>) src(%dma_wait3A_2844 : memref<1000000x32xf32, #tpu.memory_space<hbm>>) dst(%dma_wait3A_2838 : memref<50x32xf32, #tpu.memory_space<vmem>>)
      %dma_wait3A_2845 = arith.constant 6 : i32
      %dma_wait3A_2846 = arith.constant 6 : i32
      %dma_wait3A_2847 = arith.constant 0 : i32
      %dma_wait3A_2848 = arith.constant 0 : i32
      %dma_wait3A_2849 = tpu.memref_slice %arg7[%dma_wait3A_2846, %dma_wait3A_2847, %dma_wait3A_2848] : memref<32x50x32xf32, #tpu.memory_space<vmem>> -> memref<1x50x32xf32, #tpu.memory_space<vmem>>
      %dma_wait3A_2850 = tpu.memref_squeeze %dma_wait3A_2849 : memref<1x50x32xf32, #tpu.memory_space<vmem>> -> memref<50x32xf32, #tpu.memory_space<vmem>>
      %dma_wait3A_2851 = arith.constant 0 : i32
      %dma_wait3A_2852 = tpu.memref_slice %arg5[%dma_wait3A_2845, %dma_wait3A_2851] : memref<32x50xi32, #tpu.memory_space<vmem>> -> memref<1x50xi32, #tpu.memory_space<vmem>>
      %dma_wait3A_2853 = tpu.memref_squeeze %dma_wait3A_2852 : memref<1x50xi32, #tpu.memory_space<vmem>> -> memref<50xi32, #tpu.memory_space<vmem>>
      %dma_wait3A_2854 = arith.constant 0 : i32
      %dma_wait3A_2855 = arith.constant 0 : i32
      %dma_wait3A_2856 = tpu.memref_slice %arg3[%dma_wait3A_2854, %dma_wait3A_2855] : memref<1000000x32xf32, #tpu.memory_space<hbm>> -> memref<1000000x32xf32, #tpu.memory_space<hbm>>
      tpu.wait_indirect_dma semaphore(%arg9 : memref<!tpu.dma_semaphore, #tpu.memory_space<semaphore_mem>>) src(%dma_wait3A_2856 : memref<1000000x32xf32, #tpu.memory_space<hbm>>) dst(%dma_wait3A_2850 : memref<50x32xf32, #tpu.memory_space<vmem>>)
      %dma_wait3A_2857 = arith.constant 7 : i32
      %dma_wait3A_2858 = arith.constant 7 : i32
      %dma_wait3A_2859 = arith.constant 0 : i32
      %dma_wait3A_2860 = arith.constant 0 : i32
      %dma_wait3A_2861 = tpu.memref_slice %arg7[%dma_wait3A_2858, %dma_wait3A_2859, %dma_wait3A_2860] : memref<32x50x32xf32, #tpu.memory_space<vmem>> -> memref<1x50x32xf32, #tpu.memory_space<vmem>>
      %dma_wait3A_2862 = tpu.memref_squeeze %dma_wait3A_2861 : memref<1x50x32xf32, #tpu.memory_space<vmem>> -> memref<50x32xf32, #tpu.memory_space<vmem>>
      %dma_wait3A_2863 = arith.constant 0 : i32
      %dma_wait3A_2864 = tpu.memref_slice %arg5[%dma_wait3A_2857, %dma_wait3A_2863] : memref<32x50xi32, #tpu.memory_space<vmem>> -> memref<1x50xi32, #tpu.memory_space<vmem>>
      %dma_wait3A_2865 = tpu.memref_squeeze %dma_wait3A_2864 : memref<1x50xi32, #tpu.memory_space<vmem>> -> memref<50xi32, #tpu.memory_space<vmem>>
      %dma_wait3A_2866 = arith.constant 0 : i32
      %dma_wait3A_2867 = arith.constant 0 : i32
      %dma_wait3A_2868 = tpu.memref_slice %arg3[%dma_wait3A_2866, %dma_wait3A_2867] : memref<1000000x32xf32, #tpu.memory_space<hbm>> -> memref<1000000x32xf32, #tpu.memory_space<hbm>>
      tpu.wait_indirect_dma semaphore(%arg9 : memref<!tpu.dma_semaphore, #tpu.memory_space<semaphore_mem>>) src(%dma_wait3A_2868 : memref<1000000x32xf32, #tpu.memory_space<hbm>>) dst(%dma_wait3A_2862 : memref<50x32xf32, #tpu.memory_space<vmem>>)
      %dma_wait3A_2869 = arith.constant 8 : i32
      %dma_wait3A_2870 = arith.constant 8 : i32
      %dma_wait3A_2871 = arith.constant 0 : i32
      %dma_wait3A_2872 = arith.constant 0 : i32
      %dma_wait3A_2873 = tpu.memref_slice %arg7[%dma_wait3A_2870, %dma_wait3A_2871, %dma_wait3A_2872] : memref<32x50x32xf32, #tpu.memory_space<vmem>> -> memref<1x50x32xf32, #tpu.memory_space<vmem>>
      %dma_wait3A_2874 = tpu.memref_squeeze %dma_wait3A_2873 : memref<1x50x32xf32, #tpu.memory_space<vmem>> -> memref<50x32xf32, #tpu.memory_space<vmem>>
      %dma_wait3A_2875 = arith.constant 0 : i32
      %dma_wait3A_2876 = tpu.memref_slice %arg5[%dma_wait3A_2869, %dma_wait3A_2875] : memref<32x50xi32, #tpu.memory_space<vmem>> -> memref<1x50xi32, #tpu.memory_space<vmem>>
      %dma_wait3A_2877 = tpu.memref_squeeze %dma_wait3A_2876 : memref<1x50xi32, #tpu.memory_space<vmem>> -> memref<50xi32, #tpu.memory_space<vmem>>
      %dma_wait3A_2878 = arith.constant 0 : i32
      %dma_wait3A_2879 = arith.constant 0 : i32
      %dma_wait3A_2880 = tpu.memref_slice %arg3[%dma_wait3A_2878, %dma_wait3A_2879] : memref<1000000x32xf32, #tpu.memory_space<hbm>> -> memref<1000000x32xf32, #tpu.memory_space<hbm>>
      tpu.wait_indirect_dma semaphore(%arg9 : memref<!tpu.dma_semaphore, #tpu.memory_space<semaphore_mem>>) src(%dma_wait3A_2880 : memref<1000000x32xf32, #tpu.memory_space<hbm>>) dst(%dma_wait3A_2874 : memref<50x32xf32, #tpu.memory_space<vmem>>)
      %dma_wait3A_2881 = arith.constant 9 : i32
      %dma_wait3A_2882 = arith.constant 9 : i32
      %dma_wait3A_2883 = arith.constant 0 : i32
      %dma_wait3A_2884 = arith.constant 0 : i32
      %dma_wait3A_2885 = tpu.memref_slice %arg7[%dma_wait3A_2882, %dma_wait3A_2883, %dma_wait3A_2884] : memref<32x50x32xf32, #tpu.memory_space<vmem>> -> memref<1x50x32xf32, #tpu.memory_space<vmem>>
      %dma_wait3A_2886 = tpu.memref_squeeze %dma_wait3A_2885 : memref<1x50x32xf32, #tpu.memory_space<vmem>> -> memref<50x32xf32, #tpu.memory_space<vmem>>
      %dma_wait3A_2887 = arith.constant 0 : i32
      %dma_wait3A_2888 = tpu.memref_slice %arg5[%dma_wait3A_2881, %dma_wait3A_2887] : memref<32x50xi32, #tpu.memory_space<vmem>> -> memref<1x50xi32, #tpu.memory_space<vmem>>
      %dma_wait3A_2889 = tpu.memref_squeeze %dma_wait3A_2888 : memref<1x50xi32, #tpu.memory_space<vmem>> -> memref<50xi32, #tpu.memory_space<vmem>>
      %dma_wait3A_2890 = arith.constant 0 : i32
      %dma_wait3A_2891 = arith.constant 0 : i32
      %dma_wait3A_2892 = tpu.memref_slice %arg3[%dma_wait3A_2890, %dma_wait3A_2891] : memref<1000000x32xf32, #tpu.memory_space<hbm>> -> memref<1000000x32xf32, #tpu.memory_space<hbm>>
      tpu.wait_indirect_dma semaphore(%arg9 : memref<!tpu.dma_semaphore, #tpu.memory_space<semaphore_mem>>) src(%dma_wait3A_2892 : memref<1000000x32xf32, #tpu.memory_space<hbm>>) dst(%dma_wait3A_2886 : memref<50x32xf32, #tpu.memory_space<vmem>>)
      %dma_wait3A_2893 = arith.constant 10 : i32
      %dma_wait3A_2894 = arith.constant 10 : i32
      %dma_wait3A_2895 = arith.constant 0 : i32
      %dma_wait3A_2896 = arith.constant 0 : i32
      %dma_wait3A_2897 = tpu.memref_slice %arg7[%dma_wait3A_2894, %dma_wait3A_2895, %dma_wait3A_2896] : memref<32x50x32xf32, #tpu.memory_space<vmem>> -> memref<1x50x32xf32, #tpu.memory_space<vmem>>
      %dma_wait3A_2898 = tpu.memref_squeeze %dma_wait3A_2897 : memref<1x50x32xf32, #tpu.memory_space<vmem>> -> memref<50x32xf32, #tpu.memory_space<vmem>>
      %dma_wait3A_2899 = arith.constant 0 : i32
      %dma_wait3A_2900 = tpu.memref_slice %arg5[%dma_wait3A_2893, %dma_wait3A_2899] : memref<32x50xi32, #tpu.memory_space<vmem>> -> memref<1x50xi32, #tpu.memory_space<vmem>>
      %dma_wait3A_2901 = tpu.memref_squeeze %dma_wait3A_2900 : memref<1x50xi32, #tpu.memory_space<vmem>> -> memref<50xi32, #tpu.memory_space<vmem>>
      %dma_wait3A_2902 = arith.constant 0 : i32
      %dma_wait3A_2903 = arith.constant 0 : i32
      %dma_wait3A_2904 = tpu.memref_slice %arg3[%dma_wait3A_2902, %dma_wait3A_2903] : memref<1000000x32xf32, #tpu.memory_space<hbm>> -> memref<1000000x32xf32, #tpu.memory_space<hbm>>
      tpu.wait_indirect_dma semaphore(%arg9 : memref<!tpu.dma_semaphore, #tpu.memory_space<semaphore_mem>>) src(%dma_wait3A_2904 : memref<1000000x32xf32, #tpu.memory_space<hbm>>) dst(%dma_wait3A_2898 : memref<50x32xf32, #tpu.memory_space<vmem>>)
      %dma_wait3A_2905 = arith.constant 11 : i32
      %dma_wait3A_2906 = arith.constant 11 : i32
      %dma_wait3A_2907 = arith.constant 0 : i32
      %dma_wait3A_2908 = arith.constant 0 : i32
      %dma_wait3A_2909 = tpu.memref_slice %arg7[%dma_wait3A_2906, %dma_wait3A_2907, %dma_wait3A_2908] : memref<32x50x32xf32, #tpu.memory_space<vmem>> -> memref<1x50x32xf32, #tpu.memory_space<vmem>>
      %dma_wait3A_2910 = tpu.memref_squeeze %dma_wait3A_2909 : memref<1x50x32xf32, #tpu.memory_space<vmem>> -> memref<50x32xf32, #tpu.memory_space<vmem>>
      %dma_wait3A_2911 = arith.constant 0 : i32
      %dma_wait3A_2912 = tpu.memref_slice %arg5[%dma_wait3A_2905, %dma_wait3A_2911] : memref<32x50xi32, #tpu.memory_space<vmem>> -> memref<1x50xi32, #tpu.memory_space<vmem>>
      %dma_wait3A_2913 = tpu.memref_squeeze %dma_wait3A_2912 : memref<1x50xi32, #tpu.memory_space<vmem>> -> memref<50xi32, #tpu.memory_space<vmem>>
      %dma_wait3A_2914 = arith.constant 0 : i32
      %dma_wait3A_2915 = arith.constant 0 : i32
      %dma_wait3A_2916 = tpu.memref_slice %arg3[%dma_wait3A_2914, %dma_wait3A_2915] : memref<1000000x32xf32, #tpu.memory_space<hbm>> -> memref<1000000x32xf32, #tpu.memory_space<hbm>>
      tpu.wait_indirect_dma semaphore(%arg9 : memref<!tpu.dma_semaphore, #tpu.memory_space<semaphore_mem>>) src(%dma_wait3A_2916 : memref<1000000x32xf32, #tpu.memory_space<hbm>>) dst(%dma_wait3A_2910 : memref<50x32xf32, #tpu.memory_space<vmem>>)
      %dma_wait3A_2917 = arith.constant 12 : i32
      %dma_wait3A_2918 = arith.constant 12 : i32
      %dma_wait3A_2919 = arith.constant 0 : i32
      %dma_wait3A_2920 = arith.constant 0 : i32
      %dma_wait3A_2921 = tpu.memref_slice %arg7[%dma_wait3A_2918, %dma_wait3A_2919, %dma_wait3A_2920] : memref<32x50x32xf32, #tpu.memory_space<vmem>> -> memref<1x50x32xf32, #tpu.memory_space<vmem>>
      %dma_wait3A_2922 = tpu.memref_squeeze %dma_wait3A_2921 : memref<1x50x32xf32, #tpu.memory_space<vmem>> -> memref<50x32xf32, #tpu.memory_space<vmem>>
      %dma_wait3A_2923 = arith.constant 0 : i32
      %dma_wait3A_2924 = tpu.memref_slice %arg5[%dma_wait3A_2917, %dma_wait3A_2923] : memref<32x50xi32, #tpu.memory_space<vmem>> -> memref<1x50xi32, #tpu.memory_space<vmem>>
      %dma_wait3A_2925 = tpu.memref_squeeze %dma_wait3A_2924 : memref<1x50xi32, #tpu.memory_space<vmem>> -> memref<50xi32, #tpu.memory_space<vmem>>
      %dma_wait3A_2926 = arith.constant 0 : i32
      %dma_wait3A_2927 = arith.constant 0 : i32
      %dma_wait3A_2928 = tpu.memref_slice %arg3[%dma_wait3A_2926, %dma_wait3A_2927] : memref<1000000x32xf32, #tpu.memory_space<hbm>> -> memref<1000000x32xf32, #tpu.memory_space<hbm>>
      tpu.wait_indirect_dma semaphore(%arg9 : memref<!tpu.dma_semaphore, #tpu.memory_space<semaphore_mem>>) src(%dma_wait3A_2928 : memref<1000000x32xf32, #tpu.memory_space<hbm>>) dst(%dma_wait3A_2922 : memref<50x32xf32, #tpu.memory_space<vmem>>)
      %dma_wait3A_2929 = arith.constant 13 : i32
      %dma_wait3A_2930 = arith.constant 13 : i32
      %dma_wait3A_2931 = arith.constant 0 : i32
      %dma_wait3A_2932 = arith.constant 0 : i32
      %dma_wait3A_2933 = tpu.memref_slice %arg7[%dma_wait3A_2930, %dma_wait3A_2931, %dma_wait3A_2932] : memref<32x50x32xf32, #tpu.memory_space<vmem>> -> memref<1x50x32xf32, #tpu.memory_space<vmem>>
      %dma_wait3A_2934 = tpu.memref_squeeze %dma_wait3A_2933 : memref<1x50x32xf32, #tpu.memory_space<vmem>> -> memref<50x32xf32, #tpu.memory_space<vmem>>
      %dma_wait3A_2935 = arith.constant 0 : i32
      %dma_wait3A_2936 = tpu.memref_slice %arg5[%dma_wait3A_2929, %dma_wait3A_2935] : memref<32x50xi32, #tpu.memory_space<vmem>> -> memref<1x50xi32, #tpu.memory_space<vmem>>
      %dma_wait3A_2937 = tpu.memref_squeeze %dma_wait3A_2936 : memref<1x50xi32, #tpu.memory_space<vmem>> -> memref<50xi32, #tpu.memory_space<vmem>>
      %dma_wait3A_2938 = arith.constant 0 : i32
      %dma_wait3A_2939 = arith.constant 0 : i32
      %dma_wait3A_2940 = tpu.memref_slice %arg3[%dma_wait3A_2938, %dma_wait3A_2939] : memref<1000000x32xf32, #tpu.memory_space<hbm>> -> memref<1000000x32xf32, #tpu.memory_space<hbm>>
      tpu.wait_indirect_dma semaphore(%arg9 : memref<!tpu.dma_semaphore, #tpu.memory_space<semaphore_mem>>) src(%dma_wait3A_2940 : memref<1000000x32xf32, #tpu.memory_space<hbm>>) dst(%dma_wait3A_2934 : memref<50x32xf32, #tpu.memory_space<vmem>>)
      %dma_wait3A_2941 = arith.constant 14 : i32
      %dma_wait3A_2942 = arith.constant 14 : i32
      %dma_wait3A_2943 = arith.constant 0 : i32
      %dma_wait3A_2944 = arith.constant 0 : i32
      %dma_wait3A_2945 = tpu.memref_slice %arg7[%dma_wait3A_2942, %dma_wait3A_2943, %dma_wait3A_2944] : memref<32x50x32xf32, #tpu.memory_space<vmem>> -> memref<1x50x32xf32, #tpu.memory_space<vmem>>
      %dma_wait3A_2946 = tpu.memref_squeeze %dma_wait3A_2945 : memref<1x50x32xf32, #tpu.memory_space<vmem>> -> memref<50x32xf32, #tpu.memory_space<vmem>>
      %dma_wait3A_2947 = arith.constant 0 : i32
      %dma_wait3A_2948 = tpu.memref_slice %arg5[%dma_wait3A_2941, %dma_wait3A_2947] : memref<32x50xi32, #tpu.memory_space<vmem>> -> memref<1x50xi32, #tpu.memory_space<vmem>>
      %dma_wait3A_2949 = tpu.memref_squeeze %dma_wait3A_2948 : memref<1x50xi32, #tpu.memory_space<vmem>> -> memref<50xi32, #tpu.memory_space<vmem>>
      %dma_wait3A_2950 = arith.constant 0 : i32
      %dma_wait3A_2951 = arith.constant 0 : i32
      %dma_wait3A_2952 = tpu.memref_slice %arg3[%dma_wait3A_2950, %dma_wait3A_2951] : memref<1000000x32xf32, #tpu.memory_space<hbm>> -> memref<1000000x32xf32, #tpu.memory_space<hbm>>
      tpu.wait_indirect_dma semaphore(%arg9 : memref<!tpu.dma_semaphore, #tpu.memory_space<semaphore_mem>>) src(%dma_wait3A_2952 : memref<1000000x32xf32, #tpu.memory_space<hbm>>) dst(%dma_wait3A_2946 : memref<50x32xf32, #tpu.memory_space<vmem>>)
      %dma_wait3A_2953 = arith.constant 15 : i32
      %dma_wait3A_2954 = arith.constant 15 : i32
      %dma_wait3A_2955 = arith.constant 0 : i32
      %dma_wait3A_2956 = arith.constant 0 : i32
      %dma_wait3A_2957 = tpu.memref_slice %arg7[%dma_wait3A_2954, %dma_wait3A_2955, %dma_wait3A_2956] : memref<32x50x32xf32, #tpu.memory_space<vmem>> -> memref<1x50x32xf32, #tpu.memory_space<vmem>>
      %dma_wait3A_2958 = tpu.memref_squeeze %dma_wait3A_2957 : memref<1x50x32xf32, #tpu.memory_space<vmem>> -> memref<50x32xf32, #tpu.memory_space<vmem>>
      %dma_wait3A_2959 = arith.constant 0 : i32
      %dma_wait3A_2960 = tpu.memref_slice %arg5[%dma_wait3A_2953, %dma_wait3A_2959] : memref<32x50xi32, #tpu.memory_space<vmem>> -> memref<1x50xi32, #tpu.memory_space<vmem>>
      %dma_wait3A_2961 = tpu.memref_squeeze %dma_wait3A_2960 : memref<1x50xi32, #tpu.memory_space<vmem>> -> memref<50xi32, #tpu.memory_space<vmem>>
      %dma_wait3A_2962 = arith.constant 0 : i32
      %dma_wait3A_2963 = arith.constant 0 : i32
      %dma_wait3A_2964 = tpu.memref_slice %arg3[%dma_wait3A_2962, %dma_wait3A_2963] : memref<1000000x32xf32, #tpu.memory_space<hbm>> -> memref<1000000x32xf32, #tpu.memory_space<hbm>>
      tpu.wait_indirect_dma semaphore(%arg9 : memref<!tpu.dma_semaphore, #tpu.memory_space<semaphore_mem>>) src(%dma_wait3A_2964 : memref<1000000x32xf32, #tpu.memory_space<hbm>>) dst(%dma_wait3A_2958 : memref<50x32xf32, #tpu.memory_space<vmem>>)
      %dma_wait3A_2965 = arith.constant 16 : i32
      %dma_wait3A_2966 = arith.constant 16 : i32
      %dma_wait3A_2967 = arith.constant 0 : i32
      %dma_wait3A_2968 = arith.constant 0 : i32
      %dma_wait3A_2969 = tpu.memref_slice %arg7[%dma_wait3A_2966, %dma_wait3A_2967, %dma_wait3A_2968] : memref<32x50x32xf32, #tpu.memory_space<vmem>> -> memref<1x50x32xf32, #tpu.memory_space<vmem>>
      %dma_wait3A_2970 = tpu.memref_squeeze %dma_wait3A_2969 : memref<1x50x32xf32, #tpu.memory_space<vmem>> -> memref<50x32xf32, #tpu.memory_space<vmem>>
      %dma_wait3A_2971 = arith.constant 0 : i32
      %dma_wait3A_2972 = tpu.memref_slice %arg5[%dma_wait3A_2965, %dma_wait3A_2971] : memref<32x50xi32, #tpu.memory_space<vmem>> -> memref<1x50xi32, #tpu.memory_space<vmem>>
      %dma_wait3A_2973 = tpu.memref_squeeze %dma_wait3A_2972 : memref<1x50xi32, #tpu.memory_space<vmem>> -> memref<50xi32, #tpu.memory_space<vmem>>
      %dma_wait3A_2974 = arith.constant 0 : i32
      %dma_wait3A_2975 = arith.constant 0 : i32
      %dma_wait3A_2976 = tpu.memref_slice %arg3[%dma_wait3A_2974, %dma_wait3A_2975] : memref<1000000x32xf32, #tpu.memory_space<hbm>> -> memref<1000000x32xf32, #tpu.memory_space<hbm>>
      tpu.wait_indirect_dma semaphore(%arg9 : memref<!tpu.dma_semaphore, #tpu.memory_space<semaphore_mem>>) src(%dma_wait3A_2976 : memref<1000000x32xf32, #tpu.memory_space<hbm>>) dst(%dma_wait3A_2970 : memref<50x32xf32, #tpu.memory_space<vmem>>)
      %dma_wait3A_2977 = arith.constant 17 : i32
      %dma_wait3A_2978 = arith.constant 17 : i32
      %dma_wait3A_2979 = arith.constant 0 : i32
      %dma_wait3A_2980 = arith.constant 0 : i32
      %dma_wait3A_2981 = tpu.memref_slice %arg7[%dma_wait3A_2978, %dma_wait3A_2979, %dma_wait3A_2980] : memref<32x50x32xf32, #tpu.memory_space<vmem>> -> memref<1x50x32xf32, #tpu.memory_space<vmem>>
      %dma_wait3A_2982 = tpu.memref_squeeze %dma_wait3A_2981 : memref<1x50x32xf32, #tpu.memory_space<vmem>> -> memref<50x32xf32, #tpu.memory_space<vmem>>
      %dma_wait3A_2983 = arith.constant 0 : i32
      %dma_wait3A_2984 = tpu.memref_slice %arg5[%dma_wait3A_2977, %dma_wait3A_2983] : memref<32x50xi32, #tpu.memory_space<vmem>> -> memref<1x50xi32, #tpu.memory_space<vmem>>
      %dma_wait3A_2985 = tpu.memref_squeeze %dma_wait3A_2984 : memref<1x50xi32, #tpu.memory_space<vmem>> -> memref<50xi32, #tpu.memory_space<vmem>>
      %dma_wait3A_2986 = arith.constant 0 : i32
      %dma_wait3A_2987 = arith.constant 0 : i32
      %dma_wait3A_2988 = tpu.memref_slice %arg3[%dma_wait3A_2986, %dma_wait3A_2987] : memref<1000000x32xf32, #tpu.memory_space<hbm>> -> memref<1000000x32xf32, #tpu.memory_space<hbm>>
      tpu.wait_indirect_dma semaphore(%arg9 : memref<!tpu.dma_semaphore, #tpu.memory_space<semaphore_mem>>) src(%dma_wait3A_2988 : memref<1000000x32xf32, #tpu.memory_space<hbm>>) dst(%dma_wait3A_2982 : memref<50x32xf32, #tpu.memory_space<vmem>>)
      %dma_wait3A_2989 = arith.constant 18 : i32
      %dma_wait3A_2990 = arith.constant 18 : i32
      %dma_wait3A_2991 = arith.constant 0 : i32
      %dma_wait3A_2992 = arith.constant 0 : i32
      %dma_wait3A_2993 = tpu.memref_slice %arg7[%dma_wait3A_2990, %dma_wait3A_2991, %dma_wait3A_2992] : memref<32x50x32xf32, #tpu.memory_space<vmem>> -> memref<1x50x32xf32, #tpu.memory_space<vmem>>
      %dma_wait3A_2994 = tpu.memref_squeeze %dma_wait3A_2993 : memref<1x50x32xf32, #tpu.memory_space<vmem>> -> memref<50x32xf32, #tpu.memory_space<vmem>>
      %dma_wait3A_2995 = arith.constant 0 : i32
      %dma_wait3A_2996 = tpu.memref_slice %arg5[%dma_wait3A_2989, %dma_wait3A_2995] : memref<32x50xi32, #tpu.memory_space<vmem>> -> memref<1x50xi32, #tpu.memory_space<vmem>>
      %dma_wait3A_2997 = tpu.memref_squeeze %dma_wait3A_2996 : memref<1x50xi32, #tpu.memory_space<vmem>> -> memref<50xi32, #tpu.memory_space<vmem>>
      %dma_wait3A_2998 = arith.constant 0 : i32
      %dma_wait3A_2999 = arith.constant 0 : i32
      %dma_wait3A_3000 = tpu.memref_slice %arg3[%dma_wait3A_2998, %dma_wait3A_2999] : memref<1000000x32xf32, #tpu.memory_space<hbm>> -> memref<1000000x32xf32, #tpu.memory_space<hbm>>
      tpu.wait_indirect_dma semaphore(%arg9 : memref<!tpu.dma_semaphore, #tpu.memory_space<semaphore_mem>>) src(%dma_wait3A_3000 : memref<1000000x32xf32, #tpu.memory_space<hbm>>) dst(%dma_wait3A_2994 : memref<50x32xf32, #tpu.memory_space<vmem>>)
      %dma_wait3A_3001 = arith.constant 19 : i32
      %dma_wait3A_3002 = arith.constant 19 : i32
      %dma_wait3A_3003 = arith.constant 0 : i32
      %dma_wait3A_3004 = arith.constant 0 : i32
      %dma_wait3A_3005 = tpu.memref_slice %arg7[%dma_wait3A_3002, %dma_wait3A_3003, %dma_wait3A_3004] : memref<32x50x32xf32, #tpu.memory_space<vmem>> -> memref<1x50x32xf32, #tpu.memory_space<vmem>>
      %dma_wait3A_3006 = tpu.memref_squeeze %dma_wait3A_3005 : memref<1x50x32xf32, #tpu.memory_space<vmem>> -> memref<50x32xf32, #tpu.memory_space<vmem>>
      %dma_wait3A_3007 = arith.constant 0 : i32
      %dma_wait3A_3008 = tpu.memref_slice %arg5[%dma_wait3A_3001, %dma_wait3A_3007] : memref<32x50xi32, #tpu.memory_space<vmem>> -> memref<1x50xi32, #tpu.memory_space<vmem>>
      %dma_wait3A_3009 = tpu.memref_squeeze %dma_wait3A_3008 : memref<1x50xi32, #tpu.memory_space<vmem>> -> memref<50xi32, #tpu.memory_space<vmem>>
      %dma_wait3A_3010 = arith.constant 0 : i32
      %dma_wait3A_3011 = arith.constant 0 : i32
      %dma_wait3A_3012 = tpu.memref_slice %arg3[%dma_wait3A_3010, %dma_wait3A_3011] : memref<1000000x32xf32, #tpu.memory_space<hbm>> -> memref<1000000x32xf32, #tpu.memory_space<hbm>>
      tpu.wait_indirect_dma semaphore(%arg9 : memref<!tpu.dma_semaphore, #tpu.memory_space<semaphore_mem>>) src(%dma_wait3A_3012 : memref<1000000x32xf32, #tpu.memory_space<hbm>>) dst(%dma_wait3A_3006 : memref<50x32xf32, #tpu.memory_space<vmem>>)
      %dma_wait3A_3013 = arith.constant 20 : i32
      %dma_wait3A_3014 = arith.constant 20 : i32
      %dma_wait3A_3015 = arith.constant 0 : i32
      %dma_wait3A_3016 = arith.constant 0 : i32
      %dma_wait3A_3017 = tpu.memref_slice %arg7[%dma_wait3A_3014, %dma_wait3A_3015, %dma_wait3A_3016] : memref<32x50x32xf32, #tpu.memory_space<vmem>> -> memref<1x50x32xf32, #tpu.memory_space<vmem>>
      %dma_wait3A_3018 = tpu.memref_squeeze %dma_wait3A_3017 : memref<1x50x32xf32, #tpu.memory_space<vmem>> -> memref<50x32xf32, #tpu.memory_space<vmem>>
      %dma_wait3A_3019 = arith.constant 0 : i32
      %dma_wait3A_3020 = tpu.memref_slice %arg5[%dma_wait3A_3013, %dma_wait3A_3019] : memref<32x50xi32, #tpu.memory_space<vmem>> -> memref<1x50xi32, #tpu.memory_space<vmem>>
      %dma_wait3A_3021 = tpu.memref_squeeze %dma_wait3A_3020 : memref<1x50xi32, #tpu.memory_space<vmem>> -> memref<50xi32, #tpu.memory_space<vmem>>
      %dma_wait3A_3022 = arith.constant 0 : i32
      %dma_wait3A_3023 = arith.constant 0 : i32
      %dma_wait3A_3024 = tpu.memref_slice %arg3[%dma_wait3A_3022, %dma_wait3A_3023] : memref<1000000x32xf32, #tpu.memory_space<hbm>> -> memref<1000000x32xf32, #tpu.memory_space<hbm>>
      tpu.wait_indirect_dma semaphore(%arg9 : memref<!tpu.dma_semaphore, #tpu.memory_space<semaphore_mem>>) src(%dma_wait3A_3024 : memref<1000000x32xf32, #tpu.memory_space<hbm>>) dst(%dma_wait3A_3018 : memref<50x32xf32, #tpu.memory_space<vmem>>)
      %dma_wait3A_3025 = arith.constant 21 : i32
      %dma_wait3A_3026 = arith.constant 21 : i32
      %dma_wait3A_3027 = arith.constant 0 : i32
      %dma_wait3A_3028 = arith.constant 0 : i32
      %dma_wait3A_3029 = tpu.memref_slice %arg7[%dma_wait3A_3026, %dma_wait3A_3027, %dma_wait3A_3028] : memref<32x50x32xf32, #tpu.memory_space<vmem>> -> memref<1x50x32xf32, #tpu.memory_space<vmem>>
      %dma_wait3A_3030 = tpu.memref_squeeze %dma_wait3A_3029 : memref<1x50x32xf32, #tpu.memory_space<vmem>> -> memref<50x32xf32, #tpu.memory_space<vmem>>
      %dma_wait3A_3031 = arith.constant 0 : i32
      %dma_wait3A_3032 = tpu.memref_slice %arg5[%dma_wait3A_3025, %dma_wait3A_3031] : memref<32x50xi32, #tpu.memory_space<vmem>> -> memref<1x50xi32, #tpu.memory_space<vmem>>
      %dma_wait3A_3033 = tpu.memref_squeeze %dma_wait3A_3032 : memref<1x50xi32, #tpu.memory_space<vmem>> -> memref<50xi32, #tpu.memory_space<vmem>>
      %dma_wait3A_3034 = arith.constant 0 : i32
      %dma_wait3A_3035 = arith.constant 0 : i32
      %dma_wait3A_3036 = tpu.memref_slice %arg3[%dma_wait3A_3034, %dma_wait3A_3035] : memref<1000000x32xf32, #tpu.memory_space<hbm>> -> memref<1000000x32xf32, #tpu.memory_space<hbm>>
      tpu.wait_indirect_dma semaphore(%arg9 : memref<!tpu.dma_semaphore, #tpu.memory_space<semaphore_mem>>) src(%dma_wait3A_3036 : memref<1000000x32xf32, #tpu.memory_space<hbm>>) dst(%dma_wait3A_3030 : memref<50x32xf32, #tpu.memory_space<vmem>>)
      %dma_wait3A_3037 = arith.constant 22 : i32
      %dma_wait3A_3038 = arith.constant 22 : i32
      %dma_wait3A_3039 = arith.constant 0 : i32
      %dma_wait3A_3040 = arith.constant 0 : i32
      %dma_wait3A_3041 = tpu.memref_slice %arg7[%dma_wait3A_3038, %dma_wait3A_3039, %dma_wait3A_3040] : memref<32x50x32xf32, #tpu.memory_space<vmem>> -> memref<1x50x32xf32, #tpu.memory_space<vmem>>
      %dma_wait3A_3042 = tpu.memref_squeeze %dma_wait3A_3041 : memref<1x50x32xf32, #tpu.memory_space<vmem>> -> memref<50x32xf32, #tpu.memory_space<vmem>>
      %dma_wait3A_3043 = arith.constant 0 : i32
      %dma_wait3A_3044 = tpu.memref_slice %arg5[%dma_wait3A_3037, %dma_wait3A_3043] : memref<32x50xi32, #tpu.memory_space<vmem>> -> memref<1x50xi32, #tpu.memory_space<vmem>>
      %dma_wait3A_3045 = tpu.memref_squeeze %dma_wait3A_3044 : memref<1x50xi32, #tpu.memory_space<vmem>> -> memref<50xi32, #tpu.memory_space<vmem>>
      %dma_wait3A_3046 = arith.constant 0 : i32
      %dma_wait3A_3047 = arith.constant 0 : i32
      %dma_wait3A_3048 = tpu.memref_slice %arg3[%dma_wait3A_3046, %dma_wait3A_3047] : memref<1000000x32xf32, #tpu.memory_space<hbm>> -> memref<1000000x32xf32, #tpu.memory_space<hbm>>
      tpu.wait_indirect_dma semaphore(%arg9 : memref<!tpu.dma_semaphore, #tpu.memory_space<semaphore_mem>>) src(%dma_wait3A_3048 : memref<1000000x32xf32, #tpu.memory_space<hbm>>) dst(%dma_wait3A_3042 : memref<50x32xf32, #tpu.memory_space<vmem>>)
      %dma_wait3A_3049 = arith.constant 23 : i32
      %dma_wait3A_3050 = arith.constant 23 : i32
      %dma_wait3A_3051 = arith.constant 0 : i32
      %dma_wait3A_3052 = arith.constant 0 : i32
      %dma_wait3A_3053 = tpu.memref_slice %arg7[%dma_wait3A_3050, %dma_wait3A_3051, %dma_wait3A_3052] : memref<32x50x32xf32, #tpu.memory_space<vmem>> -> memref<1x50x32xf32, #tpu.memory_space<vmem>>
      %dma_wait3A_3054 = tpu.memref_squeeze %dma_wait3A_3053 : memref<1x50x32xf32, #tpu.memory_space<vmem>> -> memref<50x32xf32, #tpu.memory_space<vmem>>
      %dma_wait3A_3055 = arith.constant 0 : i32
      %dma_wait3A_3056 = tpu.memref_slice %arg5[%dma_wait3A_3049, %dma_wait3A_3055] : memref<32x50xi32, #tpu.memory_space<vmem>> -> memref<1x50xi32, #tpu.memory_space<vmem>>
      %dma_wait3A_3057 = tpu.memref_squeeze %dma_wait3A_3056 : memref<1x50xi32, #tpu.memory_space<vmem>> -> memref<50xi32, #tpu.memory_space<vmem>>
      %dma_wait3A_3058 = arith.constant 0 : i32
      %dma_wait3A_3059 = arith.constant 0 : i32
      %dma_wait3A_3060 = tpu.memref_slice %arg3[%dma_wait3A_3058, %dma_wait3A_3059] : memref<1000000x32xf32, #tpu.memory_space<hbm>> -> memref<1000000x32xf32, #tpu.memory_space<hbm>>
      tpu.wait_indirect_dma semaphore(%arg9 : memref<!tpu.dma_semaphore, #tpu.memory_space<semaphore_mem>>) src(%dma_wait3A_3060 : memref<1000000x32xf32, #tpu.memory_space<hbm>>) dst(%dma_wait3A_3054 : memref<50x32xf32, #tpu.memory_space<vmem>>)
      %dma_wait3A_3061 = arith.constant 24 : i32
      %dma_wait3A_3062 = arith.constant 24 : i32
      %dma_wait3A_3063 = arith.constant 0 : i32
      %dma_wait3A_3064 = arith.constant 0 : i32
      %dma_wait3A_3065 = tpu.memref_slice %arg7[%dma_wait3A_3062, %dma_wait3A_3063, %dma_wait3A_3064] : memref<32x50x32xf32, #tpu.memory_space<vmem>> -> memref<1x50x32xf32, #tpu.memory_space<vmem>>
      %dma_wait3A_3066 = tpu.memref_squeeze %dma_wait3A_3065 : memref<1x50x32xf32, #tpu.memory_space<vmem>> -> memref<50x32xf32, #tpu.memory_space<vmem>>
      %dma_wait3A_3067 = arith.constant 0 : i32
      %dma_wait3A_3068 = tpu.memref_slice %arg5[%dma_wait3A_3061, %dma_wait3A_3067] : memref<32x50xi32, #tpu.memory_space<vmem>> -> memref<1x50xi32, #tpu.memory_space<vmem>>
      %dma_wait3A_3069 = tpu.memref_squeeze %dma_wait3A_3068 : memref<1x50xi32, #tpu.memory_space<vmem>> -> memref<50xi32, #tpu.memory_space<vmem>>
      %dma_wait3A_3070 = arith.constant 0 : i32
      %dma_wait3A_3071 = arith.constant 0 : i32
      %dma_wait3A_3072 = tpu.memref_slice %arg3[%dma_wait3A_3070, %dma_wait3A_3071] : memref<1000000x32xf32, #tpu.memory_space<hbm>> -> memref<1000000x32xf32, #tpu.memory_space<hbm>>
      tpu.wait_indirect_dma semaphore(%arg9 : memref<!tpu.dma_semaphore, #tpu.memory_space<semaphore_mem>>) src(%dma_wait3A_3072 : memref<1000000x32xf32, #tpu.memory_space<hbm>>) dst(%dma_wait3A_3066 : memref<50x32xf32, #tpu.memory_space<vmem>>)
      %dma_wait3A_3073 = arith.constant 25 : i32
      %dma_wait3A_3074 = arith.constant 25 : i32
      %dma_wait3A_3075 = arith.constant 0 : i32
      %dma_wait3A_3076 = arith.constant 0 : i32
      %dma_wait3A_3077 = tpu.memref_slice %arg7[%dma_wait3A_3074, %dma_wait3A_3075, %dma_wait3A_3076] : memref<32x50x32xf32, #tpu.memory_space<vmem>> -> memref<1x50x32xf32, #tpu.memory_space<vmem>>
      %dma_wait3A_3078 = tpu.memref_squeeze %dma_wait3A_3077 : memref<1x50x32xf32, #tpu.memory_space<vmem>> -> memref<50x32xf32, #tpu.memory_space<vmem>>
      %dma_wait3A_3079 = arith.constant 0 : i32
      %dma_wait3A_3080 = tpu.memref_slice %arg5[%dma_wait3A_3073, %dma_wait3A_3079] : memref<32x50xi32, #tpu.memory_space<vmem>> -> memref<1x50xi32, #tpu.memory_space<vmem>>
      %dma_wait3A_3081 = tpu.memref_squeeze %dma_wait3A_3080 : memref<1x50xi32, #tpu.memory_space<vmem>> -> memref<50xi32, #tpu.memory_space<vmem>>
      %dma_wait3A_3082 = arith.constant 0 : i32
      %dma_wait3A_3083 = arith.constant 0 : i32
      %dma_wait3A_3084 = tpu.memref_slice %arg3[%dma_wait3A_3082, %dma_wait3A_3083] : memref<1000000x32xf32, #tpu.memory_space<hbm>> -> memref<1000000x32xf32, #tpu.memory_space<hbm>>
      tpu.wait_indirect_dma semaphore(%arg9 : memref<!tpu.dma_semaphore, #tpu.memory_space<semaphore_mem>>) src(%dma_wait3A_3084 : memref<1000000x32xf32, #tpu.memory_space<hbm>>) dst(%dma_wait3A_3078 : memref<50x32xf32, #tpu.memory_space<vmem>>)
      %dma_wait3A_3085 = arith.constant 26 : i32
      %dma_wait3A_3086 = arith.constant 26 : i32
      %dma_wait3A_3087 = arith.constant 0 : i32
      %dma_wait3A_3088 = arith.constant 0 : i32
      %dma_wait3A_3089 = tpu.memref_slice %arg7[%dma_wait3A_3086, %dma_wait3A_3087, %dma_wait3A_3088] : memref<32x50x32xf32, #tpu.memory_space<vmem>> -> memref<1x50x32xf32, #tpu.memory_space<vmem>>
      %dma_wait3A_3090 = tpu.memref_squeeze %dma_wait3A_3089 : memref<1x50x32xf32, #tpu.memory_space<vmem>> -> memref<50x32xf32, #tpu.memory_space<vmem>>
      %dma_wait3A_3091 = arith.constant 0 : i32
      %dma_wait3A_3092 = tpu.memref_slice %arg5[%dma_wait3A_3085, %dma_wait3A_3091] : memref<32x50xi32, #tpu.memory_space<vmem>> -> memref<1x50xi32, #tpu.memory_space<vmem>>
      %dma_wait3A_3093 = tpu.memref_squeeze %dma_wait3A_3092 : memref<1x50xi32, #tpu.memory_space<vmem>> -> memref<50xi32, #tpu.memory_space<vmem>>
      %dma_wait3A_3094 = arith.constant 0 : i32
      %dma_wait3A_3095 = arith.constant 0 : i32
      %dma_wait3A_3096 = tpu.memref_slice %arg3[%dma_wait3A_3094, %dma_wait3A_3095] : memref<1000000x32xf32, #tpu.memory_space<hbm>> -> memref<1000000x32xf32, #tpu.memory_space<hbm>>
      tpu.wait_indirect_dma semaphore(%arg9 : memref<!tpu.dma_semaphore, #tpu.memory_space<semaphore_mem>>) src(%dma_wait3A_3096 : memref<1000000x32xf32, #tpu.memory_space<hbm>>) dst(%dma_wait3A_3090 : memref<50x32xf32, #tpu.memory_space<vmem>>)
      %dma_wait3A_3097 = arith.constant 27 : i32
      %dma_wait3A_3098 = arith.constant 27 : i32
      %dma_wait3A_3099 = arith.constant 0 : i32
      %dma_wait3A_3100 = arith.constant 0 : i32
      %dma_wait3A_3101 = tpu.memref_slice %arg7[%dma_wait3A_3098, %dma_wait3A_3099, %dma_wait3A_3100] : memref<32x50x32xf32, #tpu.memory_space<vmem>> -> memref<1x50x32xf32, #tpu.memory_space<vmem>>
      %dma_wait3A_3102 = tpu.memref_squeeze %dma_wait3A_3101 : memref<1x50x32xf32, #tpu.memory_space<vmem>> -> memref<50x32xf32, #tpu.memory_space<vmem>>
      %dma_wait3A_3103 = arith.constant 0 : i32
      %dma_wait3A_3104 = tpu.memref_slice %arg5[%dma_wait3A_3097, %dma_wait3A_3103] : memref<32x50xi32, #tpu.memory_space<vmem>> -> memref<1x50xi32, #tpu.memory_space<vmem>>
      %dma_wait3A_3105 = tpu.memref_squeeze %dma_wait3A_3104 : memref<1x50xi32, #tpu.memory_space<vmem>> -> memref<50xi32, #tpu.memory_space<vmem>>
      %dma_wait3A_3106 = arith.constant 0 : i32
      %dma_wait3A_3107 = arith.constant 0 : i32
      %dma_wait3A_3108 = tpu.memref_slice %arg3[%dma_wait3A_3106, %dma_wait3A_3107] : memref<1000000x32xf32, #tpu.memory_space<hbm>> -> memref<1000000x32xf32, #tpu.memory_space<hbm>>
      tpu.wait_indirect_dma semaphore(%arg9 : memref<!tpu.dma_semaphore, #tpu.memory_space<semaphore_mem>>) src(%dma_wait3A_3108 : memref<1000000x32xf32, #tpu.memory_space<hbm>>) dst(%dma_wait3A_3102 : memref<50x32xf32, #tpu.memory_space<vmem>>)
      %dma_wait3A_3109 = arith.constant 28 : i32
      %dma_wait3A_3110 = arith.constant 28 : i32
      %dma_wait3A_3111 = arith.constant 0 : i32
      %dma_wait3A_3112 = arith.constant 0 : i32
      %dma_wait3A_3113 = tpu.memref_slice %arg7[%dma_wait3A_3110, %dma_wait3A_3111, %dma_wait3A_3112] : memref<32x50x32xf32, #tpu.memory_space<vmem>> -> memref<1x50x32xf32, #tpu.memory_space<vmem>>
      %dma_wait3A_3114 = tpu.memref_squeeze %dma_wait3A_3113 : memref<1x50x32xf32, #tpu.memory_space<vmem>> -> memref<50x32xf32, #tpu.memory_space<vmem>>
      %dma_wait3A_3115 = arith.constant 0 : i32
      %dma_wait3A_3116 = tpu.memref_slice %arg5[%dma_wait3A_3109, %dma_wait3A_3115] : memref<32x50xi32, #tpu.memory_space<vmem>> -> memref<1x50xi32, #tpu.memory_space<vmem>>
      %dma_wait3A_3117 = tpu.memref_squeeze %dma_wait3A_3116 : memref<1x50xi32, #tpu.memory_space<vmem>> -> memref<50xi32, #tpu.memory_space<vmem>>
      %dma_wait3A_3118 = arith.constant 0 : i32
      %dma_wait3A_3119 = arith.constant 0 : i32
      %dma_wait3A_3120 = tpu.memref_slice %arg3[%dma_wait3A_3118, %dma_wait3A_3119] : memref<1000000x32xf32, #tpu.memory_space<hbm>> -> memref<1000000x32xf32, #tpu.memory_space<hbm>>
      tpu.wait_indirect_dma semaphore(%arg9 : memref<!tpu.dma_semaphore, #tpu.memory_space<semaphore_mem>>) src(%dma_wait3A_3120 : memref<1000000x32xf32, #tpu.memory_space<hbm>>) dst(%dma_wait3A_3114 : memref<50x32xf32, #tpu.memory_space<vmem>>)
      %dma_wait3A_3121 = arith.constant 29 : i32
      %dma_wait3A_3122 = arith.constant 29 : i32
      %dma_wait3A_3123 = arith.constant 0 : i32
      %dma_wait3A_3124 = arith.constant 0 : i32
      %dma_wait3A_3125 = tpu.memref_slice %arg7[%dma_wait3A_3122, %dma_wait3A_3123, %dma_wait3A_3124] : memref<32x50x32xf32, #tpu.memory_space<vmem>> -> memref<1x50x32xf32, #tpu.memory_space<vmem>>
      %dma_wait3A_3126 = tpu.memref_squeeze %dma_wait3A_3125 : memref<1x50x32xf32, #tpu.memory_space<vmem>> -> memref<50x32xf32, #tpu.memory_space<vmem>>
      %dma_wait3A_3127 = arith.constant 0 : i32
      %dma_wait3A_3128 = tpu.memref_slice %arg5[%dma_wait3A_3121, %dma_wait3A_3127] : memref<32x50xi32, #tpu.memory_space<vmem>> -> memref<1x50xi32, #tpu.memory_space<vmem>>
      %dma_wait3A_3129 = tpu.memref_squeeze %dma_wait3A_3128 : memref<1x50xi32, #tpu.memory_space<vmem>> -> memref<50xi32, #tpu.memory_space<vmem>>
      %dma_wait3A_3130 = arith.constant 0 : i32
      %dma_wait3A_3131 = arith.constant 0 : i32
      %dma_wait3A_3132 = tpu.memref_slice %arg3[%dma_wait3A_3130, %dma_wait3A_3131] : memref<1000000x32xf32, #tpu.memory_space<hbm>> -> memref<1000000x32xf32, #tpu.memory_space<hbm>>
      tpu.wait_indirect_dma semaphore(%arg9 : memref<!tpu.dma_semaphore, #tpu.memory_space<semaphore_mem>>) src(%dma_wait3A_3132 : memref<1000000x32xf32, #tpu.memory_space<hbm>>) dst(%dma_wait3A_3126 : memref<50x32xf32, #tpu.memory_space<vmem>>)
      %dma_wait3A_3133 = arith.constant 30 : i32
      %dma_wait3A_3134 = arith.constant 30 : i32
      %dma_wait3A_3135 = arith.constant 0 : i32
      %dma_wait3A_3136 = arith.constant 0 : i32
      %dma_wait3A_3137 = tpu.memref_slice %arg7[%dma_wait3A_3134, %dma_wait3A_3135, %dma_wait3A_3136] : memref<32x50x32xf32, #tpu.memory_space<vmem>> -> memref<1x50x32xf32, #tpu.memory_space<vmem>>
      %dma_wait3A_3138 = tpu.memref_squeeze %dma_wait3A_3137 : memref<1x50x32xf32, #tpu.memory_space<vmem>> -> memref<50x32xf32, #tpu.memory_space<vmem>>
      %dma_wait3A_3139 = arith.constant 0 : i32
      %dma_wait3A_3140 = tpu.memref_slice %arg5[%dma_wait3A_3133, %dma_wait3A_3139] : memref<32x50xi32, #tpu.memory_space<vmem>> -> memref<1x50xi32, #tpu.memory_space<vmem>>
      %dma_wait3A_3141 = tpu.memref_squeeze %dma_wait3A_3140 : memref<1x50xi32, #tpu.memory_space<vmem>> -> memref<50xi32, #tpu.memory_space<vmem>>
      %dma_wait3A_3142 = arith.constant 0 : i32
      %dma_wait3A_3143 = arith.constant 0 : i32
      %dma_wait3A_3144 = tpu.memref_slice %arg3[%dma_wait3A_3142, %dma_wait3A_3143] : memref<1000000x32xf32, #tpu.memory_space<hbm>> -> memref<1000000x32xf32, #tpu.memory_space<hbm>>
      tpu.wait_indirect_dma semaphore(%arg9 : memref<!tpu.dma_semaphore, #tpu.memory_space<semaphore_mem>>) src(%dma_wait3A_3144 : memref<1000000x32xf32, #tpu.memory_space<hbm>>) dst(%dma_wait3A_3138 : memref<50x32xf32, #tpu.memory_space<vmem>>)
      %dma_wait3A_3145 = arith.constant 31 : i32
      %dma_wait3A_3146 = arith.constant 31 : i32
      %dma_wait3A_3147 = arith.constant 0 : i32
      %dma_wait3A_3148 = arith.constant 0 : i32
      %dma_wait3A_3149 = tpu.memref_slice %arg7[%dma_wait3A_3146, %dma_wait3A_3147, %dma_wait3A_3148] : memref<32x50x32xf32, #tpu.memory_space<vmem>> -> memref<1x50x32xf32, #tpu.memory_space<vmem>>
      %dma_wait3A_3150 = tpu.memref_squeeze %dma_wait3A_3149 : memref<1x50x32xf32, #tpu.memory_space<vmem>> -> memref<50x32xf32, #tpu.memory_space<vmem>>
      %dma_wait3A_3151 = arith.constant 0 : i32
      %dma_wait3A_3152 = tpu.memref_slice %arg5[%dma_wait3A_3145, %dma_wait3A_3151] : memref<32x50xi32, #tpu.memory_space<vmem>> -> memref<1x50xi32, #tpu.memory_space<vmem>>
      %dma_wait3A_3153 = tpu.memref_squeeze %dma_wait3A_3152 : memref<1x50xi32, #tpu.memory_space<vmem>> -> memref<50xi32, #tpu.memory_space<vmem>>
      %dma_wait3A_3154 = arith.constant 0 : i32
      %dma_wait3A_3155 = arith.constant 0 : i32
      %dma_wait3A_3156 = tpu.memref_slice %arg3[%dma_wait3A_3154, %dma_wait3A_3155] : memref<1000000x32xf32, #tpu.memory_space<hbm>> -> memref<1000000x32xf32, #tpu.memory_space<hbm>>
      tpu.wait_indirect_dma semaphore(%arg9 : memref<!tpu.dma_semaphore, #tpu.memory_space<semaphore_mem>>) src(%dma_wait3A_3156 : memref<1000000x32xf32, #tpu.memory_space<hbm>>) dst(%dma_wait3A_3150 : memref<50x32xf32, #tpu.memory_space<vmem>>)
      %add3A_3157 = arith.constant 1 : i32
      %add3A_3158 = arith.addi %add3A_1582, %add3A_3157 : i32
      %mul3A_3159 = arith.constant 32 : i32
      %mul3A_3160 = arith.muli %add3A_3158, %mul3A_3159 : i32
      %add3A_3161 = arith.addi %mul3A_2, %mul3A_3160 : i32
      %dma_start3A_3162 = arith.constant 0 : i32
      %dma_start3A_3163 = arith.constant 0 : i32
      %dma_start3A_3164 = tpu.memref_slice %arg4[%add3A_3161, %dma_start3A_3162, %dma_start3A_3163] : memref<16384x50x32xf32, #tpu.memory_space<hbm>> -> memref<32x50x32xf32, #tpu.memory_space<hbm>>
      %dma_start3A_3165 = arith.constant 0 : i32
      %dma_start3A_3166 = arith.constant 0 : i32
      %dma_start3A_3167 = tpu.memref_slice %arg4[%add3A_3161, %dma_start3A_3165, %dma_start3A_3166] : memref<16384x50x32xf32, #tpu.memory_space<hbm>> -> memref<32x50x32xf32, #tpu.memory_space<hbm>>
      tpu.enqueue_dma source(%arg7 : memref<32x50x32xf32, #tpu.memory_space<vmem>>) target(%dma_start3A_3167 : memref<32x50x32xf32, #tpu.memory_space<hbm>>) target_semaphore(%arg11 : memref<!tpu.dma_semaphore, #tpu.memory_space<semaphore_mem>>)
    }
    %scan3A_1169 = arith.constant 7 : i32
    %dma_wait3A_1170 = arith.constant 0 : i32
    %dma_wait3A_1171 = arith.constant 0 : i32
    %dma_wait3A_1172 = arith.constant 0 : i32
    %dma_wait3A_1173 = arith.constant 0 : i32
    %dma_wait3A_1174 = tpu.memref_slice %arg8[%dma_wait3A_1171, %dma_wait3A_1172, %dma_wait3A_1173] : memref<32x50x32xf32, #tpu.memory_space<vmem>> -> memref<1x50x32xf32, #tpu.memory_space<vmem>>
    %dma_wait3A_1175 = tpu.memref_squeeze %dma_wait3A_1174 : memref<1x50x32xf32, #tpu.memory_space<vmem>> -> memref<50x32xf32, #tpu.memory_space<vmem>>
    %dma_wait3A_1176 = arith.constant 0 : i32
    %dma_wait3A_1177 = tpu.memref_slice %arg6[%dma_wait3A_1170, %dma_wait3A_1176] : memref<32x50xi32, #tpu.memory_space<vmem>> -> memref<1x50xi32, #tpu.memory_space<vmem>>
    %dma_wait3A_1178 = tpu.memref_squeeze %dma_wait3A_1177 : memref<1x50xi32, #tpu.memory_space<vmem>> -> memref<50xi32, #tpu.memory_space<vmem>>
    %dma_wait3A_1179 = arith.constant 0 : i32
    %dma_wait3A_1180 = arith.constant 0 : i32
    %dma_wait3A_1181 = tpu.memref_slice %arg3[%dma_wait3A_1179, %dma_wait3A_1180] : memref<1000000x32xf32, #tpu.memory_space<hbm>> -> memref<1000000x32xf32, #tpu.memory_space<hbm>>
    tpu.wait_indirect_dma semaphore(%arg10 : memref<!tpu.dma_semaphore, #tpu.memory_space<semaphore_mem>>) src(%dma_wait3A_1181 : memref<1000000x32xf32, #tpu.memory_space<hbm>>) dst(%dma_wait3A_1175 : memref<50x32xf32, #tpu.memory_space<vmem>>)
    %dma_wait3A_1182 = arith.constant 1 : i32
    %dma_wait3A_1183 = arith.constant 1 : i32
    %dma_wait3A_1184 = arith.constant 0 : i32
    %dma_wait3A_1185 = arith.constant 0 : i32
    %dma_wait3A_1186 = tpu.memref_slice %arg8[%dma_wait3A_1183, %dma_wait3A_1184, %dma_wait3A_1185] : memref<32x50x32xf32, #tpu.memory_space<vmem>> -> memref<1x50x32xf32, #tpu.memory_space<vmem>>
    %dma_wait3A_1187 = tpu.memref_squeeze %dma_wait3A_1186 : memref<1x50x32xf32, #tpu.memory_space<vmem>> -> memref<50x32xf32, #tpu.memory_space<vmem>>
    %dma_wait3A_1188 = arith.constant 0 : i32
    %dma_wait3A_1189 = tpu.memref_slice %arg6[%dma_wait3A_1182, %dma_wait3A_1188] : memref<32x50xi32, #tpu.memory_space<vmem>> -> memref<1x50xi32, #tpu.memory_space<vmem>>
    %dma_wait3A_1190 = tpu.memref_squeeze %dma_wait3A_1189 : memref<1x50xi32, #tpu.memory_space<vmem>> -> memref<50xi32, #tpu.memory_space<vmem>>
    %dma_wait3A_1191 = arith.constant 0 : i32
    %dma_wait3A_1192 = arith.constant 0 : i32
    %dma_wait3A_1193 = tpu.memref_slice %arg3[%dma_wait3A_1191, %dma_wait3A_1192] : memref<1000000x32xf32, #tpu.memory_space<hbm>> -> memref<1000000x32xf32, #tpu.memory_space<hbm>>
    tpu.wait_indirect_dma semaphore(%arg10 : memref<!tpu.dma_semaphore, #tpu.memory_space<semaphore_mem>>) src(%dma_wait3A_1193 : memref<1000000x32xf32, #tpu.memory_space<hbm>>) dst(%dma_wait3A_1187 : memref<50x32xf32, #tpu.memory_space<vmem>>)
    %dma_wait3A_1194 = arith.constant 2 : i32
    %dma_wait3A_1195 = arith.constant 2 : i32
    %dma_wait3A_1196 = arith.constant 0 : i32
    %dma_wait3A_1197 = arith.constant 0 : i32
    %dma_wait3A_1198 = tpu.memref_slice %arg8[%dma_wait3A_1195, %dma_wait3A_1196, %dma_wait3A_1197] : memref<32x50x32xf32, #tpu.memory_space<vmem>> -> memref<1x50x32xf32, #tpu.memory_space<vmem>>
    %dma_wait3A_1199 = tpu.memref_squeeze %dma_wait3A_1198 : memref<1x50x32xf32, #tpu.memory_space<vmem>> -> memref<50x32xf32, #tpu.memory_space<vmem>>
    %dma_wait3A_1200 = arith.constant 0 : i32
    %dma_wait3A_1201 = tpu.memref_slice %arg6[%dma_wait3A_1194, %dma_wait3A_1200] : memref<32x50xi32, #tpu.memory_space<vmem>> -> memref<1x50xi32, #tpu.memory_space<vmem>>
    %dma_wait3A_1202 = tpu.memref_squeeze %dma_wait3A_1201 : memref<1x50xi32, #tpu.memory_space<vmem>> -> memref<50xi32, #tpu.memory_space<vmem>>
    %dma_wait3A_1203 = arith.constant 0 : i32
    %dma_wait3A_1204 = arith.constant 0 : i32
    %dma_wait3A_1205 = tpu.memref_slice %arg3[%dma_wait3A_1203, %dma_wait3A_1204] : memref<1000000x32xf32, #tpu.memory_space<hbm>> -> memref<1000000x32xf32, #tpu.memory_space<hbm>>
    tpu.wait_indirect_dma semaphore(%arg10 : memref<!tpu.dma_semaphore, #tpu.memory_space<semaphore_mem>>) src(%dma_wait3A_1205 : memref<1000000x32xf32, #tpu.memory_space<hbm>>) dst(%dma_wait3A_1199 : memref<50x32xf32, #tpu.memory_space<vmem>>)
    %dma_wait3A_1206 = arith.constant 3 : i32
    %dma_wait3A_1207 = arith.constant 3 : i32
    %dma_wait3A_1208 = arith.constant 0 : i32
    %dma_wait3A_1209 = arith.constant 0 : i32
    %dma_wait3A_1210 = tpu.memref_slice %arg8[%dma_wait3A_1207, %dma_wait3A_1208, %dma_wait3A_1209] : memref<32x50x32xf32, #tpu.memory_space<vmem>> -> memref<1x50x32xf32, #tpu.memory_space<vmem>>
    %dma_wait3A_1211 = tpu.memref_squeeze %dma_wait3A_1210 : memref<1x50x32xf32, #tpu.memory_space<vmem>> -> memref<50x32xf32, #tpu.memory_space<vmem>>
    %dma_wait3A_1212 = arith.constant 0 : i32
    %dma_wait3A_1213 = tpu.memref_slice %arg6[%dma_wait3A_1206, %dma_wait3A_1212] : memref<32x50xi32, #tpu.memory_space<vmem>> -> memref<1x50xi32, #tpu.memory_space<vmem>>
    %dma_wait3A_1214 = tpu.memref_squeeze %dma_wait3A_1213 : memref<1x50xi32, #tpu.memory_space<vmem>> -> memref<50xi32, #tpu.memory_space<vmem>>
    %dma_wait3A_1215 = arith.constant 0 : i32
    %dma_wait3A_1216 = arith.constant 0 : i32
    %dma_wait3A_1217 = tpu.memref_slice %arg3[%dma_wait3A_1215, %dma_wait3A_1216] : memref<1000000x32xf32, #tpu.memory_space<hbm>> -> memref<1000000x32xf32, #tpu.memory_space<hbm>>
    tpu.wait_indirect_dma semaphore(%arg10 : memref<!tpu.dma_semaphore, #tpu.memory_space<semaphore_mem>>) src(%dma_wait3A_1217 : memref<1000000x32xf32, #tpu.memory_space<hbm>>) dst(%dma_wait3A_1211 : memref<50x32xf32, #tpu.memory_space<vmem>>)
    %dma_wait3A_1218 = arith.constant 4 : i32
    %dma_wait3A_1219 = arith.constant 4 : i32
    %dma_wait3A_1220 = arith.constant 0 : i32
    %dma_wait3A_1221 = arith.constant 0 : i32
    %dma_wait3A_1222 = tpu.memref_slice %arg8[%dma_wait3A_1219, %dma_wait3A_1220, %dma_wait3A_1221] : memref<32x50x32xf32, #tpu.memory_space<vmem>> -> memref<1x50x32xf32, #tpu.memory_space<vmem>>
    %dma_wait3A_1223 = tpu.memref_squeeze %dma_wait3A_1222 : memref<1x50x32xf32, #tpu.memory_space<vmem>> -> memref<50x32xf32, #tpu.memory_space<vmem>>
    %dma_wait3A_1224 = arith.constant 0 : i32
    %dma_wait3A_1225 = tpu.memref_slice %arg6[%dma_wait3A_1218, %dma_wait3A_1224] : memref<32x50xi32, #tpu.memory_space<vmem>> -> memref<1x50xi32, #tpu.memory_space<vmem>>
    %dma_wait3A_1226 = tpu.memref_squeeze %dma_wait3A_1225 : memref<1x50xi32, #tpu.memory_space<vmem>> -> memref<50xi32, #tpu.memory_space<vmem>>
    %dma_wait3A_1227 = arith.constant 0 : i32
    %dma_wait3A_1228 = arith.constant 0 : i32
    %dma_wait3A_1229 = tpu.memref_slice %arg3[%dma_wait3A_1227, %dma_wait3A_1228] : memref<1000000x32xf32, #tpu.memory_space<hbm>> -> memref<1000000x32xf32, #tpu.memory_space<hbm>>
    tpu.wait_indirect_dma semaphore(%arg10 : memref<!tpu.dma_semaphore, #tpu.memory_space<semaphore_mem>>) src(%dma_wait3A_1229 : memref<1000000x32xf32, #tpu.memory_space<hbm>>) dst(%dma_wait3A_1223 : memref<50x32xf32, #tpu.memory_space<vmem>>)
    %dma_wait3A_1230 = arith.constant 5 : i32
    %dma_wait3A_1231 = arith.constant 5 : i32
    %dma_wait3A_1232 = arith.constant 0 : i32
    %dma_wait3A_1233 = arith.constant 0 : i32
    %dma_wait3A_1234 = tpu.memref_slice %arg8[%dma_wait3A_1231, %dma_wait3A_1232, %dma_wait3A_1233] : memref<32x50x32xf32, #tpu.memory_space<vmem>> -> memref<1x50x32xf32, #tpu.memory_space<vmem>>
    %dma_wait3A_1235 = tpu.memref_squeeze %dma_wait3A_1234 : memref<1x50x32xf32, #tpu.memory_space<vmem>> -> memref<50x32xf32, #tpu.memory_space<vmem>>
    %dma_wait3A_1236 = arith.constant 0 : i32
    %dma_wait3A_1237 = tpu.memref_slice %arg6[%dma_wait3A_1230, %dma_wait3A_1236] : memref<32x50xi32, #tpu.memory_space<vmem>> -> memref<1x50xi32, #tpu.memory_space<vmem>>
    %dma_wait3A_1238 = tpu.memref_squeeze %dma_wait3A_1237 : memref<1x50xi32, #tpu.memory_space<vmem>> -> memref<50xi32, #tpu.memory_space<vmem>>
    %dma_wait3A_1239 = arith.constant 0 : i32
    %dma_wait3A_1240 = arith.constant 0 : i32
    %dma_wait3A_1241 = tpu.memref_slice %arg3[%dma_wait3A_1239, %dma_wait3A_1240] : memref<1000000x32xf32, #tpu.memory_space<hbm>> -> memref<1000000x32xf32, #tpu.memory_space<hbm>>
    tpu.wait_indirect_dma semaphore(%arg10 : memref<!tpu.dma_semaphore, #tpu.memory_space<semaphore_mem>>) src(%dma_wait3A_1241 : memref<1000000x32xf32, #tpu.memory_space<hbm>>) dst(%dma_wait3A_1235 : memref<50x32xf32, #tpu.memory_space<vmem>>)
    %dma_wait3A_1242 = arith.constant 6 : i32
    %dma_wait3A_1243 = arith.constant 6 : i32
    %dma_wait3A_1244 = arith.constant 0 : i32
    %dma_wait3A_1245 = arith.constant 0 : i32
    %dma_wait3A_1246 = tpu.memref_slice %arg8[%dma_wait3A_1243, %dma_wait3A_1244, %dma_wait3A_1245] : memref<32x50x32xf32, #tpu.memory_space<vmem>> -> memref<1x50x32xf32, #tpu.memory_space<vmem>>
    %dma_wait3A_1247 = tpu.memref_squeeze %dma_wait3A_1246 : memref<1x50x32xf32, #tpu.memory_space<vmem>> -> memref<50x32xf32, #tpu.memory_space<vmem>>
    %dma_wait3A_1248 = arith.constant 0 : i32
    %dma_wait3A_1249 = tpu.memref_slice %arg6[%dma_wait3A_1242, %dma_wait3A_1248] : memref<32x50xi32, #tpu.memory_space<vmem>> -> memref<1x50xi32, #tpu.memory_space<vmem>>
    %dma_wait3A_1250 = tpu.memref_squeeze %dma_wait3A_1249 : memref<1x50xi32, #tpu.memory_space<vmem>> -> memref<50xi32, #tpu.memory_space<vmem>>
    %dma_wait3A_1251 = arith.constant 0 : i32
    %dma_wait3A_1252 = arith.constant 0 : i32
    %dma_wait3A_1253 = tpu.memref_slice %arg3[%dma_wait3A_1251, %dma_wait3A_1252] : memref<1000000x32xf32, #tpu.memory_space<hbm>> -> memref<1000000x32xf32, #tpu.memory_space<hbm>>
    tpu.wait_indirect_dma semaphore(%arg10 : memref<!tpu.dma_semaphore, #tpu.memory_space<semaphore_mem>>) src(%dma_wait3A_1253 : memref<1000000x32xf32, #tpu.memory_space<hbm>>) dst(%dma_wait3A_1247 : memref<50x32xf32, #tpu.memory_space<vmem>>)
    %dma_wait3A_1254 = arith.constant 7 : i32
    %dma_wait3A_1255 = arith.constant 7 : i32
    %dma_wait3A_1256 = arith.constant 0 : i32
    %dma_wait3A_1257 = arith.constant 0 : i32
    %dma_wait3A_1258 = tpu.memref_slice %arg8[%dma_wait3A_1255, %dma_wait3A_1256, %dma_wait3A_1257] : memref<32x50x32xf32, #tpu.memory_space<vmem>> -> memref<1x50x32xf32, #tpu.memory_space<vmem>>
    %dma_wait3A_1259 = tpu.memref_squeeze %dma_wait3A_1258 : memref<1x50x32xf32, #tpu.memory_space<vmem>> -> memref<50x32xf32, #tpu.memory_space<vmem>>
    %dma_wait3A_1260 = arith.constant 0 : i32
    %dma_wait3A_1261 = tpu.memref_slice %arg6[%dma_wait3A_1254, %dma_wait3A_1260] : memref<32x50xi32, #tpu.memory_space<vmem>> -> memref<1x50xi32, #tpu.memory_space<vmem>>
    %dma_wait3A_1262 = tpu.memref_squeeze %dma_wait3A_1261 : memref<1x50xi32, #tpu.memory_space<vmem>> -> memref<50xi32, #tpu.memory_space<vmem>>
    %dma_wait3A_1263 = arith.constant 0 : i32
    %dma_wait3A_1264 = arith.constant 0 : i32
    %dma_wait3A_1265 = tpu.memref_slice %arg3[%dma_wait3A_1263, %dma_wait3A_1264] : memref<1000000x32xf32, #tpu.memory_space<hbm>> -> memref<1000000x32xf32, #tpu.memory_space<hbm>>
    tpu.wait_indirect_dma semaphore(%arg10 : memref<!tpu.dma_semaphore, #tpu.memory_space<semaphore_mem>>) src(%dma_wait3A_1265 : memref<1000000x32xf32, #tpu.memory_space<hbm>>) dst(%dma_wait3A_1259 : memref<50x32xf32, #tpu.memory_space<vmem>>)
    %dma_wait3A_1266 = arith.constant 8 : i32
    %dma_wait3A_1267 = arith.constant 8 : i32
    %dma_wait3A_1268 = arith.constant 0 : i32
    %dma_wait3A_1269 = arith.constant 0 : i32
    %dma_wait3A_1270 = tpu.memref_slice %arg8[%dma_wait3A_1267, %dma_wait3A_1268, %dma_wait3A_1269] : memref<32x50x32xf32, #tpu.memory_space<vmem>> -> memref<1x50x32xf32, #tpu.memory_space<vmem>>
    %dma_wait3A_1271 = tpu.memref_squeeze %dma_wait3A_1270 : memref<1x50x32xf32, #tpu.memory_space<vmem>> -> memref<50x32xf32, #tpu.memory_space<vmem>>
    %dma_wait3A_1272 = arith.constant 0 : i32
    %dma_wait3A_1273 = tpu.memref_slice %arg6[%dma_wait3A_1266, %dma_wait3A_1272] : memref<32x50xi32, #tpu.memory_space<vmem>> -> memref<1x50xi32, #tpu.memory_space<vmem>>
    %dma_wait3A_1274 = tpu.memref_squeeze %dma_wait3A_1273 : memref<1x50xi32, #tpu.memory_space<vmem>> -> memref<50xi32, #tpu.memory_space<vmem>>
    %dma_wait3A_1275 = arith.constant 0 : i32
    %dma_wait3A_1276 = arith.constant 0 : i32
    %dma_wait3A_1277 = tpu.memref_slice %arg3[%dma_wait3A_1275, %dma_wait3A_1276] : memref<1000000x32xf32, #tpu.memory_space<hbm>> -> memref<1000000x32xf32, #tpu.memory_space<hbm>>
    tpu.wait_indirect_dma semaphore(%arg10 : memref<!tpu.dma_semaphore, #tpu.memory_space<semaphore_mem>>) src(%dma_wait3A_1277 : memref<1000000x32xf32, #tpu.memory_space<hbm>>) dst(%dma_wait3A_1271 : memref<50x32xf32, #tpu.memory_space<vmem>>)
    %dma_wait3A_1278 = arith.constant 9 : i32
    %dma_wait3A_1279 = arith.constant 9 : i32
    %dma_wait3A_1280 = arith.constant 0 : i32
    %dma_wait3A_1281 = arith.constant 0 : i32
    %dma_wait3A_1282 = tpu.memref_slice %arg8[%dma_wait3A_1279, %dma_wait3A_1280, %dma_wait3A_1281] : memref<32x50x32xf32, #tpu.memory_space<vmem>> -> memref<1x50x32xf32, #tpu.memory_space<vmem>>
    %dma_wait3A_1283 = tpu.memref_squeeze %dma_wait3A_1282 : memref<1x50x32xf32, #tpu.memory_space<vmem>> -> memref<50x32xf32, #tpu.memory_space<vmem>>
    %dma_wait3A_1284 = arith.constant 0 : i32
    %dma_wait3A_1285 = tpu.memref_slice %arg6[%dma_wait3A_1278, %dma_wait3A_1284] : memref<32x50xi32, #tpu.memory_space<vmem>> -> memref<1x50xi32, #tpu.memory_space<vmem>>
    %dma_wait3A_1286 = tpu.memref_squeeze %dma_wait3A_1285 : memref<1x50xi32, #tpu.memory_space<vmem>> -> memref<50xi32, #tpu.memory_space<vmem>>
    %dma_wait3A_1287 = arith.constant 0 : i32
    %dma_wait3A_1288 = arith.constant 0 : i32
    %dma_wait3A_1289 = tpu.memref_slice %arg3[%dma_wait3A_1287, %dma_wait3A_1288] : memref<1000000x32xf32, #tpu.memory_space<hbm>> -> memref<1000000x32xf32, #tpu.memory_space<hbm>>
    tpu.wait_indirect_dma semaphore(%arg10 : memref<!tpu.dma_semaphore, #tpu.memory_space<semaphore_mem>>) src(%dma_wait3A_1289 : memref<1000000x32xf32, #tpu.memory_space<hbm>>) dst(%dma_wait3A_1283 : memref<50x32xf32, #tpu.memory_space<vmem>>)
    %dma_wait3A_1290 = arith.constant 10 : i32
    %dma_wait3A_1291 = arith.constant 10 : i32
    %dma_wait3A_1292 = arith.constant 0 : i32
    %dma_wait3A_1293 = arith.constant 0 : i32
    %dma_wait3A_1294 = tpu.memref_slice %arg8[%dma_wait3A_1291, %dma_wait3A_1292, %dma_wait3A_1293] : memref<32x50x32xf32, #tpu.memory_space<vmem>> -> memref<1x50x32xf32, #tpu.memory_space<vmem>>
    %dma_wait3A_1295 = tpu.memref_squeeze %dma_wait3A_1294 : memref<1x50x32xf32, #tpu.memory_space<vmem>> -> memref<50x32xf32, #tpu.memory_space<vmem>>
    %dma_wait3A_1296 = arith.constant 0 : i32
    %dma_wait3A_1297 = tpu.memref_slice %arg6[%dma_wait3A_1290, %dma_wait3A_1296] : memref<32x50xi32, #tpu.memory_space<vmem>> -> memref<1x50xi32, #tpu.memory_space<vmem>>
    %dma_wait3A_1298 = tpu.memref_squeeze %dma_wait3A_1297 : memref<1x50xi32, #tpu.memory_space<vmem>> -> memref<50xi32, #tpu.memory_space<vmem>>
    %dma_wait3A_1299 = arith.constant 0 : i32
    %dma_wait3A_1300 = arith.constant 0 : i32
    %dma_wait3A_1301 = tpu.memref_slice %arg3[%dma_wait3A_1299, %dma_wait3A_1300] : memref<1000000x32xf32, #tpu.memory_space<hbm>> -> memref<1000000x32xf32, #tpu.memory_space<hbm>>
    tpu.wait_indirect_dma semaphore(%arg10 : memref<!tpu.dma_semaphore, #tpu.memory_space<semaphore_mem>>) src(%dma_wait3A_1301 : memref<1000000x32xf32, #tpu.memory_space<hbm>>) dst(%dma_wait3A_1295 : memref<50x32xf32, #tpu.memory_space<vmem>>)
    %dma_wait3A_1302 = arith.constant 11 : i32
    %dma_wait3A_1303 = arith.constant 11 : i32
    %dma_wait3A_1304 = arith.constant 0 : i32
    %dma_wait3A_1305 = arith.constant 0 : i32
    %dma_wait3A_1306 = tpu.memref_slice %arg8[%dma_wait3A_1303, %dma_wait3A_1304, %dma_wait3A_1305] : memref<32x50x32xf32, #tpu.memory_space<vmem>> -> memref<1x50x32xf32, #tpu.memory_space<vmem>>
    %dma_wait3A_1307 = tpu.memref_squeeze %dma_wait3A_1306 : memref<1x50x32xf32, #tpu.memory_space<vmem>> -> memref<50x32xf32, #tpu.memory_space<vmem>>
    %dma_wait3A_1308 = arith.constant 0 : i32
    %dma_wait3A_1309 = tpu.memref_slice %arg6[%dma_wait3A_1302, %dma_wait3A_1308] : memref<32x50xi32, #tpu.memory_space<vmem>> -> memref<1x50xi32, #tpu.memory_space<vmem>>
    %dma_wait3A_1310 = tpu.memref_squeeze %dma_wait3A_1309 : memref<1x50xi32, #tpu.memory_space<vmem>> -> memref<50xi32, #tpu.memory_space<vmem>>
    %dma_wait3A_1311 = arith.constant 0 : i32
    %dma_wait3A_1312 = arith.constant 0 : i32
    %dma_wait3A_1313 = tpu.memref_slice %arg3[%dma_wait3A_1311, %dma_wait3A_1312] : memref<1000000x32xf32, #tpu.memory_space<hbm>> -> memref<1000000x32xf32, #tpu.memory_space<hbm>>
    tpu.wait_indirect_dma semaphore(%arg10 : memref<!tpu.dma_semaphore, #tpu.memory_space<semaphore_mem>>) src(%dma_wait3A_1313 : memref<1000000x32xf32, #tpu.memory_space<hbm>>) dst(%dma_wait3A_1307 : memref<50x32xf32, #tpu.memory_space<vmem>>)
    %dma_wait3A_1314 = arith.constant 12 : i32
    %dma_wait3A_1315 = arith.constant 12 : i32
    %dma_wait3A_1316 = arith.constant 0 : i32
    %dma_wait3A_1317 = arith.constant 0 : i32
    %dma_wait3A_1318 = tpu.memref_slice %arg8[%dma_wait3A_1315, %dma_wait3A_1316, %dma_wait3A_1317] : memref<32x50x32xf32, #tpu.memory_space<vmem>> -> memref<1x50x32xf32, #tpu.memory_space<vmem>>
    %dma_wait3A_1319 = tpu.memref_squeeze %dma_wait3A_1318 : memref<1x50x32xf32, #tpu.memory_space<vmem>> -> memref<50x32xf32, #tpu.memory_space<vmem>>
    %dma_wait3A_1320 = arith.constant 0 : i32
    %dma_wait3A_1321 = tpu.memref_slice %arg6[%dma_wait3A_1314, %dma_wait3A_1320] : memref<32x50xi32, #tpu.memory_space<vmem>> -> memref<1x50xi32, #tpu.memory_space<vmem>>
    %dma_wait3A_1322 = tpu.memref_squeeze %dma_wait3A_1321 : memref<1x50xi32, #tpu.memory_space<vmem>> -> memref<50xi32, #tpu.memory_space<vmem>>
    %dma_wait3A_1323 = arith.constant 0 : i32
    %dma_wait3A_1324 = arith.constant 0 : i32
    %dma_wait3A_1325 = tpu.memref_slice %arg3[%dma_wait3A_1323, %dma_wait3A_1324] : memref<1000000x32xf32, #tpu.memory_space<hbm>> -> memref<1000000x32xf32, #tpu.memory_space<hbm>>
    tpu.wait_indirect_dma semaphore(%arg10 : memref<!tpu.dma_semaphore, #tpu.memory_space<semaphore_mem>>) src(%dma_wait3A_1325 : memref<1000000x32xf32, #tpu.memory_space<hbm>>) dst(%dma_wait3A_1319 : memref<50x32xf32, #tpu.memory_space<vmem>>)
    %dma_wait3A_1326 = arith.constant 13 : i32
    %dma_wait3A_1327 = arith.constant 13 : i32
    %dma_wait3A_1328 = arith.constant 0 : i32
    %dma_wait3A_1329 = arith.constant 0 : i32
    %dma_wait3A_1330 = tpu.memref_slice %arg8[%dma_wait3A_1327, %dma_wait3A_1328, %dma_wait3A_1329] : memref<32x50x32xf32, #tpu.memory_space<vmem>> -> memref<1x50x32xf32, #tpu.memory_space<vmem>>
    %dma_wait3A_1331 = tpu.memref_squeeze %dma_wait3A_1330 : memref<1x50x32xf32, #tpu.memory_space<vmem>> -> memref<50x32xf32, #tpu.memory_space<vmem>>
    %dma_wait3A_1332 = arith.constant 0 : i32
    %dma_wait3A_1333 = tpu.memref_slice %arg6[%dma_wait3A_1326, %dma_wait3A_1332] : memref<32x50xi32, #tpu.memory_space<vmem>> -> memref<1x50xi32, #tpu.memory_space<vmem>>
    %dma_wait3A_1334 = tpu.memref_squeeze %dma_wait3A_1333 : memref<1x50xi32, #tpu.memory_space<vmem>> -> memref<50xi32, #tpu.memory_space<vmem>>
    %dma_wait3A_1335 = arith.constant 0 : i32
    %dma_wait3A_1336 = arith.constant 0 : i32
    %dma_wait3A_1337 = tpu.memref_slice %arg3[%dma_wait3A_1335, %dma_wait3A_1336] : memref<1000000x32xf32, #tpu.memory_space<hbm>> -> memref<1000000x32xf32, #tpu.memory_space<hbm>>
    tpu.wait_indirect_dma semaphore(%arg10 : memref<!tpu.dma_semaphore, #tpu.memory_space<semaphore_mem>>) src(%dma_wait3A_1337 : memref<1000000x32xf32, #tpu.memory_space<hbm>>) dst(%dma_wait3A_1331 : memref<50x32xf32, #tpu.memory_space<vmem>>)
    %dma_wait3A_1338 = arith.constant 14 : i32
    %dma_wait3A_1339 = arith.constant 14 : i32
    %dma_wait3A_1340 = arith.constant 0 : i32
    %dma_wait3A_1341 = arith.constant 0 : i32
    %dma_wait3A_1342 = tpu.memref_slice %arg8[%dma_wait3A_1339, %dma_wait3A_1340, %dma_wait3A_1341] : memref<32x50x32xf32, #tpu.memory_space<vmem>> -> memref<1x50x32xf32, #tpu.memory_space<vmem>>
    %dma_wait3A_1343 = tpu.memref_squeeze %dma_wait3A_1342 : memref<1x50x32xf32, #tpu.memory_space<vmem>> -> memref<50x32xf32, #tpu.memory_space<vmem>>
    %dma_wait3A_1344 = arith.constant 0 : i32
    %dma_wait3A_1345 = tpu.memref_slice %arg6[%dma_wait3A_1338, %dma_wait3A_1344] : memref<32x50xi32, #tpu.memory_space<vmem>> -> memref<1x50xi32, #tpu.memory_space<vmem>>
    %dma_wait3A_1346 = tpu.memref_squeeze %dma_wait3A_1345 : memref<1x50xi32, #tpu.memory_space<vmem>> -> memref<50xi32, #tpu.memory_space<vmem>>
    %dma_wait3A_1347 = arith.constant 0 : i32
    %dma_wait3A_1348 = arith.constant 0 : i32
    %dma_wait3A_1349 = tpu.memref_slice %arg3[%dma_wait3A_1347, %dma_wait3A_1348] : memref<1000000x32xf32, #tpu.memory_space<hbm>> -> memref<1000000x32xf32, #tpu.memory_space<hbm>>
    tpu.wait_indirect_dma semaphore(%arg10 : memref<!tpu.dma_semaphore, #tpu.memory_space<semaphore_mem>>) src(%dma_wait3A_1349 : memref<1000000x32xf32, #tpu.memory_space<hbm>>) dst(%dma_wait3A_1343 : memref<50x32xf32, #tpu.memory_space<vmem>>)
    %dma_wait3A_1350 = arith.constant 15 : i32
    %dma_wait3A_1351 = arith.constant 15 : i32
    %dma_wait3A_1352 = arith.constant 0 : i32
    %dma_wait3A_1353 = arith.constant 0 : i32
    %dma_wait3A_1354 = tpu.memref_slice %arg8[%dma_wait3A_1351, %dma_wait3A_1352, %dma_wait3A_1353] : memref<32x50x32xf32, #tpu.memory_space<vmem>> -> memref<1x50x32xf32, #tpu.memory_space<vmem>>
    %dma_wait3A_1355 = tpu.memref_squeeze %dma_wait3A_1354 : memref<1x50x32xf32, #tpu.memory_space<vmem>> -> memref<50x32xf32, #tpu.memory_space<vmem>>
    %dma_wait3A_1356 = arith.constant 0 : i32
    %dma_wait3A_1357 = tpu.memref_slice %arg6[%dma_wait3A_1350, %dma_wait3A_1356] : memref<32x50xi32, #tpu.memory_space<vmem>> -> memref<1x50xi32, #tpu.memory_space<vmem>>
    %dma_wait3A_1358 = tpu.memref_squeeze %dma_wait3A_1357 : memref<1x50xi32, #tpu.memory_space<vmem>> -> memref<50xi32, #tpu.memory_space<vmem>>
    %dma_wait3A_1359 = arith.constant 0 : i32
    %dma_wait3A_1360 = arith.constant 0 : i32
    %dma_wait3A_1361 = tpu.memref_slice %arg3[%dma_wait3A_1359, %dma_wait3A_1360] : memref<1000000x32xf32, #tpu.memory_space<hbm>> -> memref<1000000x32xf32, #tpu.memory_space<hbm>>
    tpu.wait_indirect_dma semaphore(%arg10 : memref<!tpu.dma_semaphore, #tpu.memory_space<semaphore_mem>>) src(%dma_wait3A_1361 : memref<1000000x32xf32, #tpu.memory_space<hbm>>) dst(%dma_wait3A_1355 : memref<50x32xf32, #tpu.memory_space<vmem>>)
    %dma_wait3A_1362 = arith.constant 16 : i32
    %dma_wait3A_1363 = arith.constant 16 : i32
    %dma_wait3A_1364 = arith.constant 0 : i32
    %dma_wait3A_1365 = arith.constant 0 : i32
    %dma_wait3A_1366 = tpu.memref_slice %arg8[%dma_wait3A_1363, %dma_wait3A_1364, %dma_wait3A_1365] : memref<32x50x32xf32, #tpu.memory_space<vmem>> -> memref<1x50x32xf32, #tpu.memory_space<vmem>>
    %dma_wait3A_1367 = tpu.memref_squeeze %dma_wait3A_1366 : memref<1x50x32xf32, #tpu.memory_space<vmem>> -> memref<50x32xf32, #tpu.memory_space<vmem>>
    %dma_wait3A_1368 = arith.constant 0 : i32
    %dma_wait3A_1369 = tpu.memref_slice %arg6[%dma_wait3A_1362, %dma_wait3A_1368] : memref<32x50xi32, #tpu.memory_space<vmem>> -> memref<1x50xi32, #tpu.memory_space<vmem>>
    %dma_wait3A_1370 = tpu.memref_squeeze %dma_wait3A_1369 : memref<1x50xi32, #tpu.memory_space<vmem>> -> memref<50xi32, #tpu.memory_space<vmem>>
    %dma_wait3A_1371 = arith.constant 0 : i32
    %dma_wait3A_1372 = arith.constant 0 : i32
    %dma_wait3A_1373 = tpu.memref_slice %arg3[%dma_wait3A_1371, %dma_wait3A_1372] : memref<1000000x32xf32, #tpu.memory_space<hbm>> -> memref<1000000x32xf32, #tpu.memory_space<hbm>>
    tpu.wait_indirect_dma semaphore(%arg10 : memref<!tpu.dma_semaphore, #tpu.memory_space<semaphore_mem>>) src(%dma_wait3A_1373 : memref<1000000x32xf32, #tpu.memory_space<hbm>>) dst(%dma_wait3A_1367 : memref<50x32xf32, #tpu.memory_space<vmem>>)
    %dma_wait3A_1374 = arith.constant 17 : i32
    %dma_wait3A_1375 = arith.constant 17 : i32
    %dma_wait3A_1376 = arith.constant 0 : i32
    %dma_wait3A_1377 = arith.constant 0 : i32
    %dma_wait3A_1378 = tpu.memref_slice %arg8[%dma_wait3A_1375, %dma_wait3A_1376, %dma_wait3A_1377] : memref<32x50x32xf32, #tpu.memory_space<vmem>> -> memref<1x50x32xf32, #tpu.memory_space<vmem>>
    %dma_wait3A_1379 = tpu.memref_squeeze %dma_wait3A_1378 : memref<1x50x32xf32, #tpu.memory_space<vmem>> -> memref<50x32xf32, #tpu.memory_space<vmem>>
    %dma_wait3A_1380 = arith.constant 0 : i32
    %dma_wait3A_1381 = tpu.memref_slice %arg6[%dma_wait3A_1374, %dma_wait3A_1380] : memref<32x50xi32, #tpu.memory_space<vmem>> -> memref<1x50xi32, #tpu.memory_space<vmem>>
    %dma_wait3A_1382 = tpu.memref_squeeze %dma_wait3A_1381 : memref<1x50xi32, #tpu.memory_space<vmem>> -> memref<50xi32, #tpu.memory_space<vmem>>
    %dma_wait3A_1383 = arith.constant 0 : i32
    %dma_wait3A_1384 = arith.constant 0 : i32
    %dma_wait3A_1385 = tpu.memref_slice %arg3[%dma_wait3A_1383, %dma_wait3A_1384] : memref<1000000x32xf32, #tpu.memory_space<hbm>> -> memref<1000000x32xf32, #tpu.memory_space<hbm>>
    tpu.wait_indirect_dma semaphore(%arg10 : memref<!tpu.dma_semaphore, #tpu.memory_space<semaphore_mem>>) src(%dma_wait3A_1385 : memref<1000000x32xf32, #tpu.memory_space<hbm>>) dst(%dma_wait3A_1379 : memref<50x32xf32, #tpu.memory_space<vmem>>)
    %dma_wait3A_1386 = arith.constant 18 : i32
    %dma_wait3A_1387 = arith.constant 18 : i32
    %dma_wait3A_1388 = arith.constant 0 : i32
    %dma_wait3A_1389 = arith.constant 0 : i32
    %dma_wait3A_1390 = tpu.memref_slice %arg8[%dma_wait3A_1387, %dma_wait3A_1388, %dma_wait3A_1389] : memref<32x50x32xf32, #tpu.memory_space<vmem>> -> memref<1x50x32xf32, #tpu.memory_space<vmem>>
    %dma_wait3A_1391 = tpu.memref_squeeze %dma_wait3A_1390 : memref<1x50x32xf32, #tpu.memory_space<vmem>> -> memref<50x32xf32, #tpu.memory_space<vmem>>
    %dma_wait3A_1392 = arith.constant 0 : i32
    %dma_wait3A_1393 = tpu.memref_slice %arg6[%dma_wait3A_1386, %dma_wait3A_1392] : memref<32x50xi32, #tpu.memory_space<vmem>> -> memref<1x50xi32, #tpu.memory_space<vmem>>
    %dma_wait3A_1394 = tpu.memref_squeeze %dma_wait3A_1393 : memref<1x50xi32, #tpu.memory_space<vmem>> -> memref<50xi32, #tpu.memory_space<vmem>>
    %dma_wait3A_1395 = arith.constant 0 : i32
    %dma_wait3A_1396 = arith.constant 0 : i32
    %dma_wait3A_1397 = tpu.memref_slice %arg3[%dma_wait3A_1395, %dma_wait3A_1396] : memref<1000000x32xf32, #tpu.memory_space<hbm>> -> memref<1000000x32xf32, #tpu.memory_space<hbm>>
    tpu.wait_indirect_dma semaphore(%arg10 : memref<!tpu.dma_semaphore, #tpu.memory_space<semaphore_mem>>) src(%dma_wait3A_1397 : memref<1000000x32xf32, #tpu.memory_space<hbm>>) dst(%dma_wait3A_1391 : memref<50x32xf32, #tpu.memory_space<vmem>>)
    %dma_wait3A_1398 = arith.constant 19 : i32
    %dma_wait3A_1399 = arith.constant 19 : i32
    %dma_wait3A_1400 = arith.constant 0 : i32
    %dma_wait3A_1401 = arith.constant 0 : i32
    %dma_wait3A_1402 = tpu.memref_slice %arg8[%dma_wait3A_1399, %dma_wait3A_1400, %dma_wait3A_1401] : memref<32x50x32xf32, #tpu.memory_space<vmem>> -> memref<1x50x32xf32, #tpu.memory_space<vmem>>
    %dma_wait3A_1403 = tpu.memref_squeeze %dma_wait3A_1402 : memref<1x50x32xf32, #tpu.memory_space<vmem>> -> memref<50x32xf32, #tpu.memory_space<vmem>>
    %dma_wait3A_1404 = arith.constant 0 : i32
    %dma_wait3A_1405 = tpu.memref_slice %arg6[%dma_wait3A_1398, %dma_wait3A_1404] : memref<32x50xi32, #tpu.memory_space<vmem>> -> memref<1x50xi32, #tpu.memory_space<vmem>>
    %dma_wait3A_1406 = tpu.memref_squeeze %dma_wait3A_1405 : memref<1x50xi32, #tpu.memory_space<vmem>> -> memref<50xi32, #tpu.memory_space<vmem>>
    %dma_wait3A_1407 = arith.constant 0 : i32
    %dma_wait3A_1408 = arith.constant 0 : i32
    %dma_wait3A_1409 = tpu.memref_slice %arg3[%dma_wait3A_1407, %dma_wait3A_1408] : memref<1000000x32xf32, #tpu.memory_space<hbm>> -> memref<1000000x32xf32, #tpu.memory_space<hbm>>
    tpu.wait_indirect_dma semaphore(%arg10 : memref<!tpu.dma_semaphore, #tpu.memory_space<semaphore_mem>>) src(%dma_wait3A_1409 : memref<1000000x32xf32, #tpu.memory_space<hbm>>) dst(%dma_wait3A_1403 : memref<50x32xf32, #tpu.memory_space<vmem>>)
    %dma_wait3A_1410 = arith.constant 20 : i32
    %dma_wait3A_1411 = arith.constant 20 : i32
    %dma_wait3A_1412 = arith.constant 0 : i32
    %dma_wait3A_1413 = arith.constant 0 : i32
    %dma_wait3A_1414 = tpu.memref_slice %arg8[%dma_wait3A_1411, %dma_wait3A_1412, %dma_wait3A_1413] : memref<32x50x32xf32, #tpu.memory_space<vmem>> -> memref<1x50x32xf32, #tpu.memory_space<vmem>>
    %dma_wait3A_1415 = tpu.memref_squeeze %dma_wait3A_1414 : memref<1x50x32xf32, #tpu.memory_space<vmem>> -> memref<50x32xf32, #tpu.memory_space<vmem>>
    %dma_wait3A_1416 = arith.constant 0 : i32
    %dma_wait3A_1417 = tpu.memref_slice %arg6[%dma_wait3A_1410, %dma_wait3A_1416] : memref<32x50xi32, #tpu.memory_space<vmem>> -> memref<1x50xi32, #tpu.memory_space<vmem>>
    %dma_wait3A_1418 = tpu.memref_squeeze %dma_wait3A_1417 : memref<1x50xi32, #tpu.memory_space<vmem>> -> memref<50xi32, #tpu.memory_space<vmem>>
    %dma_wait3A_1419 = arith.constant 0 : i32
    %dma_wait3A_1420 = arith.constant 0 : i32
    %dma_wait3A_1421 = tpu.memref_slice %arg3[%dma_wait3A_1419, %dma_wait3A_1420] : memref<1000000x32xf32, #tpu.memory_space<hbm>> -> memref<1000000x32xf32, #tpu.memory_space<hbm>>
    tpu.wait_indirect_dma semaphore(%arg10 : memref<!tpu.dma_semaphore, #tpu.memory_space<semaphore_mem>>) src(%dma_wait3A_1421 : memref<1000000x32xf32, #tpu.memory_space<hbm>>) dst(%dma_wait3A_1415 : memref<50x32xf32, #tpu.memory_space<vmem>>)
    %dma_wait3A_1422 = arith.constant 21 : i32
    %dma_wait3A_1423 = arith.constant 21 : i32
    %dma_wait3A_1424 = arith.constant 0 : i32
    %dma_wait3A_1425 = arith.constant 0 : i32
    %dma_wait3A_1426 = tpu.memref_slice %arg8[%dma_wait3A_1423, %dma_wait3A_1424, %dma_wait3A_1425] : memref<32x50x32xf32, #tpu.memory_space<vmem>> -> memref<1x50x32xf32, #tpu.memory_space<vmem>>
    %dma_wait3A_1427 = tpu.memref_squeeze %dma_wait3A_1426 : memref<1x50x32xf32, #tpu.memory_space<vmem>> -> memref<50x32xf32, #tpu.memory_space<vmem>>
    %dma_wait3A_1428 = arith.constant 0 : i32
    %dma_wait3A_1429 = tpu.memref_slice %arg6[%dma_wait3A_1422, %dma_wait3A_1428] : memref<32x50xi32, #tpu.memory_space<vmem>> -> memref<1x50xi32, #tpu.memory_space<vmem>>
    %dma_wait3A_1430 = tpu.memref_squeeze %dma_wait3A_1429 : memref<1x50xi32, #tpu.memory_space<vmem>> -> memref<50xi32, #tpu.memory_space<vmem>>
    %dma_wait3A_1431 = arith.constant 0 : i32
    %dma_wait3A_1432 = arith.constant 0 : i32
    %dma_wait3A_1433 = tpu.memref_slice %arg3[%dma_wait3A_1431, %dma_wait3A_1432] : memref<1000000x32xf32, #tpu.memory_space<hbm>> -> memref<1000000x32xf32, #tpu.memory_space<hbm>>
    tpu.wait_indirect_dma semaphore(%arg10 : memref<!tpu.dma_semaphore, #tpu.memory_space<semaphore_mem>>) src(%dma_wait3A_1433 : memref<1000000x32xf32, #tpu.memory_space<hbm>>) dst(%dma_wait3A_1427 : memref<50x32xf32, #tpu.memory_space<vmem>>)
    %dma_wait3A_1434 = arith.constant 22 : i32
    %dma_wait3A_1435 = arith.constant 22 : i32
    %dma_wait3A_1436 = arith.constant 0 : i32
    %dma_wait3A_1437 = arith.constant 0 : i32
    %dma_wait3A_1438 = tpu.memref_slice %arg8[%dma_wait3A_1435, %dma_wait3A_1436, %dma_wait3A_1437] : memref<32x50x32xf32, #tpu.memory_space<vmem>> -> memref<1x50x32xf32, #tpu.memory_space<vmem>>
    %dma_wait3A_1439 = tpu.memref_squeeze %dma_wait3A_1438 : memref<1x50x32xf32, #tpu.memory_space<vmem>> -> memref<50x32xf32, #tpu.memory_space<vmem>>
    %dma_wait3A_1440 = arith.constant 0 : i32
    %dma_wait3A_1441 = tpu.memref_slice %arg6[%dma_wait3A_1434, %dma_wait3A_1440] : memref<32x50xi32, #tpu.memory_space<vmem>> -> memref<1x50xi32, #tpu.memory_space<vmem>>
    %dma_wait3A_1442 = tpu.memref_squeeze %dma_wait3A_1441 : memref<1x50xi32, #tpu.memory_space<vmem>> -> memref<50xi32, #tpu.memory_space<vmem>>
    %dma_wait3A_1443 = arith.constant 0 : i32
    %dma_wait3A_1444 = arith.constant 0 : i32
    %dma_wait3A_1445 = tpu.memref_slice %arg3[%dma_wait3A_1443, %dma_wait3A_1444] : memref<1000000x32xf32, #tpu.memory_space<hbm>> -> memref<1000000x32xf32, #tpu.memory_space<hbm>>
    tpu.wait_indirect_dma semaphore(%arg10 : memref<!tpu.dma_semaphore, #tpu.memory_space<semaphore_mem>>) src(%dma_wait3A_1445 : memref<1000000x32xf32, #tpu.memory_space<hbm>>) dst(%dma_wait3A_1439 : memref<50x32xf32, #tpu.memory_space<vmem>>)
    %dma_wait3A_1446 = arith.constant 23 : i32
    %dma_wait3A_1447 = arith.constant 23 : i32
    %dma_wait3A_1448 = arith.constant 0 : i32
    %dma_wait3A_1449 = arith.constant 0 : i32
    %dma_wait3A_1450 = tpu.memref_slice %arg8[%dma_wait3A_1447, %dma_wait3A_1448, %dma_wait3A_1449] : memref<32x50x32xf32, #tpu.memory_space<vmem>> -> memref<1x50x32xf32, #tpu.memory_space<vmem>>
    %dma_wait3A_1451 = tpu.memref_squeeze %dma_wait3A_1450 : memref<1x50x32xf32, #tpu.memory_space<vmem>> -> memref<50x32xf32, #tpu.memory_space<vmem>>
    %dma_wait3A_1452 = arith.constant 0 : i32
    %dma_wait3A_1453 = tpu.memref_slice %arg6[%dma_wait3A_1446, %dma_wait3A_1452] : memref<32x50xi32, #tpu.memory_space<vmem>> -> memref<1x50xi32, #tpu.memory_space<vmem>>
    %dma_wait3A_1454 = tpu.memref_squeeze %dma_wait3A_1453 : memref<1x50xi32, #tpu.memory_space<vmem>> -> memref<50xi32, #tpu.memory_space<vmem>>
    %dma_wait3A_1455 = arith.constant 0 : i32
    %dma_wait3A_1456 = arith.constant 0 : i32
    %dma_wait3A_1457 = tpu.memref_slice %arg3[%dma_wait3A_1455, %dma_wait3A_1456] : memref<1000000x32xf32, #tpu.memory_space<hbm>> -> memref<1000000x32xf32, #tpu.memory_space<hbm>>
    tpu.wait_indirect_dma semaphore(%arg10 : memref<!tpu.dma_semaphore, #tpu.memory_space<semaphore_mem>>) src(%dma_wait3A_1457 : memref<1000000x32xf32, #tpu.memory_space<hbm>>) dst(%dma_wait3A_1451 : memref<50x32xf32, #tpu.memory_space<vmem>>)
    %dma_wait3A_1458 = arith.constant 24 : i32
    %dma_wait3A_1459 = arith.constant 24 : i32
    %dma_wait3A_1460 = arith.constant 0 : i32
    %dma_wait3A_1461 = arith.constant 0 : i32
    %dma_wait3A_1462 = tpu.memref_slice %arg8[%dma_wait3A_1459, %dma_wait3A_1460, %dma_wait3A_1461] : memref<32x50x32xf32, #tpu.memory_space<vmem>> -> memref<1x50x32xf32, #tpu.memory_space<vmem>>
    %dma_wait3A_1463 = tpu.memref_squeeze %dma_wait3A_1462 : memref<1x50x32xf32, #tpu.memory_space<vmem>> -> memref<50x32xf32, #tpu.memory_space<vmem>>
    %dma_wait3A_1464 = arith.constant 0 : i32
    %dma_wait3A_1465 = tpu.memref_slice %arg6[%dma_wait3A_1458, %dma_wait3A_1464] : memref<32x50xi32, #tpu.memory_space<vmem>> -> memref<1x50xi32, #tpu.memory_space<vmem>>
    %dma_wait3A_1466 = tpu.memref_squeeze %dma_wait3A_1465 : memref<1x50xi32, #tpu.memory_space<vmem>> -> memref<50xi32, #tpu.memory_space<vmem>>
    %dma_wait3A_1467 = arith.constant 0 : i32
    %dma_wait3A_1468 = arith.constant 0 : i32
    %dma_wait3A_1469 = tpu.memref_slice %arg3[%dma_wait3A_1467, %dma_wait3A_1468] : memref<1000000x32xf32, #tpu.memory_space<hbm>> -> memref<1000000x32xf32, #tpu.memory_space<hbm>>
    tpu.wait_indirect_dma semaphore(%arg10 : memref<!tpu.dma_semaphore, #tpu.memory_space<semaphore_mem>>) src(%dma_wait3A_1469 : memref<1000000x32xf32, #tpu.memory_space<hbm>>) dst(%dma_wait3A_1463 : memref<50x32xf32, #tpu.memory_space<vmem>>)
    %dma_wait3A_1470 = arith.constant 25 : i32
    %dma_wait3A_1471 = arith.constant 25 : i32
    %dma_wait3A_1472 = arith.constant 0 : i32
    %dma_wait3A_1473 = arith.constant 0 : i32
    %dma_wait3A_1474 = tpu.memref_slice %arg8[%dma_wait3A_1471, %dma_wait3A_1472, %dma_wait3A_1473] : memref<32x50x32xf32, #tpu.memory_space<vmem>> -> memref<1x50x32xf32, #tpu.memory_space<vmem>>
    %dma_wait3A_1475 = tpu.memref_squeeze %dma_wait3A_1474 : memref<1x50x32xf32, #tpu.memory_space<vmem>> -> memref<50x32xf32, #tpu.memory_space<vmem>>
    %dma_wait3A_1476 = arith.constant 0 : i32
    %dma_wait3A_1477 = tpu.memref_slice %arg6[%dma_wait3A_1470, %dma_wait3A_1476] : memref<32x50xi32, #tpu.memory_space<vmem>> -> memref<1x50xi32, #tpu.memory_space<vmem>>
    %dma_wait3A_1478 = tpu.memref_squeeze %dma_wait3A_1477 : memref<1x50xi32, #tpu.memory_space<vmem>> -> memref<50xi32, #tpu.memory_space<vmem>>
    %dma_wait3A_1479 = arith.constant 0 : i32
    %dma_wait3A_1480 = arith.constant 0 : i32
    %dma_wait3A_1481 = tpu.memref_slice %arg3[%dma_wait3A_1479, %dma_wait3A_1480] : memref<1000000x32xf32, #tpu.memory_space<hbm>> -> memref<1000000x32xf32, #tpu.memory_space<hbm>>
    tpu.wait_indirect_dma semaphore(%arg10 : memref<!tpu.dma_semaphore, #tpu.memory_space<semaphore_mem>>) src(%dma_wait3A_1481 : memref<1000000x32xf32, #tpu.memory_space<hbm>>) dst(%dma_wait3A_1475 : memref<50x32xf32, #tpu.memory_space<vmem>>)
    %dma_wait3A_1482 = arith.constant 26 : i32
    %dma_wait3A_1483 = arith.constant 26 : i32
    %dma_wait3A_1484 = arith.constant 0 : i32
    %dma_wait3A_1485 = arith.constant 0 : i32
    %dma_wait3A_1486 = tpu.memref_slice %arg8[%dma_wait3A_1483, %dma_wait3A_1484, %dma_wait3A_1485] : memref<32x50x32xf32, #tpu.memory_space<vmem>> -> memref<1x50x32xf32, #tpu.memory_space<vmem>>
    %dma_wait3A_1487 = tpu.memref_squeeze %dma_wait3A_1486 : memref<1x50x32xf32, #tpu.memory_space<vmem>> -> memref<50x32xf32, #tpu.memory_space<vmem>>
    %dma_wait3A_1488 = arith.constant 0 : i32
    %dma_wait3A_1489 = tpu.memref_slice %arg6[%dma_wait3A_1482, %dma_wait3A_1488] : memref<32x50xi32, #tpu.memory_space<vmem>> -> memref<1x50xi32, #tpu.memory_space<vmem>>
    %dma_wait3A_1490 = tpu.memref_squeeze %dma_wait3A_1489 : memref<1x50xi32, #tpu.memory_space<vmem>> -> memref<50xi32, #tpu.memory_space<vmem>>
    %dma_wait3A_1491 = arith.constant 0 : i32
    %dma_wait3A_1492 = arith.constant 0 : i32
    %dma_wait3A_1493 = tpu.memref_slice %arg3[%dma_wait3A_1491, %dma_wait3A_1492] : memref<1000000x32xf32, #tpu.memory_space<hbm>> -> memref<1000000x32xf32, #tpu.memory_space<hbm>>
    tpu.wait_indirect_dma semaphore(%arg10 : memref<!tpu.dma_semaphore, #tpu.memory_space<semaphore_mem>>) src(%dma_wait3A_1493 : memref<1000000x32xf32, #tpu.memory_space<hbm>>) dst(%dma_wait3A_1487 : memref<50x32xf32, #tpu.memory_space<vmem>>)
    %dma_wait3A_1494 = arith.constant 27 : i32
    %dma_wait3A_1495 = arith.constant 27 : i32
    %dma_wait3A_1496 = arith.constant 0 : i32
    %dma_wait3A_1497 = arith.constant 0 : i32
    %dma_wait3A_1498 = tpu.memref_slice %arg8[%dma_wait3A_1495, %dma_wait3A_1496, %dma_wait3A_1497] : memref<32x50x32xf32, #tpu.memory_space<vmem>> -> memref<1x50x32xf32, #tpu.memory_space<vmem>>
    %dma_wait3A_1499 = tpu.memref_squeeze %dma_wait3A_1498 : memref<1x50x32xf32, #tpu.memory_space<vmem>> -> memref<50x32xf32, #tpu.memory_space<vmem>>
    %dma_wait3A_1500 = arith.constant 0 : i32
    %dma_wait3A_1501 = tpu.memref_slice %arg6[%dma_wait3A_1494, %dma_wait3A_1500] : memref<32x50xi32, #tpu.memory_space<vmem>> -> memref<1x50xi32, #tpu.memory_space<vmem>>
    %dma_wait3A_1502 = tpu.memref_squeeze %dma_wait3A_1501 : memref<1x50xi32, #tpu.memory_space<vmem>> -> memref<50xi32, #tpu.memory_space<vmem>>
    %dma_wait3A_1503 = arith.constant 0 : i32
    %dma_wait3A_1504 = arith.constant 0 : i32
    %dma_wait3A_1505 = tpu.memref_slice %arg3[%dma_wait3A_1503, %dma_wait3A_1504] : memref<1000000x32xf32, #tpu.memory_space<hbm>> -> memref<1000000x32xf32, #tpu.memory_space<hbm>>
    tpu.wait_indirect_dma semaphore(%arg10 : memref<!tpu.dma_semaphore, #tpu.memory_space<semaphore_mem>>) src(%dma_wait3A_1505 : memref<1000000x32xf32, #tpu.memory_space<hbm>>) dst(%dma_wait3A_1499 : memref<50x32xf32, #tpu.memory_space<vmem>>)
    %dma_wait3A_1506 = arith.constant 28 : i32
    %dma_wait3A_1507 = arith.constant 28 : i32
    %dma_wait3A_1508 = arith.constant 0 : i32
    %dma_wait3A_1509 = arith.constant 0 : i32
    %dma_wait3A_1510 = tpu.memref_slice %arg8[%dma_wait3A_1507, %dma_wait3A_1508, %dma_wait3A_1509] : memref<32x50x32xf32, #tpu.memory_space<vmem>> -> memref<1x50x32xf32, #tpu.memory_space<vmem>>
    %dma_wait3A_1511 = tpu.memref_squeeze %dma_wait3A_1510 : memref<1x50x32xf32, #tpu.memory_space<vmem>> -> memref<50x32xf32, #tpu.memory_space<vmem>>
    %dma_wait3A_1512 = arith.constant 0 : i32
    %dma_wait3A_1513 = tpu.memref_slice %arg6[%dma_wait3A_1506, %dma_wait3A_1512] : memref<32x50xi32, #tpu.memory_space<vmem>> -> memref<1x50xi32, #tpu.memory_space<vmem>>
    %dma_wait3A_1514 = tpu.memref_squeeze %dma_wait3A_1513 : memref<1x50xi32, #tpu.memory_space<vmem>> -> memref<50xi32, #tpu.memory_space<vmem>>
    %dma_wait3A_1515 = arith.constant 0 : i32
    %dma_wait3A_1516 = arith.constant 0 : i32
    %dma_wait3A_1517 = tpu.memref_slice %arg3[%dma_wait3A_1515, %dma_wait3A_1516] : memref<1000000x32xf32, #tpu.memory_space<hbm>> -> memref<1000000x32xf32, #tpu.memory_space<hbm>>
    tpu.wait_indirect_dma semaphore(%arg10 : memref<!tpu.dma_semaphore, #tpu.memory_space<semaphore_mem>>) src(%dma_wait3A_1517 : memref<1000000x32xf32, #tpu.memory_space<hbm>>) dst(%dma_wait3A_1511 : memref<50x32xf32, #tpu.memory_space<vmem>>)
    %dma_wait3A_1518 = arith.constant 29 : i32
    %dma_wait3A_1519 = arith.constant 29 : i32
    %dma_wait3A_1520 = arith.constant 0 : i32
    %dma_wait3A_1521 = arith.constant 0 : i32
    %dma_wait3A_1522 = tpu.memref_slice %arg8[%dma_wait3A_1519, %dma_wait3A_1520, %dma_wait3A_1521] : memref<32x50x32xf32, #tpu.memory_space<vmem>> -> memref<1x50x32xf32, #tpu.memory_space<vmem>>
    %dma_wait3A_1523 = tpu.memref_squeeze %dma_wait3A_1522 : memref<1x50x32xf32, #tpu.memory_space<vmem>> -> memref<50x32xf32, #tpu.memory_space<vmem>>
    %dma_wait3A_1524 = arith.constant 0 : i32
    %dma_wait3A_1525 = tpu.memref_slice %arg6[%dma_wait3A_1518, %dma_wait3A_1524] : memref<32x50xi32, #tpu.memory_space<vmem>> -> memref<1x50xi32, #tpu.memory_space<vmem>>
    %dma_wait3A_1526 = tpu.memref_squeeze %dma_wait3A_1525 : memref<1x50xi32, #tpu.memory_space<vmem>> -> memref<50xi32, #tpu.memory_space<vmem>>
    %dma_wait3A_1527 = arith.constant 0 : i32
    %dma_wait3A_1528 = arith.constant 0 : i32
    %dma_wait3A_1529 = tpu.memref_slice %arg3[%dma_wait3A_1527, %dma_wait3A_1528] : memref<1000000x32xf32, #tpu.memory_space<hbm>> -> memref<1000000x32xf32, #tpu.memory_space<hbm>>
    tpu.wait_indirect_dma semaphore(%arg10 : memref<!tpu.dma_semaphore, #tpu.memory_space<semaphore_mem>>) src(%dma_wait3A_1529 : memref<1000000x32xf32, #tpu.memory_space<hbm>>) dst(%dma_wait3A_1523 : memref<50x32xf32, #tpu.memory_space<vmem>>)
    %dma_wait3A_1530 = arith.constant 30 : i32
    %dma_wait3A_1531 = arith.constant 30 : i32
    %dma_wait3A_1532 = arith.constant 0 : i32
    %dma_wait3A_1533 = arith.constant 0 : i32
    %dma_wait3A_1534 = tpu.memref_slice %arg8[%dma_wait3A_1531, %dma_wait3A_1532, %dma_wait3A_1533] : memref<32x50x32xf32, #tpu.memory_space<vmem>> -> memref<1x50x32xf32, #tpu.memory_space<vmem>>
    %dma_wait3A_1535 = tpu.memref_squeeze %dma_wait3A_1534 : memref<1x50x32xf32, #tpu.memory_space<vmem>> -> memref<50x32xf32, #tpu.memory_space<vmem>>
    %dma_wait3A_1536 = arith.constant 0 : i32
    %dma_wait3A_1537 = tpu.memref_slice %arg6[%dma_wait3A_1530, %dma_wait3A_1536] : memref<32x50xi32, #tpu.memory_space<vmem>> -> memref<1x50xi32, #tpu.memory_space<vmem>>
    %dma_wait3A_1538 = tpu.memref_squeeze %dma_wait3A_1537 : memref<1x50xi32, #tpu.memory_space<vmem>> -> memref<50xi32, #tpu.memory_space<vmem>>
    %dma_wait3A_1539 = arith.constant 0 : i32
    %dma_wait3A_1540 = arith.constant 0 : i32
    %dma_wait3A_1541 = tpu.memref_slice %arg3[%dma_wait3A_1539, %dma_wait3A_1540] : memref<1000000x32xf32, #tpu.memory_space<hbm>> -> memref<1000000x32xf32, #tpu.memory_space<hbm>>
    tpu.wait_indirect_dma semaphore(%arg10 : memref<!tpu.dma_semaphore, #tpu.memory_space<semaphore_mem>>) src(%dma_wait3A_1541 : memref<1000000x32xf32, #tpu.memory_space<hbm>>) dst(%dma_wait3A_1535 : memref<50x32xf32, #tpu.memory_space<vmem>>)
    %dma_wait3A_1542 = arith.constant 31 : i32
    %dma_wait3A_1543 = arith.constant 31 : i32
    %dma_wait3A_1544 = arith.constant 0 : i32
    %dma_wait3A_1545 = arith.constant 0 : i32
    %dma_wait3A_1546 = tpu.memref_slice %arg8[%dma_wait3A_1543, %dma_wait3A_1544, %dma_wait3A_1545] : memref<32x50x32xf32, #tpu.memory_space<vmem>> -> memref<1x50x32xf32, #tpu.memory_space<vmem>>
    %dma_wait3A_1547 = tpu.memref_squeeze %dma_wait3A_1546 : memref<1x50x32xf32, #tpu.memory_space<vmem>> -> memref<50x32xf32, #tpu.memory_space<vmem>>
    %dma_wait3A_1548 = arith.constant 0 : i32
    %dma_wait3A_1549 = tpu.memref_slice %arg6[%dma_wait3A_1542, %dma_wait3A_1548] : memref<32x50xi32, #tpu.memory_space<vmem>> -> memref<1x50xi32, #tpu.memory_space<vmem>>
    %dma_wait3A_1550 = tpu.memref_squeeze %dma_wait3A_1549 : memref<1x50xi32, #tpu.memory_space<vmem>> -> memref<50xi32, #tpu.memory_space<vmem>>
    %dma_wait3A_1551 = arith.constant 0 : i32
    %dma_wait3A_1552 = arith.constant 0 : i32
    %dma_wait3A_1553 = tpu.memref_slice %arg3[%dma_wait3A_1551, %dma_wait3A_1552] : memref<1000000x32xf32, #tpu.memory_space<hbm>> -> memref<1000000x32xf32, #tpu.memory_space<hbm>>
    tpu.wait_indirect_dma semaphore(%arg10 : memref<!tpu.dma_semaphore, #tpu.memory_space<semaphore_mem>>) src(%dma_wait3A_1553 : memref<1000000x32xf32, #tpu.memory_space<hbm>>) dst(%dma_wait3A_1547 : memref<50x32xf32, #tpu.memory_space<vmem>>)
    %add3A_1554 = arith.constant 480 : i32
    %add3A_1555 = arith.addi %mul3A_2, %add3A_1554 : i32
    %dma_start3A_1556 = arith.constant 0 : i32
    %dma_start3A_1557 = arith.constant 0 : i32
    %dma_start3A_1558 = tpu.memref_slice %arg4[%add3A_1555, %dma_start3A_1556, %dma_start3A_1557] : memref<16384x50x32xf32, #tpu.memory_space<hbm>> -> memref<32x50x32xf32, #tpu.memory_space<hbm>>
    %dma_start3A_1559 = arith.constant 0 : i32
    %dma_start3A_1560 = arith.constant 0 : i32
    %dma_start3A_1561 = tpu.memref_slice %arg4[%add3A_1555, %dma_start3A_1559, %dma_start3A_1560] : memref<16384x50x32xf32, #tpu.memory_space<hbm>> -> memref<32x50x32xf32, #tpu.memory_space<hbm>>
    tpu.enqueue_dma source(%arg8 : memref<32x50x32xf32, #tpu.memory_space<vmem>>) target(%dma_start3A_1561 : memref<32x50x32xf32, #tpu.memory_space<hbm>>) target_semaphore(%arg12 : memref<!tpu.dma_semaphore, #tpu.memory_space<semaphore_mem>>)
    %add3A_1562 = arith.constant 448 : i32
    %add3A_1563 = arith.addi %mul3A_2, %add3A_1562 : i32
    %dma_wait3A_1564 = arith.constant 0 : i32
    %dma_wait3A_1565 = arith.constant 0 : i32
    %dma_wait3A_1566 = tpu.memref_slice %arg4[%add3A_1563, %dma_wait3A_1564, %dma_wait3A_1565] : memref<16384x50x32xf32, #tpu.memory_space<hbm>> -> memref<32x50x32xf32, #tpu.memory_space<hbm>>
    %dma_wait3A_1567 = arith.constant 0 : i32
    %dma_wait3A_1568 = arith.constant 0 : i32
    %dma_wait3A_1569 = tpu.memref_slice %arg4[%add3A_1563, %dma_wait3A_1567, %dma_wait3A_1568] : memref<16384x50x32xf32, #tpu.memory_space<hbm>> -> memref<32x50x32xf32, #tpu.memory_space<hbm>>
    tpu.wait_dma2 semaphore(%arg11 : memref<!tpu.dma_semaphore, #tpu.memory_space<semaphore_mem>>) src(%arg7 : memref<32x50x32xf32, #tpu.memory_space<vmem>>) dst(%dma_wait3A_1569 : memref<32x50x32xf32, #tpu.memory_space<hbm>>)
    %add3A_1570 = arith.constant 480 : i32
    %add3A_1571 = arith.addi %mul3A_2, %add3A_1570 : i32
    %dma_wait3A_1572 = arith.constant 0 : i32
    %dma_wait3A_1573 = arith.constant 0 : i32
    %dma_wait3A_1574 = tpu.memref_slice %arg4[%add3A_1571, %dma_wait3A_1572, %dma_wait3A_1573] : memref<16384x50x32xf32, #tpu.memory_space<hbm>> -> memref<32x50x32xf32, #tpu.memory_space<hbm>>
    %dma_wait3A_1575 = arith.constant 0 : i32
    %dma_wait3A_1576 = arith.constant 0 : i32
    %dma_wait3A_1577 = tpu.memref_slice %arg4[%add3A_1571, %dma_wait3A_1575, %dma_wait3A_1576] : memref<16384x50x32xf32, #tpu.memory_space<hbm>> -> memref<32x50x32xf32, #tpu.memory_space<hbm>>
    tpu.wait_dma2 semaphore(%arg12 : memref<!tpu.dma_semaphore, #tpu.memory_space<semaphore_mem>>) src(%arg8 : memref<32x50x32xf32, #tpu.memory_space<vmem>>) dst(%dma_wait3A_1577 : memref<32x50x32xf32, #tpu.memory_space<hbm>>)
    return
  }
}

</mosaic_0001>

<sc_bundles>
// kernel: _sc_gather.3.cloned.1.call-start
scs
__scs_entry_jumppad:
0x0: {  	(pc) =	sbr.rel $0x88, $3  }
0x1: {  	(tag) =	ssettag $0x0;
	lr =	simm.s32 $0x1  }
0x2: {  	[smem:$0x3F9F] =	sst lr;
	_ =	strace $0xD0000000  }
0x3: {  	_ = 	snop  }
0x4: {  	_ = 	snop  }
0x5: {  	_ = 	snop  }
0x6: {  	_ = 	snop  }
0x7: {  	_ = 	snop  }
__scs_overlays_trampoline_lowered:
0x8: {  	[smem:$0x3FAE] =	sst s0  }
0x9: {  	[smem:$0x3FAF] =	sst s1  }
0xa: {  	[smem:$0x3FB0] =	sst s2  }
0xb: {  	[smem:$0x3FB1] =	sst s3  }
0xc: {  	[smem:$0x3FB2] =	sst s4  }
0xd: {  	[smem:$0x3FB3] =	sst s5  }
0xe: {  	[smem:$0x3FB4] =	sst s6  }
0xf: {  	[smem:$0x3FB5] =	sst s7  }
0x10: {  	[smem:$0x3FB6] =	sst s8  }
0x11: {  	[smem:$0x3FB7] =	sst s9;
	s0 =	simm.s32 @!p0 $0x0  }
0x12: {  	s1 =	sld [smem:$0x3F9D];
	s0 =	simm.s32 @p0 $0x1  }
0x13: {  	[smem:$0x3FB8] =	sst s0;
	s0 =	simm.s32 @!p1 $0x0  }
0x14: {  	s2 =	sld [smem:$0x3F9C];
	s0 =	simm.s32 @p1 $0x1  }
0x15: {  	[smem:$0x3FB9] =	sst s0;
	s0 =	simm.s32 @!p2 $0x0  }
0x16: {  	s3 =	sld [smem:$0x3FDB];
	s0 =	simm.s32 @p2 $0x1  }
0x17: {  	s4 =	simm.s32 $0x1BF5;
	[smem:$0x3FBB] =	sst s0  }
0x18: {  	s0 =	sld [smem:$0x3F9E];
	_ =	swait.ge [sflag:s4], $0x0  }
0x19: {  	s7 =	sld [smem:$0x3F9F]  }
0x1a: {  	s8 =	sadd.s32 $0xFFFFE003, lr  }
0x1b: {  	s9 =	sadd.s32 $0xFFFFFEF7, lr;
	s5 =	simm.s32 $0xFFFFFFFF;
	p2 =	slt.u32 s8, $0xFFFFF086  }
0x1c: {  	p1 =	slt.u32 s9, $0xF7A;
	s5 =	simm.s32 @!p2 $0x0  }
0x1d: {  	s5 =	simm.s32 @p1 $0x1;
	p0 =	seq.s32 s7, s2  }
0x1e: {  	s7 =	smul.u32 @!p0 $0xF7A, s2;
	p2 =	seq.s32 @!p0 s5, $0x0  }
0x1f: {  	s9 =	smul.u32 $0xF7A, s1;
	s8 =	simm.s32 @!p0 $0x1BF5;
	p2 =	por !p2, p0  }
0x20: {  	[sflag:s8] =	ssyncset.s32 @!p0 $0xFFFFF086;
	s6 =	sadd.s32 @!p0 s3, s7;
	s7 =	simm.s32 @!p0 $0x108  }
0x21: {  	s3 =	sadd.s32 s3, s9;
	s6 =	sadd.s32 @!p0 $0x88, s6;
	s7 =	simm.s32 @p2 $0x1082  }
0x22: {  	[simem:s7], [sflag:s8] =	dma.local @!p0 [hbm:s6], $0xF7A  }
0x23: {  	s9 =	sor.u32 $0xD0000000, s2;
	s6 =	simm.s32 $0x108;
	_ =	swait.ge @!p0 [sflag:s8], $0x0  }
0x24: {  	s3 =	sadd.s32 $0x88, s3;
	s6 =	simm.s32 @!p1 $0x1082;
	[sflag:s4] =	ssyncset.s32 $0xFFFFF086  }
0x25: {  	[simem:s6], [sflag:s4] =	dma.local [hbm:s3], $0xF7A  }
0x26: {  	[smem:$0x3F9F] =	sst s1;
	(tag) =	ssettag s2;
	_ =	strace s9  }
0x27: {  	s1 =	sld [smem:$0x3FAF]  }
0x28: {  	s2 =	sld [smem:$0x3FB0]  }
0x29: {  	s4 =	sld [smem:$0x3FB2]  }
0x2a: {  	p0 =	seq.s32 s5, $0x0;
	s5 =	sld [smem:$0x3FB3]  }
0x2b: {  	s6 =	sld [smem:$0x3FB4]  }
0x2c: {  	s7 =	sld [smem:$0x3FB5]  }
0x2d: {  	s3 =	simm.s32 $0x108;
	s8 =	sld [smem:$0x3FB6]  }
0x2e: {  	s3 =	simm.s32 @!p0 $0x1082;
	s9 =	sld [smem:$0x3FB7]  }
0x2f: {  	lr =	sadd.s32 s0, s3;
	s0 =	sld [smem:$0x3FAE]  }
0x30: {  	s3 =	sld [smem:$0x3FB1]  }
0x31: {  	[smem:$0x3FBA] =	sst s10  }
0x32: {  	s10 =	sld [smem:$0x3FB8];
	_ =	sdelay $0x3  }
0x33: {  	p0 =	seq.s32 s10, $0x1;
	s10 =	sld [smem:$0x3FBA];
	_ =	sdelay $0x3  }
0x34: {  	[smem:$0x3FBA] =	sst s10  }
0x35: {  	s10 =	sld [smem:$0x3FB9];
	_ =	sdelay $0x3  }
0x36: {  	p1 =	seq.s32 s10, $0x1;
	s10 =	sld [smem:$0x3FBA];
	_ =	sdelay $0x3  }
0x37: {  	[smem:$0x3FBA] =	sst s10  }
0x38: {  	s10 =	sld [smem:$0x3FBB]  }
0x39: {  	_ = 	snop;
	(pc) =	sbr.ind lr, $3  }
0x3a: {  	_ = 	snop  }
0x3b: {  	_ = 	snop  }
0x3c: {  	p2 =	seq.s32 s10, $0x1;
	s10 =	sld [smem:$0x3FBA]  }
0x3d: {  	_ =	shalt  }
0x3e: {  	_ =	shalt  }
0x3f: {  	_ =	shalt  }
0x40: {  	_ =	shalt  }
0x41: {  	_ =	shalt  }
0x42: {  	_ =	shalt  }
0x43: {  	_ =	shalt  }
0x44: {  	_ =	shalt  }
0x45: {  	_ =	shalt  }
0x46: {  	_ =	shalt  }
0x47: {  	_ =	shalt  }
0x48: {  	_ =	shalt  }
0x49: {  	_ =	shalt  }
0x4a: {  	_ =	shalt  }
0x4b: {  	_ =	shalt  }
0x4c: {  	_ =	shalt  }
0x4d: {  	_ =	shalt  }
0x4e: {  	_ =	shalt  }
0x4f: {  	_ =	shalt  }
0x50: {  	_ =	shalt  }
0x51: {  	_ =	shalt  }
0x52: {  	_ =	shalt  }
0x53: {  	_ =	shalt  }
0x54: {  	_ =	shalt  }
0x55: {  	_ =	shalt  }
0x56: {  	_ =	shalt  }
0x57: {  	_ =	shalt  }
0x58: {  	_ =	shalt  }
0x59: {  	_ =	shalt  }
0x5a: {  	_ =	shalt  }
0x5b: {  	_ =	shalt  }
0x5c: {  	_ =	shalt  }
0x5d: {  	_ =	shalt  }
0x5e: {  	_ =	shalt  }
0x5f: {  	_ =	shalt  }
0x60: {  	_ =	shalt  }
0x61: {  	_ =	shalt  }
0x62: {  	_ =	shalt  }
0x63: {  	_ =	shalt  }
0x64: {  	_ =	shalt  }
0x65: {  	_ =	shalt  }
0x66: {  	_ =	shalt  }
0x67: {  	_ =	shalt  }
0x68: {  	_ =	shalt  }
0x69: {  	_ =	shalt  }
0x6a: {  	_ =	shalt  }
0x6b: {  	_ =	shalt  }
0x6c: {  	_ =	shalt  }
0x6d: {  	_ =	shalt  }
0x6e: {  	_ =	shalt  }
0x6f: {  	_ =	shalt  }
0x70: {  	_ =	shalt  }
0x71: {  	_ =	shalt  }
0x72: {  	_ =	shalt  }
0x73: {  	_ =	shalt  }
0x74: {  	_ =	shalt  }
0x75: {  	_ =	shalt  }
0x76: {  	_ =	shalt  }
0x77: {  	_ =	shalt  }
0x78: {  	_ =	shalt  }
0x79: {  	_ =	shalt  }
0x7a: {  	_ =	shalt  }
0x7b: {  	_ =	shalt  }
0x7c: {  	_ =	shalt  }
0x7d: {  	_ =	shalt  }
0x7e: {  	_ =	shalt  }
0x7f: {  	_ =	shalt  }
0x80: {  	_ =	shalt  }
0x81: {  	_ =	shalt  }
0x82: {  	_ =	shalt  }
0x83: {  	_ =	shalt  }
0x84: {  	_ =	shalt  }
0x85: {  	_ =	shalt  }
0x86: {  	_ =	shalt  }
0x87: {  	_ =	shalt  }
.Lfunc_end0:
.L_simem_size_0:
called_computation.1_lowered:
.L_overlay_start_0:
0x88: {  	s2 =	sld [smem:$0x3FD9]  }
0x89: {  	s3 =	sld [smem:$0x3FFE];
	_ =	sdelay $0x1  }
0x8a: {  	s1 =	srdreg.scid  }
0x8b: {  	s0 =	sand.u32 $0x1, s1  }
0x8c: {  	s17 =	sshll.u32 s0, $0xA;
	s2 =	sadd.s32 s3, s2  }
0x8d: {  	s2 =	sadd.s32 s2, s17  }
0x8e: {  	[smem:$0x3FC6] =	sst s2  }
0x8f: {  	_ = 	snop  }
0x90: {  	s2 =	sld [smem:$0x3FD0];
	(tm) =	ssettm $0x1  }
0x91: {  	s18 =	sld [smem:$0x3FFB];
	_ =	sdelay $0x3  }
0x92: {  	_ =	strace s18  }
0x93: {  	s3 =	sld [smem:$0x3FFC];
	_ =	sdelay $0x3  }
0x94: {  	_ =	strace s3  }
0x95: {  	s3 =	sld [smem:$0x3FFD];
	_ =	sdelay $0x3  }
0x96: {  	_ =	strace s3  }
0x97: {  	_ =	strace $0x8FFFFFFF  }
0x98: {  	s19 =	sld [smem:$0x3FDB];
	_ =	sdelay $0x1  }
0x99: {  	s4 =	simm.s32 $_scs_section_size  }
0x9a: {  	s5 =	simm.s32 $_size__tile_overlayer_lowered;
	s6 =	simm.s32 $_tile_overlayer_lowered  }
0x9b: {  	s22 =	simm.s32 $0x1BFF;
	s21 =	sshll.u32 s6, $0x1;
	s3 =	sadd.s32 s4, s19  }
0x9c: {  	s7 =	simm.s32 $0x0;
	s20 =	sshll.u32 s5, $0x1;
	s5 =	sadd.s32 s21, s3  }
0x9d: {  	[timem:s7], [sflag:s22] =	dma.local [hbm:s5], s20  }
0x9e: {  	_ =	swait.ge [sflag:s22], s20  }
0x9f: {  	s4 =	ssub.s32 $0x0, s20;
	[sflag:s22] =	ssyncset.done $0x0  }
0xa0: {  	[sflag:s22] =	ssyncadd.s32 s4;
	_ =	sdelay $0x1  }
0xa1: {  	s23 =	simm.s32 $0x1B8B  }
0xa2: {  	_ =	swait.ge [sflag:s23], $0x1  }
0xa3: {  	[sflag:s23] =	ssyncset.done $0x0  }
0xa4: {  	s25 =	simm.s32 $0x1B8E;
	s24 =	sld [smem:$0x3FFE];
	[sflag:s23] =	ssyncadd.s32 $0xFFFFFFFF  }
0xa5: {  	s26 =	simm.s32 $execute0_lowered;
	[smem:$0x3FD2] =	sst s25  }
0xa6: {  	s5 =	sshll.u32 s26, $0x1;
	_ =	strace $0x80000046;
	[dreg:$0x1] =	wrdreg $0xFFFFFFFF  }
0xa7: {  	s28 =	simm.s32 $_size_execute0_lowered;
	s3 =	sadd.s32 s3, s5;
	[dreg:$0x0] =	wrdreg $0x0  }
0xa8: {  	s5 =	sshll.u32 s28, $0x1;
	[dreg:$0x2] =	wrdreg s3  }
0xa9: {  	[dreg:$0x3] =	wrdreg s5  }
0xaa: {  	[dreg:$0x4] =	wrdreg $0xC0  }
0xab: {  	_ =	task [dreg:s7], $0x5FFFF  }
0xac: {  	[dreg:$0x1] =	wrdreg $0xFFFFFFFF  }
0xad: {  	[dreg:$0x0] =	wrdreg $0x60  }
0xae: {  	[dreg:$0x2] =	wrdreg s24  }
0xaf: {  	[dreg:$0x3] =	wrdreg s2  }
0xb0: {  	[dreg:$0x4] =	wrdreg $0x9  }
0xb1: {  	_ =	task.clear_ibuf [dreg:s7], $0x5FFFF;
	_ =	strace $0x90000046  }
0xb2: {  	s29 =	simm.s32 $0x9;
	_ =	strace $0x80000048  }
0xb3: {  	_ =	swait.ge [sflag:s29], $0x1  }
0xb4: {  	[sflag:s29] =	ssyncadd.s32 $0xFFFFFFFF  }
0xb5: {  	_ =	strace $0x90000048  }
0xb6: {  	_ =	sfence  }
0xb7: {  	s30 =	sld [smem:$0x0];
	_ =	sdelay $0x2  }
0xb8: {  	s31 =	sshll.u32 s1, $0xD;
	s1 =	sshrl.u32 s1, $0x2  }
0xb9: {  	s3 =	sand.u32 $0x4000, s31;
	s1 =	sadd.s32 s1, s30  }
0xba: {  	s0 =	sor.u32 s3, s0;
	s1 =	sshll.u32 s1, $0x11  }
0xbb: {  	s0 =	sor.u32 s1, s0  }
0xbc: {  	s0 =	sadd.s32 $0x8F2B, s0  }
0xbd: {  	[sflag:s0] =	ssyncadd.remote.s32 $0x1  }
0xbe: {  	_ =	sfence.sel $0xFFFF  }
0xbf: {  	[dreg:$0x0] =	wrdreg $0xFFFFFFFF;
	(pc) =	sbr.abs _section_cstart, $3  }
0xc0: {  	[dreg:$0x1] =	wrdreg $0xFFFFFFFF  }
0xc1: {  	_ =	task.clear_ibuf [dreg:s7], $0x2FFFF;
	_ =	strace $0x9FFFFFFF  }
0xc2: {  	(tm) =	ssettm $0x7FFFFFFF  }
0xc3: {  	_ =	shalt  }
tec
execute0_lowered:
.L_overlay_start_1:
0x0: {  	(tag) =	ssettag $0x1  }
0x1: {  	s0 =	srdreg.scid;
	s1 =	rddreg [dreg:$0x0]  }
0x2: {  	s10 =	stileid.u32;
	s4 =	rddreg [dreg:$0x1];
	s2 =	simm.s32 $0x0  }
0x3: {  	s12 =	simm.s32 $0x38;
	s19 =	simm.s32 $0x1440;
	s20 =	simm.s32 $0x70  }
0x4: {  	s21 =	simm.s32 $0x1A80;
	s29 =	simm.s32 $0x4000;
	s28 =	simm.s32 $0x1F8  }
0x5: {  	s30 =	simm.s32 $0x4640;
	s18 =	simm.s32 $0x230;
	s13 =	simm.s32 $0x1  }
0x6: {  	s14 =	simm.s32 $0x3;
	s15 =	simm.s32 $0x2;
	s16 =	simm.s32 $0x4  }
0x7: {  	s17 =	simm.s32 $0x0;
	s0 =	sand.u32 $0x1, s0;
	s23 =	smul.u32 $0x1C00, s10  }
0x8: {  	s3 =	sshll.u32 s10, $0xA;
	[smem:$0x7FF] =	sst s2;
	s26 =	smul.u32 $0x32000, s10  }
0x9: {  	s7 =	sadd.s32 $0xA00, s1;
	s5 =	sshll.u32 s0, $0x9;
	s25 =	smul.u32 $0xE00, s0  }
0xa: {  	s22 =	ssub.s32 $0x2, s0;
	s0 =	smul.u32 $0x19000, s0;
	s5 =	sor.u32 s5, s3  }
0xb: {  	s10 =	simm.s32 $0x5;
	_ =	strace $0x80000047;
	s6 =	smul.u32 $0x7, s5  }
0xc: {  	[dreg:$0xa] =	wrdreg s17;
	s9 =	sshrl.u32 s22, $0x1;
	s8 =	smul.u32 $0xC8, s5  }
0xd: {  	s3 =	sadd.s32 $0xF42E00, s1;
	s5 =	smul.u32 $0x640, s5;
	s1 =	ssub.s32 s22, s9  }
0xe: {  	s22 =	simm.s32 $0xA8;
	s9 =	simm.s32 $0x1C0;
	s1 =	smax.u32 s1, $0x1  }
0xf: {  	s11 =	sadd.s32 s7, s6;
	s8 =	sadd.s32 s4, s8;
	s5 =	sshrl.u32 s5, $0x3  }
0x10: {  	s6 =	sadd.s32 s23, s7;
	[dreg:$0x8] =	wrdreg s1;
	s1 =	simm.s32 $0x2700  }
0x11: {  	s7 =	simm.s32 $0x3380;
	s23 =	simm.s32 $0x700;
	[dreg:$0x4] =	wrdreg s11  }
0x12: {  	s24 =	sadd.s32 $0xE0, s11;
	[dreg:$0x6] =	wrdreg s8;
	s5 =	sadd.s32 s4, s5  }
0x13: {  	s31 =	sadd.s32 s25, s6;
	s4 =	sadd.s32 s26, s4;
	s11 =	simm.s32 $0x32  }
0x14: {  	s26 =	simm.s32 $0x20C0;
	s25 =	simm.s32 $0xE0;
	s6 =	simm.s32 $0x150  }
0x15: {  	s8 =	simm.s32 $0x188;
	[dreg:$0x5] =	wrdreg s24;
	s5 =	sadd.s32 $0x17700, s5  }
0x16: {  	[dreg:$0x3] =	wrdreg s31;
	s0 =	sadd.s32 s0, s4;
	s4 =	simm.s32 $0x39C0  }
0x17: {  	s24 =	simm.s32 $0xD600;
	[dreg:$0x7] =	wrdreg s5;
	s0 =	sadd.s32 $0x3200, s0  }
0x18: {  	s5 =	simm.s32 $0x2D40;
	[dreg:$0x9] =	wrdreg s0;
	s0 =	simm.s32 $0x118  }
.LBB2_1:
0x19: {  	s17 =	rddreg [dreg:$0x4]  }
0x1a: {  	[tilespmem:s2], [sflag:$0x5] =	stream.linear.gather [hbm4b:s17+s2], $0x700, $0x38;
	[tilespmem:$0x19E00] =	vst v63  }
0x1b: {  	_ =	swait.ge [sflag:s10], $0x700  }
0x1c: {  	[sflag:s10] =	ssyncset.done $0x0  }
0x1d: {  	s17 =	simm.s32 $0xE00;
	[sflag:s10] =	ssyncadd.s32 $0xFFFFF900  }
0x1e: {  	[tilespmem:s17], [sflag:$0x1] =	stream.indirect.gather [hbm4b:s3+s11], $0x20, s2, s11, $0xb8;
	[tilespmem:$0x19E00] =	vst v63  }
0x1f: {  	_ = 	snop  }
0x20: {  	[tilespmem:s19], [sflag:$0x1] =	stream.indirect.gather [hbm4b:s3+s11], $0x20, s12, s11, $0xb8;
	[tilespmem:$0x19E00] =	vst v63  }
0x21: {  	_ = 	snop  }
0x22: {  	[tilespmem:s21], [sflag:$0x1] =	stream.indirect.gather [hbm4b:s3+s11], $0x20, s20, s11, $0xb8;
	[tilespmem:$0x19E00] =	vst v63  }
0x23: {  	_ = 	snop  }
0x24: {  	[tilespmem:s26], [sflag:$0x1] =	stream.indirect.gather [hbm4b:s3+s11], $0x20, s22, s11, $0xb8;
	[tilespmem:$0x19E00] =	vst v63  }
0x25: {  	_ = 	snop  }
0x26: {  	[tilespmem:s1], [sflag:$0x1] =	stream.indirect.gather [hbm4b:s3+s11], $0x20, s25, s11, $0xb8;
	[tilespmem:$0x19E00] =	vst v63  }
0x27: {  	_ = 	snop  }
0x28: {  	[tilespmem:s5], [sflag:$0x1] =	stream.indirect.gather [hbm4b:s3+s11], $0x20, s0, s11, $0xb8;
	[tilespmem:$0x19E00] =	vst v63  }
0x29: {  	_ = 	snop  }
0x2a: {  	[tilespmem:s7], [sflag:$0x1] =	stream.indirect.gather [hbm4b:s3+s11], $0x20, s6, s11, $0xb8;
	[tilespmem:$0x19E00] =	vst v63  }
0x2b: {  	_ = 	snop  }
0x2c: {  	[tilespmem:s4], [sflag:$0x1] =	stream.indirect.gather [hbm4b:s3+s11], $0x20, s8, s11, $0xb8;
	[tilespmem:$0x19E00] =	vst v63  }
0x2d: {  	_ = 	snop  }
0x2e: {  	[tilespmem:s29], [sflag:$0x1] =	stream.indirect.gather [hbm4b:s3+s11], $0x20, s9, s11, $0xb8;
	[tilespmem:$0x19E00] =	vst v63  }
0x2f: {  	_ = 	snop  }
0x30: {  	[tilespmem:s30], [sflag:$0x1] =	stream.indirect.gather [hbm4b:s3+s11], $0x20, s28, s11, $0xb8;
	[tilespmem:$0x19E00] =	vst v63  }
0x31: {  	s26 =	simm.s32 $0x4C80  }
0x32: {  	[tilespmem:s26], [sflag:$0x1] =	stream.indirect.gather [hbm4b:s3+s11], $0x20, s18, s11, $0xb8;
	[tilespmem:$0x19E00] =	vst v63  }
0x33: {  	s0 =	simm.s32 $0x52C0;
	s29 =	simm.s32 $0x268  }
0x34: {  	[tilespmem:s0], [sflag:$0x1] =	stream.indirect.gather [hbm4b:s3+s11], $0x20, s29, s11, $0xb8;
	[tilespmem:$0x19E00] =	vst v63  }
0x35: {  	s1 =	simm.s32 $0x2A0;
	s4 =	simm.s32 $0x5900  }
0x36: {  	[tilespmem:s4], [sflag:$0x1] =	stream.indirect.gather [hbm4b:s3+s11], $0x20, s1, s11, $0xb8;
	[tilespmem:$0x19E00] =	vst v63  }
0x37: {  	s5 =	simm.s32 $0x2D8;
	s6 =	simm.s32 $0x5F40  }
0x38: {  	[tilespmem:s6], [sflag:$0x1] =	stream.indirect.gather [hbm4b:s3+s11], $0x20, s5, s11, $0xb8;
	[tilespmem:$0x19E00] =	vst v63  }
0x39: {  	s7 =	simm.s32 $0x310;
	s8 =	simm.s32 $0x6580  }
0x3a: {  	[tilespmem:s8], [sflag:$0x1] =	stream.indirect.gather [hbm4b:s3+s11], $0x20, s7, s11, $0xb8;
	[tilespmem:$0x19E00] =	vst v63  }
0x3b: {  	s12 =	simm.s32 $0x6BC0;
	s9 =	simm.s32 $0x348  }
0x3c: {  	[tilespmem:s12], [sflag:$0x1] =	stream.indirect.gather [hbm4b:s3+s11], $0x20, s9, s11, $0xb8;
	[tilespmem:$0x19E00] =	vst v63  }
0x3d: {  	s19 =	simm.s32 $0x380;
	s20 =	simm.s32 $0x7200  }
0x3e: {  	[tilespmem:s20], [sflag:$0x1] =	stream.indirect.gather [hbm4b:s3+s11], $0x20, s19, s11, $0xb8;
	[tilespmem:$0x19E00] =	vst v63  }
0x3f: {  	s21 =	simm.s32 $0x3B8;
	s22 =	simm.s32 $0x7840  }
0x40: {  	[tilespmem:s22], [sflag:$0x1] =	stream.indirect.gather [hbm4b:s3+s11], $0x20, s21, s11, $0xb8;
	[tilespmem:$0x19E00] =	vst v63  }
0x41: {  	s25 =	simm.s32 $0x3F0;
	s26 =	simm.s32 $0x7E80  }
0x42: {  	[tilespmem:s26], [sflag:$0x1] =	stream.indirect.gather [hbm4b:s3+s11], $0x20, s25, s11, $0xb8;
	[tilespmem:$0x19E00] =	vst v63  }
0x43: {  	s29 =	simm.s32 $0x428;
	s0 =	simm.s32 $0x84C0  }
0x44: {  	[tilespmem:s0], [sflag:$0x1] =	stream.indirect.gather [hbm4b:s3+s11], $0x20, s29, s11, $0xb8;
	[tilespmem:$0x19E00] =	vst v63  }
0x45: {  	s1 =	simm.s32 $0x460;
	s4 =	simm.s32 $0x8B00  }
0x46: {  	[tilespmem:s4], [sflag:$0x1] =	stream.indirect.gather [hbm4b:s3+s11], $0x20, s1, s11, $0xb8;
	[tilespmem:$0x19E00] =	vst v63  }
0x47: {  	s5 =	simm.s32 $0x498;
	s6 =	simm.s32 $0x9140  }
0x48: {  	[tilespmem:s6], [sflag:$0x1] =	stream.indirect.gather [hbm4b:s3+s11], $0x20, s5, s11, $0xb8;
	[tilespmem:$0x19E00] =	vst v63  }
0x49: {  	s7 =	simm.s32 $0x4D0;
	s8 =	simm.s32 $0x9780  }
0x4a: {  	[tilespmem:s8], [sflag:$0x1] =	stream.indirect.gather [hbm4b:s3+s11], $0x20, s7, s11, $0xb8;
	[tilespmem:$0x19E00] =	vst v63  }
0x4b: {  	s9 =	simm.s32 $0x508;
	s12 =	simm.s32 $0x9DC0  }
0x4c: {  	[tilespmem:s12], [sflag:$0x1] =	stream.indirect.gather [hbm4b:s3+s11], $0x20, s9, s11, $0xb8;
	[tilespmem:$0x19E00] =	vst v63  }
0x4d: {  	s19 =	simm.s32 $0x540;
	s20 =	simm.s32 $0xA400  }
0x4e: {  	[tilespmem:s20], [sflag:$0x1] =	stream.indirect.gather [hbm4b:s3+s11], $0x20, s19, s11, $0xb8;
	[tilespmem:$0x19E00] =	vst v63  }
0x4f: {  	s21 =	simm.s32 $0x578;
	s22 =	simm.s32 $0xAA40  }
0x50: {  	[tilespmem:s22], [sflag:$0x1] =	stream.indirect.gather [hbm4b:s3+s11], $0x20, s21, s11, $0xb8;
	[tilespmem:$0x19E00] =	vst v63  }
0x51: {  	s25 =	simm.s32 $0x5B0;
	s26 =	simm.s32 $0xB080  }
0x52: {  	[tilespmem:s26], [sflag:$0x1] =	stream.indirect.gather [hbm4b:s3+s11], $0x20, s25, s11, $0xb8;
	[tilespmem:$0x19E00] =	vst v63  }
0x53: {  	s29 =	simm.s32 $0x5E8;
	s0 =	simm.s32 $0xB6C0  }
0x54: {  	[tilespmem:s0], [sflag:$0x1] =	stream.indirect.gather [hbm4b:s3+s11], $0x20, s29, s11, $0xb8;
	[tilespmem:$0x19E00] =	vst v63  }
0x55: {  	s1 =	simm.s32 $0x620;
	s4 =	simm.s32 $0xBD00  }
0x56: {  	[tilespmem:s4], [sflag:$0x1] =	stream.indirect.gather [hbm4b:s3+s11], $0x20, s1, s11, $0xb8;
	[tilespmem:$0x19E00] =	vst v63  }
0x57: {  	s5 =	simm.s32 $0x658;
	s6 =	simm.s32 $0xC340  }
0x58: {  	[tilespmem:s6], [sflag:$0x1] =	stream.indirect.gather [hbm4b:s3+s11], $0x20, s5, s11, $0xb8;
	[tilespmem:$0x19E00] =	vst v63  }
0x59: {  	s7 =	simm.s32 $0x690;
	s8 =	simm.s32 $0xC980  }
0x5a: {  	[tilespmem:s8], [sflag:$0x1] =	stream.indirect.gather [hbm4b:s3+s11], $0x20, s7, s11, $0xb8;
	[tilespmem:$0x19E00] =	vst v63  }
0x5b: {  	s9 =	simm.s32 $0x6C8;
	s12 =	simm.s32 $0xCFC0  }
0x5c: {  	[tilespmem:s12], [sflag:$0x1] =	stream.indirect.gather [hbm4b:s3+s11], $0x20, s9, s11, $0xb8;
	[tilespmem:$0x19E00] =	vst v63  }
0x5d: {  	s18 =	rddreg [dreg:$0x5]  }
0x5e: {  	[tilespmem:s23], [sflag:$0x5] =	stream.linear.gather [hbm4b:s18+s2], $0x700, $0x38;
	[tilespmem:$0x19E00] =	vst v63  }
0x5f: {  	_ =	swait.ge [sflag:s10], $0x700  }
0x60: {  	[sflag:s10] =	ssyncset.done $0x0  }
0x61: {  	[sflag:s10] =	ssyncadd.s32 $0xFFFFF900  }
0x62: {  	[tilespmem:s24], [sflag:$0x2] =	stream.indirect.gather [hbm4b:s3+s11], $0x20, s23, s11, $0xb8;
	[tilespmem:$0x19E00] =	vst v63  }
0x63: {  	s19 =	simm.s32 $0x738;
	s20 =	simm.s32 $0xDC40  }
0x64: {  	[tilespmem:s20], [sflag:$0x2] =	stream.indirect.gather [hbm4b:s3+s11], $0x20, s19, s11, $0xb8;
	[tilespmem:$0x19E00] =	vst v63  }
0x65: {  	s21 =	simm.s32 $0x770;
	s22 =	simm.s32 $0xE280  }
0x66: {  	[tilespmem:s22], [sflag:$0x2] =	stream.indirect.gather [hbm4b:s3+s11], $0x20, s21, s11, $0xb8;
	[tilespmem:$0x19E00] =	vst v63  }
0x67: {  	s25 =	simm.s32 $0x7A8;
	s26 =	simm.s32 $0xE8C0  }
0x68: {  	[tilespmem:s26], [sflag:$0x2] =	stream.indirect.gather [hbm4b:s3+s11], $0x20, s25, s11, $0xb8;
	[tilespmem:$0x19E00] =	vst v63  }
0x69: {  	s29 =	simm.s32 $0x7E0;
	s0 =	simm.s32 $0xEF00  }
0x6a: {  	[tilespmem:s0], [sflag:$0x2] =	stream.indirect.gather [hbm4b:s3+s11], $0x20, s29, s11, $0xb8;
	[tilespmem:$0x19E00] =	vst v63  }
0x6b: {  	s1 =	simm.s32 $0x818;
	s4 =	simm.s32 $0xF540  }
0x6c: {  	[tilespmem:s4], [sflag:$0x2] =	stream.indirect.gather [hbm4b:s3+s11], $0x20, s1, s11, $0xb8;
	[tilespmem:$0x19E00] =	vst v63  }
0x6d: {  	s5 =	simm.s32 $0x850;
	s6 =	simm.s32 $0xFB80  }
0x6e: {  	[tilespmem:s6], [sflag:$0x2] =	stream.indirect.gather [hbm4b:s3+s11], $0x20, s5, s11, $0xb8;
	[tilespmem:$0x19E00] =	vst v63  }
0x6f: {  	s7 =	simm.s32 $0x888;
	s8 =	simm.s32 $0x101C0  }
0x70: {  	[tilespmem:s8], [sflag:$0x2] =	stream.indirect.gather [hbm4b:s3+s11], $0x20, s7, s11, $0xb8;
	[tilespmem:$0x19E00] =	vst v63  }
0x71: {  	s9 =	simm.s32 $0x8C0;
	s12 =	simm.s32 $0x10800  }
0x72: {  	[tilespmem:s12], [sflag:$0x2] =	stream.indirect.gather [hbm4b:s3+s11], $0x20, s9, s11, $0xb8;
	[tilespmem:$0x19E00] =	vst v63  }
0x73: {  	s19 =	simm.s32 $0x8F8;
	s20 =	simm.s32 $0x10E40  }
0x74: {  	[tilespmem:s20], [sflag:$0x2] =	stream.indirect.gather [hbm4b:s3+s11], $0x20, s19, s11, $0xb8;
	[tilespmem:$0x19E00] =	vst v63  }
0x75: {  	s21 =	simm.s32 $0x930;
	s22 =	simm.s32 $0x11480  }
0x76: {  	[tilespmem:s22], [sflag:$0x2] =	stream.indirect.gather [hbm4b:s3+s11], $0x20, s21, s11, $0xb8;
	[tilespmem:$0x19E00] =	vst v63  }
0x77: {  	s25 =	simm.s32 $0x968;
	s26 =	simm.s32 $0x11AC0  }
0x78: {  	[tilespmem:s26], [sflag:$0x2] =	stream.indirect.gather [hbm4b:s3+s11], $0x20, s25, s11, $0xb8;
	[tilespmem:$0x19E00] =	vst v63  }
0x79: {  	s29 =	simm.s32 $0x9A0;
	s0 =	simm.s32 $0x12100  }
0x7a: {  	[tilespmem:s0], [sflag:$0x2] =	stream.indirect.gather [hbm4b:s3+s11], $0x20, s29, s11, $0xb8;
	[tilespmem:$0x19E00] =	vst v63  }
0x7b: {  	s1 =	simm.s32 $0x9D8;
	s4 =	simm.s32 $0x12740  }
0x7c: {  	[tilespmem:s4], [sflag:$0x2] =	stream.indirect.gather [hbm4b:s3+s11], $0x20, s1, s11, $0xb8;
	[tilespmem:$0x19E00] =	vst v63  }
0x7d: {  	s5 =	simm.s32 $0xA10;
	s6 =	simm.s32 $0x12D80  }
0x7e: {  	[tilespmem:s6], [sflag:$0x2] =	stream.indirect.gather [hbm4b:s3+s11], $0x20, s5, s11, $0xb8;
	[tilespmem:$0x19E00] =	vst v63  }
0x7f: {  	s7 =	simm.s32 $0xA48;
	s8 =	simm.s32 $0x133C0  }
0x80: {  	[tilespmem:s8], [sflag:$0x2] =	stream.indirect.gather [hbm4b:s3+s11], $0x20, s7, s11, $0xb8;
	[tilespmem:$0x19E00] =	vst v63  }
0x81: {  	s9 =	simm.s32 $0xA80;
	s12 =	simm.s32 $0x13A00  }
0x82: {  	[tilespmem:s12], [sflag:$0x2] =	stream.indirect.gather [hbm4b:s3+s11], $0x20, s9, s11, $0xb8;
	[tilespmem:$0x19E00] =	vst v63  }
0x83: {  	s19 =	simm.s32 $0xAB8;
	s20 =	simm.s32 $0x14040  }
0x84: {  	[tilespmem:s20], [sflag:$0x2] =	stream.indirect.gather [hbm4b:s3+s11], $0x20, s19, s11, $0xb8;
	[tilespmem:$0x19E00] =	vst v63  }
0x85: {  	s21 =	simm.s32 $0xAF0;
	s22 =	simm.s32 $0x14680  }
0x86: {  	[tilespmem:s22], [sflag:$0x2] =	stream.indirect.gather [hbm4b:s3+s11], $0x20, s21, s11, $0xb8;
	[tilespmem:$0x19E00] =	vst v63  }
0x87: {  	s25 =	simm.s32 $0xB28;
	s26 =	simm.s32 $0x14CC0  }
0x88: {  	[tilespmem:s26], [sflag:$0x2] =	stream.indirect.gather [hbm4b:s3+s11], $0x20, s25, s11, $0xb8;
	[tilespmem:$0x19E00] =	vst v63  }
0x89: {  	s29 =	simm.s32 $0xB60;
	s0 =	simm.s32 $0x15300  }
0x8a: {  	[tilespmem:s0], [sflag:$0x2] =	stream.indirect.gather [hbm4b:s3+s11], $0x20, s29, s11, $0xb8;
	[tilespmem:$0x19E00] =	vst v63  }
0x8b: {  	s1 =	simm.s32 $0xB98;
	s4 =	simm.s32 $0x15940  }
0x8c: {  	[tilespmem:s4], [sflag:$0x2] =	stream.indirect.gather [hbm4b:s3+s11], $0x20, s1, s11, $0xb8;
	[tilespmem:$0x19E00] =	vst v63  }
0x8d: {  	s5 =	simm.s32 $0xBD0;
	s6 =	simm.s32 $0x15F80  }
0x8e: {  	[tilespmem:s6], [sflag:$0x2] =	stream.indirect.gather [hbm4b:s3+s11], $0x20, s5, s11, $0xb8;
	[tilespmem:$0x19E00] =	vst v63  }
0x8f: {  	s7 =	simm.s32 $0xC08;
	s8 =	simm.s32 $0x165C0  }
0x90: {  	[tilespmem:s8], [sflag:$0x2] =	stream.indirect.gather [hbm4b:s3+s11], $0x20, s7, s11, $0xb8;
	[tilespmem:$0x19E00] =	vst v63  }
0x91: {  	s9 =	simm.s32 $0xC40;
	s12 =	simm.s32 $0x16C00  }
0x92: {  	[tilespmem:s12], [sflag:$0x2] =	stream.indirect.gather [hbm4b:s3+s11], $0x20, s9, s11, $0xb8;
	[tilespmem:$0x19E00] =	vst v63  }
0x93: {  	s18 =	simm.s32 $0xC78;
	s19 =	simm.s32 $0x17240  }
0x94: {  	[tilespmem:s19], [sflag:$0x2] =	stream.indirect.gather [hbm4b:s3+s11], $0x20, s18, s11, $0xb8;
	[tilespmem:$0x19E00] =	vst v63  }
0x95: {  	s20 =	simm.s32 $0xCB0;
	s21 =	simm.s32 $0x17880  }
0x96: {  	[tilespmem:s21], [sflag:$0x2] =	stream.indirect.gather [hbm4b:s3+s11], $0x20, s20, s11, $0xb8;
	[tilespmem:$0x19E00] =	vst v63  }
0x97: {  	s22 =	simm.s32 $0xCE8;
	s25 =	simm.s32 $0x17EC0  }
0x98: {  	[tilespmem:s25], [sflag:$0x2] =	stream.indirect.gather [hbm4b:s3+s11], $0x20, s22, s11, $0xb8;
	[tilespmem:$0x19E00] =	vst v63  }
0x99: {  	s26 =	simm.s32 $0xD20;
	s29 =	simm.s32 $0x18500  }
0x9a: {  	[tilespmem:s29], [sflag:$0x2] =	stream.indirect.gather [hbm4b:s3+s11], $0x20, s26, s11, $0xb8;
	[tilespmem:$0x19E00] =	vst v63  }
0x9b: {  	s0 =	simm.s32 $0xD58;
	s1 =	simm.s32 $0x18B40  }
0x9c: {  	[tilespmem:s1], [sflag:$0x2] =	stream.indirect.gather [hbm4b:s3+s11], $0x20, s0, s11, $0xb8;
	[tilespmem:$0x19E00] =	vst v63  }
0x9d: {  	s4 =	simm.s32 $0xD90;
	s5 =	simm.s32 $0x19180  }
0x9e: {  	[tilespmem:s5], [sflag:$0x2] =	stream.indirect.gather [hbm4b:s3+s11], $0x20, s4, s11, $0xb8;
	[tilespmem:$0x19E00] =	vst v63  }
0x9f: {  	s6 =	simm.s32 $0xDC8;
	s7 =	simm.s32 $0x197C0  }
0xa0: {  	[tilespmem:s7], [sflag:$0x2] =	stream.indirect.gather [hbm4b:s3+s11], $0x20, s6, s11, $0xb8;
	[tilespmem:$0x19E00] =	vst v63  }
0xa1: {  	_ =	swait.ge [sflag:s13], $0x640  }
0xa2: {  	[sflag:s13] =	ssyncset.done $0x0  }
0xa3: {  	[sflag:s13] =	ssyncadd.s32 $0xFFFFF9C0  }
0xa4: {  	_ =	swait.ge [sflag:s13], $0x640  }
0xa5: {  	[sflag:s13] =	ssyncset.done $0x0  }
0xa6: {  	[sflag:s13] =	ssyncadd.s32 $0xFFFFF9C0  }
0xa7: {  	_ =	swait.ge [sflag:s13], $0x640  }
0xa8: {  	[sflag:s13] =	ssyncset.done $0x0  }
0xa9: {  	[sflag:s13] =	ssyncadd.s32 $0xFFFFF9C0  }
0xaa: {  	_ =	swait.ge [sflag:s13], $0x640  }
0xab: {  	[sflag:s13] =	ssyncset.done $0x0  }
0xac: {  	[sflag:s13] =	ssyncadd.s32 $0xFFFFF9C0  }
0xad: {  	_ =	swait.ge [sflag:s13], $0x640  }
0xae: {  	[sflag:s13] =	ssyncset.done $0x0  }
0xaf: {  	[sflag:s13] =	ssyncadd.s32 $0xFFFFF9C0  }
0xb0: {  	_ =	swait.ge [sflag:s13], $0x640  }
0xb1: {  	[sflag:s13] =	ssyncset.done $0x0  }
0xb2: {  	[sflag:s13] =	ssyncadd.s32 $0xFFFFF9C0  }
0xb3: {  	_ =	swait.ge [sflag:s13], $0x640  }
0xb4: {  	[sflag:s13] =	ssyncset.done $0x0  }
0xb5: {  	[sflag:s13] =	ssyncadd.s32 $0xFFFFF9C0  }
0xb6: {  	_ =	swait.ge [sflag:s13], $0x640  }
0xb7: {  	[sflag:s13] =	ssyncset.done $0x0  }
0xb8: {  	[sflag:s13] =	ssyncadd.s32 $0xFFFFF9C0  }
0xb9: {  	_ =	swait.ge [sflag:s13], $0x640  }
0xba: {  	[sflag:s13] =	ssyncset.done $0x0  }
0xbb: {  	[sflag:s13] =	ssyncadd.s32 $0xFFFFF9C0  }
0xbc: {  	_ =	swait.ge [sflag:s13], $0x640  }
0xbd: {  	[sflag:s13] =	ssyncset.done $0x0  }
0xbe: {  	[sflag:s13] =	ssyncadd.s32 $0xFFFFF9C0  }
0xbf: {  	_ =	swait.ge [sflag:s13], $0x640  }
0xc0: {  	[sflag:s13] =	ssyncset.done $0x0  }
0xc1: {  	[sflag:s13] =	ssyncadd.s32 $0xFFFFF9C0  }
0xc2: {  	_ =	swait.ge [sflag:s13], $0x640  }
0xc3: {  	[sflag:s13] =	ssyncset.done $0x0  }
0xc4: {  	[sflag:s13] =	ssyncadd.s32 $0xFFFFF9C0  }
0xc5: {  	_ =	swait.ge [sflag:s13], $0x640  }
0xc6: {  	[sflag:s13] =	ssyncset.done $0x0  }
0xc7: {  	[sflag:s13] =	ssyncadd.s32 $0xFFFFF9C0  }
0xc8: {  	_ =	swait.ge [sflag:s13], $0x640  }
0xc9: {  	[sflag:s13] =	ssyncset.done $0x0  }
0xca: {  	[sflag:s13] =	ssyncadd.s32 $0xFFFFF9C0  }
0xcb: {  	_ =	swait.ge [sflag:s13], $0x640  }
0xcc: {  	[sflag:s13] =	ssyncset.done $0x0  }
0xcd: {  	[sflag:s13] =	ssyncadd.s32 $0xFFFFF9C0  }
0xce: {  	_ =	swait.ge [sflag:s13], $0x640  }
0xcf: {  	[sflag:s13] =	ssyncset.done $0x0  }
0xd0: {  	[sflag:s13] =	ssyncadd.s32 $0xFFFFF9C0  }
0xd1: {  	_ =	swait.ge [sflag:s13], $0x640  }
0xd2: {  	[sflag:s13] =	ssyncset.done $0x0  }
0xd3: {  	[sflag:s13] =	ssyncadd.s32 $0xFFFFF9C0  }
0xd4: {  	_ =	swait.ge [sflag:s13], $0x640  }
0xd5: {  	[sflag:s13] =	ssyncset.done $0x0  }
0xd6: {  	[sflag:s13] =	ssyncadd.s32 $0xFFFFF9C0  }
0xd7: {  	_ =	swait.ge [sflag:s13], $0x640  }
0xd8: {  	[sflag:s13] =	ssyncset.done $0x0  }
0xd9: {  	[sflag:s13] =	ssyncadd.s32 $0xFFFFF9C0  }
0xda: {  	_ =	swait.ge [sflag:s13], $0x640  }
0xdb: {  	[sflag:s13] =	ssyncset.done $0x0  }
0xdc: {  	[sflag:s13] =	ssyncadd.s32 $0xFFFFF9C0  }
0xdd: {  	_ =	swait.ge [sflag:s13], $0x640  }
0xde: {  	[sflag:s13] =	ssyncset.done $0x0  }
0xdf: {  	[sflag:s13] =	ssyncadd.s32 $0xFFFFF9C0  }
0xe0: {  	_ =	swait.ge [sflag:s13], $0x640  }
0xe1: {  	[sflag:s13] =	ssyncset.done $0x0  }
0xe2: {  	[sflag:s13] =	ssyncadd.s32 $0xFFFFF9C0  }
0xe3: {  	_ =	swait.ge [sflag:s13], $0x640  }
0xe4: {  	[sflag:s13] =	ssyncset.done $0x0  }
0xe5: {  	[sflag:s13] =	ssyncadd.s32 $0xFFFFF9C0  }
0xe6: {  	_ =	swait.ge [sflag:s13], $0x640  }
0xe7: {  	[sflag:s13] =	ssyncset.done $0x0  }
0xe8: {  	[sflag:s13] =	ssyncadd.s32 $0xFFFFF9C0  }
0xe9: {  	_ =	swait.ge [sflag:s13], $0x640  }
0xea: {  	[sflag:s13] =	ssyncset.done $0x0  }
0xeb: {  	[sflag:s13] =	ssyncadd.s32 $0xFFFFF9C0  }
0xec: {  	_ =	swait.ge [sflag:s13], $0x640  }
0xed: {  	[sflag:s13] =	ssyncset.done $0x0  }
0xee: {  	[sflag:s13] =	ssyncadd.s32 $0xFFFFF9C0  }
0xef: {  	_ =	swait.ge [sflag:s13], $0x640  }
0xf0: {  	[sflag:s13] =	ssyncset.done $0x0  }
0xf1: {  	[sflag:s13] =	ssyncadd.s32 $0xFFFFF9C0  }
0xf2: {  	_ =	swait.ge [sflag:s13], $0x640  }
0xf3: {  	[sflag:s13] =	ssyncset.done $0x0  }
0xf4: {  	[sflag:s13] =	ssyncadd.s32 $0xFFFFF9C0  }
0xf5: {  	_ =	swait.ge [sflag:s13], $0x640  }
0xf6: {  	[sflag:s13] =	ssyncset.done $0x0  }
0xf7: {  	[sflag:s13] =	ssyncadd.s32 $0xFFFFF9C0  }
0xf8: {  	_ =	swait.ge [sflag:s13], $0x640  }
0xf9: {  	[sflag:s13] =	ssyncset.done $0x0  }
0xfa: {  	[sflag:s13] =	ssyncadd.s32 $0xFFFFF9C0  }
0xfb: {  	_ =	swait.ge [sflag:s13], $0x640  }
0xfc: {  	[sflag:s13] =	ssyncset.done $0x0  }
0xfd: {  	[sflag:s13] =	ssyncadd.s32 $0xFFFFF9C0  }
0xfe: {  	_ =	swait.ge [sflag:s13], $0x640  }
0xff: {  	[sflag:s13] =	ssyncset.done $0x0  }
0x100: {  	s12 =	simm.s32 $0xE00;
	s8 =	rddreg [dreg:$0x6];
	[sflag:s13] =	ssyncadd.s32 $0xFFFFF9C0  }
0x101: {  	[hbm4b:s8+s2] =	stream.linear.scatter [tilespmem:s12], [sflag:$0x3], $0xC800, $0x38;
	[tilespmem:$0x19E00] =	vst v63  }
0x102: {  	_ =	swait.ge [sflag:s14], $0xC800  }
0x103: {  	s9 =	rddreg [dreg:$0x3]  }
0x104: {  	[sflag:s14] =	ssyncset.done $0x0;
	s18 =	sadd.s32 $0x0, s9  }
0x105: {  	[sflag:s14] =	ssyncadd.s32 $0xFFFF3800;
	[dreg:$0xb] =	wrdreg s18;
	s0 =	sadd.s32 $0x1C0, s18  }
0x106: {  	[tilespmem:s2], [sflag:$0x5] =	stream.linear.gather [hbm4b:s0+s2], $0x700, $0x38;
	[tilespmem:$0x19E00] =	vst v63  }
0x107: {  	_ =	swait.ge [sflag:s10], $0x700  }
0x108: {  	[sflag:s10] =	ssyncset.done $0x0  }
0x109: {  	[sflag:s10] =	ssyncadd.s32 $0xFFFFF900  }
0x10a: {  	[tilespmem:s12], [sflag:$0x1] =	stream.indirect.gather [hbm4b:s3+s11], $0x20, s2, s11, $0xb8;
	[tilespmem:$0x19E00] =	vst v63  }
0x10b: {  	s20 =	simm.s32 $0x38;
	s21 =	simm.s32 $0x1440  }
0x10c: {  	[tilespmem:s21], [sflag:$0x1] =	stream.indirect.gather [hbm4b:s3+s11], $0x20, s20, s11, $0xb8;
	[tilespmem:$0x19E00] =	vst v63  }
0x10d: {  	s22 =	simm.s32 $0x70;
	s25 =	simm.s32 $0x1A80  }
0x10e: {  	[tilespmem:s25], [sflag:$0x1] =	stream.indirect.gather [hbm4b:s3+s11], $0x20, s22, s11, $0xb8;
	[tilespmem:$0x19E00] =	vst v63  }
0x10f: {  	s28 =	simm.s32 $0xA8;
	s1 =	simm.s32 $0x20C0  }
0x110: {  	[tilespmem:s1], [sflag:$0x1] =	stream.indirect.gather [hbm4b:s3+s11], $0x20, s28, s11, $0xb8;
	[tilespmem:$0x19E00] =	vst v63  }
0x111: {  	s26 =	simm.s32 $0xE0;
	s6 =	simm.s32 $0x2700  }
0x112: {  	[tilespmem:s6], [sflag:$0x1] =	stream.indirect.gather [hbm4b:s3+s11], $0x20, s26, s11, $0xb8;
	[tilespmem:$0x19E00] =	vst v63  }
0x113: {  	s4 =	simm.s32 $0x118;
	s8 =	simm.s32 $0x2D40  }
0x114: {  	[tilespmem:s8], [sflag:$0x1] =	stream.indirect.gather [hbm4b:s3+s11], $0x20, s4, s11, $0xb8;
	[tilespmem:$0x19E00] =	vst v63  }
0x115: {  	s5 =	simm.s32 $0x150;
	s9 =	simm.s32 $0x3380  }
0x116: {  	[tilespmem:s9], [sflag:$0x1] =	stream.indirect.gather [hbm4b:s3+s11], $0x20, s5, s11, $0xb8;
	[tilespmem:$0x19E00] =	vst v63  }
0x117: {  	s30 =	simm.s32 $0x39C0;
	s7 =	simm.s32 $0x188  }
0x118: {  	[tilespmem:s30], [sflag:$0x1] =	stream.indirect.gather [hbm4b:s3+s11], $0x20, s7, s11, $0xb8;
	[tilespmem:$0x19E00] =	vst v63  }
0x119: {  	s17 =	simm.s32 $0x1C0;
	s8 =	simm.s32 $0x4000  }
0x11a: {  	[tilespmem:s8], [sflag:$0x1] =	stream.indirect.gather [hbm4b:s3+s11], $0x20, s17, s11, $0xb8;
	[tilespmem:$0x19E00] =	vst v63  }
0x11b: {  	s31 =	simm.s32 $0x1F8;
	s19 =	simm.s32 $0x4640  }
0x11c: {  	[tilespmem:s19], [sflag:$0x1] =	stream.indirect.gather [hbm4b:s3+s11], $0x20, s31, s11, $0xb8;
	[tilespmem:$0x19E00] =	vst v63  }
0x11d: {  	s29 =	simm.s32 $0x230;
	s9 =	simm.s32 $0x4C80  }
0x11e: {  	[tilespmem:s9], [sflag:$0x1] =	stream.indirect.gather [hbm4b:s3+s11], $0x20, s29, s11, $0xb8;
	[tilespmem:$0x19E00] =	vst v63  }
0x11f: {  	s12 =	simm.s32 $0x52C0;
	s17 =	simm.s32 $0x268  }
0x120: {  	[tilespmem:s12], [sflag:$0x1] =	stream.indirect.gather [hbm4b:s3+s11], $0x20, s17, s11, $0xb8;
	[tilespmem:$0x19E00] =	vst v63  }
0x121: {  	s18 =	simm.s32 $0x5900;
	s19 =	simm.s32 $0x2A0  }
0x122: {  	[tilespmem:s18], [sflag:$0x1] =	stream.indirect.gather [hbm4b:s3+s11], $0x20, s19, s11, $0xb8;
	[tilespmem:$0x19E00] =	vst v63  }
0x123: {  	s20 =	simm.s32 $0x5F40;
	s21 =	simm.s32 $0x2D8  }
0x124: {  	[tilespmem:s20], [sflag:$0x1] =	stream.indirect.gather [hbm4b:s3+s11], $0x20, s21, s11, $0xb8;
	[tilespmem:$0x19E00] =	vst v63  }
0x125: {  	s22 =	simm.s32 $0x6580;
	s25 =	simm.s32 $0x310  }
0x126: {  	[tilespmem:s22], [sflag:$0x1] =	stream.indirect.gather [hbm4b:s3+s11], $0x20, s25, s11, $0xb8;
	[tilespmem:$0x19E00] =	vst v63  }
0x127: {  	s26 =	simm.s32 $0x6BC0;
	s29 =	simm.s32 $0x348  }
0x128: {  	[tilespmem:s26], [sflag:$0x1] =	stream.indirect.gather [hbm4b:s3+s11], $0x20, s29, s11, $0xb8;
	[tilespmem:$0x19E00] =	vst v63  }
0x129: {  	s4 =	simm.s32 $0x7200;
	s5 =	simm.s32 $0x380  }
0x12a: {  	[tilespmem:s4], [sflag:$0x1] =	stream.indirect.gather [hbm4b:s3+s11], $0x20, s5, s11, $0xb8;
	[tilespmem:$0x19E00] =	vst v63  }
0x12b: {  	s6 =	simm.s32 $0x7840;
	s7 =	simm.s32 $0x3B8  }
0x12c: {  	[tilespmem:s6], [sflag:$0x1] =	stream.indirect.gather [hbm4b:s3+s11], $0x20, s7, s11, $0xb8;
	[tilespmem:$0x19E00] =	vst v63  }
0x12d: {  	s8 =	simm.s32 $0x7E80;
	s9 =	simm.s32 $0x3F0  }
0x12e: {  	[tilespmem:s8], [sflag:$0x1] =	stream.indirect.gather [hbm4b:s3+s11], $0x20, s9, s11, $0xb8;
	[tilespmem:$0x19E00] =	vst v63  }
0x12f: {  	s12 =	simm.s32 $0x84C0;
	s17 =	simm.s32 $0x428  }
0x130: {  	[tilespmem:s12], [sflag:$0x1] =	stream.indirect.gather [hbm4b:s3+s11], $0x20, s17, s11, $0xb8;
	[tilespmem:$0x19E00] =	vst v63  }
0x131: {  	s18 =	simm.s32 $0x8B00;
	s19 =	simm.s32 $0x460  }
0x132: {  	[tilespmem:s18], [sflag:$0x1] =	stream.indirect.gather [hbm4b:s3+s11], $0x20, s19, s11, $0xb8;
	[tilespmem:$0x19E00] =	vst v63  }
0x133: {  	s20 =	simm.s32 $0x9140;
	s21 =	simm.s32 $0x498  }
0x134: {  	[tilespmem:s20], [sflag:$0x1] =	stream.indirect.gather [hbm4b:s3+s11], $0x20, s21, s11, $0xb8;
	[tilespmem:$0x19E00] =	vst v63  }
0x135: {  	s22 =	simm.s32 $0x9780;
	s25 =	simm.s32 $0x4D0  }
0x136: {  	[tilespmem:s22], [sflag:$0x1] =	stream.indirect.gather [hbm4b:s3+s11], $0x20, s25, s11, $0xb8;
	[tilespmem:$0x19E00] =	vst v63  }
0x137: {  	s26 =	simm.s32 $0x9DC0;
	s29 =	simm.s32 $0x508  }
0x138: {  	[tilespmem:s26], [sflag:$0x1] =	stream.indirect.gather [hbm4b:s3+s11], $0x20, s29, s11, $0xb8;
	[tilespmem:$0x19E00] =	vst v63  }
0x139: {  	s4 =	simm.s32 $0xA400;
	s5 =	simm.s32 $0x540  }
0x13a: {  	[tilespmem:s4], [sflag:$0x1] =	stream.indirect.gather [hbm4b:s3+s11], $0x20, s5, s11, $0xb8;
	[tilespmem:$0x19E00] =	vst v63  }
0x13b: {  	s6 =	simm.s32 $0xAA40;
	s7 =	simm.s32 $0x578  }
0x13c: {  	[tilespmem:s6], [sflag:$0x1] =	stream.indirect.gather [hbm4b:s3+s11], $0x20, s7, s11, $0xb8;
	[tilespmem:$0x19E00] =	vst v63  }
0x13d: {  	s8 =	simm.s32 $0xB080;
	s9 =	simm.s32 $0x5B0  }
0x13e: {  	[tilespmem:s8], [sflag:$0x1] =	stream.indirect.gather [hbm4b:s3+s11], $0x20, s9, s11, $0xb8;
	[tilespmem:$0x19E00] =	vst v63  }
0x13f: {  	s12 =	simm.s32 $0xB6C0;
	s17 =	simm.s32 $0x5E8  }
0x140: {  	[tilespmem:s12], [sflag:$0x1] =	stream.indirect.gather [hbm4b:s3+s11], $0x20, s17, s11, $0xb8;
	[tilespmem:$0x19E00] =	vst v63  }
0x141: {  	s18 =	simm.s32 $0xBD00;
	s19 =	simm.s32 $0x620  }
0x142: {  	[tilespmem:s18], [sflag:$0x1] =	stream.indirect.gather [hbm4b:s3+s11], $0x20, s19, s11, $0xb8;
	[tilespmem:$0x19E00] =	vst v63  }
0x143: {  	s20 =	simm.s32 $0x658;
	s21 =	simm.s32 $0xC340  }
0x144: {  	[tilespmem:s21], [sflag:$0x1] =	stream.indirect.gather [hbm4b:s3+s11], $0x20, s20, s11, $0xb8;
	[tilespmem:$0x19E00] =	vst v63  }
0x145: {  	s22 =	simm.s32 $0x690;
	s25 =	simm.s32 $0xC980  }
0x146: {  	[tilespmem:s25], [sflag:$0x1] =	stream.indirect.gather [hbm4b:s3+s11], $0x20, s22, s11, $0xb8;
	[tilespmem:$0x19E00] =	vst v63  }
0x147: {  	s26 =	simm.s32 $0x6C8;
	s29 =	simm.s32 $0xCFC0  }
0x148: {  	[tilespmem:s29], [sflag:$0x1] =	stream.indirect.gather [hbm4b:s3+s11], $0x20, s26, s11, $0xb8;
	[tilespmem:$0x19E00] =	vst v63  }
0x149: {  	_ =	swait.ge [sflag:s15], $0x640  }
0x14a: {  	[sflag:s15] =	ssyncset.done $0x0  }
0x14b: {  	[sflag:s15] =	ssyncadd.s32 $0xFFFFF9C0  }
0x14c: {  	_ =	swait.ge [sflag:s15], $0x640  }
0x14d: {  	[sflag:s15] =	ssyncset.done $0x0  }
0x14e: {  	[sflag:s15] =	ssyncadd.s32 $0xFFFFF9C0  }
0x14f: {  	_ =	swait.ge [sflag:s15], $0x640  }
0x150: {  	[sflag:s15] =	ssyncset.done $0x0  }
0x151: {  	[sflag:s15] =	ssyncadd.s32 $0xFFFFF9C0  }
0x152: {  	_ =	swait.ge [sflag:s15], $0x640  }
0x153: {  	[sflag:s15] =	ssyncset.done $0x0  }
0x154: {  	[sflag:s15] =	ssyncadd.s32 $0xFFFFF9C0  }
0x155: {  	_ =	swait.ge [sflag:s15], $0x640  }
0x156: {  	[sflag:s15] =	ssyncset.done $0x0  }
0x157: {  	[sflag:s15] =	ssyncadd.s32 $0xFFFFF9C0  }
0x158: {  	_ =	swait.ge [sflag:s15], $0x640  }
0x159: {  	[sflag:s15] =	ssyncset.done $0x0  }
0x15a: {  	[sflag:s15] =	ssyncadd.s32 $0xFFFFF9C0  }
0x15b: {  	_ =	swait.ge [sflag:s15], $0x640  }
0x15c: {  	[sflag:s15] =	ssyncset.done $0x0  }
0x15d: {  	[sflag:s15] =	ssyncadd.s32 $0xFFFFF9C0  }
0x15e: {  	_ =	swait.ge [sflag:s15], $0x640  }
0x15f: {  	[sflag:s15] =	ssyncset.done $0x0  }
0x160: {  	[sflag:s15] =	ssyncadd.s32 $0xFFFFF9C0  }
0x161: {  	_ =	swait.ge [sflag:s15], $0x640  }
0x162: {  	[sflag:s15] =	ssyncset.done $0x0  }
0x163: {  	[sflag:s15] =	ssyncadd.s32 $0xFFFFF9C0  }
0x164: {  	_ =	swait.ge [sflag:s15], $0x640  }
0x165: {  	[sflag:s15] =	ssyncset.done $0x0  }
0x166: {  	[sflag:s15] =	ssyncadd.s32 $0xFFFFF9C0  }
0x167: {  	_ =	swait.ge [sflag:s15], $0x640  }
0x168: {  	[sflag:s15] =	ssyncset.done $0x0  }
0x169: {  	[sflag:s15] =	ssyncadd.s32 $0xFFFFF9C0  }
0x16a: {  	_ =	swait.ge [sflag:s15], $0x640  }
0x16b: {  	[sflag:s15] =	ssyncset.done $0x0  }
0x16c: {  	[sflag:s15] =	ssyncadd.s32 $0xFFFFF9C0  }
0x16d: {  	_ =	swait.ge [sflag:s15], $0x640  }
0x16e: {  	[sflag:s15] =	ssyncset.done $0x0  }
0x16f: {  	[sflag:s15] =	ssyncadd.s32 $0xFFFFF9C0  }
0x170: {  	_ =	swait.ge [sflag:s15], $0x640  }
0x171: {  	[sflag:s15] =	ssyncset.done $0x0  }
0x172: {  	[sflag:s15] =	ssyncadd.s32 $0xFFFFF9C0  }
0x173: {  	_ =	swait.ge [sflag:s15], $0x640  }
0x174: {  	[sflag:s15] =	ssyncset.done $0x0  }
0x175: {  	[sflag:s15] =	ssyncadd.s32 $0xFFFFF9C0  }
0x176: {  	_ =	swait.ge [sflag:s15], $0x640  }
0x177: {  	[sflag:s15] =	ssyncset.done $0x0  }
0x178: {  	[sflag:s15] =	ssyncadd.s32 $0xFFFFF9C0  }
0x179: {  	_ =	swait.ge [sflag:s15], $0x640  }
0x17a: {  	[sflag:s15] =	ssyncset.done $0x0  }
0x17b: {  	[sflag:s15] =	ssyncadd.s32 $0xFFFFF9C0  }
0x17c: {  	_ =	swait.ge [sflag:s15], $0x640  }
0x17d: {  	[sflag:s15] =	ssyncset.done $0x0  }
0x17e: {  	[sflag:s15] =	ssyncadd.s32 $0xFFFFF9C0  }
0x17f: {  	_ =	swait.ge [sflag:s15], $0x640  }
0x180: {  	[sflag:s15] =	ssyncset.done $0x0  }
0x181: {  	[sflag:s15] =	ssyncadd.s32 $0xFFFFF9C0  }
0x182: {  	_ =	swait.ge [sflag:s15], $0x640  }
0x183: {  	[sflag:s15] =	ssyncset.done $0x0  }
0x184: {  	[sflag:s15] =	ssyncadd.s32 $0xFFFFF9C0  }
0x185: {  	_ =	swait.ge [sflag:s15], $0x640  }
0x186: {  	[sflag:s15] =	ssyncset.done $0x0  }
0x187: {  	[sflag:s15] =	ssyncadd.s32 $0xFFFFF9C0  }
0x188: {  	_ =	swait.ge [sflag:s15], $0x640  }
0x189: {  	[sflag:s15] =	ssyncset.done $0x0  }
0x18a: {  	[sflag:s15] =	ssyncadd.s32 $0xFFFFF9C0  }
0x18b: {  	_ =	swait.ge [sflag:s15], $0x640  }
0x18c: {  	[sflag:s15] =	ssyncset.done $0x0  }
0x18d: {  	[sflag:s15] =	ssyncadd.s32 $0xFFFFF9C0  }
0x18e: {  	_ =	swait.ge [sflag:s15], $0x640  }
0x18f: {  	[sflag:s15] =	ssyncset.done $0x0  }
0x190: {  	[sflag:s15] =	ssyncadd.s32 $0xFFFFF9C0  }
0x191: {  	_ =	swait.ge [sflag:s15], $0x640  }
0x192: {  	[sflag:s15] =	ssyncset.done $0x0  }
0x193: {  	[sflag:s15] =	ssyncadd.s32 $0xFFFFF9C0  }
0x194: {  	_ =	swait.ge [sflag:s15], $0x640  }
0x195: {  	[sflag:s15] =	ssyncset.done $0x0  }
0x196: {  	[sflag:s15] =	ssyncadd.s32 $0xFFFFF9C0  }
0x197: {  	_ =	swait.ge [sflag:s15], $0x640  }
0x198: {  	[sflag:s15] =	ssyncset.done $0x0  }
0x199: {  	[sflag:s15] =	ssyncadd.s32 $0xFFFFF9C0  }
0x19a: {  	_ =	swait.ge [sflag:s15], $0x640  }
0x19b: {  	[sflag:s15] =	ssyncset.done $0x0  }
0x19c: {  	[sflag:s15] =	ssyncadd.s32 $0xFFFFF9C0  }
0x19d: {  	_ =	swait.ge [sflag:s15], $0x640  }
0x19e: {  	[sflag:s15] =	ssyncset.done $0x0  }
0x19f: {  	[sflag:s15] =	ssyncadd.s32 $0xFFFFF9C0  }
0x1a0: {  	_ =	swait.ge [sflag:s15], $0x640  }
0x1a1: {  	[sflag:s15] =	ssyncset.done $0x0  }
0x1a2: {  	[sflag:s15] =	ssyncadd.s32 $0xFFFFF9C0  }
0x1a3: {  	_ =	swait.ge [sflag:s15], $0x640  }
0x1a4: {  	[sflag:s15] =	ssyncset.done $0x0  }
0x1a5: {  	[sflag:s15] =	ssyncadd.s32 $0xFFFFF9C0  }
0x1a6: {  	_ =	swait.ge [sflag:s15], $0x640  }
0x1a7: {  	[sflag:s15] =	ssyncset.done $0x0;
	s19 =	rddreg [dreg:$0x9]  }
0x1a8: {  	[sflag:s15] =	ssyncadd.s32 $0xFFFFF9C0;
	s0 =	sadd.s32 $0xFFFFE700, s19  }
0x1a9: {  	[hbm4b:s0+s2] =	stream.linear.scatter [tilespmem:s24], [sflag:$0x4], $0xC800, $0x38;
	[tilespmem:$0x19E00] =	vst v63  }
0x1aa: {  	_ =	swait.ge [sflag:s16], $0xC800  }
0x1ab: {  	[sflag:s16] =	ssyncset.done $0x0;
	s1 =	rddreg [dreg:$0xb]  }
0x1ac: {  	[sflag:s16] =	ssyncadd.s32 $0xFFFF3800;
	s4 =	sadd.s32 $0x2A0, s1  }
0x1ad: {  	[tilespmem:s23], [sflag:$0x5] =	stream.linear.gather [hbm4b:s4+s2], $0x700, $0x38;
	[tilespmem:$0x19E00] =	vst v63  }
0x1ae: {  	_ =	swait.ge [sflag:s10], $0x700  }
0x1af: {  	[sflag:s10] =	ssyncset.done $0x0  }
0x1b0: {  	[sflag:s10] =	ssyncadd.s32 $0xFFFFF900  }
0x1b1: {  	[tilespmem:s24], [sflag:$0x2] =	stream.indirect.gather [hbm4b:s3+s11], $0x20, s23, s11, $0xb8;
	[tilespmem:$0x19E00] =	vst v63  }
0x1b2: {  	s5 =	simm.s32 $0x738;
	s6 =	simm.s32 $0xDC40  }
0x1b3: {  	[tilespmem:s6], [sflag:$0x2] =	stream.indirect.gather [hbm4b:s3+s11], $0x20, s5, s11, $0xb8;
	[tilespmem:$0x19E00] =	vst v63  }
0x1b4: {  	s7 =	simm.s32 $0x770;
	s8 =	simm.s32 $0xE280  }
0x1b5: {  	[tilespmem:s8], [sflag:$0x2] =	stream.indirect.gather [hbm4b:s3+s11], $0x20, s7, s11, $0xb8;
	[tilespmem:$0x19E00] =	vst v63  }
0x1b6: {  	s9 =	simm.s32 $0x7A8;
	s12 =	simm.s32 $0xE8C0  }
0x1b7: {  	[tilespmem:s12], [sflag:$0x2] =	stream.indirect.gather [hbm4b:s3+s11], $0x20, s9, s11, $0xb8;
	[tilespmem:$0x19E00] =	vst v63  }
0x1b8: {  	s17 =	simm.s32 $0x7E0;
	s18 =	simm.s32 $0xEF00  }
0x1b9: {  	[tilespmem:s18], [sflag:$0x2] =	stream.indirect.gather [hbm4b:s3+s11], $0x20, s17, s11, $0xb8;
	[tilespmem:$0x19E00] =	vst v63  }
0x1ba: {  	s20 =	simm.s32 $0x818;
	s21 =	simm.s32 $0xF540  }
0x1bb: {  	[tilespmem:s21], [sflag:$0x2] =	stream.indirect.gather [hbm4b:s3+s11], $0x20, s20, s11, $0xb8;
	[tilespmem:$0x19E00] =	vst v63  }
0x1bc: {  	s22 =	simm.s32 $0x850;
	s25 =	simm.s32 $0xFB80  }
0x1bd: {  	[tilespmem:s25], [sflag:$0x2] =	stream.indirect.gather [hbm4b:s3+s11], $0x20, s22, s11, $0xb8;
	[tilespmem:$0x19E00] =	vst v63  }
0x1be: {  	s26 =	simm.s32 $0x888;
	s29 =	simm.s32 $0x101C0  }
0x1bf: {  	[tilespmem:s29], [sflag:$0x2] =	stream.indirect.gather [hbm4b:s3+s11], $0x20, s26, s11, $0xb8;
	[tilespmem:$0x19E00] =	vst v63  }
0x1c0: {  	s1 =	simm.s32 $0x8C0;
	s4 =	simm.s32 $0x10800  }
0x1c1: {  	[tilespmem:s4], [sflag:$0x2] =	stream.indirect.gather [hbm4b:s3+s11], $0x20, s1, s11, $0xb8;
	[tilespmem:$0x19E00] =	vst v63  }
0x1c2: {  	s5 =	simm.s32 $0x8F8;
	s6 =	simm.s32 $0x10E40  }
0x1c3: {  	[tilespmem:s6], [sflag:$0x2] =	stream.indirect.gather [hbm4b:s3+s11], $0x20, s5, s11, $0xb8;
	[tilespmem:$0x19E00] =	vst v63  }
0x1c4: {  	s7 =	simm.s32 $0x930;
	s8 =	simm.s32 $0x11480  }
0x1c5: {  	[tilespmem:s8], [sflag:$0x2] =	stream.indirect.gather [hbm4b:s3+s11], $0x20, s7, s11, $0xb8;
	[tilespmem:$0x19E00] =	vst v63  }
0x1c6: {  	s9 =	simm.s32 $0x968;
	s12 =	simm.s32 $0x11AC0  }
0x1c7: {  	[tilespmem:s12], [sflag:$0x2] =	stream.indirect.gather [hbm4b:s3+s11], $0x20, s9, s11, $0xb8;
	[tilespmem:$0x19E00] =	vst v63  }
0x1c8: {  	s17 =	simm.s32 $0x9A0;
	s18 =	simm.s32 $0x12100  }
0x1c9: {  	[tilespmem:s18], [sflag:$0x2] =	stream.indirect.gather [hbm4b:s3+s11], $0x20, s17, s11, $0xb8;
	[tilespmem:$0x19E00] =	vst v63  }
0x1ca: {  	s20 =	simm.s32 $0x9D8;
	s21 =	simm.s32 $0x12740  }
0x1cb: {  	[tilespmem:s21], [sflag:$0x2] =	stream.indirect.gather [hbm4b:s3+s11], $0x20, s20, s11, $0xb8;
	[tilespmem:$0x19E00] =	vst v63  }
0x1cc: {  	s22 =	simm.s32 $0xA10;
	s25 =	simm.s32 $0x12D80  }
0x1cd: {  	[tilespmem:s25], [sflag:$0x2] =	stream.indirect.gather [hbm4b:s3+s11], $0x20, s22, s11, $0xb8;
	[tilespmem:$0x19E00] =	vst v63  }
0x1ce: {  	s26 =	simm.s32 $0xA48;
	s29 =	simm.s32 $0x133C0  }
0x1cf: {  	[tilespmem:s29], [sflag:$0x2] =	stream.indirect.gather [hbm4b:s3+s11], $0x20, s26, s11, $0xb8;
	[tilespmem:$0x19E00] =	vst v63  }
0x1d0: {  	s1 =	simm.s32 $0xA80;
	s4 =	simm.s32 $0x13A00  }
0x1d1: {  	[tilespmem:s4], [sflag:$0x2] =	stream.indirect.gather [hbm4b:s3+s11], $0x20, s1, s11, $0xb8;
	[tilespmem:$0x19E00] =	vst v63  }
0x1d2: {  	s5 =	simm.s32 $0xAB8;
	s6 =	simm.s32 $0x14040  }
0x1d3: {  	[tilespmem:s6], [sflag:$0x2] =	stream.indirect.gather [hbm4b:s3+s11], $0x20, s5, s11, $0xb8;
	[tilespmem:$0x19E00] =	vst v63  }
0x1d4: {  	s7 =	simm.s32 $0xAF0;
	s8 =	simm.s32 $0x14680  }
0x1d5: {  	[tilespmem:s8], [sflag:$0x2] =	stream.indirect.gather [hbm4b:s3+s11], $0x20, s7, s11, $0xb8;
	[tilespmem:$0x19E00] =	vst v63  }
0x1d6: {  	s9 =	simm.s32 $0xB28;
	s12 =	simm.s32 $0x14CC0  }
0x1d7: {  	[tilespmem:s12], [sflag:$0x2] =	stream.indirect.gather [hbm4b:s3+s11], $0x20, s9, s11, $0xb8;
	[tilespmem:$0x19E00] =	vst v63  }
0x1d8: {  	s17 =	simm.s32 $0xB60;
	s18 =	simm.s32 $0x15300  }
0x1d9: {  	[tilespmem:s18], [sflag:$0x2] =	stream.indirect.gather [hbm4b:s3+s11], $0x20, s17, s11, $0xb8;
	[tilespmem:$0x19E00] =	vst v63  }
0x1da: {  	s20 =	simm.s32 $0xB98;
	s21 =	simm.s32 $0x15940  }
0x1db: {  	[tilespmem:s21], [sflag:$0x2] =	stream.indirect.gather [hbm4b:s3+s11], $0x20, s20, s11, $0xb8;
	[tilespmem:$0x19E00] =	vst v63  }
0x1dc: {  	s22 =	simm.s32 $0xBD0;
	s25 =	simm.s32 $0x15F80  }
0x1dd: {  	[tilespmem:s25], [sflag:$0x2] =	stream.indirect.gather [hbm4b:s3+s11], $0x20, s22, s11, $0xb8;
	[tilespmem:$0x19E00] =	vst v63  }
0x1de: {  	s26 =	simm.s32 $0xC08;
	s29 =	simm.s32 $0x165C0  }
0x1df: {  	[tilespmem:s29], [sflag:$0x2] =	stream.indirect.gather [hbm4b:s3+s11], $0x20, s26, s11, $0xb8;
	[tilespmem:$0x19E00] =	vst v63  }
0x1e0: {  	s1 =	simm.s32 $0xC40;
	s4 =	simm.s32 $0x16C00  }
0x1e1: {  	[tilespmem:s4], [sflag:$0x2] =	stream.indirect.gather [hbm4b:s3+s11], $0x20, s1, s11, $0xb8;
	[tilespmem:$0x19E00] =	vst v63  }
0x1e2: {  	s5 =	simm.s32 $0xC78;
	s6 =	simm.s32 $0x17240  }
0x1e3: {  	[tilespmem:s6], [sflag:$0x2] =	stream.indirect.gather [hbm4b:s3+s11], $0x20, s5, s11, $0xb8;
	[tilespmem:$0x19E00] =	vst v63  }
0x1e4: {  	s7 =	simm.s32 $0xCB0;
	s8 =	simm.s32 $0x17880  }
0x1e5: {  	[tilespmem:s8], [sflag:$0x2] =	stream.indirect.gather [hbm4b:s3+s11], $0x20, s7, s11, $0xb8;
	[tilespmem:$0x19E00] =	vst v63  }
0x1e6: {  	s9 =	simm.s32 $0xCE8;
	s12 =	simm.s32 $0x17EC0  }
0x1e7: {  	[tilespmem:s12], [sflag:$0x2] =	stream.indirect.gather [hbm4b:s3+s11], $0x20, s9, s11, $0xb8;
	[tilespmem:$0x19E00] =	vst v63  }
0x1e8: {  	s17 =	simm.s32 $0xD20;
	s18 =	simm.s32 $0x18500  }
0x1e9: {  	[tilespmem:s18], [sflag:$0x2] =	stream.indirect.gather [hbm4b:s3+s11], $0x20, s17, s11, $0xb8;
	[tilespmem:$0x19E00] =	vst v63  }
0x1ea: {  	s20 =	simm.s32 $0xD58;
	s21 =	simm.s32 $0x18B40  }
0x1eb: {  	[tilespmem:s21], [sflag:$0x2] =	stream.indirect.gather [hbm4b:s3+s11], $0x20, s20, s11, $0xb8;
	[tilespmem:$0x19E00] =	vst v63  }
0x1ec: {  	s22 =	simm.s32 $0xD90;
	s25 =	simm.s32 $0x19180  }
0x1ed: {  	[tilespmem:s25], [sflag:$0x2] =	stream.indirect.gather [hbm4b:s3+s11], $0x20, s22, s11, $0xb8;
	[tilespmem:$0x19E00] =	vst v63  }
0x1ee: {  	s26 =	simm.s32 $0xDC8;
	s29 =	simm.s32 $0x197C0  }
0x1ef: {  	[tilespmem:s29], [sflag:$0x2] =	stream.indirect.gather [hbm4b:s3+s11], $0x20, s26, s11, $0xb8;
	[tilespmem:$0x19E00] =	vst v63  }
0x1f0: {  	_ =	swait.ge [sflag:s13], $0x640  }
0x1f1: {  	[sflag:s13] =	ssyncset.done $0x0  }
0x1f2: {  	[sflag:s13] =	ssyncadd.s32 $0xFFFFF9C0  }
0x1f3: {  	_ =	swait.ge [sflag:s13], $0x640  }
0x1f4: {  	[sflag:s13] =	ssyncset.done $0x0  }
0x1f5: {  	[sflag:s13] =	ssyncadd.s32 $0xFFFFF9C0  }
0x1f6: {  	_ =	swait.ge [sflag:s13], $0x640  }
0x1f7: {  	[sflag:s13] =	ssyncset.done $0x0  }
0x1f8: {  	[sflag:s13] =	ssyncadd.s32 $0xFFFFF9C0  }
0x1f9: {  	_ =	swait.ge [sflag:s13], $0x640  }
0x1fa: {  	[sflag:s13] =	ssyncset.done $0x0  }
0x1fb: {  	[sflag:s13] =	ssyncadd.s32 $0xFFFFF9C0  }
0x1fc: {  	_ =	swait.ge [sflag:s13], $0x640  }
0x1fd: {  	[sflag:s13] =	ssyncset.done $0x0  }
0x1fe: {  	[sflag:s13] =	ssyncadd.s32 $0xFFFFF9C0  }
0x1ff: {  	_ =	swait.ge [sflag:s13], $0x640  }
0x200: {  	[sflag:s13] =	ssyncset.done $0x0  }
0x201: {  	[sflag:s13] =	ssyncadd.s32 $0xFFFFF9C0  }
0x202: {  	_ =	swait.ge [sflag:s13], $0x640  }
0x203: {  	[sflag:s13] =	ssyncset.done $0x0  }
0x204: {  	[sflag:s13] =	ssyncadd.s32 $0xFFFFF9C0  }
0x205: {  	_ =	swait.ge [sflag:s13], $0x640  }
0x206: {  	[sflag:s13] =	ssyncset.done $0x0  }
0x207: {  	[sflag:s13] =	ssyncadd.s32 $0xFFFFF9C0  }
0x208: {  	_ =	swait.ge [sflag:s13], $0x640  }
0x209: {  	[sflag:s13] =	ssyncset.done $0x0  }
0x20a: {  	[sflag:s13] =	ssyncadd.s32 $0xFFFFF9C0  }
0x20b: {  	_ =	swait.ge [sflag:s13], $0x640  }
0x20c: {  	[sflag:s13] =	ssyncset.done $0x0  }
0x20d: {  	[sflag:s13] =	ssyncadd.s32 $0xFFFFF9C0  }
0x20e: {  	_ =	swait.ge [sflag:s13], $0x640  }
0x20f: {  	[sflag:s13] =	ssyncset.done $0x0  }
0x210: {  	[sflag:s13] =	ssyncadd.s32 $0xFFFFF9C0  }
0x211: {  	_ =	swait.ge [sflag:s13], $0x640  }
0x212: {  	[sflag:s13] =	ssyncset.done $0x0  }
0x213: {  	[sflag:s13] =	ssyncadd.s32 $0xFFFFF9C0  }
0x214: {  	_ =	swait.ge [sflag:s13], $0x640  }
0x215: {  	[sflag:s13] =	ssyncset.done $0x0  }
0x216: {  	[sflag:s13] =	ssyncadd.s32 $0xFFFFF9C0  }
0x217: {  	_ =	swait.ge [sflag:s13], $0x640  }
0x218: {  	[sflag:s13] =	ssyncset.done $0x0  }
0x219: {  	[sflag:s13] =	ssyncadd.s32 $0xFFFFF9C0  }
0x21a: {  	_ =	swait.ge [sflag:s13], $0x640  }
0x21b: {  	[sflag:s13] =	ssyncset.done $0x0  }
0x21c: {  	[sflag:s13] =	ssyncadd.s32 $0xFFFFF9C0  }
0x21d: {  	_ =	swait.ge [sflag:s13], $0x640  }
0x21e: {  	[sflag:s13] =	ssyncset.done $0x0  }
0x21f: {  	[sflag:s13] =	ssyncadd.s32 $0xFFFFF9C0  }
0x220: {  	_ =	swait.ge [sflag:s13], $0x640  }
0x221: {  	[sflag:s13] =	ssyncset.done $0x0  }
0x222: {  	[sflag:s13] =	ssyncadd.s32 $0xFFFFF9C0  }
0x223: {  	_ =	swait.ge [sflag:s13], $0x640  }
0x224: {  	[sflag:s13] =	ssyncset.done $0x0  }
0x225: {  	[sflag:s13] =	ssyncadd.s32 $0xFFFFF9C0  }
0x226: {  	_ =	swait.ge [sflag:s13], $0x640  }
0x227: {  	[sflag:s13] =	ssyncset.done $0x0  }
0x228: {  	[sflag:s13] =	ssyncadd.s32 $0xFFFFF9C0  }
0x229: {  	_ =	swait.ge [sflag:s13], $0x640  }
0x22a: {  	[sflag:s13] =	ssyncset.done $0x0  }
0x22b: {  	[sflag:s13] =	ssyncadd.s32 $0xFFFFF9C0  }
0x22c: {  	_ =	swait.ge [sflag:s13], $0x640  }
0x22d: {  	[sflag:s13] =	ssyncset.done $0x0  }
0x22e: {  	[sflag:s13] =	ssyncadd.s32 $0xFFFFF9C0  }
0x22f: {  	_ =	swait.ge [sflag:s13], $0x640  }
0x230: {  	[sflag:s13] =	ssyncset.done $0x0  }
0x231: {  	[sflag:s13] =	ssyncadd.s32 $0xFFFFF9C0  }
0x232: {  	_ =	swait.ge [sflag:s13], $0x640  }
0x233: {  	[sflag:s13] =	ssyncset.done $0x0  }
0x234: {  	[sflag:s13] =	ssyncadd.s32 $0xFFFFF9C0  }
0x235: {  	_ =	swait.ge [sflag:s13], $0x640  }
0x236: {  	[sflag:s13] =	ssyncset.done $0x0  }
0x237: {  	[sflag:s13] =	ssyncadd.s32 $0xFFFFF9C0  }
0x238: {  	_ =	swait.ge [sflag:s13], $0x640  }
0x239: {  	[sflag:s13] =	ssyncset.done $0x0  }
0x23a: {  	[sflag:s13] =	ssyncadd.s32 $0xFFFFF9C0  }
0x23b: {  	_ =	swait.ge [sflag:s13], $0x640  }
0x23c: {  	[sflag:s13] =	ssyncset.done $0x0  }
0x23d: {  	[sflag:s13] =	ssyncadd.s32 $0xFFFFF9C0  }
0x23e: {  	_ =	swait.ge [sflag:s13], $0x640  }
0x23f: {  	[sflag:s13] =	ssyncset.done $0x0  }
0x240: {  	[sflag:s13] =	ssyncadd.s32 $0xFFFFF9C0  }
0x241: {  	_ =	swait.ge [sflag:s13], $0x640  }
0x242: {  	[sflag:s13] =	ssyncset.done $0x0  }
0x243: {  	[sflag:s13] =	ssyncadd.s32 $0xFFFFF9C0  }
0x244: {  	_ =	swait.ge [sflag:s13], $0x640  }
0x245: {  	[sflag:s13] =	ssyncset.done $0x0  }
0x246: {  	[sflag:s13] =	ssyncadd.s32 $0xFFFFF9C0  }
0x247: {  	_ =	swait.ge [sflag:s13], $0x640  }
0x248: {  	s28 =	simm.s32 $0x4640;
	s30 =	simm.s32 $0x20C0;
	[sflag:s13] =	ssyncset.done $0x0  }
0x249: {  	s31 =	simm.s32 $0x1F8;
	s0 =	simm.s32 $0x118;
	[sflag:s13] =	ssyncadd.s32 $0xFFFFF9C0  }
0x24a: {  	s1 =	simm.s32 $0x2700;
	s4 =	simm.s32 $0x39C0;
	_ =	swait.ge [sflag:s13], $0x640  }
0x24b: {  	s5 =	simm.s32 $0x2D40;
	s6 =	simm.s32 $0x150;
	[sflag:s13] =	ssyncset.done $0x0  }
0x24c: {  	s7 =	simm.s32 $0x3380;
	s8 =	simm.s32 $0x188;
	[sflag:s13] =	ssyncadd.s32 $0xFFFFF9C0  }
0x24d: {  	s9 =	simm.s32 $0x1C0;
	s17 =	simm.s32 $0x1C0;
	_ =	swait.ge [sflag:s13], $0x640  }
0x24e: {  	s18 =	sadd.s32 $0x3200, s19;
	s22 =	simm.s32 $0x4000;
	[sflag:s13] =	ssyncset.done $0x0  }
0x24f: {  	s25 =	simm.s32 $0x1440;
	s26 =	simm.s32 $0x70;
	[sflag:s13] =	ssyncadd.s32 $0xFFFFF9C0  }
.LBB2_2:
0x250: {  	s12 =	simm.s32 $0xE00  }
0x251: {  	[hbm4b:s19+s2] =	stream.linear.scatter [tilespmem:s12], [sflag:$0x3], $0xC800, $0x38;
	[tilespmem:$0x19E00] =	vst v63  }
0x252: {  	_ =	swait.ge [sflag:s14], $0xC800  }
0x253: {  	s20 =	smov.u32 s17;
	s21 =	rddreg [dreg:$0x3]  }
0x254: {  	[sflag:s14] =	ssyncset.done $0x0;
	s20 =	sadd.s32 s20, s21  }
0x255: {  	[sflag:s14] =	ssyncadd.s32 $0xFFFF3800;
	s21 =	sadd.s32 $0x1C0, s20  }
0x256: {  	[tilespmem:s2], [sflag:$0x5] =	stream.linear.gather [hbm4b:s21+s2], $0x700, $0x38;
	[tilespmem:$0x19E00] =	vst v63  }
0x257: {  	_ =	swait.ge [sflag:s10], $0x700  }
0x258: {  	[sflag:s10] =	ssyncset.done $0x0  }
0x259: {  	[sflag:s10] =	ssyncadd.s32 $0xFFFFF900  }
0x25a: {  	[tilespmem:s12], [sflag:$0x1] =	stream.indirect.gather [hbm4b:s3+s11], $0x20, s2, s11, $0xb8;
	[tilespmem:$0x19E00] =	vst v63  }
0x25b: {  	s21 =	simm.s32 $0x38  }
0x25c: {  	[tilespmem:s25], [sflag:$0x1] =	stream.indirect.gather [hbm4b:s3+s11], $0x20, s21, s11, $0xb8;
	[tilespmem:$0x19E00] =	vst v63  }
0x25d: {  	s21 =	simm.s32 $0x1A80  }
0x25e: {  	[tilespmem:s21], [sflag:$0x1] =	stream.indirect.gather [hbm4b:s3+s11], $0x20, s26, s11, $0xb8;
	[tilespmem:$0x19E00] =	vst v63  }
0x25f: {  	s21 =	simm.s32 $0xA8  }
0x260: {  	[tilespmem:s30], [sflag:$0x1] =	stream.indirect.gather [hbm4b:s3+s11], $0x20, s21, s11, $0xb8;
	[tilespmem:$0x19E00] =	vst v63  }
0x261: {  	s21 =	simm.s32 $0xE0  }
0x262: {  	[tilespmem:s1], [sflag:$0x1] =	stream.indirect.gather [hbm4b:s3+s11], $0x20, s21, s11, $0xb8;
	[tilespmem:$0x19E00] =	vst v63  }
0x263: {  	_ = 	snop  }
0x264: {  	[tilespmem:s5], [sflag:$0x1] =	stream.indirect.gather [hbm4b:s3+s11], $0x20, s0, s11, $0xb8;
	[tilespmem:$0x19E00] =	vst v63  }
0x265: {  	_ = 	snop  }
0x266: {  	[tilespmem:s7], [sflag:$0x1] =	stream.indirect.gather [hbm4b:s3+s11], $0x20, s6, s11, $0xb8;
	[tilespmem:$0x19E00] =	vst v63  }
0x267: {  	_ = 	snop  }
0x268: {  	[tilespmem:s4], [sflag:$0x1] =	stream.indirect.gather [hbm4b:s3+s11], $0x20, s8, s11, $0xb8;
	[tilespmem:$0x19E00] =	vst v63  }
0x269: {  	_ = 	snop  }
0x26a: {  	[tilespmem:s22], [sflag:$0x1] =	stream.indirect.gather [hbm4b:s3+s11], $0x20, s9, s11, $0xb8;
	[tilespmem:$0x19E00] =	vst v63  }
0x26b: {  	_ = 	snop  }
0x26c: {  	[tilespmem:s28], [sflag:$0x1] =	stream.indirect.gather [hbm4b:s3+s11], $0x20, s31, s11, $0xb8;
	[tilespmem:$0x19E00] =	vst v63  }
0x26d: {  	s12 =	simm.s32 $0x230;
	s21 =	simm.s32 $0x4C80  }
0x26e: {  	[tilespmem:s21], [sflag:$0x1] =	stream.indirect.gather [hbm4b:s3+s11], $0x20, s12, s11, $0xb8;
	[tilespmem:$0x19E00] =	vst v63  }
0x26f: {  	s21 =	simm.s32 $0x268;
	s12 =	simm.s32 $0x52C0  }
0x270: {  	[tilespmem:s12], [sflag:$0x1] =	stream.indirect.gather [hbm4b:s3+s11], $0x20, s21, s11, $0xb8;
	[tilespmem:$0x19E00] =	vst v63  }
0x271: {  	s12 =	simm.s32 $0x2A0;
	s21 =	simm.s32 $0x5900  }
0x272: {  	[tilespmem:s21], [sflag:$0x1] =	stream.indirect.gather [hbm4b:s3+s11], $0x20, s12, s11, $0xb8;
	[tilespmem:$0x19E00] =	vst v63  }
0x273: {  	s12 =	simm.s32 $0x2D8;
	s21 =	simm.s32 $0x5F40  }
0x274: {  	[tilespmem:s21], [sflag:$0x1] =	stream.indirect.gather [hbm4b:s3+s11], $0x20, s12, s11, $0xb8;
	[tilespmem:$0x19E00] =	vst v63  }
0x275: {  	s12 =	simm.s32 $0x310;
	s21 =	simm.s32 $0x6580  }
0x276: {  	[tilespmem:s21], [sflag:$0x1] =	stream.indirect.gather [hbm4b:s3+s11], $0x20, s12, s11, $0xb8;
	[tilespmem:$0x19E00] =	vst v63  }
0x277: {  	s12 =	simm.s32 $0x348;
	s21 =	simm.s32 $0x6BC0  }
0x278: {  	[tilespmem:s21], [sflag:$0x1] =	stream.indirect.gather [hbm4b:s3+s11], $0x20, s12, s11, $0xb8;
	[tilespmem:$0x19E00] =	vst v63  }
0x279: {  	s12 =	simm.s32 $0x380;
	s21 =	simm.s32 $0x7200  }
0x27a: {  	[tilespmem:s21], [sflag:$0x1] =	stream.indirect.gather [hbm4b:s3+s11], $0x20, s12, s11, $0xb8;
	[tilespmem:$0x19E00] =	vst v63  }
0x27b: {  	s12 =	simm.s32 $0x3B8;
	s21 =	simm.s32 $0x7840  }
0x27c: {  	[tilespmem:s21], [sflag:$0x1] =	stream.indirect.gather [hbm4b:s3+s11], $0x20, s12, s11, $0xb8;
	[tilespmem:$0x19E00] =	vst v63  }
0x27d: {  	s12 =	simm.s32 $0x3F0;
	s21 =	simm.s32 $0x7E80  }
0x27e: {  	[tilespmem:s21], [sflag:$0x1] =	stream.indirect.gather [hbm4b:s3+s11], $0x20, s12, s11, $0xb8;
	[tilespmem:$0x19E00] =	vst v63  }
0x27f: {  	s12 =	simm.s32 $0x428;
	s21 =	simm.s32 $0x84C0  }
0x280: {  	[tilespmem:s21], [sflag:$0x1] =	stream.indirect.gather [hbm4b:s3+s11], $0x20, s12, s11, $0xb8;
	[tilespmem:$0x19E00] =	vst v63  }
0x281: {  	s12 =	simm.s32 $0x460;
	s21 =	simm.s32 $0x8B00  }
0x282: {  	[tilespmem:s21], [sflag:$0x1] =	stream.indirect.gather [hbm4b:s3+s11], $0x20, s12, s11, $0xb8;
	[tilespmem:$0x19E00] =	vst v63  }
0x283: {  	s12 =	simm.s32 $0x498;
	s21 =	simm.s32 $0x9140  }
0x284: {  	[tilespmem:s21], [sflag:$0x1] =	stream.indirect.gather [hbm4b:s3+s11], $0x20, s12, s11, $0xb8;
	[tilespmem:$0x19E00] =	vst v63  }
0x285: {  	s12 =	simm.s32 $0x4D0;
	s21 =	simm.s32 $0x9780  }
0x286: {  	[tilespmem:s21], [sflag:$0x1] =	stream.indirect.gather [hbm4b:s3+s11], $0x20, s12, s11, $0xb8;
	[tilespmem:$0x19E00] =	vst v63  }
0x287: {  	s12 =	simm.s32 $0x508;
	s21 =	simm.s32 $0x9DC0  }
0x288: {  	[tilespmem:s21], [sflag:$0x1] =	stream.indirect.gather [hbm4b:s3+s11], $0x20, s12, s11, $0xb8;
	[tilespmem:$0x19E00] =	vst v63  }
0x289: {  	s12 =	simm.s32 $0x540;
	s21 =	simm.s32 $0xA400  }
0x28a: {  	[tilespmem:s21], [sflag:$0x1] =	stream.indirect.gather [hbm4b:s3+s11], $0x20, s12, s11, $0xb8;
	[tilespmem:$0x19E00] =	vst v63  }
0x28b: {  	s12 =	simm.s32 $0x578;
	s21 =	simm.s32 $0xAA40  }
0x28c: {  	[tilespmem:s21], [sflag:$0x1] =	stream.indirect.gather [hbm4b:s3+s11], $0x20, s12, s11, $0xb8;
	[tilespmem:$0x19E00] =	vst v63  }
0x28d: {  	s12 =	simm.s32 $0x5B0;
	s21 =	simm.s32 $0xB080  }
0x28e: {  	[tilespmem:s21], [sflag:$0x1] =	stream.indirect.gather [hbm4b:s3+s11], $0x20, s12, s11, $0xb8;
	[tilespmem:$0x19E00] =	vst v63  }
0x28f: {  	s12 =	simm.s32 $0x5E8;
	s21 =	simm.s32 $0xB6C0  }
0x290: {  	[tilespmem:s21], [sflag:$0x1] =	stream.indirect.gather [hbm4b:s3+s11], $0x20, s12, s11, $0xb8;
	[tilespmem:$0x19E00] =	vst v63  }
0x291: {  	s12 =	simm.s32 $0x620;
	s21 =	simm.s32 $0xBD00  }
0x292: {  	[tilespmem:s21], [sflag:$0x1] =	stream.indirect.gather [hbm4b:s3+s11], $0x20, s12, s11, $0xb8;
	[tilespmem:$0x19E00] =	vst v63  }
0x293: {  	s12 =	simm.s32 $0x658;
	s21 =	simm.s32 $0xC340  }
0x294: {  	[tilespmem:s21], [sflag:$0x1] =	stream.indirect.gather [hbm4b:s3+s11], $0x20, s12, s11, $0xb8;
	[tilespmem:$0x19E00] =	vst v63  }
0x295: {  	s12 =	simm.s32 $0x690;
	s21 =	simm.s32 $0xC980  }
0x296: {  	[tilespmem:s21], [sflag:$0x1] =	stream.indirect.gather [hbm4b:s3+s11], $0x20, s12, s11, $0xb8;
	[tilespmem:$0x19E00] =	vst v63  }
0x297: {  	s12 =	simm.s32 $0x6C8;
	s21 =	simm.s32 $0xCFC0  }
0x298: {  	[tilespmem:s21], [sflag:$0x1] =	stream.indirect.gather [hbm4b:s3+s11], $0x20, s12, s11, $0xb8;
	[tilespmem:$0x19E00] =	vst v63  }
0x299: {  	_ =	swait.ge [sflag:s15], $0x640  }
0x29a: {  	[sflag:s15] =	ssyncset.done $0x0  }
0x29b: {  	[sflag:s15] =	ssyncadd.s32 $0xFFFFF9C0  }
0x29c: {  	_ =	swait.ge [sflag:s15], $0x640  }
0x29d: {  	[sflag:s15] =	ssyncset.done $0x0  }
0x29e: {  	[sflag:s15] =	ssyncadd.s32 $0xFFFFF9C0  }
0x29f: {  	_ =	swait.ge [sflag:s15], $0x640  }
0x2a0: {  	[sflag:s15] =	ssyncset.done $0x0  }
0x2a1: {  	[sflag:s15] =	ssyncadd.s32 $0xFFFFF9C0  }
0x2a2: {  	_ =	swait.ge [sflag:s15], $0x640  }
0x2a3: {  	[sflag:s15] =	ssyncset.done $0x0  }
0x2a4: {  	[sflag:s15] =	ssyncadd.s32 $0xFFFFF9C0  }
0x2a5: {  	_ =	swait.ge [sflag:s15], $0x640  }
0x2a6: {  	[sflag:s15] =	ssyncset.done $0x0  }
0x2a7: {  	[sflag:s15] =	ssyncadd.s32 $0xFFFFF9C0  }
0x2a8: {  	_ =	swait.ge [sflag:s15], $0x640  }
0x2a9: {  	[sflag:s15] =	ssyncset.done $0x0  }
0x2aa: {  	[sflag:s15] =	ssyncadd.s32 $0xFFFFF9C0  }
0x2ab: {  	_ =	swait.ge [sflag:s15], $0x640  }
0x2ac: {  	[sflag:s15] =	ssyncset.done $0x0  }
0x2ad: {  	[sflag:s15] =	ssyncadd.s32 $0xFFFFF9C0  }
0x2ae: {  	_ =	swait.ge [sflag:s15], $0x640  }
0x2af: {  	[sflag:s15] =	ssyncset.done $0x0  }
0x2b0: {  	[sflag:s15] =	ssyncadd.s32 $0xFFFFF9C0  }
0x2b1: {  	_ =	swait.ge [sflag:s15], $0x640  }
0x2b2: {  	[sflag:s15] =	ssyncset.done $0x0  }
0x2b3: {  	[sflag:s15] =	ssyncadd.s32 $0xFFFFF9C0  }
0x2b4: {  	_ =	swait.ge [sflag:s15], $0x640  }
0x2b5: {  	[sflag:s15] =	ssyncset.done $0x0  }
0x2b6: {  	[sflag:s15] =	ssyncadd.s32 $0xFFFFF9C0  }
0x2b7: {  	_ =	swait.ge [sflag:s15], $0x640  }
0x2b8: {  	[sflag:s15] =	ssyncset.done $0x0  }
0x2b9: {  	[sflag:s15] =	ssyncadd.s32 $0xFFFFF9C0  }
0x2ba: {  	_ =	swait.ge [sflag:s15], $0x640  }
0x2bb: {  	[sflag:s15] =	ssyncset.done $0x0  }
0x2bc: {  	[sflag:s15] =	ssyncadd.s32 $0xFFFFF9C0  }
0x2bd: {  	_ =	swait.ge [sflag:s15], $0x640  }
0x2be: {  	[sflag:s15] =	ssyncset.done $0x0  }
0x2bf: {  	[sflag:s15] =	ssyncadd.s32 $0xFFFFF9C0  }
0x2c0: {  	_ =	swait.ge [sflag:s15], $0x640  }
0x2c1: {  	[sflag:s15] =	ssyncset.done $0x0  }
0x2c2: {  	[sflag:s15] =	ssyncadd.s32 $0xFFFFF9C0  }
0x2c3: {  	_ =	swait.ge [sflag:s15], $0x640  }
0x2c4: {  	[sflag:s15] =	ssyncset.done $0x0  }
0x2c5: {  	[sflag:s15] =	ssyncadd.s32 $0xFFFFF9C0  }
0x2c6: {  	_ =	swait.ge [sflag:s15], $0x640  }
0x2c7: {  	[sflag:s15] =	ssyncset.done $0x0  }
0x2c8: {  	[sflag:s15] =	ssyncadd.s32 $0xFFFFF9C0  }
0x2c9: {  	_ =	swait.ge [sflag:s15], $0x640  }
0x2ca: {  	[sflag:s15] =	ssyncset.done $0x0  }
0x2cb: {  	[sflag:s15] =	ssyncadd.s32 $0xFFFFF9C0  }
0x2cc: {  	_ =	swait.ge [sflag:s15], $0x640  }
0x2cd: {  	[sflag:s15] =	ssyncset.done $0x0  }
0x2ce: {  	[sflag:s15] =	ssyncadd.s32 $0xFFFFF9C0  }
0x2cf: {  	_ =	swait.ge [sflag:s15], $0x640  }
0x2d0: {  	[sflag:s15] =	ssyncset.done $0x0  }
0x2d1: {  	[sflag:s15] =	ssyncadd.s32 $0xFFFFF9C0  }
0x2d2: {  	_ =	swait.ge [sflag:s15], $0x640  }
0x2d3: {  	[sflag:s15] =	ssyncset.done $0x0  }
0x2d4: {  	[sflag:s15] =	ssyncadd.s32 $0xFFFFF9C0  }
0x2d5: {  	_ =	swait.ge [sflag:s15], $0x640  }
0x2d6: {  	[sflag:s15] =	ssyncset.done $0x0  }
0x2d7: {  	[sflag:s15] =	ssyncadd.s32 $0xFFFFF9C0  }
0x2d8: {  	_ =	swait.ge [sflag:s15], $0x640  }
0x2d9: {  	[sflag:s15] =	ssyncset.done $0x0  }
0x2da: {  	[sflag:s15] =	ssyncadd.s32 $0xFFFFF9C0  }
0x2db: {  	_ =	swait.ge [sflag:s15], $0x640  }
0x2dc: {  	[sflag:s15] =	ssyncset.done $0x0  }
0x2dd: {  	[sflag:s15] =	ssyncadd.s32 $0xFFFFF9C0  }
0x2de: {  	_ =	swait.ge [sflag:s15], $0x640  }
0x2df: {  	[sflag:s15] =	ssyncset.done $0x0  }
0x2e0: {  	[sflag:s15] =	ssyncadd.s32 $0xFFFFF9C0  }
0x2e1: {  	_ =	swait.ge [sflag:s15], $0x640  }
0x2e2: {  	[sflag:s15] =	ssyncset.done $0x0  }
0x2e3: {  	[sflag:s15] =	ssyncadd.s32 $0xFFFFF9C0  }
0x2e4: {  	_ =	swait.ge [sflag:s15], $0x640  }
0x2e5: {  	[sflag:s15] =	ssyncset.done $0x0  }
0x2e6: {  	[sflag:s15] =	ssyncadd.s32 $0xFFFFF9C0  }
0x2e7: {  	_ =	swait.ge [sflag:s15], $0x640  }
0x2e8: {  	[sflag:s15] =	ssyncset.done $0x0  }
0x2e9: {  	[sflag:s15] =	ssyncadd.s32 $0xFFFFF9C0  }
0x2ea: {  	_ =	swait.ge [sflag:s15], $0x640  }
0x2eb: {  	[sflag:s15] =	ssyncset.done $0x0  }
0x2ec: {  	[sflag:s15] =	ssyncadd.s32 $0xFFFFF9C0  }
0x2ed: {  	_ =	swait.ge [sflag:s15], $0x640  }
0x2ee: {  	[sflag:s15] =	ssyncset.done $0x0  }
0x2ef: {  	[sflag:s15] =	ssyncadd.s32 $0xFFFFF9C0  }
0x2f0: {  	_ =	swait.ge [sflag:s15], $0x640  }
0x2f1: {  	[sflag:s15] =	ssyncset.done $0x0  }
0x2f2: {  	[sflag:s15] =	ssyncadd.s32 $0xFFFFF9C0  }
0x2f3: {  	_ =	swait.ge [sflag:s15], $0x640  }
0x2f4: {  	[sflag:s15] =	ssyncset.done $0x0  }
0x2f5: {  	[sflag:s15] =	ssyncadd.s32 $0xFFFFF9C0  }
0x2f6: {  	_ =	swait.ge [sflag:s15], $0x640  }
0x2f7: {  	[sflag:s15] =	ssyncset.done $0x0  }
0x2f8: {  	s12 =	sadd.s32 $0xFFFFE700, s18;
	[sflag:s15] =	ssyncadd.s32 $0xFFFFF9C0  }
0x2f9: {  	[hbm4b:s12+s2] =	stream.linear.scatter [tilespmem:s24], [sflag:$0x4], $0xC800, $0x38;
	[tilespmem:$0x19E00] =	vst v63  }
0x2fa: {  	_ =	swait.ge [sflag:s16], $0xC800  }
0x2fb: {  	[sflag:s16] =	ssyncset.done $0x0  }
0x2fc: {  	s20 =	sadd.s32 $0x2A0, s20;
	[sflag:s16] =	ssyncadd.s32 $0xFFFF3800  }
0x2fd: {  	[tilespmem:s23], [sflag:$0x5] =	stream.linear.gather [hbm4b:s20+s2], $0x700, $0x38;
	[tilespmem:$0x19E00] =	vst v63  }
0x2fe: {  	_ =	swait.ge [sflag:s10], $0x700  }
0x2ff: {  	[sflag:s10] =	ssyncset.done $0x0  }
0x300: {  	[sflag:s10] =	ssyncadd.s32 $0xFFFFF900  }
0x301: {  	[tilespmem:s24], [sflag:$0x2] =	stream.indirect.gather [hbm4b:s3+s11], $0x20, s23, s11, $0xb8;
	[tilespmem:$0x19E00] =	vst v63  }
0x302: {  	s21 =	simm.s32 $0xDC40;
	s20 =	simm.s32 $0x738  }
0x303: {  	[tilespmem:s21], [sflag:$0x2] =	stream.indirect.gather [hbm4b:s3+s11], $0x20, s20, s11, $0xb8;
	[tilespmem:$0x19E00] =	vst v63  }
0x304: {  	s20 =	simm.s32 $0x770;
	s21 =	simm.s32 $0xE280  }
0x305: {  	[tilespmem:s21], [sflag:$0x2] =	stream.indirect.gather [hbm4b:s3+s11], $0x20, s20, s11, $0xb8;
	[tilespmem:$0x19E00] =	vst v63  }
0x306: {  	s20 =	simm.s32 $0x7A8;
	s21 =	simm.s32 $0xE8C0  }
0x307: {  	[tilespmem:s21], [sflag:$0x2] =	stream.indirect.gather [hbm4b:s3+s11], $0x20, s20, s11, $0xb8;
	[tilespmem:$0x19E00] =	vst v63  }
0x308: {  	s20 =	simm.s32 $0x7E0;
	s21 =	simm.s32 $0xEF00  }
0x309: {  	[tilespmem:s21], [sflag:$0x2] =	stream.indirect.gather [hbm4b:s3+s11], $0x20, s20, s11, $0xb8;
	[tilespmem:$0x19E00] =	vst v63  }
0x30a: {  	s20 =	simm.s32 $0x818;
	s21 =	simm.s32 $0xF540  }
0x30b: {  	[tilespmem:s21], [sflag:$0x2] =	stream.indirect.gather [hbm4b:s3+s11], $0x20, s20, s11, $0xb8;
	[tilespmem:$0x19E00] =	vst v63  }
0x30c: {  	s20 =	simm.s32 $0x850;
	s21 =	simm.s32 $0xFB80  }
0x30d: {  	[tilespmem:s21], [sflag:$0x2] =	stream.indirect.gather [hbm4b:s3+s11], $0x20, s20, s11, $0xb8;
	[tilespmem:$0x19E00] =	vst v63  }
0x30e: {  	s20 =	simm.s32 $0x888;
	s21 =	simm.s32 $0x101C0  }
0x30f: {  	[tilespmem:s21], [sflag:$0x2] =	stream.indirect.gather [hbm4b:s3+s11], $0x20, s20, s11, $0xb8;
	[tilespmem:$0x19E00] =	vst v63  }
0x310: {  	s20 =	simm.s32 $0x8C0;
	s21 =	simm.s32 $0x10800  }
0x311: {  	[tilespmem:s21], [sflag:$0x2] =	stream.indirect.gather [hbm4b:s3+s11], $0x20, s20, s11, $0xb8;
	[tilespmem:$0x19E00] =	vst v63  }
0x312: {  	s20 =	simm.s32 $0x8F8;
	s21 =	simm.s32 $0x10E40  }
0x313: {  	[tilespmem:s21], [sflag:$0x2] =	stream.indirect.gather [hbm4b:s3+s11], $0x20, s20, s11, $0xb8;
	[tilespmem:$0x19E00] =	vst v63  }
0x314: {  	s20 =	simm.s32 $0x930;
	s21 =	simm.s32 $0x11480  }
0x315: {  	[tilespmem:s21], [sflag:$0x2] =	stream.indirect.gather [hbm4b:s3+s11], $0x20, s20, s11, $0xb8;
	[tilespmem:$0x19E00] =	vst v63  }
0x316: {  	s20 =	simm.s32 $0x968;
	s21 =	simm.s32 $0x11AC0  }
0x317: {  	[tilespmem:s21], [sflag:$0x2] =	stream.indirect.gather [hbm4b:s3+s11], $0x20, s20, s11, $0xb8;
	[tilespmem:$0x19E00] =	vst v63  }
0x318: {  	s20 =	simm.s32 $0x9A0;
	s21 =	simm.s32 $0x12100  }
0x319: {  	[tilespmem:s21], [sflag:$0x2] =	stream.indirect.gather [hbm4b:s3+s11], $0x20, s20, s11, $0xb8;
	[tilespmem:$0x19E00] =	vst v63  }
0x31a: {  	s20 =	simm.s32 $0x9D8;
	s21 =	simm.s32 $0x12740  }
0x31b: {  	[tilespmem:s21], [sflag:$0x2] =	stream.indirect.gather [hbm4b:s3+s11], $0x20, s20, s11, $0xb8;
	[tilespmem:$0x19E00] =	vst v63  }
0x31c: {  	s20 =	simm.s32 $0xA10;
	s21 =	simm.s32 $0x12D80  }
0x31d: {  	[tilespmem:s21], [sflag:$0x2] =	stream.indirect.gather [hbm4b:s3+s11], $0x20, s20, s11, $0xb8;
	[tilespmem:$0x19E00] =	vst v63  }
0x31e: {  	s20 =	simm.s32 $0xA48;
	s21 =	simm.s32 $0x133C0  }
0x31f: {  	[tilespmem:s21], [sflag:$0x2] =	stream.indirect.gather [hbm4b:s3+s11], $0x20, s20, s11, $0xb8;
	[tilespmem:$0x19E00] =	vst v63  }
0x320: {  	s20 =	simm.s32 $0xA80;
	s21 =	simm.s32 $0x13A00  }
0x321: {  	[tilespmem:s21], [sflag:$0x2] =	stream.indirect.gather [hbm4b:s3+s11], $0x20, s20, s11, $0xb8;
	[tilespmem:$0x19E00] =	vst v63  }
0x322: {  	s20 =	simm.s32 $0xAB8;
	s21 =	simm.s32 $0x14040  }
0x323: {  	[tilespmem:s21], [sflag:$0x2] =	stream.indirect.gather [hbm4b:s3+s11], $0x20, s20, s11, $0xb8;
	[tilespmem:$0x19E00] =	vst v63  }
0x324: {  	s20 =	simm.s32 $0xAF0;
	s21 =	simm.s32 $0x14680  }
0x325: {  	[tilespmem:s21], [sflag:$0x2] =	stream.indirect.gather [hbm4b:s3+s11], $0x20, s20, s11, $0xb8;
	[tilespmem:$0x19E00] =	vst v63  }
0x326: {  	s20 =	simm.s32 $0xB28;
	s21 =	simm.s32 $0x14CC0  }
0x327: {  	[tilespmem:s21], [sflag:$0x2] =	stream.indirect.gather [hbm4b:s3+s11], $0x20, s20, s11, $0xb8;
	[tilespmem:$0x19E00] =	vst v63  }
0x328: {  	s20 =	simm.s32 $0xB60;
	s21 =	simm.s32 $0x15300  }
0x329: {  	[tilespmem:s21], [sflag:$0x2] =	stream.indirect.gather [hbm4b:s3+s11], $0x20, s20, s11, $0xb8;
	[tilespmem:$0x19E00] =	vst v63  }
0x32a: {  	s20 =	simm.s32 $0xB98;
	s21 =	simm.s32 $0x15940  }
0x32b: {  	[tilespmem:s21], [sflag:$0x2] =	stream.indirect.gather [hbm4b:s3+s11], $0x20, s20, s11, $0xb8;
	[tilespmem:$0x19E00] =	vst v63  }
0x32c: {  	s20 =	simm.s32 $0xBD0;
	s21 =	simm.s32 $0x15F80  }
0x32d: {  	[tilespmem:s21], [sflag:$0x2] =	stream.indirect.gather [hbm4b:s3+s11], $0x20, s20, s11, $0xb8;
	[tilespmem:$0x19E00] =	vst v63  }
0x32e: {  	s20 =	simm.s32 $0xC08;
	s21 =	simm.s32 $0x165C0  }
0x32f: {  	[tilespmem:s21], [sflag:$0x2] =	stream.indirect.gather [hbm4b:s3+s11], $0x20, s20, s11, $0xb8;
	[tilespmem:$0x19E00] =	vst v63  }
0x330: {  	s20 =	simm.s32 $0xC40;
	s21 =	simm.s32 $0x16C00  }
0x331: {  	[tilespmem:s21], [sflag:$0x2] =	stream.indirect.gather [hbm4b:s3+s11], $0x20, s20, s11, $0xb8;
	[tilespmem:$0x19E00] =	vst v63  }
0x332: {  	s20 =	simm.s32 $0xC78;
	s21 =	simm.s32 $0x17240  }
0x333: {  	[tilespmem:s21], [sflag:$0x2] =	stream.indirect.gather [hbm4b:s3+s11], $0x20, s20, s11, $0xb8;
	[tilespmem:$0x19E00] =	vst v63  }
0x334: {  	s20 =	simm.s32 $0xCB0;
	s21 =	simm.s32 $0x17880  }
0x335: {  	[tilespmem:s21], [sflag:$0x2] =	stream.indirect.gather [hbm4b:s3+s11], $0x20, s20, s11, $0xb8;
	[tilespmem:$0x19E00] =	vst v63  }
0x336: {  	s20 =	simm.s32 $0xCE8;
	s21 =	simm.s32 $0x17EC0  }
0x337: {  	[tilespmem:s21], [sflag:$0x2] =	stream.indirect.gather [hbm4b:s3+s11], $0x20, s20, s11, $0xb8;
	[tilespmem:$0x19E00] =	vst v63  }
0x338: {  	s20 =	simm.s32 $0xD20;
	s21 =	simm.s32 $0x18500  }
0x339: {  	[tilespmem:s21], [sflag:$0x2] =	stream.indirect.gather [hbm4b:s3+s11], $0x20, s20, s11, $0xb8;
	[tilespmem:$0x19E00] =	vst v63  }
0x33a: {  	s20 =	simm.s32 $0xD58;
	s21 =	simm.s32 $0x18B40  }
0x33b: {  	[tilespmem:s21], [sflag:$0x2] =	stream.indirect.gather [hbm4b:s3+s11], $0x20, s20, s11, $0xb8;
	[tilespmem:$0x19E00] =	vst v63  }
0x33c: {  	s20 =	simm.s32 $0xD90;
	s21 =	simm.s32 $0x19180  }
0x33d: {  	[tilespmem:s21], [sflag:$0x2] =	stream.indirect.gather [hbm4b:s3+s11], $0x20, s20, s11, $0xb8;
	[tilespmem:$0x19E00] =	vst v63  }
0x33e: {  	s20 =	simm.s32 $0xDC8;
	s21 =	simm.s32 $0x197C0  }
0x33f: {  	[tilespmem:s21], [sflag:$0x2] =	stream.indirect.gather [hbm4b:s3+s11], $0x20, s20, s11, $0xb8;
	[tilespmem:$0x19E00] =	vst v63  }
0x340: {  	_ =	swait.ge [sflag:s13], $0x640  }
0x341: {  	[sflag:s13] =	ssyncset.done $0x0  }
0x342: {  	[sflag:s13] =	ssyncadd.s32 $0xFFFFF9C0  }
0x343: {  	_ =	swait.ge [sflag:s13], $0x640  }
0x344: {  	[sflag:s13] =	ssyncset.done $0x0  }
0x345: {  	[sflag:s13] =	ssyncadd.s32 $0xFFFFF9C0  }
0x346: {  	_ =	swait.ge [sflag:s13], $0x640  }
0x347: {  	[sflag:s13] =	ssyncset.done $0x0  }
0x348: {  	[sflag:s13] =	ssyncadd.s32 $0xFFFFF9C0  }
0x349: {  	_ =	swait.ge [sflag:s13], $0x640  }
0x34a: {  	[sflag:s13] =	ssyncset.done $0x0  }
0x34b: {  	[sflag:s13] =	ssyncadd.s32 $0xFFFFF9C0  }
0x34c: {  	_ =	swait.ge [sflag:s13], $0x640  }
0x34d: {  	[sflag:s13] =	ssyncset.done $0x0  }
0x34e: {  	[sflag:s13] =	ssyncadd.s32 $0xFFFFF9C0  }
0x34f: {  	_ =	swait.ge [sflag:s13], $0x640  }
0x350: {  	[sflag:s13] =	ssyncset.done $0x0  }
0x351: {  	[sflag:s13] =	ssyncadd.s32 $0xFFFFF9C0  }
0x352: {  	_ =	swait.ge [sflag:s13], $0x640  }
0x353: {  	[sflag:s13] =	ssyncset.done $0x0  }
0x354: {  	[sflag:s13] =	ssyncadd.s32 $0xFFFFF9C0  }
0x355: {  	_ =	swait.ge [sflag:s13], $0x640  }
0x356: {  	[sflag:s13] =	ssyncset.done $0x0  }
0x357: {  	[sflag:s13] =	ssyncadd.s32 $0xFFFFF9C0  }
0x358: {  	_ =	swait.ge [sflag:s13], $0x640  }
0x359: {  	[sflag:s13] =	ssyncset.done $0x0  }
0x35a: {  	[sflag:s13] =	ssyncadd.s32 $0xFFFFF9C0  }
0x35b: {  	_ =	swait.ge [sflag:s13], $0x640  }
0x35c: {  	[sflag:s13] =	ssyncset.done $0x0  }
0x35d: {  	[sflag:s13] =	ssyncadd.s32 $0xFFFFF9C0  }
0x35e: {  	_ =	swait.ge [sflag:s13], $0x640  }
0x35f: {  	[sflag:s13] =	ssyncset.done $0x0  }
0x360: {  	[sflag:s13] =	ssyncadd.s32 $0xFFFFF9C0  }
0x361: {  	_ =	swait.ge [sflag:s13], $0x640  }
0x362: {  	[sflag:s13] =	ssyncset.done $0x0  }
0x363: {  	[sflag:s13] =	ssyncadd.s32 $0xFFFFF9C0  }
0x364: {  	_ =	swait.ge [sflag:s13], $0x640  }
0x365: {  	[sflag:s13] =	ssyncset.done $0x0  }
0x366: {  	[sflag:s13] =	ssyncadd.s32 $0xFFFFF9C0  }
0x367: {  	_ =	swait.ge [sflag:s13], $0x640  }
0x368: {  	[sflag:s13] =	ssyncset.done $0x0  }
0x369: {  	[sflag:s13] =	ssyncadd.s32 $0xFFFFF9C0  }
0x36a: {  	_ =	swait.ge [sflag:s13], $0x640  }
0x36b: {  	[sflag:s13] =	ssyncset.done $0x0  }
0x36c: {  	[sflag:s13] =	ssyncadd.s32 $0xFFFFF9C0  }
0x36d: {  	_ =	swait.ge [sflag:s13], $0x640  }
0x36e: {  	[sflag:s13] =	ssyncset.done $0x0  }
0x36f: {  	[sflag:s13] =	ssyncadd.s32 $0xFFFFF9C0  }
0x370: {  	_ =	swait.ge [sflag:s13], $0x640  }
0x371: {  	[sflag:s13] =	ssyncset.done $0x0  }
0x372: {  	[sflag:s13] =	ssyncadd.s32 $0xFFFFF9C0  }
0x373: {  	_ =	swait.ge [sflag:s13], $0x640  }
0x374: {  	[sflag:s13] =	ssyncset.done $0x0  }
0x375: {  	[sflag:s13] =	ssyncadd.s32 $0xFFFFF9C0  }
0x376: {  	_ =	swait.ge [sflag:s13], $0x640  }
0x377: {  	[sflag:s13] =	ssyncset.done $0x0  }
0x378: {  	[sflag:s13] =	ssyncadd.s32 $0xFFFFF9C0  }
0x379: {  	_ =	swait.ge [sflag:s13], $0x640  }
0x37a: {  	[sflag:s13] =	ssyncset.done $0x0  }
0x37b: {  	[sflag:s13] =	ssyncadd.s32 $0xFFFFF9C0  }
0x37c: {  	_ =	swait.ge [sflag:s13], $0x640  }
0x37d: {  	[sflag:s13] =	ssyncset.done $0x0  }
0x37e: {  	[sflag:s13] =	ssyncadd.s32 $0xFFFFF9C0  }
0x37f: {  	_ =	swait.ge [sflag:s13], $0x640  }
0x380: {  	[sflag:s13] =	ssyncset.done $0x0  }
0x381: {  	[sflag:s13] =	ssyncadd.s32 $0xFFFFF9C0  }
0x382: {  	_ =	swait.ge [sflag:s13], $0x640  }
0x383: {  	[sflag:s13] =	ssyncset.done $0x0  }
0x384: {  	[sflag:s13] =	ssyncadd.s32 $0xFFFFF9C0  }
0x385: {  	_ =	swait.ge [sflag:s13], $0x640  }
0x386: {  	[sflag:s13] =	ssyncset.done $0x0  }
0x387: {  	[sflag:s13] =	ssyncadd.s32 $0xFFFFF9C0  }
0x388: {  	_ =	swait.ge [sflag:s13], $0x640  }
0x389: {  	[sflag:s13] =	ssyncset.done $0x0  }
0x38a: {  	[sflag:s13] =	ssyncadd.s32 $0xFFFFF9C0  }
0x38b: {  	_ =	swait.ge [sflag:s13], $0x640  }
0x38c: {  	[sflag:s13] =	ssyncset.done $0x0  }
0x38d: {  	[sflag:s13] =	ssyncadd.s32 $0xFFFFF9C0  }
0x38e: {  	_ =	swait.ge [sflag:s13], $0x640  }
0x38f: {  	[sflag:s13] =	ssyncset.done $0x0  }
0x390: {  	[sflag:s13] =	ssyncadd.s32 $0xFFFFF9C0  }
0x391: {  	_ =	swait.ge [sflag:s13], $0x640  }
0x392: {  	[sflag:s13] =	ssyncset.done $0x0  }
0x393: {  	[sflag:s13] =	ssyncadd.s32 $0xFFFFF9C0  }
0x394: {  	_ =	swait.ge [sflag:s13], $0x640  }
0x395: {  	[sflag:s13] =	ssyncset.done $0x0  }
0x396: {  	[sflag:s13] =	ssyncadd.s32 $0xFFFFF9C0  }
0x397: {  	_ =	swait.ge [sflag:s13], $0x640  }
0x398: {  	[sflag:s13] =	ssyncset.done $0x0  }
0x399: {  	[sflag:s13] =	ssyncadd.s32 $0xFFFFF9C0  }
0x39a: {  	p0 =	sne.s32 s17, $0xA80;
	_ =	swait.ge [sflag:s13], $0x640  }
.Ltmp0:
0x39b: {  	[sflag:s13] =	ssyncset.done $0x0;
	(pc) =	sbr.rel @p0 .LBB2_2-.Ltmp0, $4  }
0x39c: {  	[sflag:s13] =	ssyncadd.s32 $0xFFFFF9C0  }
0x39d: {  	_ =	swait.ge [sflag:s13], $0x640  }
0x39e: {  	s17 =	sadd.s32 $0x1C0, s17;
	s29 =	simm.s32 $0xE00;
	[sflag:s13] =	ssyncset.done $0x0  }
0x39f: {  	s19 =	smov.u32 s18;
	s18 =	sadd.s32 $0x3200, s18;
	[sflag:s13] =	ssyncadd.s32 $0xFFFFF9C0  }
0x3a0: {  	[hbm4b:s19+s2] =	stream.linear.scatter [tilespmem:s29], [sflag:$0x3], $0xC800, $0x38;
	[tilespmem:$0x19E00] =	vst v63  }
0x3a1: {  	_ =	swait.ge [sflag:s15], $0x640  }
0x3a2: {  	[sflag:s15] =	ssyncset.done $0x0  }
0x3a3: {  	[sflag:s15] =	ssyncadd.s32 $0xFFFFF9C0  }
0x3a4: {  	_ =	swait.ge [sflag:s15], $0x640  }
0x3a5: {  	[sflag:s15] =	ssyncset.done $0x0  }
0x3a6: {  	[sflag:s15] =	ssyncadd.s32 $0xFFFFF9C0  }
0x3a7: {  	_ =	swait.ge [sflag:s15], $0x640  }
0x3a8: {  	[sflag:s15] =	ssyncset.done $0x0  }
0x3a9: {  	[sflag:s15] =	ssyncadd.s32 $0xFFFFF9C0  }
0x3aa: {  	_ =	swait.ge [sflag:s15], $0x640  }
0x3ab: {  	[sflag:s15] =	ssyncset.done $0x0  }
0x3ac: {  	[sflag:s15] =	ssyncadd.s32 $0xFFFFF9C0  }
0x3ad: {  	_ =	swait.ge [sflag:s15], $0x640  }
0x3ae: {  	[sflag:s15] =	ssyncset.done $0x0  }
0x3af: {  	[sflag:s15] =	ssyncadd.s32 $0xFFFFF9C0  }
0x3b0: {  	_ =	swait.ge [sflag:s15], $0x640  }
0x3b1: {  	[sflag:s15] =	ssyncset.done $0x0  }
0x3b2: {  	[sflag:s15] =	ssyncadd.s32 $0xFFFFF9C0  }
0x3b3: {  	_ =	swait.ge [sflag:s15], $0x640  }
0x3b4: {  	[sflag:s15] =	ssyncset.done $0x0  }
0x3b5: {  	[sflag:s15] =	ssyncadd.s32 $0xFFFFF9C0  }
0x3b6: {  	_ =	swait.ge [sflag:s15], $0x640  }
0x3b7: {  	[sflag:s15] =	ssyncset.done $0x0  }
0x3b8: {  	[sflag:s15] =	ssyncadd.s32 $0xFFFFF9C0  }
0x3b9: {  	_ =	swait.ge [sflag:s15], $0x640  }
0x3ba: {  	[sflag:s15] =	ssyncset.done $0x0  }
0x3bb: {  	[sflag:s15] =	ssyncadd.s32 $0xFFFFF9C0  }
0x3bc: {  	_ =	swait.ge [sflag:s15], $0x640  }
0x3bd: {  	[sflag:s15] =	ssyncset.done $0x0  }
0x3be: {  	[sflag:s15] =	ssyncadd.s32 $0xFFFFF9C0  }
0x3bf: {  	_ =	swait.ge [sflag:s15], $0x640  }
0x3c0: {  	[sflag:s15] =	ssyncset.done $0x0  }
0x3c1: {  	[sflag:s15] =	ssyncadd.s32 $0xFFFFF9C0  }
0x3c2: {  	_ =	swait.ge [sflag:s15], $0x640  }
0x3c3: {  	[sflag:s15] =	ssyncset.done $0x0  }
0x3c4: {  	[sflag:s15] =	ssyncadd.s32 $0xFFFFF9C0  }
0x3c5: {  	_ =	swait.ge [sflag:s15], $0x640  }
0x3c6: {  	[sflag:s15] =	ssyncset.done $0x0  }
0x3c7: {  	[sflag:s15] =	ssyncadd.s32 $0xFFFFF9C0  }
0x3c8: {  	_ =	swait.ge [sflag:s15], $0x640  }
0x3c9: {  	[sflag:s15] =	ssyncset.done $0x0  }
0x3ca: {  	[sflag:s15] =	ssyncadd.s32 $0xFFFFF9C0  }
0x3cb: {  	_ =	swait.ge [sflag:s15], $0x640  }
0x3cc: {  	[sflag:s15] =	ssyncset.done $0x0  }
0x3cd: {  	[sflag:s15] =	ssyncadd.s32 $0xFFFFF9C0  }
0x3ce: {  	_ =	swait.ge [sflag:s15], $0x640  }
0x3cf: {  	[sflag:s15] =	ssyncset.done $0x0  }
0x3d0: {  	[sflag:s15] =	ssyncadd.s32 $0xFFFFF9C0  }
0x3d1: {  	_ =	swait.ge [sflag:s15], $0x640  }
0x3d2: {  	[sflag:s15] =	ssyncset.done $0x0  }
0x3d3: {  	[sflag:s15] =	ssyncadd.s32 $0xFFFFF9C0  }
0x3d4: {  	_ =	swait.ge [sflag:s15], $0x640  }
0x3d5: {  	[sflag:s15] =	ssyncset.done $0x0  }
0x3d6: {  	[sflag:s15] =	ssyncadd.s32 $0xFFFFF9C0  }
0x3d7: {  	_ =	swait.ge [sflag:s15], $0x640  }
0x3d8: {  	[sflag:s15] =	ssyncset.done $0x0  }
0x3d9: {  	[sflag:s15] =	ssyncadd.s32 $0xFFFFF9C0  }
0x3da: {  	_ =	swait.ge [sflag:s15], $0x640  }
0x3db: {  	[sflag:s15] =	ssyncset.done $0x0  }
0x3dc: {  	[sflag:s15] =	ssyncadd.s32 $0xFFFFF9C0  }
0x3dd: {  	_ =	swait.ge [sflag:s15], $0x640  }
0x3de: {  	[sflag:s15] =	ssyncset.done $0x0  }
0x3df: {  	[sflag:s15] =	ssyncadd.s32 $0xFFFFF9C0  }
0x3e0: {  	_ =	swait.ge [sflag:s15], $0x640  }
0x3e1: {  	[sflag:s15] =	ssyncset.done $0x0  }
0x3e2: {  	[sflag:s15] =	ssyncadd.s32 $0xFFFFF9C0  }
0x3e3: {  	_ =	swait.ge [sflag:s15], $0x640  }
0x3e4: {  	[sflag:s15] =	ssyncset.done $0x0  }
0x3e5: {  	[sflag:s15] =	ssyncadd.s32 $0xFFFFF9C0  }
0x3e6: {  	_ =	swait.ge [sflag:s15], $0x640  }
0x3e7: {  	[sflag:s15] =	ssyncset.done $0x0  }
0x3e8: {  	[sflag:s15] =	ssyncadd.s32 $0xFFFFF9C0  }
0x3e9: {  	_ =	swait.ge [sflag:s15], $0x640  }
0x3ea: {  	[sflag:s15] =	ssyncset.done $0x0  }
0x3eb: {  	[sflag:s15] =	ssyncadd.s32 $0xFFFFF9C0  }
0x3ec: {  	_ =	swait.ge [sflag:s15], $0x640  }
0x3ed: {  	[sflag:s15] =	ssyncset.done $0x0  }
0x3ee: {  	[sflag:s15] =	ssyncadd.s32 $0xFFFFF9C0  }
0x3ef: {  	_ =	swait.ge [sflag:s15], $0x640  }
0x3f0: {  	[sflag:s15] =	ssyncset.done $0x0  }
0x3f1: {  	[sflag:s15] =	ssyncadd.s32 $0xFFFFF9C0  }
0x3f2: {  	_ =	swait.ge [sflag:s15], $0x640  }
0x3f3: {  	[sflag:s15] =	ssyncset.done $0x0  }
0x3f4: {  	[sflag:s15] =	ssyncadd.s32 $0xFFFFF9C0  }
0x3f5: {  	_ =	swait.ge [sflag:s15], $0x640  }
0x3f6: {  	[sflag:s15] =	ssyncset.done $0x0  }
0x3f7: {  	[sflag:s15] =	ssyncadd.s32 $0xFFFFF9C0  }
0x3f8: {  	_ =	swait.ge [sflag:s15], $0x640  }
0x3f9: {  	[sflag:s15] =	ssyncset.done $0x0  }
0x3fa: {  	[sflag:s15] =	ssyncadd.s32 $0xFFFFF9C0  }
0x3fb: {  	_ =	swait.ge [sflag:s15], $0x640  }
0x3fc: {  	[sflag:s15] =	ssyncset.done $0x0  }
0x3fd: {  	[sflag:s15] =	ssyncadd.s32 $0xFFFFF9C0  }
0x3fe: {  	_ =	swait.ge [sflag:s15], $0x640  }
0x3ff: {  	[sflag:s15] =	ssyncset.done $0x0  }
0x400: {  	s17 =	rddreg [dreg:$0x7];
	[sflag:s15] =	ssyncadd.s32 $0xFFFFF9C0  }
0x401: {  	[hbm4b:s17+s2] =	stream.linear.scatter [tilespmem:s24], [sflag:$0x4], $0xC800, $0x38;
	[tilespmem:$0x19E00] =	vst v63  }
0x402: {  	_ =	swait.ge [sflag:s14], $0xC800  }
0x403: {  	[sflag:s14] =	ssyncset.done $0x0  }
0x404: {  	s12 =	simm.s32 $0x38;
	[sflag:s14] =	ssyncadd.s32 $0xFFFF3800  }
0x405: {  	s19 =	simm.s32 $0x1440;
	s20 =	simm.s32 $0x70;
	_ =	swait.ge [sflag:s16], $0xC800  }
0x406: {  	s21 =	simm.s32 $0x1A80;
	s22 =	simm.s32 $0xA8;
	s0 =	rddreg [dreg:$0xa]  }
0x407: {  	s26 =	simm.s32 $0x20C0;
	s31 =	rddreg [dreg:$0x8];
	s0 =	sadd.s32 $0x1, s0  }
0x408: {  	s25 =	simm.s32 $0xE0;
	s1 =	simm.s32 $0x2700;
	p0 =	sne.s32 s0, s31  }
.Ltmp1:
0x409: {  	s5 =	simm.s32 $0x2D40;
	s6 =	simm.s32 $0x150;
	(pc) =	sbr.rel @p0 .LBB2_1-.Ltmp1, $4  }
0x40a: {  	s7 =	simm.s32 $0x3380;
	s8 =	simm.s32 $0x188;
	s4 =	simm.s32 $0x39C0  }
0x40b: {  	s9 =	simm.s32 $0x1C0;
	s29 =	simm.s32 $0x4000;
	s28 =	simm.s32 $0x1F8  }
0x40c: {  	s30 =	simm.s32 $0x4640;
	s18 =	simm.s32 $0x230;
	[sflag:s16] =	ssyncset.done $0x0  }
0x40d: {  	[sflag:s16] =	ssyncadd.s32 $0xFFFF3800;
	[dreg:$0xa] =	wrdreg s0;
	s0 =	simm.s32 $0x118  }
0x40e: {  	_ =	sfence.sel $0x180000  }
0x40f: {  	[bflag:$0x0] =	sbarrier.arrive $0xFFFF  }
0x410: {  	_ =	strace $0x90000047  }
0x411: {  	s0 =	stileid.u32;
	[bflag:$0x2] =	sbarrier.arrive $0xFFFF  }
0x412: {  	p0 =	sne.s32 s0, $0x0;
	s0 =	rddreg [dreg:$0x2]  }
0x413: {  	s0 =	sadd.s32 @!p0 $0x100000, s0  }
0x414: {  	[sflag:s0] =	ssyncadd.tile.s32 @!p0 $0x1;
	_ =	shalt  }
.Lfunc_end2:
_tile_overlayer_lowered:
.L_overlay_start_2:
0x415: {  	(tag) =	ssettag $0x2  }
0x416: {  	s0 =	rddreg [dreg:$0x0];
	s2 =	stileid.u32  }
0x417: {  	s1 =	rddreg [dreg:$0x1];
	p0 =	sne.s32 s2, $0x0  }
0x418: {  	s3 =	rddreg [dreg:$0x2];
	[bflag:$0x3] =	sbarrier.arrive $0xFFFF;
	s2 =	simm.s32 @!p0 $0x1C05  }
0x419: {  	[timem:s3], [sflag:s2] =	dma.local @!p0 [hbm:s0], s1  }
0x41a: {  	s0 =	simm.s32 @!p0 $0x5  }
0x41b: {  	_ =	swait.ge @!p0 [sflag:s0], s1  }
0x41c: {  	s1 =	ssub.s32 @!p0 $0x0, s1;
	[sflag:s0] =	ssyncset.done @!p0 $0x0  }
0x41d: {  	[sflag:s0] =	ssyncadd.s32 @!p0 s1  }
0x41e: {  	[bflag:$0x3] =	sbarrier.arrive $0xFFFF  }
0x41f: {  	_ =	shalt  }

// kernel: sparse-core-data-format-call.cloned.1.call-start
scs
called_computation_lowered:
.L_overlay_start_0:
0x0: {  	s2 =	sld [smem:$0x3FD9]  }
0x1: {  	s3 =	sld [smem:$0x3FFE];
	_ =	sdelay $0x1  }
0x2: {  	s1 =	srdreg.scid  }
0x3: {  	s0 =	sand.u32 $0x1, s1  }
0x4: {  	s18 =	sshll.u32 s0, $0xA;
	s2 =	sadd.s32 s3, s2  }
0x5: {  	s2 =	sadd.s32 s2, s18  }
0x6: {  	[smem:$0x3FC6] =	sst s2  }
0x7: {  	_ = 	snop  }
0x8: {  	s2 =	sld [smem:$0x3FD0];
	(tm) =	ssettm $0x1  }
0x9: {  	s19 =	sld [smem:$0x3FFB];
	_ =	sdelay $0x3  }
0xa: {  	_ =	strace s19  }
0xb: {  	s3 =	sld [smem:$0x3FFC];
	_ =	sdelay $0x3  }
0xc: {  	_ =	strace s3  }
0xd: {  	s3 =	sld [smem:$0x3FFD];
	_ =	sdelay $0x3  }
0xe: {  	_ =	strace s3  }
0xf: {  	_ =	strace $0x8FFFFFFF  }
0x10: {  	s20 =	sld [smem:$0x3FDB];
	_ =	sdelay $0x1  }
0x11: {  	s4 =	simm.s32 $_scs_section_size  }
0x12: {  	s5 =	simm.s32 $_size__tile_overlayer_lowered;
	s6 =	simm.s32 $_tile_overlayer_lowered  }
0x13: {  	s23 =	simm.s32 $0x1BFF;
	s22 =	sshll.u32 s6, $0x1;
	s3 =	sadd.s32 s4, s20  }
0x14: {  	s7 =	simm.s32 $0x0;
	s21 =	sshll.u32 s5, $0x1;
	s5 =	sadd.s32 s22, s3  }
0x15: {  	[timem:s7], [sflag:s23] =	dma.local [hbm:s5], s21  }
0x16: {  	_ =	swait.ge [sflag:s23], s21  }
0x17: {  	s4 =	ssub.s32 $0x0, s21;
	[sflag:s23] =	ssyncset.done $0x0  }
0x18: {  	[sflag:s23] =	ssyncadd.s32 s4;
	_ =	sdelay $0x1  }
0x19: {  	s24 =	simm.s32 $0x1B8B  }
0x1a: {  	_ =	swait.ge [sflag:s24], $0x1  }
0x1b: {  	[sflag:s24] =	ssyncset.done $0x0  }
0x1c: {  	s26 =	simm.s32 $0x1B8E;
	s25 =	sld [smem:$0x3FFE];
	[sflag:s24] =	ssyncadd.s32 $0xFFFFFFFF  }
0x1d: {  	s27 =	simm.s32 $execute0_lowered;
	[smem:$0x3FD2] =	sst s26  }
0x1e: {  	s5 =	sshll.u32 s27, $0x1;
	_ =	strace $0x80000049;
	[dreg:$0x1] =	wrdreg $0xFFFFFFFF  }
0x1f: {  	s28 =	simm.s32 $_size_execute0_lowered;
	s3 =	sadd.s32 s3, s5;
	[dreg:$0x0] =	wrdreg $0x0  }
0x20: {  	s5 =	sshll.u32 s28, $0x1;
	[dreg:$0x2] =	wrdreg s3  }
0x21: {  	[dreg:$0x3] =	wrdreg s5  }
0x22: {  	[dreg:$0x4] =	wrdreg $0xC0  }
0x23: {  	_ =	task [dreg:s7], $0x5FFFF  }
0x24: {  	[dreg:$0x1] =	wrdreg $0xFFFFFFFF  }
0x25: {  	[dreg:$0x0] =	wrdreg $0x60  }
0x26: {  	[dreg:$0x2] =	wrdreg s25  }
0x27: {  	[dreg:$0x3] =	wrdreg s2  }
0x28: {  	[dreg:$0x4] =	wrdreg $0x9  }
0x29: {  	_ =	task.clear_ibuf [dreg:s7], $0x5FFFF;
	_ =	strace $0x90000049  }
0x2a: {  	s29 =	simm.s32 $0x9;
	_ =	strace $0x8000004B  }
0x2b: {  	_ =	swait.ge [sflag:s29], $0x1  }
0x2c: {  	[sflag:s29] =	ssyncadd.s32 $0xFFFFFFFF  }
0x2d: {  	_ =	strace $0x9000004B  }
0x2e: {  	_ =	sfence  }
0x2f: {  	s30 =	sld [smem:$0x0];
	_ =	sdelay $0x2  }
0x30: {  	s31 =	sshll.u32 s1, $0xD;
	s1 =	sshrl.u32 s1, $0x2  }
0x31: {  	s3 =	sand.u32 $0x4000, s31;
	s1 =	sadd.s32 s1, s30  }
0x32: {  	s0 =	sor.u32 s3, s0;
	s1 =	sshll.u32 s1, $0x11  }
0x33: {  	s0 =	sor.u32 s1, s0  }
0x34: {  	s0 =	sadd.s32 $0x8F2B, s0  }
0x35: {  	[sflag:s0] =	ssyncadd.remote.s32 $0x1  }
0x36: {  	_ =	sfence.sel $0xFFFF  }
0x37: {  	[dreg:$0x0] =	wrdreg $0xFFFFFFFF;
	(pc) =	sbr.abs _section_cstart, $3  }
0x38: {  	[dreg:$0x1] =	wrdreg $0xFFFFFFFF  }
0x39: {  	_ =	task.clear_ibuf [dreg:s7], $0x2FFFF;
	_ =	strace $0x9FFFFFFF  }
0x3a: {  	(tm) =	ssettm $0x7FFFFFFF  }
0x3b: {  	_ =	shalt  }
tec
execute0_lowered:
.L_overlay_start_1:
0x0: {  	(tag) =	ssettag $0x1  }
0x1: {  	s0 =	srdreg.scid  }
0x2: {  	s1 =	sshll.u32 s0, $0x4  }
0x3: {  	s0 =	stileid.u32;
	s1 =	sand.u32 $0x10, s1  }
0x4: {  	s1 =	sor.u32 s0, s1  }
0x5: {  	s6 =	rddreg [dreg:$0x0];
	s4 =	simm.s32 $0x1;
	s2 =	sshll.u32 s1, $0x7  }
0x6: {  	s7 =	simm.s32 $0x2;
	s12 =	simm.s32 $0x0;
	s1 =	ssub.s32 $0x4000, s2  }
0x7: {  	s8 =	simm.s32 $0x20000;
	s13 =	simm.s32 $0x0;
	s3 =	sand.u32 $0xF80, s1  }
0x8: {  	s9 =	simm.s32 $0x0;
	s5 =	sshrl.u32 s1, $0xC;
	p0 =	sne.s32 s3, $0x0  }
.Ltmp0:
0x9: {  	s1 =	rddreg [dreg:$0x2];
	s4 =	simm.s32 @!p0 $0x0;
	(pc) =	sbr.rel .LBB1_1-.Ltmp0, $4  }
0xa: {  	s11 =	simm.s32 $0x0;
	s3 =	rddreg [dreg:$0x1];
	s5 =	sadd.s32 s4, s5  }
0xb: {  	_ =	strace $0x8000004A;
	s4 =	simm.s32 $0x1;
	s5 =	smul.u32 $0x32, s5  }
0xc: {  	s6 =	sadd.s32 $0xA00, s6;
	s10 =	smov.u32 s2;
	[sflag:s4] =	ssyncpa.u1 $0x0  }
0xd: {  	p0 =	por $0x0, $0x0;
	[sflag:s7] =	ssyncpa.u1 $0x0;
	s7 =	sor.u32 $0x1, s5  }
.LBB1_4:
0xe: {  	s16 =	sshll.u32 s13, $0x3;
	s17 =	sand.u32 $0x78, s13  }
0xf: {  	s30 =	sand.u32 $0xF800, s13;
	s12 =	sshll.u32 s12, $0x10;
	s16 =	sand.u32 $0x3C00, s16  }
0x10: {  	s31 =	sand.u32 $0x7, s13;
	s16 =	sor.u32 s17, s16;
	s17 =	sadd.s32 s3, s30  }
0x11: {  	s13 =	sshll.u32 s31, $0x12;
	s16 =	sshrl.u32 s16, $0x3;
	s12 =	sadd.s32 s12, s17  }
0x12: {  	[tilespmem:s15+$0x0 ss:$0x81] =	vst.msk $0xffff, v0;
	s13 =	sor.u32 $0x400, s13;
	s12 =	sadd.s32 s16, s12  }
0x13: {  	[hbm4b:s12+s13] =	stream.strided.scatter [tilespmem:s14], [sflag:$0x2], $0x1000, s8, s13, $0x20;
	[tilespmem:$0x4040] =	vst v63  }
.LBB1_5:
0x14: {  	s14 =	sadd.s32 $0x1, s9  }
0x15: {  	s12 =	sadd.s32 $0x1000, s10;
	s16 =	smov.u32 s10;
	p2 =	sgt.s32 s14, $0x31  }
0x16: {  	s16 =	smov.u32 @p2 s12  }
0x17: {  	s14 =	simm.s32 @p2 $0x0;
	p2 =	sgt.s32 s16, $0x3FFF  }
0x18: {  	s16 =	smov.u32 @p2 s2;
	p2 =	sne.s32 s11, s7  }
.Ltmp1:
0x19: {  	p1 =	slt.u32 s11, $0x2;
	(pc) =	sbr.rel @!p2 .LBB1_6-.Ltmp1, $4  }
0x1a: {  	s15 =	simm.s32 @!p1 $0x2  }
0x1b: {  	s13 =	smov.u32 s10;
	p0 =	por !p0, !p0;
	_ =	swait.ge @!p1 [sflag:s15], $0x1000  }
0x1c: {  	s12 =	smov.u32 s9;
	[sflag:s15] =	ssyncset.done @!p1 $0x0;
	s9 =	smov.u32 s14  }
0x1d: {  	s11 =	sadd.s32 $0x1, s11;
	[sflag:s15] =	ssyncadd.s32 @!p1 $0xFFFFF000;
	s10 =	smov.u32 s16  }
.LBB1_1:
0x1e: {  	p1 =	sge.u32 s11, s5  }
0x1f: {  	s14 =	sand.u32 @!p1 $0x1FFFFFF, s9  }
0x20: {  	s15 =	smulhi.u32 @!p1 $0x4924925, s14;
	_ =	sdelay $0x1  }
0x21: {  	s15 =	smul.u32 @!p1 $0x38, s15  }
0x22: {  	s16 =	sxor.u32 @!p1 $0xFFFFFFFF, s11;
	s17 =	smul.u32 @!p1 $0x380, s10  }
0x23: {  	s31 =	sadd.s32 $0xFFFFFFFF, s11;
	s16 =	sshll.u32 @!p1 s16, $0xC;
	s14 =	ssub.s32 @!p1 s14, s15  }
0x24: {  	s15 =	sand.u32 @!p1 $0x1000, s16;
	s16 =	sadd.s32 @!p1 s6, s17;
	s14 =	sshll.u32 @!p1 s14, $0x4  }
0x25: {  	s17 =	simm.s32 @!p1 $0x1C00;
	s14 =	sadd.s32 @!p1 s14, s16;
	s16 =	simm.s32 @!p1 $0x20  }
0x26: {  	[tilespmem:s15], [sflag:$0x1] =	stream.strided.gather @!p1 [hbm4b:s14+s16], $0x1000, s17, s16, $0x38;
	[tilespmem:$0x4040] =	vst v63  }
0x27: {  	p1 =	sge.u32 s31, s5  }
.Ltmp2:
0x28: {  	_ = 	snop;
	(pc) =	sbr.rel @p1 .LBB1_5-.Ltmp2, $1  }
0x29: {  	_ =	sdelay $0x3  }
0x2a: {  	s14 =	simm.s32 $0x1  }
0x2b: {  	_ =	swait.ge [sflag:s4], $0x1000;
	s14 =	simm.s32 @!p0 $0x0  }
0x2c: {  	[sflag:s4] =	ssyncset.done $0x0;
	s15 =	sshll.u32 s14, $0xC  }
0x2d: {  	[sflag:s4] =	ssyncadd.s32 $0xFFFFF000;
	s18 =	sor.u32 $0x10, s15  }
0x2e: {  	s14 =	smul.u32 $0x4080, s14;
	v1 =	vld [tilespmem:s18+$0x0]  }
0x2f: {  	s30 =	sand.u32 $0x1, s11;
	v0 =	vld [tilespmem:s18+$0xFFFFFFF0]  }
0x30: {  	s15 =	smul.u32 $0x4080, s30;
	s14 =	sshrl.u32 s14, $0x2  }
0x31: {  	s16 =	sor.u32 $0x2000, s14  }
0x32: {  	s31 =	sshrl.u32 s15, $0x2;
	s15 =	sadd.s32 $0x0, s16  }
0x33: {  	s17 =	simm.s32 $0x4;
	s18 =	sadd.s32 $0x20, s18;
	s14 =	sor.u32 $0x2000, s31;
	[tilespmem:s15+$0x810 ss:$0x81] =	vst.msk $0xffff, v1  }
.LBB1_3:
0x34: {  	v1 =	vld [tilespmem:s18+$0x0];
	p1 =	sne.s32 s17, $0x1FC;
	[tilespmem:s15+$0x0 ss:$0x81] =	vst.msk $0xffff, v0;
	s15 =	smov.u32 s17;
	s17 =	sadd.s32 $0x4, s17  }
.Ltmp3:
0x35: {  	v0 =	vld [tilespmem:s18+$0xFFFFFFF0];
	(pc) =	sbr.rel @p1 .LBB1_3-.Ltmp3, $4  }
0x36: {  	_ = 	snop  }
0x37: {  	s15 =	sshra.s32 s15, $0x2  }
0x38: {  	s15 =	sadd.s32 s15, s16  }
0x39: {  	s18 =	sadd.s32 $0x20, s18;
	[tilespmem:s15+$0x810 ss:$0x81] =	vst.msk $0xffff, v1  }
.Ltmp4:
0x3a: {  	_ = 	snop;
	(pc) =	sbr.rel .LBB1_4-.Ltmp4, $1  }
0x3b: {  	_ =	sdelay $0x3  }
.LBB1_6:
0x3c: {  	_ =	sfence.sel $0x180000  }
0x3d: {  	s2 =	simm.s32 $0x1;
	[bflag:$0x0] =	sbarrier.arrive $0xFFFF  }
0x3e: {  	s31 =	simm.s32 $0x2;
	[sflag:s2] =	ssyncpa.u1 $0x1  }
0x3f: {  	[sflag:s31] =	ssyncpa.u1 $0x1  }
0x40: {  	p0 =	sne.s32 s0, $0x0;
	_ =	strace $0x9000004A  }
0x41: {  	s0 =	sadd.s32 @!p0 $0x100000, s1;
	[bflag:$0x2] =	sbarrier.arrive $0xFFFF  }
0x42: {  	[sflag:s0] =	ssyncadd.tile.s32 @!p0 $0x1;
	_ =	shalt  }
.Lfunc_end1:
_tile_overlayer_lowered:
.L_overlay_start_2:
0x43: {  	(tag) =	ssettag $0x2  }
0x44: {  	s0 =	rddreg [dreg:$0x0];
	s2 =	stileid.u32  }
0x45: {  	s1 =	rddreg [dreg:$0x1];
	p0 =	sne.s32 s2, $0x0  }
0x46: {  	s3 =	rddreg [dreg:$0x2];
	[bflag:$0x3] =	sbarrier.arrive $0xFFFF;
	s2 =	simm.s32 @!p0 $0x1C01  }
0x47: {  	[timem:s3], [sflag:s2] =	dma.local @!p0 [hbm:s0], s1  }
0x48: {  	s0 =	simm.s32 @!p0 $0x1  }
0x49: {  	_ =	swait.ge @!p0 [sflag:s0], s1  }
0x4a: {  	s1 =	ssub.s32 @!p0 $0x0, s1;
	[sflag:s0] =	ssyncset.done @!p0 $0x0  }
0x4b: {  	[sflag:s0] =	ssyncadd.s32 @!p0 s1  }
0x4c: {  	[bflag:$0x3] =	sbarrier.arrive $0xFFFF  }
0x4d: {  	_ =	shalt  }

</sc_bundles>
